<compile_context>
chip_gen: v7x
topology: tpu7x:2x2x1
jax: 0.10.2.dev20260603
libtpu: 0.0.44.dev20260713+nightly
codegen_flags: <defaults>
</compile_context>

<pallas_src>
import functools

import jax
import jax.numpy as jnp
from jax import lax
from jax.experimental import pallas as pl
from jax.experimental.pallas import tpu as pltpu
from jax.experimental.pallas import tpu_sc as plsc

N = 10000
E = 320000
D = 128

NC = 2
NS = 16
NW = NC * NS
CH = 128
NCHUNK = 2 * (-(-E // (NW * CH * 2)))
EPW = NCHUNK * CH
EP = EPW * NW
NCH0 = 114
NCH1 = 2 * NCHUNK - NCH0
NP = -(-(N + 1) // (NS * 8)) * NS * 8
RPT = NP // NS
_CHUNKS = [(o, min(CH, RPT - o)) for o in range(0, RPT, CH)]

_MESH = plsc.VectorSubcoreMesh(core_axis_name="c", subcore_axis_name="s")


@functools.partial(
    pl.kernel, mesh=_MESH,
    out_type=jax.ShapeDtypeStruct((NC, NP, D), jnp.float32),
    scratch_types=[
        pltpu.VMEM_SHARED((NP, D), jnp.float32),
        pltpu.VMEM((CH, D), jnp.float32),
        pltpu.VMEM((CH, D), jnp.float32),
        pltpu.VMEM((CH,), jnp.int32),
        pltpu.VMEM((CH,), jnp.int32),
        pltpu.VMEM((CH,), jnp.int32),
        pltpu.VMEM((CH,), jnp.int32),
        pltpu.SemaphoreType.DMA,
        pltpu.SemaphoreType.DMA,
    ])
def _sc_agg(table_hbm, src_hbm, dst_hbm, zeros_hbm, agg_out,
            acc_sh, rows0, rows1, sidx0, sidx1, didx0, didx1, sem0, sem1):
    c = lax.axis_index("c")
    s = lax.axis_index("s")
    r0 = s * RPT

    pltpu.sync_copy(zeros_hbm, rows0)
    for off, sz in _CHUNKS:
        pltpu.sync_copy(rows0.at[pl.ds(0, sz)],
                        acc_sh.at[pl.ds(r0 + off, sz)])
    plsc.subcore_barrier()

    def run_pipeline(e0, nchunk):
        pltpu.sync_copy(src_hbm.at[pl.ds(e0, CH)], sidx0)
        pltpu.sync_copy(dst_hbm.at[pl.ds(e0, CH)], didx0)
        pltpu.async_copy(table_hbm.at[sidx0], rows0, sem0)

        def body(t, carry):
            b1 = e0 + (2 * t + 1) * CH
            pltpu.sync_copy(src_hbm.at[pl.ds(b1, CH)], sidx1)
            pltpu.sync_copy(dst_hbm.at[pl.ds(b1, CH)], didx1)
            pltpu.async_copy(table_hbm.at[sidx1], rows1, sem1)
            pltpu.make_async_copy(table_hbm.at[sidx0], rows0, sem0).wait()
            pltpu.sync_copy(rows0, acc_sh.at[didx0], add=True)
            b2 = e0 + (2 * t + 2) * CH
            pltpu.sync_copy(src_hbm.at[pl.ds(b2, CH)], sidx0)
            pltpu.sync_copy(dst_hbm.at[pl.ds(b2, CH)], didx0)
            pltpu.async_copy(table_hbm.at[sidx0], rows0, sem0)
            pltpu.make_async_copy(table_hbm.at[sidx1], rows1, sem1).wait()
            pltpu.sync_copy(rows1, acc_sh.at[didx1], add=True)
            return carry

        lax.fori_loop(0, nchunk // 2 - 1, body, 0)
        b1 = e0 + (nchunk - 1) * CH
        pltpu.sync_copy(src_hbm.at[pl.ds(b1, CH)], sidx1)
        pltpu.sync_copy(dst_hbm.at[pl.ds(b1, CH)], didx1)
        pltpu.async_copy(table_hbm.at[sidx1], rows1, sem1)
        pltpu.make_async_copy(table_hbm.at[sidx0], rows0, sem0).wait()
        pltpu.sync_copy(rows0, acc_sh.at[didx0], add=True)
        pltpu.make_async_copy(table_hbm.at[sidx1], rows1, sem1).wait()
        pltpu.sync_copy(rows1, acc_sh.at[didx1], add=True)

    @pl.when(c == 0)
    def _():
        run_pipeline(s * (NCH0 * CH), NCH0)

    @pl.when(c == 1)
    def _():
        run_pipeline(NS * (NCH0 * CH) + s * (NCH1 * CH), NCH1)

    plsc.subcore_barrier()

    for off, sz in _CHUNKS:
        pltpu.sync_copy(acc_sh.at[pl.ds(r0 + off, sz)],
                        rows0.at[pl.ds(0, sz)])
        pltpu.sync_copy(rows0.at[pl.ds(0, sz)],
                        agg_out.at[c, pl.ds(r0 + off, sz)])


@functools.partial(
    pl.kernel, mesh=_MESH,
    out_type=jax.ShapeDtypeStruct((NC, NP, D), jnp.float32),
    scratch_types=[
        pltpu.VMEM_SHARED((NP, D), jnp.float32),
        pltpu.VMEM((CH, D), jnp.float32),
        pltpu.VMEM((CH,), jnp.int32),
        pltpu.VMEM((CH,), jnp.int32),
        pltpu.SemaphoreType.DMA,
        pltpu.SemaphoreType.DMA,
    ])
def _sc_cnt(dst_hbm, zeros_hbm, ones_hbm, cnt_out,
            acc_sh, ones_v, didx0, didx1, sem0, sem1):
    c = lax.axis_index("c")
    s = lax.axis_index("s")
    wid = s * NC + c
    r0 = s * RPT
    e0 = wid * EPW

    pltpu.sync_copy(zeros_hbm, ones_v)
    for off, sz in _CHUNKS:
        pltpu.sync_copy(ones_v.at[pl.ds(0, sz)],
                        acc_sh.at[pl.ds(r0 + off, sz)])
    pltpu.sync_copy(ones_hbm, ones_v)
    plsc.subcore_barrier()

    pltpu.sync_copy(dst_hbm.at[pl.ds(e0, CH)], didx0)

    def body(t, carry):
        b1 = e0 + (2 * t + 1) * CH
        pltpu.async_copy(dst_hbm.at[pl.ds(b1, CH)], didx1, sem1)
        pltpu.sync_copy(ones_v, acc_sh.at[didx0], add=True)
        pltpu.make_async_copy(dst_hbm.at[pl.ds(b1, CH)], didx1, sem1).wait()
        b2 = e0 + (2 * t + 2) * CH
        pltpu.async_copy(dst_hbm.at[pl.ds(b2, CH)], didx0, sem0)
        pltpu.sync_copy(ones_v, acc_sh.at[didx1], add=True)
        pltpu.make_async_copy(dst_hbm.at[pl.ds(b2, CH)], didx0, sem0).wait()
        return carry

    lax.fori_loop(0, NCHUNK // 2 - 1, body, 0)
    b1 = e0 + (NCHUNK - 1) * CH
    pltpu.async_copy(dst_hbm.at[pl.ds(b1, CH)], didx1, sem1)
    pltpu.sync_copy(ones_v, acc_sh.at[didx0], add=True)
    pltpu.make_async_copy(dst_hbm.at[pl.ds(b1, CH)], didx1, sem1).wait()
    pltpu.sync_copy(ones_v, acc_sh.at[didx1], add=True)
    plsc.subcore_barrier()

    for off, sz in _CHUNKS:
        pltpu.sync_copy(acc_sh.at[pl.ds(r0 + off, sz)],
                        ones_v.at[pl.ds(0, sz)])
        pltpu.sync_copy(ones_v.at[pl.ds(0, sz)],
                        cnt_out.at[c, pl.ds(r0 + off, sz)])


_R = 2000
_GRID = N // _R


def _mm_t(a, w):
    return lax.dot_general(a, w, (((1,), (1,)), ((), ())),
                           preferred_element_type=jnp.float32)


def _sage_body(x_ref, a0_ref, a1_ref, c0_ref, c1_ref, wl_ref, bl_ref,
               wr_ref, o_ref, *, relu):
    cnt = c0_ref[:, 0:1] + c1_ref[:, 0:1]
    rc = 1.0 / jnp.maximum(cnt, 1.0)
    mean = (a0_ref[...] + a1_ref[...]) * rc
    h = _mm_t(mean, wl_ref[...]) + bl_ref[...] + _mm_t(x_ref[...], wr_ref[...])
    o_ref[...] = jnp.maximum(h, 0.0) if relu else h


def _tc_sage(x, a0, a1, c0, c1, wl, bl, wr, relu):
    row = pl.BlockSpec((_R, D), lambda i: (i, 0))
    full = pl.BlockSpec((D, D), lambda i: (0, 0))
    vec = pl.BlockSpec((1, D), lambda i: (0, 0))
    return pl.pallas_call(
        functools.partial(_sage_body, relu=relu),
        grid=(_GRID,),
        in_specs=[row, row, row, row, row, full, vec, full],
        out_specs=row,
        out_shape=jax.ShapeDtypeStruct((N, D), jnp.float32),
    )(x, a0, a1, c0, c1, wl, bl, wr)


def _head1_body(h1_ref, a0_ref, a1_ref, c0_ref, c1_ref, wl_ref, bl_ref,
                wr_ref, wf1_ref, bf1_ref, y_ref, ssum_ref, ssq_ref):
    i = pl.program_id(0)
    cnt = c0_ref[:, 0:1] + c1_ref[:, 0:1]
    rc = 1.0 / jnp.maximum(cnt, 1.0)
    mean = (a0_ref[...] + a1_ref[...]) * rc
    h2 = (_mm_t(mean, wl_ref[...]) + bl_ref[...]
          + _mm_t(h1_ref[...], wr_ref[...]))
    y = _mm_t(h2, wf1_ref[...]) + bf1_ref[...]
    y_ref[...] = y

    @pl.when(i == 0)
    def _():
        ssum_ref[...] = jnp.zeros_like(ssum_ref)
        ssq_ref[...] = jnp.zeros_like(ssq_ref)

    ssum_ref[...] += jnp.sum(y, axis=0, keepdims=True)
    ssq_ref[...] += jnp.sum(y * y, axis=0, keepdims=True)


def _tc_head1(h1, a0, a1, c0, c1, wl, bl, wr, wf1, bf1):
    row = pl.BlockSpec((_R, D), lambda i: (i, 0))
    full = pl.BlockSpec((D, D), lambda i: (0, 0))
    vec = pl.BlockSpec((1, D), lambda i: (0, 0))
    return pl.pallas_call(
        _head1_body,
        grid=(_GRID,),
        in_specs=[row, row, row, row, row, full, vec, full, full, vec],
        out_specs=[row, vec, vec],
        out_shape=[jax.ShapeDtypeStruct((N, D), jnp.float32),
                   jax.ShapeDtypeStruct((1, D), jnp.float32),
                   jax.ShapeDtypeStruct((1, D), jnp.float32)],
        compiler_params=pltpu.CompilerParams(
            dimension_semantics=("arbitrary",)),
    )(h1, a0, a1, c0, c1, wl, bl, wr, wf1, bf1)


def _head2_body(y_ref, ssum_ref, ssq_ref, g_ref, b_ref, wf2_ref, bf2_ref,
                z_ref):
    mu = ssum_ref[...] * (1.0 / N)
    var = ssq_ref[...] * (1.0 / N) - mu * mu
    scale = g_ref[...] * lax.rsqrt(var + 1e-5)
    t = (y_ref[...] - mu) * scale + b_ref[...]
    t = jnp.where(t >= 0.0, t, 0.1 * t)
    z_ref[...] = _mm_t(t, wf2_ref[...]) + bf2_ref[...]


def _tc_head2(y, ssum, ssq, gamma, beta, wf2, bf2):
    row = pl.BlockSpec((_R, D), lambda i: (i, 0))
    full = pl.BlockSpec((D, D), lambda i: (0, 0))
    vec = pl.BlockSpec((1, D), lambda i: (0, 0))
    return pl.pallas_call(
        _head2_body,
        grid=(_GRID,),
        in_specs=[row, vec, vec, vec, vec, full, vec],
        out_specs=row,
        out_shape=jax.ShapeDtypeStruct((N, D), jnp.float32),
    )(y, ssum, ssq, gamma, beta, wf2, bf2)


def kernel(x_dict, edge_index_dict, W_l1, b_l1, W_r1, W_l2, b_l2, W_r2,
           W_f1, b_f1, gamma, beta, W_f2, b_f2):
    x = x_dict
    src = edge_index_dict[0]
    dst = edge_index_dict[1]

    pad = EP - E
    src_p = jnp.concatenate([src, jnp.zeros((pad,), jnp.int32)])
    dst_p = jnp.concatenate([dst, jnp.full((pad,), N, jnp.int32)])
    zeros = jnp.zeros((CH, D), jnp.float32)
    ones = jnp.ones((CH, D), jnp.float32)

    xp = jnp.zeros((NP, D), jnp.float32).at[:N].set(x)
    agg1 = _sc_agg(xp, src_p, dst_p, zeros)
    cnt = _sc_cnt(dst_p, zeros, ones)
    a0, a1 = agg1[0, :N], agg1[1, :N]
    c0, c1 = cnt[0, :N], cnt[1, :N]

    b_l1_2 = b_l1.reshape(1, D)
    b_l2_2 = b_l2.reshape(1, D)
    b_f1_2 = b_f1.reshape(1, D)
    b_f2_2 = b_f2.reshape(1, D)

    h1 = _tc_sage(x, a0, a1, c0, c1, W_l1, b_l1_2, W_r1, relu=True)

    h1p = jnp.zeros((NP, D), jnp.float32).at[:N].set(h1)
    agg2 = _sc_agg(h1p, src_p, dst_p, zeros)
    y, ssum, ssq = _tc_head1(h1, agg2[0, :N], agg2[1, :N], c0, c1,
                             W_l2, b_l2_2, W_r2, W_f1, b_f1_2)
    z = _tc_head2(y, ssum, ssq, gamma.reshape(1, D), beta.reshape(1, D),
                  W_f2, b_f2_2)
    return z

# --- scband reference (transcript-rebuilt; emitter-appended) ---
"""Pipeline reference for scband-integr-ao-55267639165018 (READ-ONLY COPY).

The authoritative reference and input builder live on the scoring server;
editing this copy changes nothing except your own understanding.
"""

import jax, jax.numpy as jnp
import numpy as np

N, E, D = 10000, 320000, 128

def setup_inputs(seed: int = 0):
    key = jax.random.key(seed)
    ks = jax.random.split(key, 14)
    s = 0.05
    inp = {}
    inp['x_dict'] = jax.random.normal(ks[0], (N, D), dtype=jnp.float32)
    inp['edge_index_dict'] = jax.random.randint(ks[1], (2, E), 0, N, dtype=jnp.int32)
    # GraphSAGE layer 1 (SAGEConv: lin_l on mean-aggregated neighbors w/ bias, lin_r on root, no bias)
    inp['W_l1'] = jax.random.normal(ks[2], (D, D), dtype=jnp.float32) * s
    inp['b_l1'] = jnp.zeros((D,), dtype=jnp.float32)
    inp['W_r1'] = jax.random.normal(ks[3], (D, D), dtype=jnp.float32) * s
    # GraphSAGE layer 2
    inp['W_l2'] = jax.random.normal(ks[4], (D, D), dtype=jnp.float32) * s
    inp['b_l2'] = jnp.zeros((D,), dtype=jnp.float32)
    inp['W_r2'] = jax.random.normal(ks[5], (D, D), dtype=jnp.float32) * s
    # feature_show: Linear -> BatchNorm1d -> LeakyReLU(0.1) -> Linear
    inp['W_f1'] = jax.random.normal(ks[6], (D, D), dtype=jnp.float32) * s
    inp['b_f1'] = jnp.zeros((D,), dtype=jnp.float32)
    inp['gamma'] = jnp.ones((D,), dtype=jnp.float32)
    inp['beta'] = jnp.zeros((D,), dtype=jnp.float32)
    inp['W_f2'] = jax.random.normal(ks[7], (D, D), dtype=jnp.float32) * s
    inp['b_f2'] = jnp.zeros((D,), dtype=jnp.float32)
    return inp

def reference(x_dict, edge_index_dict, W_l1, b_l1, W_r1, W_l2, b_l2, W_r2, W_f1, b_f1, gamma, beta, W_f2, b_f2):
    # Single-domain IntegrAO: x_dict/edge_index_dict are the tensors for domain 0.
    x = x_dict
    src = edge_index_dict[0]
    dst = edge_index_dict[1]
    n = x.shape[0]

    def sage_conv(h, W_l, b_l, W_r):
        msg = jnp.take(h, src, axis=0)                      # gather x[src]
        agg = jax.ops.segment_sum(msg, dst, num_segments=n)  # scatter-add at dst
        cnt = jax.ops.segment_sum(jnp.ones((src.shape[0],), h.dtype), dst, num_segments=n)
        mean = agg / jnp.clip(cnt, 1.0, None)[:, None]
        return mean @ W_l.T + b_l + h @ W_r.T

    h = jax.nn.relu(sage_conv(x, W_l1, b_l1, W_r1))
    h = sage_conv(h, W_l2, b_l2, W_r2)
    # feature_show
    y = h @ W_f1.T + b_f1
    mu = jnp.mean(y, axis=0)
    var = jnp.var(y, axis=0)
    y = (y - mu) / jnp.sqrt(var + 1e-5) * gamma + beta
    y = jnp.where(y >= 0, y, 0.1 * y)  # LeakyReLU(0.1)
    z = y @ W_f2.T + b_f2
    return z

if __name__ == "__main__":
    import jax
    _d = setup_inputs()
    print(jax.jit(kernel)(*tuple(_d.values())))

</pallas_src>

<mosaic_0001>
#map = affine_map<(d0, d1) -> (0)>
#map1 = affine_map<(d0, d1) -> (0, 0)>
#map2 = affine_map<(d0, d1) -> (0, 0, 0)>
module attributes {stable_mosaic.version = 14 : i64} {
  func.func @_sc_cnt(%arg0: i32, %arg1: i32, %arg2: memref<327680xi32, #tpu.memory_space<hbm>>, %arg3: memref<128x128xf32, #tpu.memory_space<hbm>>, %arg4: memref<128x128xf32, #tpu.memory_space<hbm>>, %arg5: memref<2x10112x128xf32, #tpu.memory_space<hbm>>, %arg6: memref<10112x128xf32, #tpu.memory_space<vmem_shared>>, %arg7: memref<128x128xf32, #tpu.memory_space<vmem>>, %arg8: memref<128xi32, #tpu.memory_space<vmem>>, %arg9: memref<128xi32, #tpu.memory_space<vmem>>, %arg10: memref<!tpu.dma_semaphore, #tpu.memory_space<semaphore_mem>>, %arg11: memref<!tpu.dma_semaphore, #tpu.memory_space<semaphore_mem>>) attributes {dimension_semantics = [#tpu.dimension_semantics<core_parallel>, #tpu.dimension_semantics<subcore_parallel>], iteration_bounds = array<i64: 2, 16>, scalar_prefetch = 0 : i64, scratch_operands = 6 : i64, tpu.core_type = #tpu.core_type<sc_vector_subcore>, window_params = [{transform_indices = #map}, {transform_indices = #map1}, {transform_indices = #map1}, {transform_indices = #map2}]} {
    %mul3A = arith.constant 2 : i32
    %mul3A_0 = arith.muli %arg1, %mul3A : i32
    %add3A = arith.addi %mul3A_0, %arg0 : i32
    %mul3A_1 = arith.constant 632 : i32
    %mul3A_2 = arith.muli %arg1, %mul3A_1 : i32
    %mul3A_3 = arith.constant 10240 : i32
    %mul3A_4 = arith.muli %add3A, %mul3A_3 : i32
    "tpu.region"() ({
      %run_scoped3A = tpu.sem_alloc : memref<!tpu.dma_semaphore, #tpu.memory_space<semaphore_mem>>
      tpu.enqueue_dma source(%arg3 : memref<128x128xf32, #tpu.memory_space<hbm>>) target(%arg7 : memref<128x128xf32, #tpu.memory_space<vmem>>) target_semaphore(%run_scoped3A : memref<!tpu.dma_semaphore, #tpu.memory_space<semaphore_mem>>)
      tpu.wait_dma2 semaphore(%run_scoped3A : memref<!tpu.dma_semaphore, #tpu.memory_space<semaphore_mem>>) src(%arg3 : memref<128x128xf32, #tpu.memory_space<hbm>>) dst(%arg7 : memref<128x128xf32, #tpu.memory_space<vmem>>)
      tpu.yield
    }) : () -> ()
    %add3A_5 = arith.constant 0 : i32
    %add3A_6 = arith.addi %mul3A_2, %add3A_5 : i32
    "tpu.region"() ({
      %run_scoped3A = tpu.sem_alloc : memref<!tpu.dma_semaphore, #tpu.memory_space<semaphore_mem>>
      %dma_start3A_45 = arith.constant 0 : i32
      %dma_start3A_46 = arith.constant 0 : i32
      %dma_start3A_47 = tpu.memref_slice %arg7[%dma_start3A_45, %dma_start3A_46] : memref<128x128xf32, #tpu.memory_space<vmem>> -> memref<128x128xf32, #tpu.memory_space<vmem>>
      %dma_start3A_48 = arith.constant 0 : i32
      %dma_start3A_49 = tpu.memref_slice %arg6[%add3A_6, %dma_start3A_48] : memref<10112x128xf32, #tpu.memory_space<vmem_shared>> -> memref<128x128xf32, #tpu.memory_space<vmem_shared>>
      %dma_start3A_50 = arith.constant 0 : i32
      %dma_start3A_51 = tpu.memref_slice %arg6[%add3A_6, %dma_start3A_50] : memref<10112x128xf32, #tpu.memory_space<vmem_shared>> -> memref<128x128xf32, #tpu.memory_space<vmem_shared>>
      %dma_start3A_52 = arith.constant 0 : i32
      %dma_start3A_53 = arith.constant 0 : i32
      %dma_start3A_54 = tpu.memref_slice %arg7[%dma_start3A_52, %dma_start3A_53] : memref<128x128xf32, #tpu.memory_space<vmem>> -> memref<128x128xf32, #tpu.memory_space<vmem>>
      tpu.enqueue_dma source(%dma_start3A_54 : memref<128x128xf32, #tpu.memory_space<vmem>>) target(%dma_start3A_51 : memref<128x128xf32, #tpu.memory_space<vmem_shared>>) target_semaphore(%run_scoped3A : memref<!tpu.dma_semaphore, #tpu.memory_space<semaphore_mem>>)
      %dma_wait3A_55 = arith.constant 0 : i32
      %dma_wait3A_56 = arith.constant 0 : i32
      %dma_wait3A_57 = tpu.memref_slice %arg7[%dma_wait3A_55, %dma_wait3A_56] : memref<128x128xf32, #tpu.memory_space<vmem>> -> memref<128x128xf32, #tpu.memory_space<vmem>>
      %dma_wait3A_58 = arith.constant 0 : i32
      %dma_wait3A_59 = tpu.memref_slice %arg6[%add3A_6, %dma_wait3A_58] : memref<10112x128xf32, #tpu.memory_space<vmem_shared>> -> memref<128x128xf32, #tpu.memory_space<vmem_shared>>
      %dma_wait3A_60 = arith.constant 0 : i32
      %dma_wait3A_61 = tpu.memref_slice %arg6[%add3A_6, %dma_wait3A_60] : memref<10112x128xf32, #tpu.memory_space<vmem_shared>> -> memref<128x128xf32, #tpu.memory_space<vmem_shared>>
      %dma_wait3A_62 = arith.constant 0 : i32
      %dma_wait3A_63 = arith.constant 0 : i32
      %dma_wait3A_64 = tpu.memref_slice %arg7[%dma_wait3A_62, %dma_wait3A_63] : memref<128x128xf32, #tpu.memory_space<vmem>> -> memref<128x128xf32, #tpu.memory_space<vmem>>
      tpu.wait_dma2 semaphore(%run_scoped3A : memref<!tpu.dma_semaphore, #tpu.memory_space<semaphore_mem>>) src(%dma_wait3A_64 : memref<128x128xf32, #tpu.memory_space<vmem>>) dst(%dma_wait3A_61 : memref<128x128xf32, #tpu.memory_space<vmem_shared>>)
      tpu.yield
    }) : () -> ()
    %add3A_7 = arith.constant 128 : i32
    %add3A_8 = arith.addi %mul3A_2, %add3A_7 : i32
    "tpu.region"() ({
      %run_scoped3A = tpu.sem_alloc : memref<!tpu.dma_semaphore, #tpu.memory_space<semaphore_mem>>
      %dma_start3A_45 = arith.constant 0 : i32
      %dma_start3A_46 = arith.constant 0 : i32
      %dma_start3A_47 = tpu.memref_slice %arg7[%dma_start3A_45, %dma_start3A_46] : memref<128x128xf32, #tpu.memory_space<vmem>> -> memref<128x128xf32, #tpu.memory_space<vmem>>
      %dma_start3A_48 = arith.constant 0 : i32
      %dma_start3A_49 = tpu.memref_slice %arg6[%add3A_8, %dma_start3A_48] : memref<10112x128xf32, #tpu.memory_space<vmem_shared>> -> memref<128x128xf32, #tpu.memory_space<vmem_shared>>
      %dma_start3A_50 = arith.constant 0 : i32
      %dma_start3A_51 = tpu.memref_slice %arg6[%add3A_8, %dma_start3A_50] : memref<10112x128xf32, #tpu.memory_space<vmem_shared>> -> memref<128x128xf32, #tpu.memory_space<vmem_shared>>
      %dma_start3A_52 = arith.constant 0 : i32
      %dma_start3A_53 = arith.constant 0 : i32
      %dma_start3A_54 = tpu.memref_slice %arg7[%dma_start3A_52, %dma_start3A_53] : memref<128x128xf32, #tpu.memory_space<vmem>> -> memref<128x128xf32, #tpu.memory_space<vmem>>
      tpu.enqueue_dma source(%dma_start3A_54 : memref<128x128xf32, #tpu.memory_space<vmem>>) target(%dma_start3A_51 : memref<128x128xf32, #tpu.memory_space<vmem_shared>>) target_semaphore(%run_scoped3A : memref<!tpu.dma_semaphore, #tpu.memory_space<semaphore_mem>>)
      %dma_wait3A_55 = arith.constant 0 : i32
      %dma_wait3A_56 = arith.constant 0 : i32
      %dma_wait3A_57 = tpu.memref_slice %arg7[%dma_wait3A_55, %dma_wait3A_56] : memref<128x128xf32, #tpu.memory_space<vmem>> -> memref<128x128xf32, #tpu.memory_space<vmem>>
      %dma_wait3A_58 = arith.constant 0 : i32
      %dma_wait3A_59 = tpu.memref_slice %arg6[%add3A_8, %dma_wait3A_58] : memref<10112x128xf32, #tpu.memory_space<vmem_shared>> -> memref<128x128xf32, #tpu.memory_space<vmem_shared>>
      %dma_wait3A_60 = arith.constant 0 : i32
      %dma_wait3A_61 = tpu.memref_slice %arg6[%add3A_8, %dma_wait3A_60] : memref<10112x128xf32, #tpu.memory_space<vmem_shared>> -> memref<128x128xf32, #tpu.memory_space<vmem_shared>>
      %dma_wait3A_62 = arith.constant 0 : i32
      %dma_wait3A_63 = arith.constant 0 : i32
      %dma_wait3A_64 = tpu.memref_slice %arg7[%dma_wait3A_62, %dma_wait3A_63] : memref<128x128xf32, #tpu.memory_space<vmem>> -> memref<128x128xf32, #tpu.memory_space<vmem>>
      tpu.wait_dma2 semaphore(%run_scoped3A : memref<!tpu.dma_semaphore, #tpu.memory_space<semaphore_mem>>) src(%dma_wait3A_64 : memref<128x128xf32, #tpu.memory_space<vmem>>) dst(%dma_wait3A_61 : memref<128x128xf32, #tpu.memory_space<vmem_shared>>)
      tpu.yield
    }) : () -> ()
    %add3A_9 = arith.constant 256 : i32
    %add3A_10 = arith.addi %mul3A_2, %add3A_9 : i32
    "tpu.region"() ({
      %run_scoped3A = tpu.sem_alloc : memref<!tpu.dma_semaphore, #tpu.memory_space<semaphore_mem>>
      %dma_start3A_45 = arith.constant 0 : i32
      %dma_start3A_46 = arith.constant 0 : i32
      %dma_start3A_47 = tpu.memref_slice %arg7[%dma_start3A_45, %dma_start3A_46] : memref<128x128xf32, #tpu.memory_space<vmem>> -> memref<128x128xf32, #tpu.memory_space<vmem>>
      %dma_start3A_48 = arith.constant 0 : i32
      %dma_start3A_49 = tpu.memref_slice %arg6[%add3A_10, %dma_start3A_48] : memref<10112x128xf32, #tpu.memory_space<vmem_shared>> -> memref<128x128xf32, #tpu.memory_space<vmem_shared>>
      %dma_start3A_50 = arith.constant 0 : i32
      %dma_start3A_51 = tpu.memref_slice %arg6[%add3A_10, %dma_start3A_50] : memref<10112x128xf32, #tpu.memory_space<vmem_shared>> -> memref<128x128xf32, #tpu.memory_space<vmem_shared>>
      %dma_start3A_52 = arith.constant 0 : i32
      %dma_start3A_53 = arith.constant 0 : i32
      %dma_start3A_54 = tpu.memref_slice %arg7[%dma_start3A_52, %dma_start3A_53] : memref<128x128xf32, #tpu.memory_space<vmem>> -> memref<128x128xf32, #tpu.memory_space<vmem>>
      tpu.enqueue_dma source(%dma_start3A_54 : memref<128x128xf32, #tpu.memory_space<vmem>>) target(%dma_start3A_51 : memref<128x128xf32, #tpu.memory_space<vmem_shared>>) target_semaphore(%run_scoped3A : memref<!tpu.dma_semaphore, #tpu.memory_space<semaphore_mem>>)
      %dma_wait3A_55 = arith.constant 0 : i32
      %dma_wait3A_56 = arith.constant 0 : i32
      %dma_wait3A_57 = tpu.memref_slice %arg7[%dma_wait3A_55, %dma_wait3A_56] : memref<128x128xf32, #tpu.memory_space<vmem>> -> memref<128x128xf32, #tpu.memory_space<vmem>>
      %dma_wait3A_58 = arith.constant 0 : i32
      %dma_wait3A_59 = tpu.memref_slice %arg6[%add3A_10, %dma_wait3A_58] : memref<10112x128xf32, #tpu.memory_space<vmem_shared>> -> memref<128x128xf32, #tpu.memory_space<vmem_shared>>
      %dma_wait3A_60 = arith.constant 0 : i32
      %dma_wait3A_61 = tpu.memref_slice %arg6[%add3A_10, %dma_wait3A_60] : memref<10112x128xf32, #tpu.memory_space<vmem_shared>> -> memref<128x128xf32, #tpu.memory_space<vmem_shared>>
      %dma_wait3A_62 = arith.constant 0 : i32
      %dma_wait3A_63 = arith.constant 0 : i32
      %dma_wait3A_64 = tpu.memref_slice %arg7[%dma_wait3A_62, %dma_wait3A_63] : memref<128x128xf32, #tpu.memory_space<vmem>> -> memref<128x128xf32, #tpu.memory_space<vmem>>
      tpu.wait_dma2 semaphore(%run_scoped3A : memref<!tpu.dma_semaphore, #tpu.memory_space<semaphore_mem>>) src(%dma_wait3A_64 : memref<128x128xf32, #tpu.memory_space<vmem>>) dst(%dma_wait3A_61 : memref<128x128xf32, #tpu.memory_space<vmem_shared>>)
      tpu.yield
    }) : () -> ()
    %add3A_11 = arith.constant 384 : i32
    %add3A_12 = arith.addi %mul3A_2, %add3A_11 : i32
    "tpu.region"() ({
      %run_scoped3A = tpu.sem_alloc : memref<!tpu.dma_semaphore, #tpu.memory_space<semaphore_mem>>
      %dma_start3A_45 = arith.constant 0 : i32
      %dma_start3A_46 = arith.constant 0 : i32
      %dma_start3A_47 = tpu.memref_slice %arg7[%dma_start3A_45, %dma_start3A_46] : memref<128x128xf32, #tpu.memory_space<vmem>> -> memref<128x128xf32, #tpu.memory_space<vmem>>
      %dma_start3A_48 = arith.constant 0 : i32
      %dma_start3A_49 = tpu.memref_slice %arg6[%add3A_12, %dma_start3A_48] : memref<10112x128xf32, #tpu.memory_space<vmem_shared>> -> memref<128x128xf32, #tpu.memory_space<vmem_shared>>
      %dma_start3A_50 = arith.constant 0 : i32
      %dma_start3A_51 = tpu.memref_slice %arg6[%add3A_12, %dma_start3A_50] : memref<10112x128xf32, #tpu.memory_space<vmem_shared>> -> memref<128x128xf32, #tpu.memory_space<vmem_shared>>
      %dma_start3A_52 = arith.constant 0 : i32
      %dma_start3A_53 = arith.constant 0 : i32
      %dma_start3A_54 = tpu.memref_slice %arg7[%dma_start3A_52, %dma_start3A_53] : memref<128x128xf32, #tpu.memory_space<vmem>> -> memref<128x128xf32, #tpu.memory_space<vmem>>
      tpu.enqueue_dma source(%dma_start3A_54 : memref<128x128xf32, #tpu.memory_space<vmem>>) target(%dma_start3A_51 : memref<128x128xf32, #tpu.memory_space<vmem_shared>>) target_semaphore(%run_scoped3A : memref<!tpu.dma_semaphore, #tpu.memory_space<semaphore_mem>>)
      %dma_wait3A_55 = arith.constant 0 : i32
      %dma_wait3A_56 = arith.constant 0 : i32
      %dma_wait3A_57 = tpu.memref_slice %arg7[%dma_wait3A_55, %dma_wait3A_56] : memref<128x128xf32, #tpu.memory_space<vmem>> -> memref<128x128xf32, #tpu.memory_space<vmem>>
      %dma_wait3A_58 = arith.constant 0 : i32
      %dma_wait3A_59 = tpu.memref_slice %arg6[%add3A_12, %dma_wait3A_58] : memref<10112x128xf32, #tpu.memory_space<vmem_shared>> -> memref<128x128xf32, #tpu.memory_space<vmem_shared>>
      %dma_wait3A_60 = arith.constant 0 : i32
      %dma_wait3A_61 = tpu.memref_slice %arg6[%add3A_12, %dma_wait3A_60] : memref<10112x128xf32, #tpu.memory_space<vmem_shared>> -> memref<128x128xf32, #tpu.memory_space<vmem_shared>>
      %dma_wait3A_62 = arith.constant 0 : i32
      %dma_wait3A_63 = arith.constant 0 : i32
      %dma_wait3A_64 = tpu.memref_slice %arg7[%dma_wait3A_62, %dma_wait3A_63] : memref<128x128xf32, #tpu.memory_space<vmem>> -> memref<128x128xf32, #tpu.memory_space<vmem>>
      tpu.wait_dma2 semaphore(%run_scoped3A : memref<!tpu.dma_semaphore, #tpu.memory_space<semaphore_mem>>) src(%dma_wait3A_64 : memref<128x128xf32, #tpu.memory_space<vmem>>) dst(%dma_wait3A_61 : memref<128x128xf32, #tpu.memory_space<vmem_shared>>)
      tpu.yield
    }) : () -> ()
    %add3A_13 = arith.constant 512 : i32
    %add3A_14 = arith.addi %mul3A_2, %add3A_13 : i32
    "tpu.region"() ({
      %run_scoped3A = tpu.sem_alloc : memref<!tpu.dma_semaphore, #tpu.memory_space<semaphore_mem>>
      %dma_start3A_45 = arith.constant 0 : i32
      %dma_start3A_46 = arith.constant 0 : i32
      %dma_start3A_47 = tpu.memref_slice %arg7[%dma_start3A_45, %dma_start3A_46] : memref<128x128xf32, #tpu.memory_space<vmem>> -> memref<120x128xf32, #tpu.memory_space<vmem>>
      %dma_start3A_48 = arith.constant 0 : i32
      %dma_start3A_49 = tpu.memref_slice %arg6[%add3A_14, %dma_start3A_48] : memref<10112x128xf32, #tpu.memory_space<vmem_shared>> -> memref<120x128xf32, #tpu.memory_space<vmem_shared>>
      %dma_start3A_50 = arith.constant 0 : i32
      %dma_start3A_51 = tpu.memref_slice %arg6[%add3A_14, %dma_start3A_50] : memref<10112x128xf32, #tpu.memory_space<vmem_shared>> -> memref<120x128xf32, #tpu.memory_space<vmem_shared>>
      %dma_start3A_52 = arith.constant 0 : i32
      %dma_start3A_53 = arith.constant 0 : i32
      %dma_start3A_54 = tpu.memref_slice %arg7[%dma_start3A_52, %dma_start3A_53] : memref<128x128xf32, #tpu.memory_space<vmem>> -> memref<120x128xf32, #tpu.memory_space<vmem>>
      tpu.enqueue_dma source(%dma_start3A_54 : memref<120x128xf32, #tpu.memory_space<vmem>>) target(%dma_start3A_51 : memref<120x128xf32, #tpu.memory_space<vmem_shared>>) target_semaphore(%run_scoped3A : memref<!tpu.dma_semaphore, #tpu.memory_space<semaphore_mem>>)
      %dma_wait3A_55 = arith.constant 0 : i32
      %dma_wait3A_56 = arith.constant 0 : i32
      %dma_wait3A_57 = tpu.memref_slice %arg7[%dma_wait3A_55, %dma_wait3A_56] : memref<128x128xf32, #tpu.memory_space<vmem>> -> memref<120x128xf32, #tpu.memory_space<vmem>>
      %dma_wait3A_58 = arith.constant 0 : i32
      %dma_wait3A_59 = tpu.memref_slice %arg6[%add3A_14, %dma_wait3A_58] : memref<10112x128xf32, #tpu.memory_space<vmem_shared>> -> memref<120x128xf32, #tpu.memory_space<vmem_shared>>
      %dma_wait3A_60 = arith.constant 0 : i32
      %dma_wait3A_61 = tpu.memref_slice %arg6[%add3A_14, %dma_wait3A_60] : memref<10112x128xf32, #tpu.memory_space<vmem_shared>> -> memref<120x128xf32, #tpu.memory_space<vmem_shared>>
      %dma_wait3A_62 = arith.constant 0 : i32
      %dma_wait3A_63 = arith.constant 0 : i32
      %dma_wait3A_64 = tpu.memref_slice %arg7[%dma_wait3A_62, %dma_wait3A_63] : memref<128x128xf32, #tpu.memory_space<vmem>> -> memref<120x128xf32, #tpu.memory_space<vmem>>
      tpu.wait_dma2 semaphore(%run_scoped3A : memref<!tpu.dma_semaphore, #tpu.memory_space<semaphore_mem>>) src(%dma_wait3A_64 : memref<120x128xf32, #tpu.memory_space<vmem>>) dst(%dma_wait3A_61 : memref<120x128xf32, #tpu.memory_space<vmem_shared>>)
      tpu.yield
    }) : () -> ()
    "tpu.region"() ({
      %run_scoped3A = tpu.sem_alloc : memref<!tpu.dma_semaphore, #tpu.memory_space<semaphore_mem>>
      tpu.enqueue_dma source(%arg4 : memref<128x128xf32, #tpu.memory_space<hbm>>) target(%arg7 : memref<128x128xf32, #tpu.memory_space<vmem>>) target_semaphore(%run_scoped3A : memref<!tpu.dma_semaphore, #tpu.memory_space<semaphore_mem>>)
      tpu.wait_dma2 semaphore(%run_scoped3A : memref<!tpu.dma_semaphore, #tpu.memory_space<semaphore_mem>>) src(%arg4 : memref<128x128xf32, #tpu.memory_space<hbm>>) dst(%arg7 : memref<128x128xf32, #tpu.memory_space<vmem>>)
      tpu.yield
    }) : () -> ()
    %barrier3A = arith.constant 0 : index
    tpu.barrier barrier_id(%barrier3A)
    "tpu.region"() ({
      %run_scoped3A = tpu.sem_alloc : memref<!tpu.dma_semaphore, #tpu.memory_space<semaphore_mem>>
      %dma_start3A_45 = tpu.memref_slice %arg2[%mul3A_4] : memref<327680xi32, #tpu.memory_space<hbm>> -> memref<128xi32, #tpu.memory_space<hbm>>
      %dma_start3A_46 = tpu.memref_slice %arg2[%mul3A_4] : memref<327680xi32, #tpu.memory_space<hbm>> -> memref<128xi32, #tpu.memory_space<hbm>>
      tpu.enqueue_dma source(%dma_start3A_46 : memref<128xi32, #tpu.memory_space<hbm>>) target(%arg8 : memref<128xi32, #tpu.memory_space<vmem>>) target_semaphore(%run_scoped3A : memref<!tpu.dma_semaphore, #tpu.memory_space<semaphore_mem>>)
      %dma_wait3A_47 = tpu.memref_slice %arg2[%mul3A_4] : memref<327680xi32, #tpu.memory_space<hbm>> -> memref<128xi32, #tpu.memory_space<hbm>>
      %dma_wait3A_48 = tpu.memref_slice %arg2[%mul3A_4] : memref<327680xi32, #tpu.memory_space<hbm>> -> memref<128xi32, #tpu.memory_space<hbm>>
      tpu.wait_dma2 semaphore(%run_scoped3A : memref<!tpu.dma_semaphore, #tpu.memory_space<semaphore_mem>>) src(%dma_wait3A_48 : memref<128xi32, #tpu.memory_space<hbm>>) dst(%arg8 : memref<128xi32, #tpu.memory_space<vmem>>)
      tpu.yield
    }) : () -> ()
    %scan3A = arith.constant 0 : i32
    %scan3A_15 = arith.constant 0 : i32
    %scan3A_16 = arith.constant 39 : i32
    %scan3A_17 = arith.addi %scan3A_15, %scan3A_16 : i32
    %scan3A_18 = arith.constant 1 : i32
    scf.for %scan3A_45 = %scan3A_15 to %scan3A_17 step %scan3A_18  : i32 {
      %mul3A_46 = arith.constant 2 : i32
      %mul3A_47 = arith.muli %mul3A_46, %scan3A_45 : i32
      %add3A_48 = arith.constant 1 : i32
      %add3A_49 = arith.addi %mul3A_47, %add3A_48 : i32
      %mul3A_50 = arith.constant 128 : i32
      %mul3A_51 = arith.muli %add3A_49, %mul3A_50 : i32
      %add3A_52 = arith.addi %mul3A_4, %mul3A_51 : i32
      %dma_start3A_53 = tpu.memref_slice %arg2[%add3A_52] : memref<327680xi32, #tpu.memory_space<hbm>> -> memref<128xi32, #tpu.memory_space<hbm>>
      %dma_start3A_54 = tpu.memref_slice %arg2[%add3A_52] : memref<327680xi32, #tpu.memory_space<hbm>> -> memref<128xi32, #tpu.memory_space<hbm>>
      tpu.enqueue_dma source(%dma_start3A_54 : memref<128xi32, #tpu.memory_space<hbm>>) target(%arg9 : memref<128xi32, #tpu.memory_space<vmem>>) target_semaphore(%arg11 : memref<!tpu.dma_semaphore, #tpu.memory_space<semaphore_mem>>)
      "tpu.region"() ({
        %run_scoped3A = tpu.sem_alloc : memref<!tpu.dma_semaphore, #tpu.memory_space<semaphore_mem>>
        %dma_start3A_68 = arith.constant 0 : i32
        %dma_start3A_69 = arith.constant 0 : i32
        %dma_start3A_70 = tpu.memref_slice %arg6[%dma_start3A_68, %dma_start3A_69] : memref<10112x128xf32, #tpu.memory_space<vmem_shared>> -> memref<10112x128xf32, #tpu.memory_space<vmem_shared>>
        tpu.enqueue_indirect_dma source(%arg7 : memref<128x128xf32, #tpu.memory_space<vmem>>) target(%dma_start3A_70 : memref<10112x128xf32, #tpu.memory_space<vmem_shared>>) offsets(%arg8 : memref<128xi32, #tpu.memory_space<vmem>>) semaphore(%run_scoped3A : memref<!tpu.dma_semaphore, #tpu.memory_space<semaphore_mem>>) {add = true}
        %dma_wait3A_71 = arith.constant 0 : i32
        %dma_wait3A_72 = arith.constant 0 : i32
        %dma_wait3A_73 = tpu.memref_slice %arg6[%dma_wait3A_71, %dma_wait3A_72] : memref<10112x128xf32, #tpu.memory_space<vmem_shared>> -> memref<10112x128xf32, #tpu.memory_space<vmem_shared>>
        tpu.wait_indirect_dma semaphore(%run_scoped3A : memref<!tpu.dma_semaphore, #tpu.memory_space<semaphore_mem>>) src(%arg7 : memref<128x128xf32, #tpu.memory_space<vmem>>) dst(%dma_wait3A_73 : memref<10112x128xf32, #tpu.memory_space<vmem_shared>>)
        tpu.yield
      }) : () -> ()
      %dma_wait3A_55 = tpu.memref_slice %arg2[%add3A_52] : memref<327680xi32, #tpu.memory_space<hbm>> -> memref<128xi32, #tpu.memory_space<hbm>>
      %dma_wait3A_56 = tpu.memref_slice %arg2[%add3A_52] : memref<327680xi32, #tpu.memory_space<hbm>> -> memref<128xi32, #tpu.memory_space<hbm>>
      tpu.wait_dma2 semaphore(%arg11 : memref<!tpu.dma_semaphore, #tpu.memory_space<semaphore_mem>>) src(%dma_wait3A_56 : memref<128xi32, #tpu.memory_space<hbm>>) dst(%arg9 : memref<128xi32, #tpu.memory_space<vmem>>)
      %mul3A_57 = arith.constant 2 : i32
      %mul3A_58 = arith.muli %mul3A_57, %scan3A_45 : i32
      %add3A_59 = arith.constant 2 : i32
      %add3A_60 = arith.addi %mul3A_58, %add3A_59 : i32
      %mul3A_61 = arith.constant 128 : i32
      %mul3A_62 = arith.muli %add3A_60, %mul3A_61 : i32
      %add3A_63 = arith.addi %mul3A_4, %mul3A_62 : i32
      %dma_start3A_64 = tpu.memref_slice %arg2[%add3A_63] : memref<327680xi32, #tpu.memory_space<hbm>> -> memref<128xi32, #tpu.memory_space<hbm>>
      %dma_start3A_65 = tpu.memref_slice %arg2[%add3A_63] : memref<327680xi32, #tpu.memory_space<hbm>> -> memref<128xi32, #tpu.memory_space<hbm>>
      tpu.enqueue_dma source(%dma_start3A_65 : memref<128xi32, #tpu.memory_space<hbm>>) target(%arg8 : memref<128xi32, #tpu.memory_space<vmem>>) target_semaphore(%arg10 : memref<!tpu.dma_semaphore, #tpu.memory_space<semaphore_mem>>)
      "tpu.region"() ({
        %run_scoped3A = tpu.sem_alloc : memref<!tpu.dma_semaphore, #tpu.memory_space<semaphore_mem>>
        %dma_start3A_68 = arith.constant 0 : i32
        %dma_start3A_69 = arith.constant 0 : i32
        %dma_start3A_70 = tpu.memref_slice %arg6[%dma_start3A_68, %dma_start3A_69] : memref<10112x128xf32, #tpu.memory_space<vmem_shared>> -> memref<10112x128xf32, #tpu.memory_space<vmem_shared>>
        tpu.enqueue_indirect_dma source(%arg7 : memref<128x128xf32, #tpu.memory_space<vmem>>) target(%dma_start3A_70 : memref<10112x128xf32, #tpu.memory_space<vmem_shared>>) offsets(%arg9 : memref<128xi32, #tpu.memory_space<vmem>>) semaphore(%run_scoped3A : memref<!tpu.dma_semaphore, #tpu.memory_space<semaphore_mem>>) {add = true}
        %dma_wait3A_71 = arith.constant 0 : i32
        %dma_wait3A_72 = arith.constant 0 : i32
        %dma_wait3A_73 = tpu.memref_slice %arg6[%dma_wait3A_71, %dma_wait3A_72] : memref<10112x128xf32, #tpu.memory_space<vmem_shared>> -> memref<10112x128xf32, #tpu.memory_space<vmem_shared>>
        tpu.wait_indirect_dma semaphore(%run_scoped3A : memref<!tpu.dma_semaphore, #tpu.memory_space<semaphore_mem>>) src(%arg7 : memref<128x128xf32, #tpu.memory_space<vmem>>) dst(%dma_wait3A_73 : memref<10112x128xf32, #tpu.memory_space<vmem_shared>>)
        tpu.yield
      }) : () -> ()
      %dma_wait3A_66 = tpu.memref_slice %arg2[%add3A_63] : memref<327680xi32, #tpu.memory_space<hbm>> -> memref<128xi32, #tpu.memory_space<hbm>>
      %dma_wait3A_67 = tpu.memref_slice %arg2[%add3A_63] : memref<327680xi32, #tpu.memory_space<hbm>> -> memref<128xi32, #tpu.memory_space<hbm>>
      tpu.wait_dma2 semaphore(%arg10 : memref<!tpu.dma_semaphore, #tpu.memory_space<semaphore_mem>>) src(%dma_wait3A_67 : memref<128xi32, #tpu.memory_space<hbm>>) dst(%arg8 : memref<128xi32, #tpu.memory_space<vmem>>)
    }
    %scan3A_19 = arith.constant 39 : i32
    %add3A_20 = arith.constant 10112 : i32
    %add3A_21 = arith.addi %mul3A_4, %add3A_20 : i32
    %dma_start3A = tpu.memref_slice %arg2[%add3A_21] : memref<327680xi32, #tpu.memory_space<hbm>> -> memref<128xi32, #tpu.memory_space<hbm>>
    %dma_start3A_22 = tpu.memref_slice %arg2[%add3A_21] : memref<327680xi32, #tpu.memory_space<hbm>> -> memref<128xi32, #tpu.memory_space<hbm>>
    tpu.enqueue_dma source(%dma_start3A_22 : memref<128xi32, #tpu.memory_space<hbm>>) target(%arg9 : memref<128xi32, #tpu.memory_space<vmem>>) target_semaphore(%arg11 : memref<!tpu.dma_semaphore, #tpu.memory_space<semaphore_mem>>)
    "tpu.region"() ({
      %run_scoped3A = tpu.sem_alloc : memref<!tpu.dma_semaphore, #tpu.memory_space<semaphore_mem>>
      %dma_start3A_45 = arith.constant 0 : i32
      %dma_start3A_46 = arith.constant 0 : i32
      %dma_start3A_47 = tpu.memref_slice %arg6[%dma_start3A_45, %dma_start3A_46] : memref<10112x128xf32, #tpu.memory_space<vmem_shared>> -> memref<10112x128xf32, #tpu.memory_space<vmem_shared>>
      tpu.enqueue_indirect_dma source(%arg7 : memref<128x128xf32, #tpu.memory_space<vmem>>) target(%dma_start3A_47 : memref<10112x128xf32, #tpu.memory_space<vmem_shared>>) offsets(%arg8 : memref<128xi32, #tpu.memory_space<vmem>>) semaphore(%run_scoped3A : memref<!tpu.dma_semaphore, #tpu.memory_space<semaphore_mem>>) {add = true}
      %dma_wait3A_48 = arith.constant 0 : i32
      %dma_wait3A_49 = arith.constant 0 : i32
      %dma_wait3A_50 = tpu.memref_slice %arg6[%dma_wait3A_48, %dma_wait3A_49] : memref<10112x128xf32, #tpu.memory_space<vmem_shared>> -> memref<10112x128xf32, #tpu.memory_space<vmem_shared>>
      tpu.wait_indirect_dma semaphore(%run_scoped3A : memref<!tpu.dma_semaphore, #tpu.memory_space<semaphore_mem>>) src(%arg7 : memref<128x128xf32, #tpu.memory_space<vmem>>) dst(%dma_wait3A_50 : memref<10112x128xf32, #tpu.memory_space<vmem_shared>>)
      tpu.yield
    }) : () -> ()
    %dma_wait3A = tpu.memref_slice %arg2[%add3A_21] : memref<327680xi32, #tpu.memory_space<hbm>> -> memref<128xi32, #tpu.memory_space<hbm>>
    %dma_wait3A_23 = tpu.memref_slice %arg2[%add3A_21] : memref<327680xi32, #tpu.memory_space<hbm>> -> memref<128xi32, #tpu.memory_space<hbm>>
    tpu.wait_dma2 semaphore(%arg11 : memref<!tpu.dma_semaphore, #tpu.memory_space<semaphore_mem>>) src(%dma_wait3A_23 : memref<128xi32, #tpu.memory_space<hbm>>) dst(%arg9 : memref<128xi32, #tpu.memory_space<vmem>>)
    "tpu.region"() ({
      %run_scoped3A = tpu.sem_alloc : memref<!tpu.dma_semaphore, #tpu.memory_space<semaphore_mem>>
      %dma_start3A_45 = arith.constant 0 : i32
      %dma_start3A_46 = arith.constant 0 : i32
      %dma_start3A_47 = tpu.memref_slice %arg6[%dma_start3A_45, %dma_start3A_46] : memref<10112x128xf32, #tpu.memory_space<vmem_shared>> -> memref<10112x128xf32, #tpu.memory_space<vmem_shared>>
      tpu.enqueue_indirect_dma source(%arg7 : memref<128x128xf32, #tpu.memory_space<vmem>>) target(%dma_start3A_47 : memref<10112x128xf32, #tpu.memory_space<vmem_shared>>) offsets(%arg9 : memref<128xi32, #tpu.memory_space<vmem>>) semaphore(%run_scoped3A : memref<!tpu.dma_semaphore, #tpu.memory_space<semaphore_mem>>) {add = true}
      %dma_wait3A_48 = arith.constant 0 : i32
      %dma_wait3A_49 = arith.constant 0 : i32
      %dma_wait3A_50 = tpu.memref_slice %arg6[%dma_wait3A_48, %dma_wait3A_49] : memref<10112x128xf32, #tpu.memory_space<vmem_shared>> -> memref<10112x128xf32, #tpu.memory_space<vmem_shared>>
      tpu.wait_indirect_dma semaphore(%run_scoped3A : memref<!tpu.dma_semaphore, #tpu.memory_space<semaphore_mem>>) src(%arg7 : memref<128x128xf32, #tpu.memory_space<vmem>>) dst(%dma_wait3A_50 : memref<10112x128xf32, #tpu.memory_space<vmem_shared>>)
      tpu.yield
    }) : () -> ()
    %barrier3A_24 = arith.constant 0 : index
    tpu.barrier barrier_id(%barrier3A_24)
    %add3A_25 = arith.constant 0 : i32
    %add3A_26 = arith.addi %mul3A_2, %add3A_25 : i32
    "tpu.region"() ({
      %run_scoped3A = tpu.sem_alloc : memref<!tpu.dma_semaphore, #tpu.memory_space<semaphore_mem>>
      %dma_start3A_45 = arith.constant 0 : i32
      %dma_start3A_46 = arith.constant 0 : i32
      %dma_start3A_47 = tpu.memref_slice %arg7[%dma_start3A_45, %dma_start3A_46] : memref<128x128xf32, #tpu.memory_space<vmem>> -> memref<128x128xf32, #tpu.memory_space<vmem>>
      %dma_start3A_48 = arith.constant 0 : i32
      %dma_start3A_49 = tpu.memref_slice %arg6[%add3A_26, %dma_start3A_48] : memref<10112x128xf32, #tpu.memory_space<vmem_shared>> -> memref<128x128xf32, #tpu.memory_space<vmem_shared>>
      %dma_start3A_50 = arith.constant 0 : i32
      %dma_start3A_51 = arith.constant 0 : i32
      %dma_start3A_52 = tpu.memref_slice %arg7[%dma_start3A_50, %dma_start3A_51] : memref<128x128xf32, #tpu.memory_space<vmem>> -> memref<128x128xf32, #tpu.memory_space<vmem>>
      %dma_start3A_53 = arith.constant 0 : i32
      %dma_start3A_54 = tpu.memref_slice %arg6[%add3A_26, %dma_start3A_53] : memref<10112x128xf32, #tpu.memory_space<vmem_shared>> -> memref<128x128xf32, #tpu.memory_space<vmem_shared>>
      tpu.enqueue_dma source(%dma_start3A_54 : memref<128x128xf32, #tpu.memory_space<vmem_shared>>) target(%dma_start3A_52 : memref<128x128xf32, #tpu.memory_space<vmem>>) target_semaphore(%run_scoped3A : memref<!tpu.dma_semaphore, #tpu.memory_space<semaphore_mem>>)
      %dma_wait3A_55 = arith.constant 0 : i32
      %dma_wait3A_56 = arith.constant 0 : i32
      %dma_wait3A_57 = tpu.memref_slice %arg7[%dma_wait3A_55, %dma_wait3A_56] : memref<128x128xf32, #tpu.memory_space<vmem>> -> memref<128x128xf32, #tpu.memory_space<vmem>>
      %dma_wait3A_58 = arith.constant 0 : i32
      %dma_wait3A_59 = tpu.memref_slice %arg6[%add3A_26, %dma_wait3A_58] : memref<10112x128xf32, #tpu.memory_space<vmem_shared>> -> memref<128x128xf32, #tpu.memory_space<vmem_shared>>
      %dma_wait3A_60 = arith.constant 0 : i32
      %dma_wait3A_61 = arith.constant 0 : i32
      %dma_wait3A_62 = tpu.memref_slice %arg7[%dma_wait3A_60, %dma_wait3A_61] : memref<128x128xf32, #tpu.memory_space<vmem>> -> memref<128x128xf32, #tpu.memory_space<vmem>>
      %dma_wait3A_63 = arith.constant 0 : i32
      %dma_wait3A_64 = tpu.memref_slice %arg6[%add3A_26, %dma_wait3A_63] : memref<10112x128xf32, #tpu.memory_space<vmem_shared>> -> memref<128x128xf32, #tpu.memory_space<vmem_shared>>
      tpu.wait_dma2 semaphore(%run_scoped3A : memref<!tpu.dma_semaphore, #tpu.memory_space<semaphore_mem>>) src(%dma_wait3A_64 : memref<128x128xf32, #tpu.memory_space<vmem_shared>>) dst(%dma_wait3A_62 : memref<128x128xf32, #tpu.memory_space<vmem>>)
      tpu.yield
    }) : () -> ()
    %add3A_27 = arith.constant 0 : i32
    %add3A_28 = arith.addi %mul3A_2, %add3A_27 : i32
    "tpu.region"() ({
      %run_scoped3A = tpu.sem_alloc : memref<!tpu.dma_semaphore, #tpu.memory_space<semaphore_mem>>
      %dma_start3A_45 = arith.constant 0 : i32
      %dma_start3A_46 = arith.constant 0 : i32
      %dma_start3A_47 = tpu.memref_slice %arg7[%dma_start3A_45, %dma_start3A_46] : memref<128x128xf32, #tpu.memory_space<vmem>> -> memref<128x128xf32, #tpu.memory_space<vmem>>
      %dma_start3A_48 = arith.constant 0 : i32
      %dma_start3A_49 = tpu.memref_slice %arg5[%arg0, %add3A_28, %dma_start3A_48] : memref<2x10112x128xf32, #tpu.memory_space<hbm>> -> memref<1x128x128xf32, #tpu.memory_space<hbm>>
      %dma_start3A_50 = tpu.memref_squeeze %dma_start3A_49 : memref<1x128x128xf32, #tpu.memory_space<hbm>> -> memref<128x128xf32, #tpu.memory_space<hbm>>
      %dma_start3A_51 = arith.constant 0 : i32
      %dma_start3A_52 = tpu.memref_slice %arg5[%arg0, %add3A_28, %dma_start3A_51] : memref<2x10112x128xf32, #tpu.memory_space<hbm>> -> memref<1x128x128xf32, #tpu.memory_space<hbm>>
      %dma_start3A_53 = tpu.memref_squeeze %dma_start3A_52 : memref<1x128x128xf32, #tpu.memory_space<hbm>> -> memref<128x128xf32, #tpu.memory_space<hbm>>
      %dma_start3A_54 = arith.constant 0 : i32
      %dma_start3A_55 = arith.constant 0 : i32
      %dma_start3A_56 = tpu.memref_slice %arg7[%dma_start3A_54, %dma_start3A_55] : memref<128x128xf32, #tpu.memory_space<vmem>> -> memref<128x128xf32, #tpu.memory_space<vmem>>
      tpu.enqueue_dma source(%dma_start3A_56 : memref<128x128xf32, #tpu.memory_space<vmem>>) target(%dma_start3A_53 : memref<128x128xf32, #tpu.memory_space<hbm>>) target_semaphore(%run_scoped3A : memref<!tpu.dma_semaphore, #tpu.memory_space<semaphore_mem>>)
      %dma_wait3A_57 = arith.constant 0 : i32
      %dma_wait3A_58 = arith.constant 0 : i32
      %dma_wait3A_59 = tpu.memref_slice %arg7[%dma_wait3A_57, %dma_wait3A_58] : memref<128x128xf32, #tpu.memory_space<vmem>> -> memref<128x128xf32, #tpu.memory_space<vmem>>
      %dma_wait3A_60 = arith.constant 0 : i32
      %dma_wait3A_61 = tpu.memref_slice %arg5[%arg0, %add3A_28, %dma_wait3A_60] : memref<2x10112x128xf32, #tpu.memory_space<hbm>> -> memref<1x128x128xf32, #tpu.memory_space<hbm>>
      %dma_wait3A_62 = tpu.memref_squeeze %dma_wait3A_61 : memref<1x128x128xf32, #tpu.memory_space<hbm>> -> memref<128x128xf32, #tpu.memory_space<hbm>>
      %dma_wait3A_63 = arith.constant 0 : i32
      %dma_wait3A_64 = tpu.memref_slice %arg5[%arg0, %add3A_28, %dma_wait3A_63] : memref<2x10112x128xf32, #tpu.memory_space<hbm>> -> memref<1x128x128xf32, #tpu.memory_space<hbm>>
      %dma_wait3A_65 = tpu.memref_squeeze %dma_wait3A_64 : memref<1x128x128xf32, #tpu.memory_space<hbm>> -> memref<128x128xf32, #tpu.memory_space<hbm>>
      %dma_wait3A_66 = arith.constant 0 : i32
      %dma_wait3A_67 = arith.constant 0 : i32
      %dma_wait3A_68 = tpu.memref_slice %arg7[%dma_wait3A_66, %dma_wait3A_67] : memref<128x128xf32, #tpu.memory_space<vmem>> -> memref<128x128xf32, #tpu.memory_space<vmem>>
      tpu.wait_dma2 semaphore(%run_scoped3A : memref<!tpu.dma_semaphore, #tpu.memory_space<semaphore_mem>>) src(%dma_wait3A_68 : memref<128x128xf32, #tpu.memory_space<vmem>>) dst(%dma_wait3A_65 : memref<128x128xf32, #tpu.memory_space<hbm>>)
      tpu.yield
    }) : () -> ()
    %add3A_29 = arith.constant 128 : i32
    %add3A_30 = arith.addi %mul3A_2, %add3A_29 : i32
    "tpu.region"() ({
      %run_scoped3A = tpu.sem_alloc : memref<!tpu.dma_semaphore, #tpu.memory_space<semaphore_mem>>
      %dma_start3A_45 = arith.constant 0 : i32
      %dma_start3A_46 = arith.constant 0 : i32
      %dma_start3A_47 = tpu.memref_slice %arg7[%dma_start3A_45, %dma_start3A_46] : memref<128x128xf32, #tpu.memory_space<vmem>> -> memref<128x128xf32, #tpu.memory_space<vmem>>
      %dma_start3A_48 = arith.constant 0 : i32
      %dma_start3A_49 = tpu.memref_slice %arg6[%add3A_30, %dma_start3A_48] : memref<10112x128xf32, #tpu.memory_space<vmem_shared>> -> memref<128x128xf32, #tpu.memory_space<vmem_shared>>
      %dma_start3A_50 = arith.constant 0 : i32
      %dma_start3A_51 = arith.constant 0 : i32
      %dma_start3A_52 = tpu.memref_slice %arg7[%dma_start3A_50, %dma_start3A_51] : memref<128x128xf32, #tpu.memory_space<vmem>> -> memref<128x128xf32, #tpu.memory_space<vmem>>
      %dma_start3A_53 = arith.constant 0 : i32
      %dma_start3A_54 = tpu.memref_slice %arg6[%add3A_30, %dma_start3A_53] : memref<10112x128xf32, #tpu.memory_space<vmem_shared>> -> memref<128x128xf32, #tpu.memory_space<vmem_shared>>
      tpu.enqueue_dma source(%dma_start3A_54 : memref<128x128xf32, #tpu.memory_space<vmem_shared>>) target(%dma_start3A_52 : memref<128x128xf32, #tpu.memory_space<vmem>>) target_semaphore(%run_scoped3A : memref<!tpu.dma_semaphore, #tpu.memory_space<semaphore_mem>>)
      %dma_wait3A_55 = arith.constant 0 : i32
      %dma_wait3A_56 = arith.constant 0 : i32
      %dma_wait3A_57 = tpu.memref_slice %arg7[%dma_wait3A_55, %dma_wait3A_56] : memref<128x128xf32, #tpu.memory_space<vmem>> -> memref<128x128xf32, #tpu.memory_space<vmem>>
      %dma_wait3A_58 = arith.constant 0 : i32
      %dma_wait3A_59 = tpu.memref_slice %arg6[%add3A_30, %dma_wait3A_58] : memref<10112x128xf32, #tpu.memory_space<vmem_shared>> -> memref<128x128xf32, #tpu.memory_space<vmem_shared>>
      %dma_wait3A_60 = arith.constant 0 : i32
      %dma_wait3A_61 = arith.constant 0 : i32
      %dma_wait3A_62 = tpu.memref_slice %arg7[%dma_wait3A_60, %dma_wait3A_61] : memref<128x128xf32, #tpu.memory_space<vmem>> -> memref<128x128xf32, #tpu.memory_space<vmem>>
      %dma_wait3A_63 = arith.constant 0 : i32
      %dma_wait3A_64 = tpu.memref_slice %arg6[%add3A_30, %dma_wait3A_63] : memref<10112x128xf32, #tpu.memory_space<vmem_shared>> -> memref<128x128xf32, #tpu.memory_space<vmem_shared>>
      tpu.wait_dma2 semaphore(%run_scoped3A : memref<!tpu.dma_semaphore, #tpu.memory_space<semaphore_mem>>) src(%dma_wait3A_64 : memref<128x128xf32, #tpu.memory_space<vmem_shared>>) dst(%dma_wait3A_62 : memref<128x128xf32, #tpu.memory_space<vmem>>)
      tpu.yield
    }) : () -> ()
    %add3A_31 = arith.constant 128 : i32
    %add3A_32 = arith.addi %mul3A_2, %add3A_31 : i32
    "tpu.region"() ({
      %run_scoped3A = tpu.sem_alloc : memref<!tpu.dma_semaphore, #tpu.memory_space<semaphore_mem>>
      %dma_start3A_45 = arith.constant 0 : i32
      %dma_start3A_46 = arith.constant 0 : i32
      %dma_start3A_47 = tpu.memref_slice %arg7[%dma_start3A_45, %dma_start3A_46] : memref<128x128xf32, #tpu.memory_space<vmem>> -> memref<128x128xf32, #tpu.memory_space<vmem>>
      %dma_start3A_48 = arith.constant 0 : i32
      %dma_start3A_49 = tpu.memref_slice %arg5[%arg0, %add3A_32, %dma_start3A_48] : memref<2x10112x128xf32, #tpu.memory_space<hbm>> -> memref<1x128x128xf32, #tpu.memory_space<hbm>>
      %dma_start3A_50 = tpu.memref_squeeze %dma_start3A_49 : memref<1x128x128xf32, #tpu.memory_space<hbm>> -> memref<128x128xf32, #tpu.memory_space<hbm>>
      %dma_start3A_51 = arith.constant 0 : i32
      %dma_start3A_52 = tpu.memref_slice %arg5[%arg0, %add3A_32, %dma_start3A_51] : memref<2x10112x128xf32, #tpu.memory_space<hbm>> -> memref<1x128x128xf32, #tpu.memory_space<hbm>>
      %dma_start3A_53 = tpu.memref_squeeze %dma_start3A_52 : memref<1x128x128xf32, #tpu.memory_space<hbm>> -> memref<128x128xf32, #tpu.memory_space<hbm>>
      %dma_start3A_54 = arith.constant 0 : i32
      %dma_start3A_55 = arith.constant 0 : i32
      %dma_start3A_56 = tpu.memref_slice %arg7[%dma_start3A_54, %dma_start3A_55] : memref<128x128xf32, #tpu.memory_space<vmem>> -> memref<128x128xf32, #tpu.memory_space<vmem>>
      tpu.enqueue_dma source(%dma_start3A_56 : memref<128x128xf32, #tpu.memory_space<vmem>>) target(%dma_start3A_53 : memref<128x128xf32, #tpu.memory_space<hbm>>) target_semaphore(%run_scoped3A : memref<!tpu.dma_semaphore, #tpu.memory_space<semaphore_mem>>)
      %dma_wait3A_57 = arith.constant 0 : i32
      %dma_wait3A_58 = arith.constant 0 : i32
      %dma_wait3A_59 = tpu.memref_slice %arg7[%dma_wait3A_57, %dma_wait3A_58] : memref<128x128xf32, #tpu.memory_space<vmem>> -> memref<128x128xf32, #tpu.memory_space<vmem>>
      %dma_wait3A_60 = arith.constant 0 : i32
      %dma_wait3A_61 = tpu.memref_slice %arg5[%arg0, %add3A_32, %dma_wait3A_60] : memref<2x10112x128xf32, #tpu.memory_space<hbm>> -> memref<1x128x128xf32, #tpu.memory_space<hbm>>
      %dma_wait3A_62 = tpu.memref_squeeze %dma_wait3A_61 : memref<1x128x128xf32, #tpu.memory_space<hbm>> -> memref<128x128xf32, #tpu.memory_space<hbm>>
      %dma_wait3A_63 = arith.constant 0 : i32
      %dma_wait3A_64 = tpu.memref_slice %arg5[%arg0, %add3A_32, %dma_wait3A_63] : memref<2x10112x128xf32, #tpu.memory_space<hbm>> -> memref<1x128x128xf32, #tpu.memory_space<hbm>>
      %dma_wait3A_65 = tpu.memref_squeeze %dma_wait3A_64 : memref<1x128x128xf32, #tpu.memory_space<hbm>> -> memref<128x128xf32, #tpu.memory_space<hbm>>
      %dma_wait3A_66 = arith.constant 0 : i32
      %dma_wait3A_67 = arith.constant 0 : i32
      %dma_wait3A_68 = tpu.memref_slice %arg7[%dma_wait3A_66, %dma_wait3A_67] : memref<128x128xf32, #tpu.memory_space<vmem>> -> memref<128x128xf32, #tpu.memory_space<vmem>>
      tpu.wait_dma2 semaphore(%run_scoped3A : memref<!tpu.dma_semaphore, #tpu.memory_space<semaphore_mem>>) src(%dma_wait3A_68 : memref<128x128xf32, #tpu.memory_space<vmem>>) dst(%dma_wait3A_65 : memref<128x128xf32, #tpu.memory_space<hbm>>)
      tpu.yield
    }) : () -> ()
    %add3A_33 = arith.constant 256 : i32
    %add3A_34 = arith.addi %mul3A_2, %add3A_33 : i32
    "tpu.region"() ({
      %run_scoped3A = tpu.sem_alloc : memref<!tpu.dma_semaphore, #tpu.memory_space<semaphore_mem>>
      %dma_start3A_45 = arith.constant 0 : i32
      %dma_start3A_46 = arith.constant 0 : i32
      %dma_start3A_47 = tpu.memref_slice %arg7[%dma_start3A_45, %dma_start3A_46] : memref<128x128xf32, #tpu.memory_space<vmem>> -> memref<128x128xf32, #tpu.memory_space<vmem>>
      %dma_start3A_48 = arith.constant 0 : i32
      %dma_start3A_49 = tpu.memref_slice %arg6[%add3A_34, %dma_start3A_48] : memref<10112x128xf32, #tpu.memory_space<vmem_shared>> -> memref<128x128xf32, #tpu.memory_space<vmem_shared>>
      %dma_start3A_50 = arith.constant 0 : i32
      %dma_start3A_51 = arith.constant 0 : i32
      %dma_start3A_52 = tpu.memref_slice %arg7[%dma_start3A_50, %dma_start3A_51] : memref<128x128xf32, #tpu.memory_space<vmem>> -> memref<128x128xf32, #tpu.memory_space<vmem>>
      %dma_start3A_53 = arith.constant 0 : i32
      %dma_start3A_54 = tpu.memref_slice %arg6[%add3A_34, %dma_start3A_53] : memref<10112x128xf32, #tpu.memory_space<vmem_shared>> -> memref<128x128xf32, #tpu.memory_space<vmem_shared>>
      tpu.enqueue_dma source(%dma_start3A_54 : memref<128x128xf32, #tpu.memory_space<vmem_shared>>) target(%dma_start3A_52 : memref<128x128xf32, #tpu.memory_space<vmem>>) target_semaphore(%run_scoped3A : memref<!tpu.dma_semaphore, #tpu.memory_space<semaphore_mem>>)
      %dma_wait3A_55 = arith.constant 0 : i32
      %dma_wait3A_56 = arith.constant 0 : i32
      %dma_wait3A_57 = tpu.memref_slice %arg7[%dma_wait3A_55, %dma_wait3A_56] : memref<128x128xf32, #tpu.memory_space<vmem>> -> memref<128x128xf32, #tpu.memory_space<vmem>>
      %dma_wait3A_58 = arith.constant 0 : i32
      %dma_wait3A_59 = tpu.memref_slice %arg6[%add3A_34, %dma_wait3A_58] : memref<10112x128xf32, #tpu.memory_space<vmem_shared>> -> memref<128x128xf32, #tpu.memory_space<vmem_shared>>
      %dma_wait3A_60 = arith.constant 0 : i32
      %dma_wait3A_61 = arith.constant 0 : i32
      %dma_wait3A_62 = tpu.memref_slice %arg7[%dma_wait3A_60, %dma_wait3A_61] : memref<128x128xf32, #tpu.memory_space<vmem>> -> memref<128x128xf32, #tpu.memory_space<vmem>>
      %dma_wait3A_63 = arith.constant 0 : i32
      %dma_wait3A_64 = tpu.memref_slice %arg6[%add3A_34, %dma_wait3A_63] : memref<10112x128xf32, #tpu.memory_space<vmem_shared>> -> memref<128x128xf32, #tpu.memory_space<vmem_shared>>
      tpu.wait_dma2 semaphore(%run_scoped3A : memref<!tpu.dma_semaphore, #tpu.memory_space<semaphore_mem>>) src(%dma_wait3A_64 : memref<128x128xf32, #tpu.memory_space<vmem_shared>>) dst(%dma_wait3A_62 : memref<128x128xf32, #tpu.memory_space<vmem>>)
      tpu.yield
    }) : () -> ()
    %add3A_35 = arith.constant 256 : i32
    %add3A_36 = arith.addi %mul3A_2, %add3A_35 : i32
    "tpu.region"() ({
      %run_scoped3A = tpu.sem_alloc : memref<!tpu.dma_semaphore, #tpu.memory_space<semaphore_mem>>
      %dma_start3A_45 = arith.constant 0 : i32
      %dma_start3A_46 = arith.constant 0 : i32
      %dma_start3A_47 = tpu.memref_slice %arg7[%dma_start3A_45, %dma_start3A_46] : memref<128x128xf32, #tpu.memory_space<vmem>> -> memref<128x128xf32, #tpu.memory_space<vmem>>
      %dma_start3A_48 = arith.constant 0 : i32
      %dma_start3A_49 = tpu.memref_slice %arg5[%arg0, %add3A_36, %dma_start3A_48] : memref<2x10112x128xf32, #tpu.memory_space<hbm>> -> memref<1x128x128xf32, #tpu.memory_space<hbm>>
      %dma_start3A_50 = tpu.memref_squeeze %dma_start3A_49 : memref<1x128x128xf32, #tpu.memory_space<hbm>> -> memref<128x128xf32, #tpu.memory_space<hbm>>
      %dma_start3A_51 = arith.constant 0 : i32
      %dma_start3A_52 = tpu.memref_slice %arg5[%arg0, %add3A_36, %dma_start3A_51] : memref<2x10112x128xf32, #tpu.memory_space<hbm>> -> memref<1x128x128xf32, #tpu.memory_space<hbm>>
      %dma_start3A_53 = tpu.memref_squeeze %dma_start3A_52 : memref<1x128x128xf32, #tpu.memory_space<hbm>> -> memref<128x128xf32, #tpu.memory_space<hbm>>
      %dma_start3A_54 = arith.constant 0 : i32
      %dma_start3A_55 = arith.constant 0 : i32
      %dma_start3A_56 = tpu.memref_slice %arg7[%dma_start3A_54, %dma_start3A_55] : memref<128x128xf32, #tpu.memory_space<vmem>> -> memref<128x128xf32, #tpu.memory_space<vmem>>
      tpu.enqueue_dma source(%dma_start3A_56 : memref<128x128xf32, #tpu.memory_space<vmem>>) target(%dma_start3A_53 : memref<128x128xf32, #tpu.memory_space<hbm>>) target_semaphore(%run_scoped3A : memref<!tpu.dma_semaphore, #tpu.memory_space<semaphore_mem>>)
      %dma_wait3A_57 = arith.constant 0 : i32
      %dma_wait3A_58 = arith.constant 0 : i32
      %dma_wait3A_59 = tpu.memref_slice %arg7[%dma_wait3A_57, %dma_wait3A_58] : memref<128x128xf32, #tpu.memory_space<vmem>> -> memref<128x128xf32, #tpu.memory_space<vmem>>
      %dma_wait3A_60 = arith.constant 0 : i32
      %dma_wait3A_61 = tpu.memref_slice %arg5[%arg0, %add3A_36, %dma_wait3A_60] : memref<2x10112x128xf32, #tpu.memory_space<hbm>> -> memref<1x128x128xf32, #tpu.memory_space<hbm>>
      %dma_wait3A_62 = tpu.memref_squeeze %dma_wait3A_61 : memref<1x128x128xf32, #tpu.memory_space<hbm>> -> memref<128x128xf32, #tpu.memory_space<hbm>>
      %dma_wait3A_63 = arith.constant 0 : i32
      %dma_wait3A_64 = tpu.memref_slice %arg5[%arg0, %add3A_36, %dma_wait3A_63] : memref<2x10112x128xf32, #tpu.memory_space<hbm>> -> memref<1x128x128xf32, #tpu.memory_space<hbm>>
      %dma_wait3A_65 = tpu.memref_squeeze %dma_wait3A_64 : memref<1x128x128xf32, #tpu.memory_space<hbm>> -> memref<128x128xf32, #tpu.memory_space<hbm>>
      %dma_wait3A_66 = arith.constant 0 : i32
      %dma_wait3A_67 = arith.constant 0 : i32
      %dma_wait3A_68 = tpu.memref_slice %arg7[%dma_wait3A_66, %dma_wait3A_67] : memref<128x128xf32, #tpu.memory_space<vmem>> -> memref<128x128xf32, #tpu.memory_space<vmem>>
      tpu.wait_dma2 semaphore(%run_scoped3A : memref<!tpu.dma_semaphore, #tpu.memory_space<semaphore_mem>>) src(%dma_wait3A_68 : memref<128x128xf32, #tpu.memory_space<vmem>>) dst(%dma_wait3A_65 : memref<128x128xf32, #tpu.memory_space<hbm>>)
      tpu.yield
    }) : () -> ()
    %add3A_37 = arith.constant 384 : i32
    %add3A_38 = arith.addi %mul3A_2, %add3A_37 : i32
    "tpu.region"() ({
      %run_scoped3A = tpu.sem_alloc : memref<!tpu.dma_semaphore, #tpu.memory_space<semaphore_mem>>
      %dma_start3A_45 = arith.constant 0 : i32
      %dma_start3A_46 = arith.constant 0 : i32
      %dma_start3A_47 = tpu.memref_slice %arg7[%dma_start3A_45, %dma_start3A_46] : memref<128x128xf32, #tpu.memory_space<vmem>> -> memref<128x128xf32, #tpu.memory_space<vmem>>
      %dma_start3A_48 = arith.constant 0 : i32
      %dma_start3A_49 = tpu.memref_slice %arg6[%add3A_38, %dma_start3A_48] : memref<10112x128xf32, #tpu.memory_space<vmem_shared>> -> memref<128x128xf32, #tpu.memory_space<vmem_shared>>
      %dma_start3A_50 = arith.constant 0 : i32
      %dma_start3A_51 = arith.constant 0 : i32
      %dma_start3A_52 = tpu.memref_slice %arg7[%dma_start3A_50, %dma_start3A_51] : memref<128x128xf32, #tpu.memory_space<vmem>> -> memref<128x128xf32, #tpu.memory_space<vmem>>
      %dma_start3A_53 = arith.constant 0 : i32
      %dma_start3A_54 = tpu.memref_slice %arg6[%add3A_38, %dma_start3A_53] : memref<10112x128xf32, #tpu.memory_space<vmem_shared>> -> memref<128x128xf32, #tpu.memory_space<vmem_shared>>
      tpu.enqueue_dma source(%dma_start3A_54 : memref<128x128xf32, #tpu.memory_space<vmem_shared>>) target(%dma_start3A_52 : memref<128x128xf32, #tpu.memory_space<vmem>>) target_semaphore(%run_scoped3A : memref<!tpu.dma_semaphore, #tpu.memory_space<semaphore_mem>>)
      %dma_wait3A_55 = arith.constant 0 : i32
      %dma_wait3A_56 = arith.constant 0 : i32
      %dma_wait3A_57 = tpu.memref_slice %arg7[%dma_wait3A_55, %dma_wait3A_56] : memref<128x128xf32, #tpu.memory_space<vmem>> -> memref<128x128xf32, #tpu.memory_space<vmem>>
      %dma_wait3A_58 = arith.constant 0 : i32
      %dma_wait3A_59 = tpu.memref_slice %arg6[%add3A_38, %dma_wait3A_58] : memref<10112x128xf32, #tpu.memory_space<vmem_shared>> -> memref<128x128xf32, #tpu.memory_space<vmem_shared>>
      %dma_wait3A_60 = arith.constant 0 : i32
      %dma_wait3A_61 = arith.constant 0 : i32
      %dma_wait3A_62 = tpu.memref_slice %arg7[%dma_wait3A_60, %dma_wait3A_61] : memref<128x128xf32, #tpu.memory_space<vmem>> -> memref<128x128xf32, #tpu.memory_space<vmem>>
      %dma_wait3A_63 = arith.constant 0 : i32
      %dma_wait3A_64 = tpu.memref_slice %arg6[%add3A_38, %dma_wait3A_63] : memref<10112x128xf32, #tpu.memory_space<vmem_shared>> -> memref<128x128xf32, #tpu.memory_space<vmem_shared>>
      tpu.wait_dma2 semaphore(%run_scoped3A : memref<!tpu.dma_semaphore, #tpu.memory_space<semaphore_mem>>) src(%dma_wait3A_64 : memref<128x128xf32, #tpu.memory_space<vmem_shared>>) dst(%dma_wait3A_62 : memref<128x128xf32, #tpu.memory_space<vmem>>)
      tpu.yield
    }) : () -> ()
    %add3A_39 = arith.constant 384 : i32
    %add3A_40 = arith.addi %mul3A_2, %add3A_39 : i32
    "tpu.region"() ({
      %run_scoped3A = tpu.sem_alloc : memref<!tpu.dma_semaphore, #tpu.memory_space<semaphore_mem>>
      %dma_start3A_45 = arith.constant 0 : i32
      %dma_start3A_46 = arith.constant 0 : i32
      %dma_start3A_47 = tpu.memref_slice %arg7[%dma_start3A_45, %dma_start3A_46] : memref<128x128xf32, #tpu.memory_space<vmem>> -> memref<128x128xf32, #tpu.memory_space<vmem>>
      %dma_start3A_48 = arith.constant 0 : i32
      %dma_start3A_49 = tpu.memref_slice %arg5[%arg0, %add3A_40, %dma_start3A_48] : memref<2x10112x128xf32, #tpu.memory_space<hbm>> -> memref<1x128x128xf32, #tpu.memory_space<hbm>>
      %dma_start3A_50 = tpu.memref_squeeze %dma_start3A_49 : memref<1x128x128xf32, #tpu.memory_space<hbm>> -> memref<128x128xf32, #tpu.memory_space<hbm>>
      %dma_start3A_51 = arith.constant 0 : i32
      %dma_start3A_52 = tpu.memref_slice %arg5[%arg0, %add3A_40, %dma_start3A_51] : memref<2x10112x128xf32, #tpu.memory_space<hbm>> -> memref<1x128x128xf32, #tpu.memory_space<hbm>>
      %dma_start3A_53 = tpu.memref_squeeze %dma_start3A_52 : memref<1x128x128xf32, #tpu.memory_space<hbm>> -> memref<128x128xf32, #tpu.memory_space<hbm>>
      %dma_start3A_54 = arith.constant 0 : i32
      %dma_start3A_55 = arith.constant 0 : i32
      %dma_start3A_56 = tpu.memref_slice %arg7[%dma_start3A_54, %dma_start3A_55] : memref<128x128xf32, #tpu.memory_space<vmem>> -> memref<128x128xf32, #tpu.memory_space<vmem>>
      tpu.enqueue_dma source(%dma_start3A_56 : memref<128x128xf32, #tpu.memory_space<vmem>>) target(%dma_start3A_53 : memref<128x128xf32, #tpu.memory_space<hbm>>) target_semaphore(%run_scoped3A : memref<!tpu.dma_semaphore, #tpu.memory_space<semaphore_mem>>)
      %dma_wait3A_57 = arith.constant 0 : i32
      %dma_wait3A_58 = arith.constant 0 : i32
      %dma_wait3A_59 = tpu.memref_slice %arg7[%dma_wait3A_57, %dma_wait3A_58] : memref<128x128xf32, #tpu.memory_space<vmem>> -> memref<128x128xf32, #tpu.memory_space<vmem>>
      %dma_wait3A_60 = arith.constant 0 : i32
      %dma_wait3A_61 = tpu.memref_slice %arg5[%arg0, %add3A_40, %dma_wait3A_60] : memref<2x10112x128xf32, #tpu.memory_space<hbm>> -> memref<1x128x128xf32, #tpu.memory_space<hbm>>
      %dma_wait3A_62 = tpu.memref_squeeze %dma_wait3A_61 : memref<1x128x128xf32, #tpu.memory_space<hbm>> -> memref<128x128xf32, #tpu.memory_space<hbm>>
      %dma_wait3A_63 = arith.constant 0 : i32
      %dma_wait3A_64 = tpu.memref_slice %arg5[%arg0, %add3A_40, %dma_wait3A_63] : memref<2x10112x128xf32, #tpu.memory_space<hbm>> -> memref<1x128x128xf32, #tpu.memory_space<hbm>>
      %dma_wait3A_65 = tpu.memref_squeeze %dma_wait3A_64 : memref<1x128x128xf32, #tpu.memory_space<hbm>> -> memref<128x128xf32, #tpu.memory_space<hbm>>
      %dma_wait3A_66 = arith.constant 0 : i32
      %dma_wait3A_67 = arith.constant 0 : i32
      %dma_wait3A_68 = tpu.memref_slice %arg7[%dma_wait3A_66, %dma_wait3A_67] : memref<128x128xf32, #tpu.memory_space<vmem>> -> memref<128x128xf32, #tpu.memory_space<vmem>>
      tpu.wait_dma2 semaphore(%run_scoped3A : memref<!tpu.dma_semaphore, #tpu.memory_space<semaphore_mem>>) src(%dma_wait3A_68 : memref<128x128xf32, #tpu.memory_space<vmem>>) dst(%dma_wait3A_65 : memref<128x128xf32, #tpu.memory_space<hbm>>)
      tpu.yield
    }) : () -> ()
    %add3A_41 = arith.constant 512 : i32
    %add3A_42 = arith.addi %mul3A_2, %add3A_41 : i32
    "tpu.region"() ({
      %run_scoped3A = tpu.sem_alloc : memref<!tpu.dma_semaphore, #tpu.memory_space<semaphore_mem>>
      %dma_start3A_45 = arith.constant 0 : i32
      %dma_start3A_46 = arith.constant 0 : i32
      %dma_start3A_47 = tpu.memref_slice %arg7[%dma_start3A_45, %dma_start3A_46] : memref<128x128xf32, #tpu.memory_space<vmem>> -> memref<120x128xf32, #tpu.memory_space<vmem>>
      %dma_start3A_48 = arith.constant 0 : i32
      %dma_start3A_49 = tpu.memref_slice %arg6[%add3A_42, %dma_start3A_48] : memref<10112x128xf32, #tpu.memory_space<vmem_shared>> -> memref<120x128xf32, #tpu.memory_space<vmem_shared>>
      %dma_start3A_50 = arith.constant 0 : i32
      %dma_start3A_51 = arith.constant 0 : i32
      %dma_start3A_52 = tpu.memref_slice %arg7[%dma_start3A_50, %dma_start3A_51] : memref<128x128xf32, #tpu.memory_space<vmem>> -> memref<120x128xf32, #tpu.memory_space<vmem>>
      %dma_start3A_53 = arith.constant 0 : i32
      %dma_start3A_54 = tpu.memref_slice %arg6[%add3A_42, %dma_start3A_53] : memref<10112x128xf32, #tpu.memory_space<vmem_shared>> -> memref<120x128xf32, #tpu.memory_space<vmem_shared>>
      tpu.enqueue_dma source(%dma_start3A_54 : memref<120x128xf32, #tpu.memory_space<vmem_shared>>) target(%dma_start3A_52 : memref<120x128xf32, #tpu.memory_space<vmem>>) target_semaphore(%run_scoped3A : memref<!tpu.dma_semaphore, #tpu.memory_space<semaphore_mem>>)
      %dma_wait3A_55 = arith.constant 0 : i32
      %dma_wait3A_56 = arith.constant 0 : i32
      %dma_wait3A_57 = tpu.memref_slice %arg7[%dma_wait3A_55, %dma_wait3A_56] : memref<128x128xf32, #tpu.memory_space<vmem>> -> memref<120x128xf32, #tpu.memory_space<vmem>>
      %dma_wait3A_58 = arith.constant 0 : i32
      %dma_wait3A_59 = tpu.memref_slice %arg6[%add3A_42, %dma_wait3A_58] : memref<10112x128xf32, #tpu.memory_space<vmem_shared>> -> memref<120x128xf32, #tpu.memory_space<vmem_shared>>
      %dma_wait3A_60 = arith.constant 0 : i32
      %dma_wait3A_61 = arith.constant 0 : i32
      %dma_wait3A_62 = tpu.memref_slice %arg7[%dma_wait3A_60, %dma_wait3A_61] : memref<128x128xf32, #tpu.memory_space<vmem>> -> memref<120x128xf32, #tpu.memory_space<vmem>>
      %dma_wait3A_63 = arith.constant 0 : i32
      %dma_wait3A_64 = tpu.memref_slice %arg6[%add3A_42, %dma_wait3A_63] : memref<10112x128xf32, #tpu.memory_space<vmem_shared>> -> memref<120x128xf32, #tpu.memory_space<vmem_shared>>
      tpu.wait_dma2 semaphore(%run_scoped3A : memref<!tpu.dma_semaphore, #tpu.memory_space<semaphore_mem>>) src(%dma_wait3A_64 : memref<120x128xf32, #tpu.memory_space<vmem_shared>>) dst(%dma_wait3A_62 : memref<120x128xf32, #tpu.memory_space<vmem>>)
      tpu.yield
    }) : () -> ()
    %add3A_43 = arith.constant 512 : i32
    %add3A_44 = arith.addi %mul3A_2, %add3A_43 : i32
    "tpu.region"() ({
      %run_scoped3A = tpu.sem_alloc : memref<!tpu.dma_semaphore, #tpu.memory_space<semaphore_mem>>
      %dma_start3A_45 = arith.constant 0 : i32
      %dma_start3A_46 = arith.constant 0 : i32
      %dma_start3A_47 = tpu.memref_slice %arg7[%dma_start3A_45, %dma_start3A_46] : memref<128x128xf32, #tpu.memory_space<vmem>> -> memref<120x128xf32, #tpu.memory_space<vmem>>
      %dma_start3A_48 = arith.constant 0 : i32
      %dma_start3A_49 = tpu.memref_slice %arg5[%arg0, %add3A_44, %dma_start3A_48] : memref<2x10112x128xf32, #tpu.memory_space<hbm>> -> memref<1x120x128xf32, #tpu.memory_space<hbm>>
      %dma_start3A_50 = tpu.memref_squeeze %dma_start3A_49 : memref<1x120x128xf32, #tpu.memory_space<hbm>> -> memref<120x128xf32, #tpu.memory_space<hbm>>
      %dma_start3A_51 = arith.constant 0 : i32
      %dma_start3A_52 = tpu.memref_slice %arg5[%arg0, %add3A_44, %dma_start3A_51] : memref<2x10112x128xf32, #tpu.memory_space<hbm>> -> memref<1x120x128xf32, #tpu.memory_space<hbm>>
      %dma_start3A_53 = tpu.memref_squeeze %dma_start3A_52 : memref<1x120x128xf32, #tpu.memory_space<hbm>> -> memref<120x128xf32, #tpu.memory_space<hbm>>
      %dma_start3A_54 = arith.constant 0 : i32
      %dma_start3A_55 = arith.constant 0 : i32
      %dma_start3A_56 = tpu.memref_slice %arg7[%dma_start3A_54, %dma_start3A_55] : memref<128x128xf32, #tpu.memory_space<vmem>> -> memref<120x128xf32, #tpu.memory_space<vmem>>
      tpu.enqueue_dma source(%dma_start3A_56 : memref<120x128xf32, #tpu.memory_space<vmem>>) target(%dma_start3A_53 : memref<120x128xf32, #tpu.memory_space<hbm>>) target_semaphore(%run_scoped3A : memref<!tpu.dma_semaphore, #tpu.memory_space<semaphore_mem>>)
      %dma_wait3A_57 = arith.constant 0 : i32
      %dma_wait3A_58 = arith.constant 0 : i32
      %dma_wait3A_59 = tpu.memref_slice %arg7[%dma_wait3A_57, %dma_wait3A_58] : memref<128x128xf32, #tpu.memory_space<vmem>> -> memref<120x128xf32, #tpu.memory_space<vmem>>
      %dma_wait3A_60 = arith.constant 0 : i32
      %dma_wait3A_61 = tpu.memref_slice %arg5[%arg0, %add3A_44, %dma_wait3A_60] : memref<2x10112x128xf32, #tpu.memory_space<hbm>> -> memref<1x120x128xf32, #tpu.memory_space<hbm>>
      %dma_wait3A_62 = tpu.memref_squeeze %dma_wait3A_61 : memref<1x120x128xf32, #tpu.memory_space<hbm>> -> memref<120x128xf32, #tpu.memory_space<hbm>>
      %dma_wait3A_63 = arith.constant 0 : i32
      %dma_wait3A_64 = tpu.memref_slice %arg5[%arg0, %add3A_44, %dma_wait3A_63] : memref<2x10112x128xf32, #tpu.memory_space<hbm>> -> memref<1x120x128xf32, #tpu.memory_space<hbm>>
      %dma_wait3A_65 = tpu.memref_squeeze %dma_wait3A_64 : memref<1x120x128xf32, #tpu.memory_space<hbm>> -> memref<120x128xf32, #tpu.memory_space<hbm>>
      %dma_wait3A_66 = arith.constant 0 : i32
      %dma_wait3A_67 = arith.constant 0 : i32
      %dma_wait3A_68 = tpu.memref_slice %arg7[%dma_wait3A_66, %dma_wait3A_67] : memref<128x128xf32, #tpu.memory_space<vmem>> -> memref<120x128xf32, #tpu.memory_space<vmem>>
      tpu.wait_dma2 semaphore(%run_scoped3A : memref<!tpu.dma_semaphore, #tpu.memory_space<semaphore_mem>>) src(%dma_wait3A_68 : memref<120x128xf32, #tpu.memory_space<vmem>>) dst(%dma_wait3A_65 : memref<120x128xf32, #tpu.memory_space<hbm>>)
      tpu.yield
    }) : () -> ()
    return
  }
}

#map = affine_map<(d0, d1) -> (0, 0)>
#map1 = affine_map<(d0, d1) -> (0)>
#map2 = affine_map<(d0, d1) -> (0, 0, 0)>
module attributes {stable_mosaic.version = 14 : i64} {
  func.func @_sc_agg(%arg0: i32, %arg1: i32, %arg2: memref<10112x128xf32, #tpu.memory_space<hbm>>, %arg3: memref<327680xi32, #tpu.memory_space<hbm>>, %arg4: memref<327680xi32, #tpu.memory_space<hbm>>, %arg5: memref<128x128xf32, #tpu.memory_space<hbm>>, %arg6: memref<2x10112x128xf32, #tpu.memory_space<hbm>>, %arg7: memref<10112x128xf32, #tpu.memory_space<vmem_shared>>, %arg8: memref<128x128xf32, #tpu.memory_space<vmem>>, %arg9: memref<128x128xf32, #tpu.memory_space<vmem>>, %arg10: memref<128xi32, #tpu.memory_space<vmem>>, %arg11: memref<128xi32, #tpu.memory_space<vmem>>, %arg12: memref<128xi32, #tpu.memory_space<vmem>>, %arg13: memref<128xi32, #tpu.memory_space<vmem>>, %arg14: memref<!tpu.dma_semaphore, #tpu.memory_space<semaphore_mem>>, %arg15: memref<!tpu.dma_semaphore, #tpu.memory_space<semaphore_mem>>) attributes {dimension_semantics = [#tpu.dimension_semantics<core_parallel>, #tpu.dimension_semantics<subcore_parallel>], iteration_bounds = array<i64: 2, 16>, scalar_prefetch = 0 : i64, scratch_operands = 9 : i64, tpu.core_type = #tpu.core_type<sc_vector_subcore>, window_params = [{transform_indices = #map}, {transform_indices = #map1}, {transform_indices = #map1}, {transform_indices = #map}, {transform_indices = #map2}]} {
    %mul3A = arith.constant 632 : i32
    %mul3A_0 = arith.muli %arg1, %mul3A : i32
    "tpu.region"() ({
      %run_scoped3A = tpu.sem_alloc : memref<!tpu.dma_semaphore, #tpu.memory_space<semaphore_mem>>
      tpu.enqueue_dma source(%arg5 : memref<128x128xf32, #tpu.memory_space<hbm>>) target(%arg8 : memref<128x128xf32, #tpu.memory_space<vmem>>) target_semaphore(%run_scoped3A : memref<!tpu.dma_semaphore, #tpu.memory_space<semaphore_mem>>)
      tpu.wait_dma2 semaphore(%run_scoped3A : memref<!tpu.dma_semaphore, #tpu.memory_space<semaphore_mem>>) src(%arg5 : memref<128x128xf32, #tpu.memory_space<hbm>>) dst(%arg8 : memref<128x128xf32, #tpu.memory_space<vmem>>)
      tpu.yield
    }) : () -> ()
    %add3A = arith.constant 0 : i32
    %add3A_1 = arith.addi %mul3A_0, %add3A : i32
    "tpu.region"() ({
      %run_scoped3A = tpu.sem_alloc : memref<!tpu.dma_semaphore, #tpu.memory_space<semaphore_mem>>
      %dma_start3A = arith.constant 0 : i32
      %dma_start3A_38 = arith.constant 0 : i32
      %dma_start3A_39 = tpu.memref_slice %arg8[%dma_start3A, %dma_start3A_38] : memref<128x128xf32, #tpu.memory_space<vmem>> -> memref<128x128xf32, #tpu.memory_space<vmem>>
      %dma_start3A_40 = arith.constant 0 : i32
      %dma_start3A_41 = tpu.memref_slice %arg7[%add3A_1, %dma_start3A_40] : memref<10112x128xf32, #tpu.memory_space<vmem_shared>> -> memref<128x128xf32, #tpu.memory_space<vmem_shared>>
      %dma_start3A_42 = arith.constant 0 : i32
      %dma_start3A_43 = tpu.memref_slice %arg7[%add3A_1, %dma_start3A_42] : memref<10112x128xf32, #tpu.memory_space<vmem_shared>> -> memref<128x128xf32, #tpu.memory_space<vmem_shared>>
      %dma_start3A_44 = arith.constant 0 : i32
      %dma_start3A_45 = arith.constant 0 : i32
      %dma_start3A_46 = tpu.memref_slice %arg8[%dma_start3A_44, %dma_start3A_45] : memref<128x128xf32, #tpu.memory_space<vmem>> -> memref<128x128xf32, #tpu.memory_space<vmem>>
      tpu.enqueue_dma source(%dma_start3A_46 : memref<128x128xf32, #tpu.memory_space<vmem>>) target(%dma_start3A_43 : memref<128x128xf32, #tpu.memory_space<vmem_shared>>) target_semaphore(%run_scoped3A : memref<!tpu.dma_semaphore, #tpu.memory_space<semaphore_mem>>)
      %dma_wait3A = arith.constant 0 : i32
      %dma_wait3A_47 = arith.constant 0 : i32
      %dma_wait3A_48 = tpu.memref_slice %arg8[%dma_wait3A, %dma_wait3A_47] : memref<128x128xf32, #tpu.memory_space<vmem>> -> memref<128x128xf32, #tpu.memory_space<vmem>>
      %dma_wait3A_49 = arith.constant 0 : i32
      %dma_wait3A_50 = tpu.memref_slice %arg7[%add3A_1, %dma_wait3A_49] : memref<10112x128xf32, #tpu.memory_space<vmem_shared>> -> memref<128x128xf32, #tpu.memory_space<vmem_shared>>
      %dma_wait3A_51 = arith.constant 0 : i32
      %dma_wait3A_52 = tpu.memref_slice %arg7[%add3A_1, %dma_wait3A_51] : memref<10112x128xf32, #tpu.memory_space<vmem_shared>> -> memref<128x128xf32, #tpu.memory_space<vmem_shared>>
      %dma_wait3A_53 = arith.constant 0 : i32
      %dma_wait3A_54 = arith.constant 0 : i32
      %dma_wait3A_55 = tpu.memref_slice %arg8[%dma_wait3A_53, %dma_wait3A_54] : memref<128x128xf32, #tpu.memory_space<vmem>> -> memref<128x128xf32, #tpu.memory_space<vmem>>
      tpu.wait_dma2 semaphore(%run_scoped3A : memref<!tpu.dma_semaphore, #tpu.memory_space<semaphore_mem>>) src(%dma_wait3A_55 : memref<128x128xf32, #tpu.memory_space<vmem>>) dst(%dma_wait3A_52 : memref<128x128xf32, #tpu.memory_space<vmem_shared>>)
      tpu.yield
    }) : () -> ()
    %add3A_2 = arith.constant 128 : i32
    %add3A_3 = arith.addi %mul3A_0, %add3A_2 : i32
    "tpu.region"() ({
      %run_scoped3A = tpu.sem_alloc : memref<!tpu.dma_semaphore, #tpu.memory_space<semaphore_mem>>
      %dma_start3A = arith.constant 0 : i32
      %dma_start3A_38 = arith.constant 0 : i32
      %dma_start3A_39 = tpu.memref_slice %arg8[%dma_start3A, %dma_start3A_38] : memref<128x128xf32, #tpu.memory_space<vmem>> -> memref<128x128xf32, #tpu.memory_space<vmem>>
      %dma_start3A_40 = arith.constant 0 : i32
      %dma_start3A_41 = tpu.memref_slice %arg7[%add3A_3, %dma_start3A_40] : memref<10112x128xf32, #tpu.memory_space<vmem_shared>> -> memref<128x128xf32, #tpu.memory_space<vmem_shared>>
      %dma_start3A_42 = arith.constant 0 : i32
      %dma_start3A_43 = tpu.memref_slice %arg7[%add3A_3, %dma_start3A_42] : memref<10112x128xf32, #tpu.memory_space<vmem_shared>> -> memref<128x128xf32, #tpu.memory_space<vmem_shared>>
      %dma_start3A_44 = arith.constant 0 : i32
      %dma_start3A_45 = arith.constant 0 : i32
      %dma_start3A_46 = tpu.memref_slice %arg8[%dma_start3A_44, %dma_start3A_45] : memref<128x128xf32, #tpu.memory_space<vmem>> -> memref<128x128xf32, #tpu.memory_space<vmem>>
      tpu.enqueue_dma source(%dma_start3A_46 : memref<128x128xf32, #tpu.memory_space<vmem>>) target(%dma_start3A_43 : memref<128x128xf32, #tpu.memory_space<vmem_shared>>) target_semaphore(%run_scoped3A : memref<!tpu.dma_semaphore, #tpu.memory_space<semaphore_mem>>)
      %dma_wait3A = arith.constant 0 : i32
      %dma_wait3A_47 = arith.constant 0 : i32
      %dma_wait3A_48 = tpu.memref_slice %arg8[%dma_wait3A, %dma_wait3A_47] : memref<128x128xf32, #tpu.memory_space<vmem>> -> memref<128x128xf32, #tpu.memory_space<vmem>>
      %dma_wait3A_49 = arith.constant 0 : i32
      %dma_wait3A_50 = tpu.memref_slice %arg7[%add3A_3, %dma_wait3A_49] : memref<10112x128xf32, #tpu.memory_space<vmem_shared>> -> memref<128x128xf32, #tpu.memory_space<vmem_shared>>
      %dma_wait3A_51 = arith.constant 0 : i32
      %dma_wait3A_52 = tpu.memref_slice %arg7[%add3A_3, %dma_wait3A_51] : memref<10112x128xf32, #tpu.memory_space<vmem_shared>> -> memref<128x128xf32, #tpu.memory_space<vmem_shared>>
      %dma_wait3A_53 = arith.constant 0 : i32
      %dma_wait3A_54 = arith.constant 0 : i32
      %dma_wait3A_55 = tpu.memref_slice %arg8[%dma_wait3A_53, %dma_wait3A_54] : memref<128x128xf32, #tpu.memory_space<vmem>> -> memref<128x128xf32, #tpu.memory_space<vmem>>
      tpu.wait_dma2 semaphore(%run_scoped3A : memref<!tpu.dma_semaphore, #tpu.memory_space<semaphore_mem>>) src(%dma_wait3A_55 : memref<128x128xf32, #tpu.memory_space<vmem>>) dst(%dma_wait3A_52 : memref<128x128xf32, #tpu.memory_space<vmem_shared>>)
      tpu.yield
    }) : () -> ()
    %add3A_4 = arith.constant 256 : i32
    %add3A_5 = arith.addi %mul3A_0, %add3A_4 : i32
    "tpu.region"() ({
      %run_scoped3A = tpu.sem_alloc : memref<!tpu.dma_semaphore, #tpu.memory_space<semaphore_mem>>
      %dma_start3A = arith.constant 0 : i32
      %dma_start3A_38 = arith.constant 0 : i32
      %dma_start3A_39 = tpu.memref_slice %arg8[%dma_start3A, %dma_start3A_38] : memref<128x128xf32, #tpu.memory_space<vmem>> -> memref<128x128xf32, #tpu.memory_space<vmem>>
      %dma_start3A_40 = arith.constant 0 : i32
      %dma_start3A_41 = tpu.memref_slice %arg7[%add3A_5, %dma_start3A_40] : memref<10112x128xf32, #tpu.memory_space<vmem_shared>> -> memref<128x128xf32, #tpu.memory_space<vmem_shared>>
      %dma_start3A_42 = arith.constant 0 : i32
      %dma_start3A_43 = tpu.memref_slice %arg7[%add3A_5, %dma_start3A_42] : memref<10112x128xf32, #tpu.memory_space<vmem_shared>> -> memref<128x128xf32, #tpu.memory_space<vmem_shared>>
      %dma_start3A_44 = arith.constant 0 : i32
      %dma_start3A_45 = arith.constant 0 : i32
      %dma_start3A_46 = tpu.memref_slice %arg8[%dma_start3A_44, %dma_start3A_45] : memref<128x128xf32, #tpu.memory_space<vmem>> -> memref<128x128xf32, #tpu.memory_space<vmem>>
      tpu.enqueue_dma source(%dma_start3A_46 : memref<128x128xf32, #tpu.memory_space<vmem>>) target(%dma_start3A_43 : memref<128x128xf32, #tpu.memory_space<vmem_shared>>) target_semaphore(%run_scoped3A : memref<!tpu.dma_semaphore, #tpu.memory_space<semaphore_mem>>)
      %dma_wait3A = arith.constant 0 : i32
      %dma_wait3A_47 = arith.constant 0 : i32
      %dma_wait3A_48 = tpu.memref_slice %arg8[%dma_wait3A, %dma_wait3A_47] : memref<128x128xf32, #tpu.memory_space<vmem>> -> memref<128x128xf32, #tpu.memory_space<vmem>>
      %dma_wait3A_49 = arith.constant 0 : i32
      %dma_wait3A_50 = tpu.memref_slice %arg7[%add3A_5, %dma_wait3A_49] : memref<10112x128xf32, #tpu.memory_space<vmem_shared>> -> memref<128x128xf32, #tpu.memory_space<vmem_shared>>
      %dma_wait3A_51 = arith.constant 0 : i32
      %dma_wait3A_52 = tpu.memref_slice %arg7[%add3A_5, %dma_wait3A_51] : memref<10112x128xf32, #tpu.memory_space<vmem_shared>> -> memref<128x128xf32, #tpu.memory_space<vmem_shared>>
      %dma_wait3A_53 = arith.constant 0 : i32
      %dma_wait3A_54 = arith.constant 0 : i32
      %dma_wait3A_55 = tpu.memref_slice %arg8[%dma_wait3A_53, %dma_wait3A_54] : memref<128x128xf32, #tpu.memory_space<vmem>> -> memref<128x128xf32, #tpu.memory_space<vmem>>
      tpu.wait_dma2 semaphore(%run_scoped3A : memref<!tpu.dma_semaphore, #tpu.memory_space<semaphore_mem>>) src(%dma_wait3A_55 : memref<128x128xf32, #tpu.memory_space<vmem>>) dst(%dma_wait3A_52 : memref<128x128xf32, #tpu.memory_space<vmem_shared>>)
      tpu.yield
    }) : () -> ()
    %add3A_6 = arith.constant 384 : i32
    %add3A_7 = arith.addi %mul3A_0, %add3A_6 : i32
    "tpu.region"() ({
      %run_scoped3A = tpu.sem_alloc : memref<!tpu.dma_semaphore, #tpu.memory_space<semaphore_mem>>
      %dma_start3A = arith.constant 0 : i32
      %dma_start3A_38 = arith.constant 0 : i32
      %dma_start3A_39 = tpu.memref_slice %arg8[%dma_start3A, %dma_start3A_38] : memref<128x128xf32, #tpu.memory_space<vmem>> -> memref<128x128xf32, #tpu.memory_space<vmem>>
      %dma_start3A_40 = arith.constant 0 : i32
      %dma_start3A_41 = tpu.memref_slice %arg7[%add3A_7, %dma_start3A_40] : memref<10112x128xf32, #tpu.memory_space<vmem_shared>> -> memref<128x128xf32, #tpu.memory_space<vmem_shared>>
      %dma_start3A_42 = arith.constant 0 : i32
      %dma_start3A_43 = tpu.memref_slice %arg7[%add3A_7, %dma_start3A_42] : memref<10112x128xf32, #tpu.memory_space<vmem_shared>> -> memref<128x128xf32, #tpu.memory_space<vmem_shared>>
      %dma_start3A_44 = arith.constant 0 : i32
      %dma_start3A_45 = arith.constant 0 : i32
      %dma_start3A_46 = tpu.memref_slice %arg8[%dma_start3A_44, %dma_start3A_45] : memref<128x128xf32, #tpu.memory_space<vmem>> -> memref<128x128xf32, #tpu.memory_space<vmem>>
      tpu.enqueue_dma source(%dma_start3A_46 : memref<128x128xf32, #tpu.memory_space<vmem>>) target(%dma_start3A_43 : memref<128x128xf32, #tpu.memory_space<vmem_shared>>) target_semaphore(%run_scoped3A : memref<!tpu.dma_semaphore, #tpu.memory_space<semaphore_mem>>)
      %dma_wait3A = arith.constant 0 : i32
      %dma_wait3A_47 = arith.constant 0 : i32
      %dma_wait3A_48 = tpu.memref_slice %arg8[%dma_wait3A, %dma_wait3A_47] : memref<128x128xf32, #tpu.memory_space<vmem>> -> memref<128x128xf32, #tpu.memory_space<vmem>>
      %dma_wait3A_49 = arith.constant 0 : i32
      %dma_wait3A_50 = tpu.memref_slice %arg7[%add3A_7, %dma_wait3A_49] : memref<10112x128xf32, #tpu.memory_space<vmem_shared>> -> memref<128x128xf32, #tpu.memory_space<vmem_shared>>
      %dma_wait3A_51 = arith.constant 0 : i32
      %dma_wait3A_52 = tpu.memref_slice %arg7[%add3A_7, %dma_wait3A_51] : memref<10112x128xf32, #tpu.memory_space<vmem_shared>> -> memref<128x128xf32, #tpu.memory_space<vmem_shared>>
      %dma_wait3A_53 = arith.constant 0 : i32
      %dma_wait3A_54 = arith.constant 0 : i32
      %dma_wait3A_55 = tpu.memref_slice %arg8[%dma_wait3A_53, %dma_wait3A_54] : memref<128x128xf32, #tpu.memory_space<vmem>> -> memref<128x128xf32, #tpu.memory_space<vmem>>
      tpu.wait_dma2 semaphore(%run_scoped3A : memref<!tpu.dma_semaphore, #tpu.memory_space<semaphore_mem>>) src(%dma_wait3A_55 : memref<128x128xf32, #tpu.memory_space<vmem>>) dst(%dma_wait3A_52 : memref<128x128xf32, #tpu.memory_space<vmem_shared>>)
      tpu.yield
    }) : () -> ()
    %add3A_8 = arith.constant 512 : i32
    %add3A_9 = arith.addi %mul3A_0, %add3A_8 : i32
    "tpu.region"() ({
      %run_scoped3A = tpu.sem_alloc : memref<!tpu.dma_semaphore, #tpu.memory_space<semaphore_mem>>
      %dma_start3A = arith.constant 0 : i32
      %dma_start3A_38 = arith.constant 0 : i32
      %dma_start3A_39 = tpu.memref_slice %arg8[%dma_start3A, %dma_start3A_38] : memref<128x128xf32, #tpu.memory_space<vmem>> -> memref<120x128xf32, #tpu.memory_space<vmem>>
      %dma_start3A_40 = arith.constant 0 : i32
      %dma_start3A_41 = tpu.memref_slice %arg7[%add3A_9, %dma_start3A_40] : memref<10112x128xf32, #tpu.memory_space<vmem_shared>> -> memref<120x128xf32, #tpu.memory_space<vmem_shared>>
      %dma_start3A_42 = arith.constant 0 : i32
      %dma_start3A_43 = tpu.memref_slice %arg7[%add3A_9, %dma_start3A_42] : memref<10112x128xf32, #tpu.memory_space<vmem_shared>> -> memref<120x128xf32, #tpu.memory_space<vmem_shared>>
      %dma_start3A_44 = arith.constant 0 : i32
      %dma_start3A_45 = arith.constant 0 : i32
      %dma_start3A_46 = tpu.memref_slice %arg8[%dma_start3A_44, %dma_start3A_45] : memref<128x128xf32, #tpu.memory_space<vmem>> -> memref<120x128xf32, #tpu.memory_space<vmem>>
      tpu.enqueue_dma source(%dma_start3A_46 : memref<120x128xf32, #tpu.memory_space<vmem>>) target(%dma_start3A_43 : memref<120x128xf32, #tpu.memory_space<vmem_shared>>) target_semaphore(%run_scoped3A : memref<!tpu.dma_semaphore, #tpu.memory_space<semaphore_mem>>)
      %dma_wait3A = arith.constant 0 : i32
      %dma_wait3A_47 = arith.constant 0 : i32
      %dma_wait3A_48 = tpu.memref_slice %arg8[%dma_wait3A, %dma_wait3A_47] : memref<128x128xf32, #tpu.memory_space<vmem>> -> memref<120x128xf32, #tpu.memory_space<vmem>>
      %dma_wait3A_49 = arith.constant 0 : i32
      %dma_wait3A_50 = tpu.memref_slice %arg7[%add3A_9, %dma_wait3A_49] : memref<10112x128xf32, #tpu.memory_space<vmem_shared>> -> memref<120x128xf32, #tpu.memory_space<vmem_shared>>
      %dma_wait3A_51 = arith.constant 0 : i32
      %dma_wait3A_52 = tpu.memref_slice %arg7[%add3A_9, %dma_wait3A_51] : memref<10112x128xf32, #tpu.memory_space<vmem_shared>> -> memref<120x128xf32, #tpu.memory_space<vmem_shared>>
      %dma_wait3A_53 = arith.constant 0 : i32
      %dma_wait3A_54 = arith.constant 0 : i32
      %dma_wait3A_55 = tpu.memref_slice %arg8[%dma_wait3A_53, %dma_wait3A_54] : memref<128x128xf32, #tpu.memory_space<vmem>> -> memref<120x128xf32, #tpu.memory_space<vmem>>
      tpu.wait_dma2 semaphore(%run_scoped3A : memref<!tpu.dma_semaphore, #tpu.memory_space<semaphore_mem>>) src(%dma_wait3A_55 : memref<120x128xf32, #tpu.memory_space<vmem>>) dst(%dma_wait3A_52 : memref<120x128xf32, #tpu.memory_space<vmem_shared>>)
      tpu.yield
    }) : () -> ()
    %barrier3A = arith.constant 0 : index
    tpu.barrier barrier_id(%barrier3A)
    %eq3A = arith.constant 0 : i32
    %eq3A_10 = arith.cmpi eq, %arg0, %eq3A : i32
    %convert_element_type3A = arith.extui %eq3A_10 : i1 to i32
    %cond3A = arith.constant 0 : i32
    %cond3A_11 = arith.cmpi ne, %convert_element_type3A, %cond3A : i32
    scf.if %cond3A_11 {
      %mul3A_38 = arith.constant 14592 : i32
      %mul3A_39 = arith.muli %arg1, %mul3A_38 : i32
      "tpu.region"() ({
        %run_scoped3A = tpu.sem_alloc : memref<!tpu.dma_semaphore, #tpu.memory_space<semaphore_mem>>
        %dma_start3A_57 = tpu.memref_slice %arg3[%mul3A_39] : memref<327680xi32, #tpu.memory_space<hbm>> -> memref<128xi32, #tpu.memory_space<hbm>>
        %dma_start3A_58 = tpu.memref_slice %arg3[%mul3A_39] : memref<327680xi32, #tpu.memory_space<hbm>> -> memref<128xi32, #tpu.memory_space<hbm>>
        tpu.enqueue_dma source(%dma_start3A_58 : memref<128xi32, #tpu.memory_space<hbm>>) target(%arg10 : memref<128xi32, #tpu.memory_space<vmem>>) target_semaphore(%run_scoped3A : memref<!tpu.dma_semaphore, #tpu.memory_space<semaphore_mem>>)
        %dma_wait3A_59 = tpu.memref_slice %arg3[%mul3A_39] : memref<327680xi32, #tpu.memory_space<hbm>> -> memref<128xi32, #tpu.memory_space<hbm>>
        %dma_wait3A_60 = tpu.memref_slice %arg3[%mul3A_39] : memref<327680xi32, #tpu.memory_space<hbm>> -> memref<128xi32, #tpu.memory_space<hbm>>
        tpu.wait_dma2 semaphore(%run_scoped3A : memref<!tpu.dma_semaphore, #tpu.memory_space<semaphore_mem>>) src(%dma_wait3A_60 : memref<128xi32, #tpu.memory_space<hbm>>) dst(%arg10 : memref<128xi32, #tpu.memory_space<vmem>>)
        tpu.yield
      }) : () -> ()
      "tpu.region"() ({
        %run_scoped3A = tpu.sem_alloc : memref<!tpu.dma_semaphore, #tpu.memory_space<semaphore_mem>>
        %dma_start3A_57 = tpu.memref_slice %arg4[%mul3A_39] : memref<327680xi32, #tpu.memory_space<hbm>> -> memref<128xi32, #tpu.memory_space<hbm>>
        %dma_start3A_58 = tpu.memref_slice %arg4[%mul3A_39] : memref<327680xi32, #tpu.memory_space<hbm>> -> memref<128xi32, #tpu.memory_space<hbm>>
        tpu.enqueue_dma source(%dma_start3A_58 : memref<128xi32, #tpu.memory_space<hbm>>) target(%arg12 : memref<128xi32, #tpu.memory_space<vmem>>) target_semaphore(%run_scoped3A : memref<!tpu.dma_semaphore, #tpu.memory_space<semaphore_mem>>)
        %dma_wait3A_59 = tpu.memref_slice %arg4[%mul3A_39] : memref<327680xi32, #tpu.memory_space<hbm>> -> memref<128xi32, #tpu.memory_space<hbm>>
        %dma_wait3A_60 = tpu.memref_slice %arg4[%mul3A_39] : memref<327680xi32, #tpu.memory_space<hbm>> -> memref<128xi32, #tpu.memory_space<hbm>>
        tpu.wait_dma2 semaphore(%run_scoped3A : memref<!tpu.dma_semaphore, #tpu.memory_space<semaphore_mem>>) src(%dma_wait3A_60 : memref<128xi32, #tpu.memory_space<hbm>>) dst(%arg12 : memref<128xi32, #tpu.memory_space<vmem>>)
        tpu.yield
      }) : () -> ()
      %dma_start3A = arith.constant 0 : i32
      %dma_start3A_40 = arith.constant 0 : i32
      %dma_start3A_41 = tpu.memref_slice %arg2[%dma_start3A, %dma_start3A_40] : memref<10112x128xf32, #tpu.memory_space<hbm>> -> memref<10112x128xf32, #tpu.memory_space<hbm>>
      tpu.enqueue_indirect_dma source(%dma_start3A_41 : memref<10112x128xf32, #tpu.memory_space<hbm>>) target(%arg8 : memref<128x128xf32, #tpu.memory_space<vmem>>) offsets(%arg10 : memref<128xi32, #tpu.memory_space<vmem>>) semaphore(%arg14 : memref<!tpu.dma_semaphore, #tpu.memory_space<semaphore_mem>>)
      %scan3A = arith.constant 0 : i32
      %scan3A_42 = arith.constant 0 : i32
      %scan3A_43 = arith.constant 56 : i32
      %scan3A_44 = arith.addi %scan3A_42, %scan3A_43 : i32
      %scan3A_45 = arith.constant 1 : i32
      scf.for %scan3A_57 = %scan3A_42 to %scan3A_44 step %scan3A_45  : i32 {
        %mul3A_58 = arith.constant 2 : i32
        %mul3A_59 = arith.muli %mul3A_58, %scan3A_57 : i32
        %add3A_60 = arith.constant 1 : i32
        %add3A_61 = arith.addi %mul3A_59, %add3A_60 : i32
        %mul3A_62 = arith.constant 128 : i32
        %mul3A_63 = arith.muli %add3A_61, %mul3A_62 : i32
        %add3A_64 = arith.addi %mul3A_39, %mul3A_63 : i32
        "tpu.region"() ({
          %run_scoped3A = tpu.sem_alloc : memref<!tpu.dma_semaphore, #tpu.memory_space<semaphore_mem>>
          %dma_start3A_84 = tpu.memref_slice %arg3[%add3A_64] : memref<327680xi32, #tpu.memory_space<hbm>> -> memref<128xi32, #tpu.memory_space<hbm>>
          %dma_start3A_85 = tpu.memref_slice %arg3[%add3A_64] : memref<327680xi32, #tpu.memory_space<hbm>> -> memref<128xi32, #tpu.memory_space<hbm>>
          tpu.enqueue_dma source(%dma_start3A_85 : memref<128xi32, #tpu.memory_space<hbm>>) target(%arg11 : memref<128xi32, #tpu.memory_space<vmem>>) target_semaphore(%run_scoped3A : memref<!tpu.dma_semaphore, #tpu.memory_space<semaphore_mem>>)
          %dma_wait3A_86 = tpu.memref_slice %arg3[%add3A_64] : memref<327680xi32, #tpu.memory_space<hbm>> -> memref<128xi32, #tpu.memory_space<hbm>>
          %dma_wait3A_87 = tpu.memref_slice %arg3[%add3A_64] : memref<327680xi32, #tpu.memory_space<hbm>> -> memref<128xi32, #tpu.memory_space<hbm>>
          tpu.wait_dma2 semaphore(%run_scoped3A : memref<!tpu.dma_semaphore, #tpu.memory_space<semaphore_mem>>) src(%dma_wait3A_87 : memref<128xi32, #tpu.memory_space<hbm>>) dst(%arg11 : memref<128xi32, #tpu.memory_space<vmem>>)
          tpu.yield
        }) : () -> ()
        "tpu.region"() ({
          %run_scoped3A = tpu.sem_alloc : memref<!tpu.dma_semaphore, #tpu.memory_space<semaphore_mem>>
          %dma_start3A_84 = tpu.memref_slice %arg4[%add3A_64] : memref<327680xi32, #tpu.memory_space<hbm>> -> memref<128xi32, #tpu.memory_space<hbm>>
          %dma_start3A_85 = tpu.memref_slice %arg4[%add3A_64] : memref<327680xi32, #tpu.memory_space<hbm>> -> memref<128xi32, #tpu.memory_space<hbm>>
          tpu.enqueue_dma source(%dma_start3A_85 : memref<128xi32, #tpu.memory_space<hbm>>) target(%arg13 : memref<128xi32, #tpu.memory_space<vmem>>) target_semaphore(%run_scoped3A : memref<!tpu.dma_semaphore, #tpu.memory_space<semaphore_mem>>)
          %dma_wait3A_86 = tpu.memref_slice %arg4[%add3A_64] : memref<327680xi32, #tpu.memory_space<hbm>> -> memref<128xi32, #tpu.memory_space<hbm>>
          %dma_wait3A_87 = tpu.memref_slice %arg4[%add3A_64] : memref<327680xi32, #tpu.memory_space<hbm>> -> memref<128xi32, #tpu.memory_space<hbm>>
          tpu.wait_dma2 semaphore(%run_scoped3A : memref<!tpu.dma_semaphore, #tpu.memory_space<semaphore_mem>>) src(%dma_wait3A_87 : memref<128xi32, #tpu.memory_space<hbm>>) dst(%arg13 : memref<128xi32, #tpu.memory_space<vmem>>)
          tpu.yield
        }) : () -> ()
        %dma_start3A_65 = arith.constant 0 : i32
        %dma_start3A_66 = arith.constant 0 : i32
        %dma_start3A_67 = tpu.memref_slice %arg2[%dma_start3A_65, %dma_start3A_66] : memref<10112x128xf32, #tpu.memory_space<hbm>> -> memref<10112x128xf32, #tpu.memory_space<hbm>>
        tpu.enqueue_indirect_dma source(%dma_start3A_67 : memref<10112x128xf32, #tpu.memory_space<hbm>>) target(%arg9 : memref<128x128xf32, #tpu.memory_space<vmem>>) offsets(%arg11 : memref<128xi32, #tpu.memory_space<vmem>>) semaphore(%arg15 : memref<!tpu.dma_semaphore, #tpu.memory_space<semaphore_mem>>)
        %dma_wait3A_68 = arith.constant 0 : i32
        %dma_wait3A_69 = arith.constant 0 : i32
        %dma_wait3A_70 = tpu.memref_slice %arg2[%dma_wait3A_68, %dma_wait3A_69] : memref<10112x128xf32, #tpu.memory_space<hbm>> -> memref<10112x128xf32, #tpu.memory_space<hbm>>
        tpu.wait_indirect_dma semaphore(%arg14 : memref<!tpu.dma_semaphore, #tpu.memory_space<semaphore_mem>>) src(%dma_wait3A_70 : memref<10112x128xf32, #tpu.memory_space<hbm>>) dst(%arg8 : memref<128x128xf32, #tpu.memory_space<vmem>>)
        "tpu.region"() ({
          %run_scoped3A = tpu.sem_alloc : memref<!tpu.dma_semaphore, #tpu.memory_space<semaphore_mem>>
          %dma_start3A_84 = arith.constant 0 : i32
          %dma_start3A_85 = arith.constant 0 : i32
          %dma_start3A_86 = tpu.memref_slice %arg7[%dma_start3A_84, %dma_start3A_85] : memref<10112x128xf32, #tpu.memory_space<vmem_shared>> -> memref<10112x128xf32, #tpu.memory_space<vmem_shared>>
          tpu.enqueue_indirect_dma source(%arg8 : memref<128x128xf32, #tpu.memory_space<vmem>>) target(%dma_start3A_86 : memref<10112x128xf32, #tpu.memory_space<vmem_shared>>) offsets(%arg12 : memref<128xi32, #tpu.memory_space<vmem>>) semaphore(%run_scoped3A : memref<!tpu.dma_semaphore, #tpu.memory_space<semaphore_mem>>) {add = true}
          %dma_wait3A_87 = arith.constant 0 : i32
          %dma_wait3A_88 = arith.constant 0 : i32
          %dma_wait3A_89 = tpu.memref_slice %arg7[%dma_wait3A_87, %dma_wait3A_88] : memref<10112x128xf32, #tpu.memory_space<vmem_shared>> -> memref<10112x128xf32, #tpu.memory_space<vmem_shared>>
          tpu.wait_indirect_dma semaphore(%run_scoped3A : memref<!tpu.dma_semaphore, #tpu.memory_space<semaphore_mem>>) src(%arg8 : memref<128x128xf32, #tpu.memory_space<vmem>>) dst(%dma_wait3A_89 : memref<10112x128xf32, #tpu.memory_space<vmem_shared>>)
          tpu.yield
        }) : () -> ()
        %mul3A_71 = arith.constant 2 : i32
        %mul3A_72 = arith.muli %mul3A_71, %scan3A_57 : i32
        %add3A_73 = arith.constant 2 : i32
        %add3A_74 = arith.addi %mul3A_72, %add3A_73 : i32
        %mul3A_75 = arith.constant 128 : i32
        %mul3A_76 = arith.muli %add3A_74, %mul3A_75 : i32
        %add3A_77 = arith.addi %mul3A_39, %mul3A_76 : i32
        "tpu.region"() ({
          %run_scoped3A = tpu.sem_alloc : memref<!tpu.dma_semaphore, #tpu.memory_space<semaphore_mem>>
          %dma_start3A_84 = tpu.memref_slice %arg3[%add3A_77] : memref<327680xi32, #tpu.memory_space<hbm>> -> memref<128xi32, #tpu.memory_space<hbm>>
          %dma_start3A_85 = tpu.memref_slice %arg3[%add3A_77] : memref<327680xi32, #tpu.memory_space<hbm>> -> memref<128xi32, #tpu.memory_space<hbm>>
          tpu.enqueue_dma source(%dma_start3A_85 : memref<128xi32, #tpu.memory_space<hbm>>) target(%arg10 : memref<128xi32, #tpu.memory_space<vmem>>) target_semaphore(%run_scoped3A : memref<!tpu.dma_semaphore, #tpu.memory_space<semaphore_mem>>)
          %dma_wait3A_86 = tpu.memref_slice %arg3[%add3A_77] : memref<327680xi32, #tpu.memory_space<hbm>> -> memref<128xi32, #tpu.memory_space<hbm>>
          %dma_wait3A_87 = tpu.memref_slice %arg3[%add3A_77] : memref<327680xi32, #tpu.memory_space<hbm>> -> memref<128xi32, #tpu.memory_space<hbm>>
          tpu.wait_dma2 semaphore(%run_scoped3A : memref<!tpu.dma_semaphore, #tpu.memory_space<semaphore_mem>>) src(%dma_wait3A_87 : memref<128xi32, #tpu.memory_space<hbm>>) dst(%arg10 : memref<128xi32, #tpu.memory_space<vmem>>)
          tpu.yield
        }) : () -> ()
        "tpu.region"() ({
          %run_scoped3A = tpu.sem_alloc : memref<!tpu.dma_semaphore, #tpu.memory_space<semaphore_mem>>
          %dma_start3A_84 = tpu.memref_slice %arg4[%add3A_77] : memref<327680xi32, #tpu.memory_space<hbm>> -> memref<128xi32, #tpu.memory_space<hbm>>
          %dma_start3A_85 = tpu.memref_slice %arg4[%add3A_77] : memref<327680xi32, #tpu.memory_space<hbm>> -> memref<128xi32, #tpu.memory_space<hbm>>
          tpu.enqueue_dma source(%dma_start3A_85 : memref<128xi32, #tpu.memory_space<hbm>>) target(%arg12 : memref<128xi32, #tpu.memory_space<vmem>>) target_semaphore(%run_scoped3A : memref<!tpu.dma_semaphore, #tpu.memory_space<semaphore_mem>>)
          %dma_wait3A_86 = tpu.memref_slice %arg4[%add3A_77] : memref<327680xi32, #tpu.memory_space<hbm>> -> memref<128xi32, #tpu.memory_space<hbm>>
          %dma_wait3A_87 = tpu.memref_slice %arg4[%add3A_77] : memref<327680xi32, #tpu.memory_space<hbm>> -> memref<128xi32, #tpu.memory_space<hbm>>
          tpu.wait_dma2 semaphore(%run_scoped3A : memref<!tpu.dma_semaphore, #tpu.memory_space<semaphore_mem>>) src(%dma_wait3A_87 : memref<128xi32, #tpu.memory_space<hbm>>) dst(%arg12 : memref<128xi32, #tpu.memory_space<vmem>>)
          tpu.yield
        }) : () -> ()
        %dma_start3A_78 = arith.constant 0 : i32
        %dma_start3A_79 = arith.constant 0 : i32
        %dma_start3A_80 = tpu.memref_slice %arg2[%dma_start3A_78, %dma_start3A_79] : memref<10112x128xf32, #tpu.memory_space<hbm>> -> memref<10112x128xf32, #tpu.memory_space<hbm>>
        tpu.enqueue_indirect_dma source(%dma_start3A_80 : memref<10112x128xf32, #tpu.memory_space<hbm>>) target(%arg8 : memref<128x128xf32, #tpu.memory_space<vmem>>) offsets(%arg10 : memref<128xi32, #tpu.memory_space<vmem>>) semaphore(%arg14 : memref<!tpu.dma_semaphore, #tpu.memory_space<semaphore_mem>>)
        %dma_wait3A_81 = arith.constant 0 : i32
        %dma_wait3A_82 = arith.constant 0 : i32
        %dma_wait3A_83 = tpu.memref_slice %arg2[%dma_wait3A_81, %dma_wait3A_82] : memref<10112x128xf32, #tpu.memory_space<hbm>> -> memref<10112x128xf32, #tpu.memory_space<hbm>>
        tpu.wait_indirect_dma semaphore(%arg15 : memref<!tpu.dma_semaphore, #tpu.memory_space<semaphore_mem>>) src(%dma_wait3A_83 : memref<10112x128xf32, #tpu.memory_space<hbm>>) dst(%arg9 : memref<128x128xf32, #tpu.memory_space<vmem>>)
        "tpu.region"() ({
          %run_scoped3A = tpu.sem_alloc : memref<!tpu.dma_semaphore, #tpu.memory_space<semaphore_mem>>
          %dma_start3A_84 = arith.constant 0 : i32
          %dma_start3A_85 = arith.constant 0 : i32
          %dma_start3A_86 = tpu.memref_slice %arg7[%dma_start3A_84, %dma_start3A_85] : memref<10112x128xf32, #tpu.memory_space<vmem_shared>> -> memref<10112x128xf32, #tpu.memory_space<vmem_shared>>
          tpu.enqueue_indirect_dma source(%arg9 : memref<128x128xf32, #tpu.memory_space<vmem>>) target(%dma_start3A_86 : memref<10112x128xf32, #tpu.memory_space<vmem_shared>>) offsets(%arg13 : memref<128xi32, #tpu.memory_space<vmem>>) semaphore(%run_scoped3A : memref<!tpu.dma_semaphore, #tpu.memory_space<semaphore_mem>>) {add = true}
          %dma_wait3A_87 = arith.constant 0 : i32
          %dma_wait3A_88 = arith.constant 0 : i32
          %dma_wait3A_89 = tpu.memref_slice %arg7[%dma_wait3A_87, %dma_wait3A_88] : memref<10112x128xf32, #tpu.memory_space<vmem_shared>> -> memref<10112x128xf32, #tpu.memory_space<vmem_shared>>
          tpu.wait_indirect_dma semaphore(%run_scoped3A : memref<!tpu.dma_semaphore, #tpu.memory_space<semaphore_mem>>) src(%arg9 : memref<128x128xf32, #tpu.memory_space<vmem>>) dst(%dma_wait3A_89 : memref<10112x128xf32, #tpu.memory_space<vmem_shared>>)
          tpu.yield
        }) : () -> ()
      }
      %scan3A_46 = arith.constant 56 : i32
      %add3A_47 = arith.constant 14464 : i32
      %add3A_48 = arith.addi %mul3A_39, %add3A_47 : i32
      "tpu.region"() ({
        %run_scoped3A = tpu.sem_alloc : memref<!tpu.dma_semaphore, #tpu.memory_space<semaphore_mem>>
        %dma_start3A_57 = tpu.memref_slice %arg3[%add3A_48] : memref<327680xi32, #tpu.memory_space<hbm>> -> memref<128xi32, #tpu.memory_space<hbm>>
        %dma_start3A_58 = tpu.memref_slice %arg3[%add3A_48] : memref<327680xi32, #tpu.memory_space<hbm>> -> memref<128xi32, #tpu.memory_space<hbm>>
        tpu.enqueue_dma source(%dma_start3A_58 : memref<128xi32, #tpu.memory_space<hbm>>) target(%arg11 : memref<128xi32, #tpu.memory_space<vmem>>) target_semaphore(%run_scoped3A : memref<!tpu.dma_semaphore, #tpu.memory_space<semaphore_mem>>)
        %dma_wait3A_59 = tpu.memref_slice %arg3[%add3A_48] : memref<327680xi32, #tpu.memory_space<hbm>> -> memref<128xi32, #tpu.memory_space<hbm>>
        %dma_wait3A_60 = tpu.memref_slice %arg3[%add3A_48] : memref<327680xi32, #tpu.memory_space<hbm>> -> memref<128xi32, #tpu.memory_space<hbm>>
        tpu.wait_dma2 semaphore(%run_scoped3A : memref<!tpu.dma_semaphore, #tpu.memory_space<semaphore_mem>>) src(%dma_wait3A_60 : memref<128xi32, #tpu.memory_space<hbm>>) dst(%arg11 : memref<128xi32, #tpu.memory_space<vmem>>)
        tpu.yield
      }) : () -> ()
      "tpu.region"() ({
        %run_scoped3A = tpu.sem_alloc : memref<!tpu.dma_semaphore, #tpu.memory_space<semaphore_mem>>
        %dma_start3A_57 = tpu.memref_slice %arg4[%add3A_48] : memref<327680xi32, #tpu.memory_space<hbm>> -> memref<128xi32, #tpu.memory_space<hbm>>
        %dma_start3A_58 = tpu.memref_slice %arg4[%add3A_48] : memref<327680xi32, #tpu.memory_space<hbm>> -> memref<128xi32, #tpu.memory_space<hbm>>
        tpu.enqueue_dma source(%dma_start3A_58 : memref<128xi32, #tpu.memory_space<hbm>>) target(%arg13 : memref<128xi32, #tpu.memory_space<vmem>>) target_semaphore(%run_scoped3A : memref<!tpu.dma_semaphore, #tpu.memory_space<semaphore_mem>>)
        %dma_wait3A_59 = tpu.memref_slice %arg4[%add3A_48] : memref<327680xi32, #tpu.memory_space<hbm>> -> memref<128xi32, #tpu.memory_space<hbm>>
        %dma_wait3A_60 = tpu.memref_slice %arg4[%add3A_48] : memref<327680xi32, #tpu.memory_space<hbm>> -> memref<128xi32, #tpu.memory_space<hbm>>
        tpu.wait_dma2 semaphore(%run_scoped3A : memref<!tpu.dma_semaphore, #tpu.memory_space<semaphore_mem>>) src(%dma_wait3A_60 : memref<128xi32, #tpu.memory_space<hbm>>) dst(%arg13 : memref<128xi32, #tpu.memory_space<vmem>>)
        tpu.yield
      }) : () -> ()
      %dma_start3A_49 = arith.constant 0 : i32
      %dma_start3A_50 = arith.constant 0 : i32
      %dma_start3A_51 = tpu.memref_slice %arg2[%dma_start3A_49, %dma_start3A_50] : memref<10112x128xf32, #tpu.memory_space<hbm>> -> memref<10112x128xf32, #tpu.memory_space<hbm>>
      tpu.enqueue_indirect_dma source(%dma_start3A_51 : memref<10112x128xf32, #tpu.memory_space<hbm>>) target(%arg9 : memref<128x128xf32, #tpu.memory_space<vmem>>) offsets(%arg11 : memref<128xi32, #tpu.memory_space<vmem>>) semaphore(%arg15 : memref<!tpu.dma_semaphore, #tpu.memory_space<semaphore_mem>>)
      %dma_wait3A = arith.constant 0 : i32
      %dma_wait3A_52 = arith.constant 0 : i32
      %dma_wait3A_53 = tpu.memref_slice %arg2[%dma_wait3A, %dma_wait3A_52] : memref<10112x128xf32, #tpu.memory_space<hbm>> -> memref<10112x128xf32, #tpu.memory_space<hbm>>
      tpu.wait_indirect_dma semaphore(%arg14 : memref<!tpu.dma_semaphore, #tpu.memory_space<semaphore_mem>>) src(%dma_wait3A_53 : memref<10112x128xf32, #tpu.memory_space<hbm>>) dst(%arg8 : memref<128x128xf32, #tpu.memory_space<vmem>>)
      "tpu.region"() ({
        %run_scoped3A = tpu.sem_alloc : memref<!tpu.dma_semaphore, #tpu.memory_space<semaphore_mem>>
        %dma_start3A_57 = arith.constant 0 : i32
        %dma_start3A_58 = arith.constant 0 : i32
        %dma_start3A_59 = tpu.memref_slice %arg7[%dma_start3A_57, %dma_start3A_58] : memref<10112x128xf32, #tpu.memory_space<vmem_shared>> -> memref<10112x128xf32, #tpu.memory_space<vmem_shared>>
        tpu.enqueue_indirect_dma source(%arg8 : memref<128x128xf32, #tpu.memory_space<vmem>>) target(%dma_start3A_59 : memref<10112x128xf32, #tpu.memory_space<vmem_shared>>) offsets(%arg12 : memref<128xi32, #tpu.memory_space<vmem>>) semaphore(%run_scoped3A : memref<!tpu.dma_semaphore, #tpu.memory_space<semaphore_mem>>) {add = true}
        %dma_wait3A_60 = arith.constant 0 : i32
        %dma_wait3A_61 = arith.constant 0 : i32
        %dma_wait3A_62 = tpu.memref_slice %arg7[%dma_wait3A_60, %dma_wait3A_61] : memref<10112x128xf32, #tpu.memory_space<vmem_shared>> -> memref<10112x128xf32, #tpu.memory_space<vmem_shared>>
        tpu.wait_indirect_dma semaphore(%run_scoped3A : memref<!tpu.dma_semaphore, #tpu.memory_space<semaphore_mem>>) src(%arg8 : memref<128x128xf32, #tpu.memory_space<vmem>>) dst(%dma_wait3A_62 : memref<10112x128xf32, #tpu.memory_space<vmem_shared>>)
        tpu.yield
      }) : () -> ()
      %dma_wait3A_54 = arith.constant 0 : i32
      %dma_wait3A_55 = arith.constant 0 : i32
      %dma_wait3A_56 = tpu.memref_slice %arg2[%dma_wait3A_54, %dma_wait3A_55] : memref<10112x128xf32, #tpu.memory_space<hbm>> -> memref<10112x128xf32, #tpu.memory_space<hbm>>
      tpu.wait_indirect_dma semaphore(%arg15 : memref<!tpu.dma_semaphore, #tpu.memory_space<semaphore_mem>>) src(%dma_wait3A_56 : memref<10112x128xf32, #tpu.memory_space<hbm>>) dst(%arg9 : memref<128x128xf32, #tpu.memory_space<vmem>>)
      "tpu.region"() ({
        %run_scoped3A = tpu.sem_alloc : memref<!tpu.dma_semaphore, #tpu.memory_space<semaphore_mem>>
        %dma_start3A_57 = arith.constant 0 : i32
        %dma_start3A_58 = arith.constant 0 : i32
        %dma_start3A_59 = tpu.memref_slice %arg7[%dma_start3A_57, %dma_start3A_58] : memref<10112x128xf32, #tpu.memory_space<vmem_shared>> -> memref<10112x128xf32, #tpu.memory_space<vmem_shared>>
        tpu.enqueue_indirect_dma source(%arg9 : memref<128x128xf32, #tpu.memory_space<vmem>>) target(%dma_start3A_59 : memref<10112x128xf32, #tpu.memory_space<vmem_shared>>) offsets(%arg13 : memref<128xi32, #tpu.memory_space<vmem>>) semaphore(%run_scoped3A : memref<!tpu.dma_semaphore, #tpu.memory_space<semaphore_mem>>) {add = true}
        %dma_wait3A_60 = arith.constant 0 : i32
        %dma_wait3A_61 = arith.constant 0 : i32
        %dma_wait3A_62 = tpu.memref_slice %arg7[%dma_wait3A_60, %dma_wait3A_61] : memref<10112x128xf32, #tpu.memory_space<vmem_shared>> -> memref<10112x128xf32, #tpu.memory_space<vmem_shared>>
        tpu.wait_indirect_dma semaphore(%run_scoped3A : memref<!tpu.dma_semaphore, #tpu.memory_space<semaphore_mem>>) src(%arg9 : memref<128x128xf32, #tpu.memory_space<vmem>>) dst(%dma_wait3A_62 : memref<10112x128xf32, #tpu.memory_space<vmem_shared>>)
        tpu.yield
      }) : () -> ()
    } else {
    }
    %eq3A_12 = arith.constant 1 : i32
    %eq3A_13 = arith.cmpi eq, %arg0, %eq3A_12 : i32
    %convert_element_type3A_14 = arith.extui %eq3A_13 : i1 to i32
    %cond3A_15 = arith.constant 0 : i32
    %cond3A_16 = arith.cmpi ne, %convert_element_type3A_14, %cond3A_15 : i32
    scf.if %cond3A_16 {
      %mul3A_38 = arith.constant 5888 : i32
      %mul3A_39 = arith.muli %arg1, %mul3A_38 : i32
      %add3A_40 = arith.constant 233472 : i32
      %add3A_41 = arith.addi %add3A_40, %mul3A_39 : i32
      "tpu.region"() ({
        %run_scoped3A = tpu.sem_alloc : memref<!tpu.dma_semaphore, #tpu.memory_space<semaphore_mem>>
        %dma_start3A_59 = tpu.memref_slice %arg3[%add3A_41] : memref<327680xi32, #tpu.memory_space<hbm>> -> memref<128xi32, #tpu.memory_space<hbm>>
        %dma_start3A_60 = tpu.memref_slice %arg3[%add3A_41] : memref<327680xi32, #tpu.memory_space<hbm>> -> memref<128xi32, #tpu.memory_space<hbm>>
        tpu.enqueue_dma source(%dma_start3A_60 : memref<128xi32, #tpu.memory_space<hbm>>) target(%arg10 : memref<128xi32, #tpu.memory_space<vmem>>) target_semaphore(%run_scoped3A : memref<!tpu.dma_semaphore, #tpu.memory_space<semaphore_mem>>)
        %dma_wait3A_61 = tpu.memref_slice %arg3[%add3A_41] : memref<327680xi32, #tpu.memory_space<hbm>> -> memref<128xi32, #tpu.memory_space<hbm>>
        %dma_wait3A_62 = tpu.memref_slice %arg3[%add3A_41] : memref<327680xi32, #tpu.memory_space<hbm>> -> memref<128xi32, #tpu.memory_space<hbm>>
        tpu.wait_dma2 semaphore(%run_scoped3A : memref<!tpu.dma_semaphore, #tpu.memory_space<semaphore_mem>>) src(%dma_wait3A_62 : memref<128xi32, #tpu.memory_space<hbm>>) dst(%arg10 : memref<128xi32, #tpu.memory_space<vmem>>)
        tpu.yield
      }) : () -> ()
      "tpu.region"() ({
        %run_scoped3A = tpu.sem_alloc : memref<!tpu.dma_semaphore, #tpu.memory_space<semaphore_mem>>
        %dma_start3A_59 = tpu.memref_slice %arg4[%add3A_41] : memref<327680xi32, #tpu.memory_space<hbm>> -> memref<128xi32, #tpu.memory_space<hbm>>
        %dma_start3A_60 = tpu.memref_slice %arg4[%add3A_41] : memref<327680xi32, #tpu.memory_space<hbm>> -> memref<128xi32, #tpu.memory_space<hbm>>
        tpu.enqueue_dma source(%dma_start3A_60 : memref<128xi32, #tpu.memory_space<hbm>>) target(%arg12 : memref<128xi32, #tpu.memory_space<vmem>>) target_semaphore(%run_scoped3A : memref<!tpu.dma_semaphore, #tpu.memory_space<semaphore_mem>>)
        %dma_wait3A_61 = tpu.memref_slice %arg4[%add3A_41] : memref<327680xi32, #tpu.memory_space<hbm>> -> memref<128xi32, #tpu.memory_space<hbm>>
        %dma_wait3A_62 = tpu.memref_slice %arg4[%add3A_41] : memref<327680xi32, #tpu.memory_space<hbm>> -> memref<128xi32, #tpu.memory_space<hbm>>
        tpu.wait_dma2 semaphore(%run_scoped3A : memref<!tpu.dma_semaphore, #tpu.memory_space<semaphore_mem>>) src(%dma_wait3A_62 : memref<128xi32, #tpu.memory_space<hbm>>) dst(%arg12 : memref<128xi32, #tpu.memory_space<vmem>>)
        tpu.yield
      }) : () -> ()
      %dma_start3A = arith.constant 0 : i32
      %dma_start3A_42 = arith.constant 0 : i32
      %dma_start3A_43 = tpu.memref_slice %arg2[%dma_start3A, %dma_start3A_42] : memref<10112x128xf32, #tpu.memory_space<hbm>> -> memref<10112x128xf32, #tpu.memory_space<hbm>>
      tpu.enqueue_indirect_dma source(%dma_start3A_43 : memref<10112x128xf32, #tpu.memory_space<hbm>>) target(%arg8 : memref<128x128xf32, #tpu.memory_space<vmem>>) offsets(%arg10 : memref<128xi32, #tpu.memory_space<vmem>>) semaphore(%arg14 : memref<!tpu.dma_semaphore, #tpu.memory_space<semaphore_mem>>)
      %scan3A = arith.constant 0 : i32
      %scan3A_44 = arith.constant 0 : i32
      %scan3A_45 = arith.constant 22 : i32
      %scan3A_46 = arith.addi %scan3A_44, %scan3A_45 : i32
      %scan3A_47 = arith.constant 1 : i32
      scf.for %scan3A_59 = %scan3A_44 to %scan3A_46 step %scan3A_47  : i32 {
        %mul3A_60 = arith.constant 2 : i32
        %mul3A_61 = arith.muli %mul3A_60, %scan3A_59 : i32
        %add3A_62 = arith.constant 1 : i32
        %add3A_63 = arith.addi %mul3A_61, %add3A_62 : i32
        %mul3A_64 = arith.constant 128 : i32
        %mul3A_65 = arith.muli %add3A_63, %mul3A_64 : i32
        %add3A_66 = arith.addi %add3A_41, %mul3A_65 : i32
        "tpu.region"() ({
          %run_scoped3A = tpu.sem_alloc : memref<!tpu.dma_semaphore, #tpu.memory_space<semaphore_mem>>
          %dma_start3A_86 = tpu.memref_slice %arg3[%add3A_66] : memref<327680xi32, #tpu.memory_space<hbm>> -> memref<128xi32, #tpu.memory_space<hbm>>
          %dma_start3A_87 = tpu.memref_slice %arg3[%add3A_66] : memref<327680xi32, #tpu.memory_space<hbm>> -> memref<128xi32, #tpu.memory_space<hbm>>
          tpu.enqueue_dma source(%dma_start3A_87 : memref<128xi32, #tpu.memory_space<hbm>>) target(%arg11 : memref<128xi32, #tpu.memory_space<vmem>>) target_semaphore(%run_scoped3A : memref<!tpu.dma_semaphore, #tpu.memory_space<semaphore_mem>>)
          %dma_wait3A_88 = tpu.memref_slice %arg3[%add3A_66] : memref<327680xi32, #tpu.memory_space<hbm>> -> memref<128xi32, #tpu.memory_space<hbm>>
          %dma_wait3A_89 = tpu.memref_slice %arg3[%add3A_66] : memref<327680xi32, #tpu.memory_space<hbm>> -> memref<128xi32, #tpu.memory_space<hbm>>
          tpu.wait_dma2 semaphore(%run_scoped3A : memref<!tpu.dma_semaphore, #tpu.memory_space<semaphore_mem>>) src(%dma_wait3A_89 : memref<128xi32, #tpu.memory_space<hbm>>) dst(%arg11 : memref<128xi32, #tpu.memory_space<vmem>>)
          tpu.yield
        }) : () -> ()
        "tpu.region"() ({
          %run_scoped3A = tpu.sem_alloc : memref<!tpu.dma_semaphore, #tpu.memory_space<semaphore_mem>>
          %dma_start3A_86 = tpu.memref_slice %arg4[%add3A_66] : memref<327680xi32, #tpu.memory_space<hbm>> -> memref<128xi32, #tpu.memory_space<hbm>>
          %dma_start3A_87 = tpu.memref_slice %arg4[%add3A_66] : memref<327680xi32, #tpu.memory_space<hbm>> -> memref<128xi32, #tpu.memory_space<hbm>>
          tpu.enqueue_dma source(%dma_start3A_87 : memref<128xi32, #tpu.memory_space<hbm>>) target(%arg13 : memref<128xi32, #tpu.memory_space<vmem>>) target_semaphore(%run_scoped3A : memref<!tpu.dma_semaphore, #tpu.memory_space<semaphore_mem>>)
          %dma_wait3A_88 = tpu.memref_slice %arg4[%add3A_66] : memref<327680xi32, #tpu.memory_space<hbm>> -> memref<128xi32, #tpu.memory_space<hbm>>
          %dma_wait3A_89 = tpu.memref_slice %arg4[%add3A_66] : memref<327680xi32, #tpu.memory_space<hbm>> -> memref<128xi32, #tpu.memory_space<hbm>>
          tpu.wait_dma2 semaphore(%run_scoped3A : memref<!tpu.dma_semaphore, #tpu.memory_space<semaphore_mem>>) src(%dma_wait3A_89 : memref<128xi32, #tpu.memory_space<hbm>>) dst(%arg13 : memref<128xi32, #tpu.memory_space<vmem>>)
          tpu.yield
        }) : () -> ()
        %dma_start3A_67 = arith.constant 0 : i32
        %dma_start3A_68 = arith.constant 0 : i32
        %dma_start3A_69 = tpu.memref_slice %arg2[%dma_start3A_67, %dma_start3A_68] : memref<10112x128xf32, #tpu.memory_space<hbm>> -> memref<10112x128xf32, #tpu.memory_space<hbm>>
        tpu.enqueue_indirect_dma source(%dma_start3A_69 : memref<10112x128xf32, #tpu.memory_space<hbm>>) target(%arg9 : memref<128x128xf32, #tpu.memory_space<vmem>>) offsets(%arg11 : memref<128xi32, #tpu.memory_space<vmem>>) semaphore(%arg15 : memref<!tpu.dma_semaphore, #tpu.memory_space<semaphore_mem>>)
        %dma_wait3A_70 = arith.constant 0 : i32
        %dma_wait3A_71 = arith.constant 0 : i32
        %dma_wait3A_72 = tpu.memref_slice %arg2[%dma_wait3A_70, %dma_wait3A_71] : memref<10112x128xf32, #tpu.memory_space<hbm>> -> memref<10112x128xf32, #tpu.memory_space<hbm>>
        tpu.wait_indirect_dma semaphore(%arg14 : memref<!tpu.dma_semaphore, #tpu.memory_space<semaphore_mem>>) src(%dma_wait3A_72 : memref<10112x128xf32, #tpu.memory_space<hbm>>) dst(%arg8 : memref<128x128xf32, #tpu.memory_space<vmem>>)
        "tpu.region"() ({
          %run_scoped3A = tpu.sem_alloc : memref<!tpu.dma_semaphore, #tpu.memory_space<semaphore_mem>>
          %dma_start3A_86 = arith.constant 0 : i32
          %dma_start3A_87 = arith.constant 0 : i32
          %dma_start3A_88 = tpu.memref_slice %arg7[%dma_start3A_86, %dma_start3A_87] : memref<10112x128xf32, #tpu.memory_space<vmem_shared>> -> memref<10112x128xf32, #tpu.memory_space<vmem_shared>>
          tpu.enqueue_indirect_dma source(%arg8 : memref<128x128xf32, #tpu.memory_space<vmem>>) target(%dma_start3A_88 : memref<10112x128xf32, #tpu.memory_space<vmem_shared>>) offsets(%arg12 : memref<128xi32, #tpu.memory_space<vmem>>) semaphore(%run_scoped3A : memref<!tpu.dma_semaphore, #tpu.memory_space<semaphore_mem>>) {add = true}
          %dma_wait3A_89 = arith.constant 0 : i32
          %dma_wait3A_90 = arith.constant 0 : i32
          %dma_wait3A_91 = tpu.memref_slice %arg7[%dma_wait3A_89, %dma_wait3A_90] : memref<10112x128xf32, #tpu.memory_space<vmem_shared>> -> memref<10112x128xf32, #tpu.memory_space<vmem_shared>>
          tpu.wait_indirect_dma semaphore(%run_scoped3A : memref<!tpu.dma_semaphore, #tpu.memory_space<semaphore_mem>>) src(%arg8 : memref<128x128xf32, #tpu.memory_space<vmem>>) dst(%dma_wait3A_91 : memref<10112x128xf32, #tpu.memory_space<vmem_shared>>)
          tpu.yield
        }) : () -> ()
        %mul3A_73 = arith.constant 2 : i32
        %mul3A_74 = arith.muli %mul3A_73, %scan3A_59 : i32
        %add3A_75 = arith.constant 2 : i32
        %add3A_76 = arith.addi %mul3A_74, %add3A_75 : i32
        %mul3A_77 = arith.constant 128 : i32
        %mul3A_78 = arith.muli %add3A_76, %mul3A_77 : i32
        %add3A_79 = arith.addi %add3A_41, %mul3A_78 : i32
        "tpu.region"() ({
          %run_scoped3A = tpu.sem_alloc : memref<!tpu.dma_semaphore, #tpu.memory_space<semaphore_mem>>
          %dma_start3A_86 = tpu.memref_slice %arg3[%add3A_79] : memref<327680xi32, #tpu.memory_space<hbm>> -> memref<128xi32, #tpu.memory_space<hbm>>
          %dma_start3A_87 = tpu.memref_slice %arg3[%add3A_79] : memref<327680xi32, #tpu.memory_space<hbm>> -> memref<128xi32, #tpu.memory_space<hbm>>
          tpu.enqueue_dma source(%dma_start3A_87 : memref<128xi32, #tpu.memory_space<hbm>>) target(%arg10 : memref<128xi32, #tpu.memory_space<vmem>>) target_semaphore(%run_scoped3A : memref<!tpu.dma_semaphore, #tpu.memory_space<semaphore_mem>>)
          %dma_wait3A_88 = tpu.memref_slice %arg3[%add3A_79] : memref<327680xi32, #tpu.memory_space<hbm>> -> memref<128xi32, #tpu.memory_space<hbm>>
          %dma_wait3A_89 = tpu.memref_slice %arg3[%add3A_79] : memref<327680xi32, #tpu.memory_space<hbm>> -> memref<128xi32, #tpu.memory_space<hbm>>
          tpu.wait_dma2 semaphore(%run_scoped3A : memref<!tpu.dma_semaphore, #tpu.memory_space<semaphore_mem>>) src(%dma_wait3A_89 : memref<128xi32, #tpu.memory_space<hbm>>) dst(%arg10 : memref<128xi32, #tpu.memory_space<vmem>>)
          tpu.yield
        }) : () -> ()
        "tpu.region"() ({
          %run_scoped3A = tpu.sem_alloc : memref<!tpu.dma_semaphore, #tpu.memory_space<semaphore_mem>>
          %dma_start3A_86 = tpu.memref_slice %arg4[%add3A_79] : memref<327680xi32, #tpu.memory_space<hbm>> -> memref<128xi32, #tpu.memory_space<hbm>>
          %dma_start3A_87 = tpu.memref_slice %arg4[%add3A_79] : memref<327680xi32, #tpu.memory_space<hbm>> -> memref<128xi32, #tpu.memory_space<hbm>>
          tpu.enqueue_dma source(%dma_start3A_87 : memref<128xi32, #tpu.memory_space<hbm>>) target(%arg12 : memref<128xi32, #tpu.memory_space<vmem>>) target_semaphore(%run_scoped3A : memref<!tpu.dma_semaphore, #tpu.memory_space<semaphore_mem>>)
          %dma_wait3A_88 = tpu.memref_slice %arg4[%add3A_79] : memref<327680xi32, #tpu.memory_space<hbm>> -> memref<128xi32, #tpu.memory_space<hbm>>
          %dma_wait3A_89 = tpu.memref_slice %arg4[%add3A_79] : memref<327680xi32, #tpu.memory_space<hbm>> -> memref<128xi32, #tpu.memory_space<hbm>>
          tpu.wait_dma2 semaphore(%run_scoped3A : memref<!tpu.dma_semaphore, #tpu.memory_space<semaphore_mem>>) src(%dma_wait3A_89 : memref<128xi32, #tpu.memory_space<hbm>>) dst(%arg12 : memref<128xi32, #tpu.memory_space<vmem>>)
          tpu.yield
        }) : () -> ()
        %dma_start3A_80 = arith.constant 0 : i32
        %dma_start3A_81 = arith.constant 0 : i32
        %dma_start3A_82 = tpu.memref_slice %arg2[%dma_start3A_80, %dma_start3A_81] : memref<10112x128xf32, #tpu.memory_space<hbm>> -> memref<10112x128xf32, #tpu.memory_space<hbm>>
        tpu.enqueue_indirect_dma source(%dma_start3A_82 : memref<10112x128xf32, #tpu.memory_space<hbm>>) target(%arg8 : memref<128x128xf32, #tpu.memory_space<vmem>>) offsets(%arg10 : memref<128xi32, #tpu.memory_space<vmem>>) semaphore(%arg14 : memref<!tpu.dma_semaphore, #tpu.memory_space<semaphore_mem>>)
        %dma_wait3A_83 = arith.constant 0 : i32
        %dma_wait3A_84 = arith.constant 0 : i32
        %dma_wait3A_85 = tpu.memref_slice %arg2[%dma_wait3A_83, %dma_wait3A_84] : memref<10112x128xf32, #tpu.memory_space<hbm>> -> memref<10112x128xf32, #tpu.memory_space<hbm>>
        tpu.wait_indirect_dma semaphore(%arg15 : memref<!tpu.dma_semaphore, #tpu.memory_space<semaphore_mem>>) src(%dma_wait3A_85 : memref<10112x128xf32, #tpu.memory_space<hbm>>) dst(%arg9 : memref<128x128xf32, #tpu.memory_space<vmem>>)
        "tpu.region"() ({
          %run_scoped3A = tpu.sem_alloc : memref<!tpu.dma_semaphore, #tpu.memory_space<semaphore_mem>>
          %dma_start3A_86 = arith.constant 0 : i32
          %dma_start3A_87 = arith.constant 0 : i32
          %dma_start3A_88 = tpu.memref_slice %arg7[%dma_start3A_86, %dma_start3A_87] : memref<10112x128xf32, #tpu.memory_space<vmem_shared>> -> memref<10112x128xf32, #tpu.memory_space<vmem_shared>>
          tpu.enqueue_indirect_dma source(%arg9 : memref<128x128xf32, #tpu.memory_space<vmem>>) target(%dma_start3A_88 : memref<10112x128xf32, #tpu.memory_space<vmem_shared>>) offsets(%arg13 : memref<128xi32, #tpu.memory_space<vmem>>) semaphore(%run_scoped3A : memref<!tpu.dma_semaphore, #tpu.memory_space<semaphore_mem>>) {add = true}
          %dma_wait3A_89 = arith.constant 0 : i32
          %dma_wait3A_90 = arith.constant 0 : i32
          %dma_wait3A_91 = tpu.memref_slice %arg7[%dma_wait3A_89, %dma_wait3A_90] : memref<10112x128xf32, #tpu.memory_space<vmem_shared>> -> memref<10112x128xf32, #tpu.memory_space<vmem_shared>>
          tpu.wait_indirect_dma semaphore(%run_scoped3A : memref<!tpu.dma_semaphore, #tpu.memory_space<semaphore_mem>>) src(%arg9 : memref<128x128xf32, #tpu.memory_space<vmem>>) dst(%dma_wait3A_91 : memref<10112x128xf32, #tpu.memory_space<vmem_shared>>)
          tpu.yield
        }) : () -> ()
      }
      %scan3A_48 = arith.constant 22 : i32
      %add3A_49 = arith.constant 5760 : i32
      %add3A_50 = arith.addi %add3A_41, %add3A_49 : i32
      "tpu.region"() ({
        %run_scoped3A = tpu.sem_alloc : memref<!tpu.dma_semaphore, #tpu.memory_space<semaphore_mem>>
        %dma_start3A_59 = tpu.memref_slice %arg3[%add3A_50] : memref<327680xi32, #tpu.memory_space<hbm>> -> memref<128xi32, #tpu.memory_space<hbm>>
        %dma_start3A_60 = tpu.memref_slice %arg3[%add3A_50] : memref<327680xi32, #tpu.memory_space<hbm>> -> memref<128xi32, #tpu.memory_space<hbm>>
        tpu.enqueue_dma source(%dma_start3A_60 : memref<128xi32, #tpu.memory_space<hbm>>) target(%arg11 : memref<128xi32, #tpu.memory_space<vmem>>) target_semaphore(%run_scoped3A : memref<!tpu.dma_semaphore, #tpu.memory_space<semaphore_mem>>)
        %dma_wait3A_61 = tpu.memref_slice %arg3[%add3A_50] : memref<327680xi32, #tpu.memory_space<hbm>> -> memref<128xi32, #tpu.memory_space<hbm>>
        %dma_wait3A_62 = tpu.memref_slice %arg3[%add3A_50] : memref<327680xi32, #tpu.memory_space<hbm>> -> memref<128xi32, #tpu.memory_space<hbm>>
        tpu.wait_dma2 semaphore(%run_scoped3A : memref<!tpu.dma_semaphore, #tpu.memory_space<semaphore_mem>>) src(%dma_wait3A_62 : memref<128xi32, #tpu.memory_space<hbm>>) dst(%arg11 : memref<128xi32, #tpu.memory_space<vmem>>)
        tpu.yield
      }) : () -> ()
      "tpu.region"() ({
        %run_scoped3A = tpu.sem_alloc : memref<!tpu.dma_semaphore, #tpu.memory_space<semaphore_mem>>
        %dma_start3A_59 = tpu.memref_slice %arg4[%add3A_50] : memref<327680xi32, #tpu.memory_space<hbm>> -> memref<128xi32, #tpu.memory_space<hbm>>
        %dma_start3A_60 = tpu.memref_slice %arg4[%add3A_50] : memref<327680xi32, #tpu.memory_space<hbm>> -> memref<128xi32, #tpu.memory_space<hbm>>
        tpu.enqueue_dma source(%dma_start3A_60 : memref<128xi32, #tpu.memory_space<hbm>>) target(%arg13 : memref<128xi32, #tpu.memory_space<vmem>>) target_semaphore(%run_scoped3A : memref<!tpu.dma_semaphore, #tpu.memory_space<semaphore_mem>>)
        %dma_wait3A_61 = tpu.memref_slice %arg4[%add3A_50] : memref<327680xi32, #tpu.memory_space<hbm>> -> memref<128xi32, #tpu.memory_space<hbm>>
        %dma_wait3A_62 = tpu.memref_slice %arg4[%add3A_50] : memref<327680xi32, #tpu.memory_space<hbm>> -> memref<128xi32, #tpu.memory_space<hbm>>
        tpu.wait_dma2 semaphore(%run_scoped3A : memref<!tpu.dma_semaphore, #tpu.memory_space<semaphore_mem>>) src(%dma_wait3A_62 : memref<128xi32, #tpu.memory_space<hbm>>) dst(%arg13 : memref<128xi32, #tpu.memory_space<vmem>>)
        tpu.yield
      }) : () -> ()
      %dma_start3A_51 = arith.constant 0 : i32
      %dma_start3A_52 = arith.constant 0 : i32
      %dma_start3A_53 = tpu.memref_slice %arg2[%dma_start3A_51, %dma_start3A_52] : memref<10112x128xf32, #tpu.memory_space<hbm>> -> memref<10112x128xf32, #tpu.memory_space<hbm>>
      tpu.enqueue_indirect_dma source(%dma_start3A_53 : memref<10112x128xf32, #tpu.memory_space<hbm>>) target(%arg9 : memref<128x128xf32, #tpu.memory_space<vmem>>) offsets(%arg11 : memref<128xi32, #tpu.memory_space<vmem>>) semaphore(%arg15 : memref<!tpu.dma_semaphore, #tpu.memory_space<semaphore_mem>>)
      %dma_wait3A = arith.constant 0 : i32
      %dma_wait3A_54 = arith.constant 0 : i32
      %dma_wait3A_55 = tpu.memref_slice %arg2[%dma_wait3A, %dma_wait3A_54] : memref<10112x128xf32, #tpu.memory_space<hbm>> -> memref<10112x128xf32, #tpu.memory_space<hbm>>
      tpu.wait_indirect_dma semaphore(%arg14 : memref<!tpu.dma_semaphore, #tpu.memory_space<semaphore_mem>>) src(%dma_wait3A_55 : memref<10112x128xf32, #tpu.memory_space<hbm>>) dst(%arg8 : memref<128x128xf32, #tpu.memory_space<vmem>>)
      "tpu.region"() ({
        %run_scoped3A = tpu.sem_alloc : memref<!tpu.dma_semaphore, #tpu.memory_space<semaphore_mem>>
        %dma_start3A_59 = arith.constant 0 : i32
        %dma_start3A_60 = arith.constant 0 : i32
        %dma_start3A_61 = tpu.memref_slice %arg7[%dma_start3A_59, %dma_start3A_60] : memref<10112x128xf32, #tpu.memory_space<vmem_shared>> -> memref<10112x128xf32, #tpu.memory_space<vmem_shared>>
        tpu.enqueue_indirect_dma source(%arg8 : memref<128x128xf32, #tpu.memory_space<vmem>>) target(%dma_start3A_61 : memref<10112x128xf32, #tpu.memory_space<vmem_shared>>) offsets(%arg12 : memref<128xi32, #tpu.memory_space<vmem>>) semaphore(%run_scoped3A : memref<!tpu.dma_semaphore, #tpu.memory_space<semaphore_mem>>) {add = true}
        %dma_wait3A_62 = arith.constant 0 : i32
        %dma_wait3A_63 = arith.constant 0 : i32
        %dma_wait3A_64 = tpu.memref_slice %arg7[%dma_wait3A_62, %dma_wait3A_63] : memref<10112x128xf32, #tpu.memory_space<vmem_shared>> -> memref<10112x128xf32, #tpu.memory_space<vmem_shared>>
        tpu.wait_indirect_dma semaphore(%run_scoped3A : memref<!tpu.dma_semaphore, #tpu.memory_space<semaphore_mem>>) src(%arg8 : memref<128x128xf32, #tpu.memory_space<vmem>>) dst(%dma_wait3A_64 : memref<10112x128xf32, #tpu.memory_space<vmem_shared>>)
        tpu.yield
      }) : () -> ()
      %dma_wait3A_56 = arith.constant 0 : i32
      %dma_wait3A_57 = arith.constant 0 : i32
      %dma_wait3A_58 = tpu.memref_slice %arg2[%dma_wait3A_56, %dma_wait3A_57] : memref<10112x128xf32, #tpu.memory_space<hbm>> -> memref<10112x128xf32, #tpu.memory_space<hbm>>
      tpu.wait_indirect_dma semaphore(%arg15 : memref<!tpu.dma_semaphore, #tpu.memory_space<semaphore_mem>>) src(%dma_wait3A_58 : memref<10112x128xf32, #tpu.memory_space<hbm>>) dst(%arg9 : memref<128x128xf32, #tpu.memory_space<vmem>>)
      "tpu.region"() ({
        %run_scoped3A = tpu.sem_alloc : memref<!tpu.dma_semaphore, #tpu.memory_space<semaphore_mem>>
        %dma_start3A_59 = arith.constant 0 : i32
        %dma_start3A_60 = arith.constant 0 : i32
        %dma_start3A_61 = tpu.memref_slice %arg7[%dma_start3A_59, %dma_start3A_60] : memref<10112x128xf32, #tpu.memory_space<vmem_shared>> -> memref<10112x128xf32, #tpu.memory_space<vmem_shared>>
        tpu.enqueue_indirect_dma source(%arg9 : memref<128x128xf32, #tpu.memory_space<vmem>>) target(%dma_start3A_61 : memref<10112x128xf32, #tpu.memory_space<vmem_shared>>) offsets(%arg13 : memref<128xi32, #tpu.memory_space<vmem>>) semaphore(%run_scoped3A : memref<!tpu.dma_semaphore, #tpu.memory_space<semaphore_mem>>) {add = true}
        %dma_wait3A_62 = arith.constant 0 : i32
        %dma_wait3A_63 = arith.constant 0 : i32
        %dma_wait3A_64 = tpu.memref_slice %arg7[%dma_wait3A_62, %dma_wait3A_63] : memref<10112x128xf32, #tpu.memory_space<vmem_shared>> -> memref<10112x128xf32, #tpu.memory_space<vmem_shared>>
        tpu.wait_indirect_dma semaphore(%run_scoped3A : memref<!tpu.dma_semaphore, #tpu.memory_space<semaphore_mem>>) src(%arg9 : memref<128x128xf32, #tpu.memory_space<vmem>>) dst(%dma_wait3A_64 : memref<10112x128xf32, #tpu.memory_space<vmem_shared>>)
        tpu.yield
      }) : () -> ()
    } else {
    }
    %barrier3A_17 = arith.constant 0 : index
    tpu.barrier barrier_id(%barrier3A_17)
    %add3A_18 = arith.constant 0 : i32
    %add3A_19 = arith.addi %mul3A_0, %add3A_18 : i32
    "tpu.region"() ({
      %run_scoped3A = tpu.sem_alloc : memref<!tpu.dma_semaphore, #tpu.memory_space<semaphore_mem>>
      %dma_start3A = arith.constant 0 : i32
      %dma_start3A_38 = arith.constant 0 : i32
      %dma_start3A_39 = tpu.memref_slice %arg8[%dma_start3A, %dma_start3A_38] : memref<128x128xf32, #tpu.memory_space<vmem>> -> memref<128x128xf32, #tpu.memory_space<vmem>>
      %dma_start3A_40 = arith.constant 0 : i32
      %dma_start3A_41 = tpu.memref_slice %arg7[%add3A_19, %dma_start3A_40] : memref<10112x128xf32, #tpu.memory_space<vmem_shared>> -> memref<128x128xf32, #tpu.memory_space<vmem_shared>>
      %dma_start3A_42 = arith.constant 0 : i32
      %dma_start3A_43 = arith.constant 0 : i32
      %dma_start3A_44 = tpu.memref_slice %arg8[%dma_start3A_42, %dma_start3A_43] : memref<128x128xf32, #tpu.memory_space<vmem>> -> memref<128x128xf32, #tpu.memory_space<vmem>>
      %dma_start3A_45 = arith.constant 0 : i32
      %dma_start3A_46 = tpu.memref_slice %arg7[%add3A_19, %dma_start3A_45] : memref<10112x128xf32, #tpu.memory_space<vmem_shared>> -> memref<128x128xf32, #tpu.memory_space<vmem_shared>>
      tpu.enqueue_dma source(%dma_start3A_46 : memref<128x128xf32, #tpu.memory_space<vmem_shared>>) target(%dma_start3A_44 : memref<128x128xf32, #tpu.memory_space<vmem>>) target_semaphore(%run_scoped3A : memref<!tpu.dma_semaphore, #tpu.memory_space<semaphore_mem>>)
      %dma_wait3A = arith.constant 0 : i32
      %dma_wait3A_47 = arith.constant 0 : i32
      %dma_wait3A_48 = tpu.memref_slice %arg8[%dma_wait3A, %dma_wait3A_47] : memref<128x128xf32, #tpu.memory_space<vmem>> -> memref<128x128xf32, #tpu.memory_space<vmem>>
      %dma_wait3A_49 = arith.constant 0 : i32
      %dma_wait3A_50 = tpu.memref_slice %arg7[%add3A_19, %dma_wait3A_49] : memref<10112x128xf32, #tpu.memory_space<vmem_shared>> -> memref<128x128xf32, #tpu.memory_space<vmem_shared>>
      %dma_wait3A_51 = arith.constant 0 : i32
      %dma_wait3A_52 = arith.constant 0 : i32
      %dma_wait3A_53 = tpu.memref_slice %arg8[%dma_wait3A_51, %dma_wait3A_52] : memref<128x128xf32, #tpu.memory_space<vmem>> -> memref<128x128xf32, #tpu.memory_space<vmem>>
      %dma_wait3A_54 = arith.constant 0 : i32
      %dma_wait3A_55 = tpu.memref_slice %arg7[%add3A_19, %dma_wait3A_54] : memref<10112x128xf32, #tpu.memory_space<vmem_shared>> -> memref<128x128xf32, #tpu.memory_space<vmem_shared>>
      tpu.wait_dma2 semaphore(%run_scoped3A : memref<!tpu.dma_semaphore, #tpu.memory_space<semaphore_mem>>) src(%dma_wait3A_55 : memref<128x128xf32, #tpu.memory_space<vmem_shared>>) dst(%dma_wait3A_53 : memref<128x128xf32, #tpu.memory_space<vmem>>)
      tpu.yield
    }) : () -> ()
    %add3A_20 = arith.constant 0 : i32
    %add3A_21 = arith.addi %mul3A_0, %add3A_20 : i32
    "tpu.region"() ({
      %run_scoped3A = tpu.sem_alloc : memref<!tpu.dma_semaphore, #tpu.memory_space<semaphore_mem>>
      %dma_start3A = arith.constant 0 : i32
      %dma_start3A_38 = arith.constant 0 : i32
      %dma_start3A_39 = tpu.memref_slice %arg8[%dma_start3A, %dma_start3A_38] : memref<128x128xf32, #tpu.memory_space<vmem>> -> memref<128x128xf32, #tpu.memory_space<vmem>>
      %dma_start3A_40 = arith.constant 0 : i32
      %dma_start3A_41 = tpu.memref_slice %arg6[%arg0, %add3A_21, %dma_start3A_40] : memref<2x10112x128xf32, #tpu.memory_space<hbm>> -> memref<1x128x128xf32, #tpu.memory_space<hbm>>
      %dma_start3A_42 = tpu.memref_squeeze %dma_start3A_41 : memref<1x128x128xf32, #tpu.memory_space<hbm>> -> memref<128x128xf32, #tpu.memory_space<hbm>>
      %dma_start3A_43 = arith.constant 0 : i32
      %dma_start3A_44 = tpu.memref_slice %arg6[%arg0, %add3A_21, %dma_start3A_43] : memref<2x10112x128xf32, #tpu.memory_space<hbm>> -> memref<1x128x128xf32, #tpu.memory_space<hbm>>
      %dma_start3A_45 = tpu.memref_squeeze %dma_start3A_44 : memref<1x128x128xf32, #tpu.memory_space<hbm>> -> memref<128x128xf32, #tpu.memory_space<hbm>>
      %dma_start3A_46 = arith.constant 0 : i32
      %dma_start3A_47 = arith.constant 0 : i32
      %dma_start3A_48 = tpu.memref_slice %arg8[%dma_start3A_46, %dma_start3A_47] : memref<128x128xf32, #tpu.memory_space<vmem>> -> memref<128x128xf32, #tpu.memory_space<vmem>>
      tpu.enqueue_dma source(%dma_start3A_48 : memref<128x128xf32, #tpu.memory_space<vmem>>) target(%dma_start3A_45 : memref<128x128xf32, #tpu.memory_space<hbm>>) target_semaphore(%run_scoped3A : memref<!tpu.dma_semaphore, #tpu.memory_space<semaphore_mem>>)
      %dma_wait3A = arith.constant 0 : i32
      %dma_wait3A_49 = arith.constant 0 : i32
      %dma_wait3A_50 = tpu.memref_slice %arg8[%dma_wait3A, %dma_wait3A_49] : memref<128x128xf32, #tpu.memory_space<vmem>> -> memref<128x128xf32, #tpu.memory_space<vmem>>
      %dma_wait3A_51 = arith.constant 0 : i32
      %dma_wait3A_52 = tpu.memref_slice %arg6[%arg0, %add3A_21, %dma_wait3A_51] : memref<2x10112x128xf32, #tpu.memory_space<hbm>> -> memref<1x128x128xf32, #tpu.memory_space<hbm>>
      %dma_wait3A_53 = tpu.memref_squeeze %dma_wait3A_52 : memref<1x128x128xf32, #tpu.memory_space<hbm>> -> memref<128x128xf32, #tpu.memory_space<hbm>>
      %dma_wait3A_54 = arith.constant 0 : i32
      %dma_wait3A_55 = tpu.memref_slice %arg6[%arg0, %add3A_21, %dma_wait3A_54] : memref<2x10112x128xf32, #tpu.memory_space<hbm>> -> memref<1x128x128xf32, #tpu.memory_space<hbm>>
      %dma_wait3A_56 = tpu.memref_squeeze %dma_wait3A_55 : memref<1x128x128xf32, #tpu.memory_space<hbm>> -> memref<128x128xf32, #tpu.memory_space<hbm>>
      %dma_wait3A_57 = arith.constant 0 : i32
      %dma_wait3A_58 = arith.constant 0 : i32
      %dma_wait3A_59 = tpu.memref_slice %arg8[%dma_wait3A_57, %dma_wait3A_58] : memref<128x128xf32, #tpu.memory_space<vmem>> -> memref<128x128xf32, #tpu.memory_space<vmem>>
      tpu.wait_dma2 semaphore(%run_scoped3A : memref<!tpu.dma_semaphore, #tpu.memory_space<semaphore_mem>>) src(%dma_wait3A_59 : memref<128x128xf32, #tpu.memory_space<vmem>>) dst(%dma_wait3A_56 : memref<128x128xf32, #tpu.memory_space<hbm>>)
      tpu.yield
    }) : () -> ()
    %add3A_22 = arith.constant 128 : i32
    %add3A_23 = arith.addi %mul3A_0, %add3A_22 : i32
    "tpu.region"() ({
      %run_scoped3A = tpu.sem_alloc : memref<!tpu.dma_semaphore, #tpu.memory_space<semaphore_mem>>
      %dma_start3A = arith.constant 0 : i32
      %dma_start3A_38 = arith.constant 0 : i32
      %dma_start3A_39 = tpu.memref_slice %arg8[%dma_start3A, %dma_start3A_38] : memref<128x128xf32, #tpu.memory_space<vmem>> -> memref<128x128xf32, #tpu.memory_space<vmem>>
      %dma_start3A_40 = arith.constant 0 : i32
      %dma_start3A_41 = tpu.memref_slice %arg7[%add3A_23, %dma_start3A_40] : memref<10112x128xf32, #tpu.memory_space<vmem_shared>> -> memref<128x128xf32, #tpu.memory_space<vmem_shared>>
      %dma_start3A_42 = arith.constant 0 : i32
      %dma_start3A_43 = arith.constant 0 : i32
      %dma_start3A_44 = tpu.memref_slice %arg8[%dma_start3A_42, %dma_start3A_43] : memref<128x128xf32, #tpu.memory_space<vmem>> -> memref<128x128xf32, #tpu.memory_space<vmem>>
      %dma_start3A_45 = arith.constant 0 : i32
      %dma_start3A_46 = tpu.memref_slice %arg7[%add3A_23, %dma_start3A_45] : memref<10112x128xf32, #tpu.memory_space<vmem_shared>> -> memref<128x128xf32, #tpu.memory_space<vmem_shared>>
      tpu.enqueue_dma source(%dma_start3A_46 : memref<128x128xf32, #tpu.memory_space<vmem_shared>>) target(%dma_start3A_44 : memref<128x128xf32, #tpu.memory_space<vmem>>) target_semaphore(%run_scoped3A : memref<!tpu.dma_semaphore, #tpu.memory_space<semaphore_mem>>)
      %dma_wait3A = arith.constant 0 : i32
      %dma_wait3A_47 = arith.constant 0 : i32
      %dma_wait3A_48 = tpu.memref_slice %arg8[%dma_wait3A, %dma_wait3A_47] : memref<128x128xf32, #tpu.memory_space<vmem>> -> memref<128x128xf32, #tpu.memory_space<vmem>>
      %dma_wait3A_49 = arith.constant 0 : i32
      %dma_wait3A_50 = tpu.memref_slice %arg7[%add3A_23, %dma_wait3A_49] : memref<10112x128xf32, #tpu.memory_space<vmem_shared>> -> memref<128x128xf32, #tpu.memory_space<vmem_shared>>
      %dma_wait3A_51 = arith.constant 0 : i32
      %dma_wait3A_52 = arith.constant 0 : i32
      %dma_wait3A_53 = tpu.memref_slice %arg8[%dma_wait3A_51, %dma_wait3A_52] : memref<128x128xf32, #tpu.memory_space<vmem>> -> memref<128x128xf32, #tpu.memory_space<vmem>>
      %dma_wait3A_54 = arith.constant 0 : i32
      %dma_wait3A_55 = tpu.memref_slice %arg7[%add3A_23, %dma_wait3A_54] : memref<10112x128xf32, #tpu.memory_space<vmem_shared>> -> memref<128x128xf32, #tpu.memory_space<vmem_shared>>
      tpu.wait_dma2 semaphore(%run_scoped3A : memref<!tpu.dma_semaphore, #tpu.memory_space<semaphore_mem>>) src(%dma_wait3A_55 : memref<128x128xf32, #tpu.memory_space<vmem_shared>>) dst(%dma_wait3A_53 : memref<128x128xf32, #tpu.memory_space<vmem>>)
      tpu.yield
    }) : () -> ()
    %add3A_24 = arith.constant 128 : i32
    %add3A_25 = arith.addi %mul3A_0, %add3A_24 : i32
    "tpu.region"() ({
      %run_scoped3A = tpu.sem_alloc : memref<!tpu.dma_semaphore, #tpu.memory_space<semaphore_mem>>
      %dma_start3A = arith.constant 0 : i32
      %dma_start3A_38 = arith.constant 0 : i32
      %dma_start3A_39 = tpu.memref_slice %arg8[%dma_start3A, %dma_start3A_38] : memref<128x128xf32, #tpu.memory_space<vmem>> -> memref<128x128xf32, #tpu.memory_space<vmem>>
      %dma_start3A_40 = arith.constant 0 : i32
      %dma_start3A_41 = tpu.memref_slice %arg6[%arg0, %add3A_25, %dma_start3A_40] : memref<2x10112x128xf32, #tpu.memory_space<hbm>> -> memref<1x128x128xf32, #tpu.memory_space<hbm>>
      %dma_start3A_42 = tpu.memref_squeeze %dma_start3A_41 : memref<1x128x128xf32, #tpu.memory_space<hbm>> -> memref<128x128xf32, #tpu.memory_space<hbm>>
      %dma_start3A_43 = arith.constant 0 : i32
      %dma_start3A_44 = tpu.memref_slice %arg6[%arg0, %add3A_25, %dma_start3A_43] : memref<2x10112x128xf32, #tpu.memory_space<hbm>> -> memref<1x128x128xf32, #tpu.memory_space<hbm>>
      %dma_start3A_45 = tpu.memref_squeeze %dma_start3A_44 : memref<1x128x128xf32, #tpu.memory_space<hbm>> -> memref<128x128xf32, #tpu.memory_space<hbm>>
      %dma_start3A_46 = arith.constant 0 : i32
      %dma_start3A_47 = arith.constant 0 : i32
      %dma_start3A_48 = tpu.memref_slice %arg8[%dma_start3A_46, %dma_start3A_47] : memref<128x128xf32, #tpu.memory_space<vmem>> -> memref<128x128xf32, #tpu.memory_space<vmem>>
      tpu.enqueue_dma source(%dma_start3A_48 : memref<128x128xf32, #tpu.memory_space<vmem>>) target(%dma_start3A_45 : memref<128x128xf32, #tpu.memory_space<hbm>>) target_semaphore(%run_scoped3A : memref<!tpu.dma_semaphore, #tpu.memory_space<semaphore_mem>>)
      %dma_wait3A = arith.constant 0 : i32
      %dma_wait3A_49 = arith.constant 0 : i32
      %dma_wait3A_50 = tpu.memref_slice %arg8[%dma_wait3A, %dma_wait3A_49] : memref<128x128xf32, #tpu.memory_space<vmem>> -> memref<128x128xf32, #tpu.memory_space<vmem>>
      %dma_wait3A_51 = arith.constant 0 : i32
      %dma_wait3A_52 = tpu.memref_slice %arg6[%arg0, %add3A_25, %dma_wait3A_51] : memref<2x10112x128xf32, #tpu.memory_space<hbm>> -> memref<1x128x128xf32, #tpu.memory_space<hbm>>
      %dma_wait3A_53 = tpu.memref_squeeze %dma_wait3A_52 : memref<1x128x128xf32, #tpu.memory_space<hbm>> -> memref<128x128xf32, #tpu.memory_space<hbm>>
      %dma_wait3A_54 = arith.constant 0 : i32
      %dma_wait3A_55 = tpu.memref_slice %arg6[%arg0, %add3A_25, %dma_wait3A_54] : memref<2x10112x128xf32, #tpu.memory_space<hbm>> -> memref<1x128x128xf32, #tpu.memory_space<hbm>>
      %dma_wait3A_56 = tpu.memref_squeeze %dma_wait3A_55 : memref<1x128x128xf32, #tpu.memory_space<hbm>> -> memref<128x128xf32, #tpu.memory_space<hbm>>
      %dma_wait3A_57 = arith.constant 0 : i32
      %dma_wait3A_58 = arith.constant 0 : i32
      %dma_wait3A_59 = tpu.memref_slice %arg8[%dma_wait3A_57, %dma_wait3A_58] : memref<128x128xf32, #tpu.memory_space<vmem>> -> memref<128x128xf32, #tpu.memory_space<vmem>>
      tpu.wait_dma2 semaphore(%run_scoped3A : memref<!tpu.dma_semaphore, #tpu.memory_space<semaphore_mem>>) src(%dma_wait3A_59 : memref<128x128xf32, #tpu.memory_space<vmem>>) dst(%dma_wait3A_56 : memref<128x128xf32, #tpu.memory_space<hbm>>)
      tpu.yield
    }) : () -> ()
    %add3A_26 = arith.constant 256 : i32
    %add3A_27 = arith.addi %mul3A_0, %add3A_26 : i32
    "tpu.region"() ({
      %run_scoped3A = tpu.sem_alloc : memref<!tpu.dma_semaphore, #tpu.memory_space<semaphore_mem>>
      %dma_start3A = arith.constant 0 : i32
      %dma_start3A_38 = arith.constant 0 : i32
      %dma_start3A_39 = tpu.memref_slice %arg8[%dma_start3A, %dma_start3A_38] : memref<128x128xf32, #tpu.memory_space<vmem>> -> memref<128x128xf32, #tpu.memory_space<vmem>>
      %dma_start3A_40 = arith.constant 0 : i32
      %dma_start3A_41 = tpu.memref_slice %arg7[%add3A_27, %dma_start3A_40] : memref<10112x128xf32, #tpu.memory_space<vmem_shared>> -> memref<128x128xf32, #tpu.memory_space<vmem_shared>>
      %dma_start3A_42 = arith.constant 0 : i32
      %dma_start3A_43 = arith.constant 0 : i32
      %dma_start3A_44 = tpu.memref_slice %arg8[%dma_start3A_42, %dma_start3A_43] : memref<128x128xf32, #tpu.memory_space<vmem>> -> memref<128x128xf32, #tpu.memory_space<vmem>>
      %dma_start3A_45 = arith.constant 0 : i32
      %dma_start3A_46 = tpu.memref_slice %arg7[%add3A_27, %dma_start3A_45] : memref<10112x128xf32, #tpu.memory_space<vmem_shared>> -> memref<128x128xf32, #tpu.memory_space<vmem_shared>>
      tpu.enqueue_dma source(%dma_start3A_46 : memref<128x128xf32, #tpu.memory_space<vmem_shared>>) target(%dma_start3A_44 : memref<128x128xf32, #tpu.memory_space<vmem>>) target_semaphore(%run_scoped3A : memref<!tpu.dma_semaphore, #tpu.memory_space<semaphore_mem>>)
      %dma_wait3A = arith.constant 0 : i32
      %dma_wait3A_47 = arith.constant 0 : i32
      %dma_wait3A_48 = tpu.memref_slice %arg8[%dma_wait3A, %dma_wait3A_47] : memref<128x128xf32, #tpu.memory_space<vmem>> -> memref<128x128xf32, #tpu.memory_space<vmem>>
      %dma_wait3A_49 = arith.constant 0 : i32
      %dma_wait3A_50 = tpu.memref_slice %arg7[%add3A_27, %dma_wait3A_49] : memref<10112x128xf32, #tpu.memory_space<vmem_shared>> -> memref<128x128xf32, #tpu.memory_space<vmem_shared>>
      %dma_wait3A_51 = arith.constant 0 : i32
      %dma_wait3A_52 = arith.constant 0 : i32
      %dma_wait3A_53 = tpu.memref_slice %arg8[%dma_wait3A_51, %dma_wait3A_52] : memref<128x128xf32, #tpu.memory_space<vmem>> -> memref<128x128xf32, #tpu.memory_space<vmem>>
      %dma_wait3A_54 = arith.constant 0 : i32
      %dma_wait3A_55 = tpu.memref_slice %arg7[%add3A_27, %dma_wait3A_54] : memref<10112x128xf32, #tpu.memory_space<vmem_shared>> -> memref<128x128xf32, #tpu.memory_space<vmem_shared>>
      tpu.wait_dma2 semaphore(%run_scoped3A : memref<!tpu.dma_semaphore, #tpu.memory_space<semaphore_mem>>) src(%dma_wait3A_55 : memref<128x128xf32, #tpu.memory_space<vmem_shared>>) dst(%dma_wait3A_53 : memref<128x128xf32, #tpu.memory_space<vmem>>)
      tpu.yield
    }) : () -> ()
    %add3A_28 = arith.constant 256 : i32
    %add3A_29 = arith.addi %mul3A_0, %add3A_28 : i32
    "tpu.region"() ({
      %run_scoped3A = tpu.sem_alloc : memref<!tpu.dma_semaphore, #tpu.memory_space<semaphore_mem>>
      %dma_start3A = arith.constant 0 : i32
      %dma_start3A_38 = arith.constant 0 : i32
      %dma_start3A_39 = tpu.memref_slice %arg8[%dma_start3A, %dma_start3A_38] : memref<128x128xf32, #tpu.memory_space<vmem>> -> memref<128x128xf32, #tpu.memory_space<vmem>>
      %dma_start3A_40 = arith.constant 0 : i32
      %dma_start3A_41 = tpu.memref_slice %arg6[%arg0, %add3A_29, %dma_start3A_40] : memref<2x10112x128xf32, #tpu.memory_space<hbm>> -> memref<1x128x128xf32, #tpu.memory_space<hbm>>
      %dma_start3A_42 = tpu.memref_squeeze %dma_start3A_41 : memref<1x128x128xf32, #tpu.memory_space<hbm>> -> memref<128x128xf32, #tpu.memory_space<hbm>>
      %dma_start3A_43 = arith.constant 0 : i32
      %dma_start3A_44 = tpu.memref_slice %arg6[%arg0, %add3A_29, %dma_start3A_43] : memref<2x10112x128xf32, #tpu.memory_space<hbm>> -> memref<1x128x128xf32, #tpu.memory_space<hbm>>
      %dma_start3A_45 = tpu.memref_squeeze %dma_start3A_44 : memref<1x128x128xf32, #tpu.memory_space<hbm>> -> memref<128x128xf32, #tpu.memory_space<hbm>>
      %dma_start3A_46 = arith.constant 0 : i32
      %dma_start3A_47 = arith.constant 0 : i32
      %dma_start3A_48 = tpu.memref_slice %arg8[%dma_start3A_46, %dma_start3A_47] : memref<128x128xf32, #tpu.memory_space<vmem>> -> memref<128x128xf32, #tpu.memory_space<vmem>>
      tpu.enqueue_dma source(%dma_start3A_48 : memref<128x128xf32, #tpu.memory_space<vmem>>) target(%dma_start3A_45 : memref<128x128xf32, #tpu.memory_space<hbm>>) target_semaphore(%run_scoped3A : memref<!tpu.dma_semaphore, #tpu.memory_space<semaphore_mem>>)
      %dma_wait3A = arith.constant 0 : i32
      %dma_wait3A_49 = arith.constant 0 : i32
      %dma_wait3A_50 = tpu.memref_slice %arg8[%dma_wait3A, %dma_wait3A_49] : memref<128x128xf32, #tpu.memory_space<vmem>> -> memref<128x128xf32, #tpu.memory_space<vmem>>
      %dma_wait3A_51 = arith.constant 0 : i32
      %dma_wait3A_52 = tpu.memref_slice %arg6[%arg0, %add3A_29, %dma_wait3A_51] : memref<2x10112x128xf32, #tpu.memory_space<hbm>> -> memref<1x128x128xf32, #tpu.memory_space<hbm>>
      %dma_wait3A_53 = tpu.memref_squeeze %dma_wait3A_52 : memref<1x128x128xf32, #tpu.memory_space<hbm>> -> memref<128x128xf32, #tpu.memory_space<hbm>>
      %dma_wait3A_54 = arith.constant 0 : i32
      %dma_wait3A_55 = tpu.memref_slice %arg6[%arg0, %add3A_29, %dma_wait3A_54] : memref<2x10112x128xf32, #tpu.memory_space<hbm>> -> memref<1x128x128xf32, #tpu.memory_space<hbm>>
      %dma_wait3A_56 = tpu.memref_squeeze %dma_wait3A_55 : memref<1x128x128xf32, #tpu.memory_space<hbm>> -> memref<128x128xf32, #tpu.memory_space<hbm>>
      %dma_wait3A_57 = arith.constant 0 : i32
      %dma_wait3A_58 = arith.constant 0 : i32
      %dma_wait3A_59 = tpu.memref_slice %arg8[%dma_wait3A_57, %dma_wait3A_58] : memref<128x128xf32, #tpu.memory_space<vmem>> -> memref<128x128xf32, #tpu.memory_space<vmem>>
      tpu.wait_dma2 semaphore(%run_scoped3A : memref<!tpu.dma_semaphore, #tpu.memory_space<semaphore_mem>>) src(%dma_wait3A_59 : memref<128x128xf32, #tpu.memory_space<vmem>>) dst(%dma_wait3A_56 : memref<128x128xf32, #tpu.memory_space<hbm>>)
      tpu.yield
    }) : () -> ()
    %add3A_30 = arith.constant 384 : i32
    %add3A_31 = arith.addi %mul3A_0, %add3A_30 : i32
    "tpu.region"() ({
      %run_scoped3A = tpu.sem_alloc : memref<!tpu.dma_semaphore, #tpu.memory_space<semaphore_mem>>
      %dma_start3A = arith.constant 0 : i32
      %dma_start3A_38 = arith.constant 0 : i32
      %dma_start3A_39 = tpu.memref_slice %arg8[%dma_start3A, %dma_start3A_38] : memref<128x128xf32, #tpu.memory_space<vmem>> -> memref<128x128xf32, #tpu.memory_space<vmem>>
      %dma_start3A_40 = arith.constant 0 : i32
      %dma_start3A_41 = tpu.memref_slice %arg7[%add3A_31, %dma_start3A_40] : memref<10112x128xf32, #tpu.memory_space<vmem_shared>> -> memref<128x128xf32, #tpu.memory_space<vmem_shared>>
      %dma_start3A_42 = arith.constant 0 : i32
      %dma_start3A_43 = arith.constant 0 : i32
      %dma_start3A_44 = tpu.memref_slice %arg8[%dma_start3A_42, %dma_start3A_43] : memref<128x128xf32, #tpu.memory_space<vmem>> -> memref<128x128xf32, #tpu.memory_space<vmem>>
      %dma_start3A_45 = arith.constant 0 : i32
      %dma_start3A_46 = tpu.memref_slice %arg7[%add3A_31, %dma_start3A_45] : memref<10112x128xf32, #tpu.memory_space<vmem_shared>> -> memref<128x128xf32, #tpu.memory_space<vmem_shared>>
      tpu.enqueue_dma source(%dma_start3A_46 : memref<128x128xf32, #tpu.memory_space<vmem_shared>>) target(%dma_start3A_44 : memref<128x128xf32, #tpu.memory_space<vmem>>) target_semaphore(%run_scoped3A : memref<!tpu.dma_semaphore, #tpu.memory_space<semaphore_mem>>)
      %dma_wait3A = arith.constant 0 : i32
      %dma_wait3A_47 = arith.constant 0 : i32
      %dma_wait3A_48 = tpu.memref_slice %arg8[%dma_wait3A, %dma_wait3A_47] : memref<128x128xf32, #tpu.memory_space<vmem>> -> memref<128x128xf32, #tpu.memory_space<vmem>>
      %dma_wait3A_49 = arith.constant 0 : i32
      %dma_wait3A_50 = tpu.memref_slice %arg7[%add3A_31, %dma_wait3A_49] : memref<10112x128xf32, #tpu.memory_space<vmem_shared>> -> memref<128x128xf32, #tpu.memory_space<vmem_shared>>
      %dma_wait3A_51 = arith.constant 0 : i32
      %dma_wait3A_52 = arith.constant 0 : i32
      %dma_wait3A_53 = tpu.memref_slice %arg8[%dma_wait3A_51, %dma_wait3A_52] : memref<128x128xf32, #tpu.memory_space<vmem>> -> memref<128x128xf32, #tpu.memory_space<vmem>>
      %dma_wait3A_54 = arith.constant 0 : i32
      %dma_wait3A_55 = tpu.memref_slice %arg7[%add3A_31, %dma_wait3A_54] : memref<10112x128xf32, #tpu.memory_space<vmem_shared>> -> memref<128x128xf32, #tpu.memory_space<vmem_shared>>
      tpu.wait_dma2 semaphore(%run_scoped3A : memref<!tpu.dma_semaphore, #tpu.memory_space<semaphore_mem>>) src(%dma_wait3A_55 : memref<128x128xf32, #tpu.memory_space<vmem_shared>>) dst(%dma_wait3A_53 : memref<128x128xf32, #tpu.memory_space<vmem>>)
      tpu.yield
    }) : () -> ()
    %add3A_32 = arith.constant 384 : i32
    %add3A_33 = arith.addi %mul3A_0, %add3A_32 : i32
    "tpu.region"() ({
      %run_scoped3A = tpu.sem_alloc : memref<!tpu.dma_semaphore, #tpu.memory_space<semaphore_mem>>
      %dma_start3A = arith.constant 0 : i32
      %dma_start3A_38 = arith.constant 0 : i32
      %dma_start3A_39 = tpu.memref_slice %arg8[%dma_start3A, %dma_start3A_38] : memref<128x128xf32, #tpu.memory_space<vmem>> -> memref<128x128xf32, #tpu.memory_space<vmem>>
      %dma_start3A_40 = arith.constant 0 : i32
      %dma_start3A_41 = tpu.memref_slice %arg6[%arg0, %add3A_33, %dma_start3A_40] : memref<2x10112x128xf32, #tpu.memory_space<hbm>> -> memref<1x128x128xf32, #tpu.memory_space<hbm>>
      %dma_start3A_42 = tpu.memref_squeeze %dma_start3A_41 : memref<1x128x128xf32, #tpu.memory_space<hbm>> -> memref<128x128xf32, #tpu.memory_space<hbm>>
      %dma_start3A_43 = arith.constant 0 : i32
      %dma_start3A_44 = tpu.memref_slice %arg6[%arg0, %add3A_33, %dma_start3A_43] : memref<2x10112x128xf32, #tpu.memory_space<hbm>> -> memref<1x128x128xf32, #tpu.memory_space<hbm>>
      %dma_start3A_45 = tpu.memref_squeeze %dma_start3A_44 : memref<1x128x128xf32, #tpu.memory_space<hbm>> -> memref<128x128xf32, #tpu.memory_space<hbm>>
      %dma_start3A_46 = arith.constant 0 : i32
      %dma_start3A_47 = arith.constant 0 : i32
      %dma_start3A_48 = tpu.memref_slice %arg8[%dma_start3A_46, %dma_start3A_47] : memref<128x128xf32, #tpu.memory_space<vmem>> -> memref<128x128xf32, #tpu.memory_space<vmem>>
      tpu.enqueue_dma source(%dma_start3A_48 : memref<128x128xf32, #tpu.memory_space<vmem>>) target(%dma_start3A_45 : memref<128x128xf32, #tpu.memory_space<hbm>>) target_semaphore(%run_scoped3A : memref<!tpu.dma_semaphore, #tpu.memory_space<semaphore_mem>>)
      %dma_wait3A = arith.constant 0 : i32
      %dma_wait3A_49 = arith.constant 0 : i32
      %dma_wait3A_50 = tpu.memref_slice %arg8[%dma_wait3A, %dma_wait3A_49] : memref<128x128xf32, #tpu.memory_space<vmem>> -> memref<128x128xf32, #tpu.memory_space<vmem>>
      %dma_wait3A_51 = arith.constant 0 : i32
      %dma_wait3A_52 = tpu.memref_slice %arg6[%arg0, %add3A_33, %dma_wait3A_51] : memref<2x10112x128xf32, #tpu.memory_space<hbm>> -> memref<1x128x128xf32, #tpu.memory_space<hbm>>
      %dma_wait3A_53 = tpu.memref_squeeze %dma_wait3A_52 : memref<1x128x128xf32, #tpu.memory_space<hbm>> -> memref<128x128xf32, #tpu.memory_space<hbm>>
      %dma_wait3A_54 = arith.constant 0 : i32
      %dma_wait3A_55 = tpu.memref_slice %arg6[%arg0, %add3A_33, %dma_wait3A_54] : memref<2x10112x128xf32, #tpu.memory_space<hbm>> -> memref<1x128x128xf32, #tpu.memory_space<hbm>>
      %dma_wait3A_56 = tpu.memref_squeeze %dma_wait3A_55 : memref<1x128x128xf32, #tpu.memory_space<hbm>> -> memref<128x128xf32, #tpu.memory_space<hbm>>
      %dma_wait3A_57 = arith.constant 0 : i32
      %dma_wait3A_58 = arith.constant 0 : i32
      %dma_wait3A_59 = tpu.memref_slice %arg8[%dma_wait3A_57, %dma_wait3A_58] : memref<128x128xf32, #tpu.memory_space<vmem>> -> memref<128x128xf32, #tpu.memory_space<vmem>>
      tpu.wait_dma2 semaphore(%run_scoped3A : memref<!tpu.dma_semaphore, #tpu.memory_space<semaphore_mem>>) src(%dma_wait3A_59 : memref<128x128xf32, #tpu.memory_space<vmem>>) dst(%dma_wait3A_56 : memref<128x128xf32, #tpu.memory_space<hbm>>)
      tpu.yield
    }) : () -> ()
    %add3A_34 = arith.constant 512 : i32
    %add3A_35 = arith.addi %mul3A_0, %add3A_34 : i32
    "tpu.region"() ({
      %run_scoped3A = tpu.sem_alloc : memref<!tpu.dma_semaphore, #tpu.memory_space<semaphore_mem>>
      %dma_start3A = arith.constant 0 : i32
      %dma_start3A_38 = arith.constant 0 : i32
      %dma_start3A_39 = tpu.memref_slice %arg8[%dma_start3A, %dma_start3A_38] : memref<128x128xf32, #tpu.memory_space<vmem>> -> memref<120x128xf32, #tpu.memory_space<vmem>>
      %dma_start3A_40 = arith.constant 0 : i32
      %dma_start3A_41 = tpu.memref_slice %arg7[%add3A_35, %dma_start3A_40] : memref<10112x128xf32, #tpu.memory_space<vmem_shared>> -> memref<120x128xf32, #tpu.memory_space<vmem_shared>>
      %dma_start3A_42 = arith.constant 0 : i32
      %dma_start3A_43 = arith.constant 0 : i32
      %dma_start3A_44 = tpu.memref_slice %arg8[%dma_start3A_42, %dma_start3A_43] : memref<128x128xf32, #tpu.memory_space<vmem>> -> memref<120x128xf32, #tpu.memory_space<vmem>>
      %dma_start3A_45 = arith.constant 0 : i32
      %dma_start3A_46 = tpu.memref_slice %arg7[%add3A_35, %dma_start3A_45] : memref<10112x128xf32, #tpu.memory_space<vmem_shared>> -> memref<120x128xf32, #tpu.memory_space<vmem_shared>>
      tpu.enqueue_dma source(%dma_start3A_46 : memref<120x128xf32, #tpu.memory_space<vmem_shared>>) target(%dma_start3A_44 : memref<120x128xf32, #tpu.memory_space<vmem>>) target_semaphore(%run_scoped3A : memref<!tpu.dma_semaphore, #tpu.memory_space<semaphore_mem>>)
      %dma_wait3A = arith.constant 0 : i32
      %dma_wait3A_47 = arith.constant 0 : i32
      %dma_wait3A_48 = tpu.memref_slice %arg8[%dma_wait3A, %dma_wait3A_47] : memref<128x128xf32, #tpu.memory_space<vmem>> -> memref<120x128xf32, #tpu.memory_space<vmem>>
      %dma_wait3A_49 = arith.constant 0 : i32
      %dma_wait3A_50 = tpu.memref_slice %arg7[%add3A_35, %dma_wait3A_49] : memref<10112x128xf32, #tpu.memory_space<vmem_shared>> -> memref<120x128xf32, #tpu.memory_space<vmem_shared>>
      %dma_wait3A_51 = arith.constant 0 : i32
      %dma_wait3A_52 = arith.constant 0 : i32
      %dma_wait3A_53 = tpu.memref_slice %arg8[%dma_wait3A_51, %dma_wait3A_52] : memref<128x128xf32, #tpu.memory_space<vmem>> -> memref<120x128xf32, #tpu.memory_space<vmem>>
      %dma_wait3A_54 = arith.constant 0 : i32
      %dma_wait3A_55 = tpu.memref_slice %arg7[%add3A_35, %dma_wait3A_54] : memref<10112x128xf32, #tpu.memory_space<vmem_shared>> -> memref<120x128xf32, #tpu.memory_space<vmem_shared>>
      tpu.wait_dma2 semaphore(%run_scoped3A : memref<!tpu.dma_semaphore, #tpu.memory_space<semaphore_mem>>) src(%dma_wait3A_55 : memref<120x128xf32, #tpu.memory_space<vmem_shared>>) dst(%dma_wait3A_53 : memref<120x128xf32, #tpu.memory_space<vmem>>)
      tpu.yield
    }) : () -> ()
    %add3A_36 = arith.constant 512 : i32
    %add3A_37 = arith.addi %mul3A_0, %add3A_36 : i32
    "tpu.region"() ({
      %run_scoped3A = tpu.sem_alloc : memref<!tpu.dma_semaphore, #tpu.memory_space<semaphore_mem>>
      %dma_start3A = arith.constant 0 : i32
      %dma_start3A_38 = arith.constant 0 : i32
      %dma_start3A_39 = tpu.memref_slice %arg8[%dma_start3A, %dma_start3A_38] : memref<128x128xf32, #tpu.memory_space<vmem>> -> memref<120x128xf32, #tpu.memory_space<vmem>>
      %dma_start3A_40 = arith.constant 0 : i32
      %dma_start3A_41 = tpu.memref_slice %arg6[%arg0, %add3A_37, %dma_start3A_40] : memref<2x10112x128xf32, #tpu.memory_space<hbm>> -> memref<1x120x128xf32, #tpu.memory_space<hbm>>
      %dma_start3A_42 = tpu.memref_squeeze %dma_start3A_41 : memref<1x120x128xf32, #tpu.memory_space<hbm>> -> memref<120x128xf32, #tpu.memory_space<hbm>>
      %dma_start3A_43 = arith.constant 0 : i32
      %dma_start3A_44 = tpu.memref_slice %arg6[%arg0, %add3A_37, %dma_start3A_43] : memref<2x10112x128xf32, #tpu.memory_space<hbm>> -> memref<1x120x128xf32, #tpu.memory_space<hbm>>
      %dma_start3A_45 = tpu.memref_squeeze %dma_start3A_44 : memref<1x120x128xf32, #tpu.memory_space<hbm>> -> memref<120x128xf32, #tpu.memory_space<hbm>>
      %dma_start3A_46 = arith.constant 0 : i32
      %dma_start3A_47 = arith.constant 0 : i32
      %dma_start3A_48 = tpu.memref_slice %arg8[%dma_start3A_46, %dma_start3A_47] : memref<128x128xf32, #tpu.memory_space<vmem>> -> memref<120x128xf32, #tpu.memory_space<vmem>>
      tpu.enqueue_dma source(%dma_start3A_48 : memref<120x128xf32, #tpu.memory_space<vmem>>) target(%dma_start3A_45 : memref<120x128xf32, #tpu.memory_space<hbm>>) target_semaphore(%run_scoped3A : memref<!tpu.dma_semaphore, #tpu.memory_space<semaphore_mem>>)
      %dma_wait3A = arith.constant 0 : i32
      %dma_wait3A_49 = arith.constant 0 : i32
      %dma_wait3A_50 = tpu.memref_slice %arg8[%dma_wait3A, %dma_wait3A_49] : memref<128x128xf32, #tpu.memory_space<vmem>> -> memref<120x128xf32, #tpu.memory_space<vmem>>
      %dma_wait3A_51 = arith.constant 0 : i32
      %dma_wait3A_52 = tpu.memref_slice %arg6[%arg0, %add3A_37, %dma_wait3A_51] : memref<2x10112x128xf32, #tpu.memory_space<hbm>> -> memref<1x120x128xf32, #tpu.memory_space<hbm>>
      %dma_wait3A_53 = tpu.memref_squeeze %dma_wait3A_52 : memref<1x120x128xf32, #tpu.memory_space<hbm>> -> memref<120x128xf32, #tpu.memory_space<hbm>>
      %dma_wait3A_54 = arith.constant 0 : i32
      %dma_wait3A_55 = tpu.memref_slice %arg6[%arg0, %add3A_37, %dma_wait3A_54] : memref<2x10112x128xf32, #tpu.memory_space<hbm>> -> memref<1x120x128xf32, #tpu.memory_space<hbm>>
      %dma_wait3A_56 = tpu.memref_squeeze %dma_wait3A_55 : memref<1x120x128xf32, #tpu.memory_space<hbm>> -> memref<120x128xf32, #tpu.memory_space<hbm>>
      %dma_wait3A_57 = arith.constant 0 : i32
      %dma_wait3A_58 = arith.constant 0 : i32
      %dma_wait3A_59 = tpu.memref_slice %arg8[%dma_wait3A_57, %dma_wait3A_58] : memref<128x128xf32, #tpu.memory_space<vmem>> -> memref<120x128xf32, #tpu.memory_space<vmem>>
      tpu.wait_dma2 semaphore(%run_scoped3A : memref<!tpu.dma_semaphore, #tpu.memory_space<semaphore_mem>>) src(%dma_wait3A_59 : memref<120x128xf32, #tpu.memory_space<vmem>>) dst(%dma_wait3A_56 : memref<120x128xf32, #tpu.memory_space<hbm>>)
      tpu.yield
    }) : () -> ()
    return
  }
}

#map = affine_map<(d0, d1) -> (0, 0)>
#map1 = affine_map<(d0, d1) -> (0)>
#map2 = affine_map<(d0, d1) -> (0, 0, 0)>
module attributes {stable_mosaic.version = 14 : i64} {
  func.func @_sc_agg(%arg0: i32, %arg1: i32, %arg2: memref<10112x128xf32, #tpu.memory_space<hbm>>, %arg3: memref<327680xi32, #tpu.memory_space<hbm>>, %arg4: memref<327680xi32, #tpu.memory_space<hbm>>, %arg5: memref<128x128xf32, #tpu.memory_space<hbm>>, %arg6: memref<2x10112x128xf32, #tpu.memory_space<hbm>>, %arg7: memref<10112x128xf32, #tpu.memory_space<vmem_shared>>, %arg8: memref<128x128xf32, #tpu.memory_space<vmem>>, %arg9: memref<128x128xf32, #tpu.memory_space<vmem>>, %arg10: memref<128xi32, #tpu.memory_space<vmem>>, %arg11: memref<128xi32, #tpu.memory_space<vmem>>, %arg12: memref<128xi32, #tpu.memory_space<vmem>>, %arg13: memref<128xi32, #tpu.memory_space<vmem>>, %arg14: memref<!tpu.dma_semaphore, #tpu.memory_space<semaphore_mem>>, %arg15: memref<!tpu.dma_semaphore, #tpu.memory_space<semaphore_mem>>) attributes {dimension_semantics = [#tpu.dimension_semantics<core_parallel>, #tpu.dimension_semantics<subcore_parallel>], iteration_bounds = array<i64: 2, 16>, scalar_prefetch = 0 : i64, scratch_operands = 9 : i64, tpu.core_type = #tpu.core_type<sc_vector_subcore>, window_params = [{transform_indices = #map}, {transform_indices = #map1}, {transform_indices = #map1}, {transform_indices = #map}, {transform_indices = #map2}]} {
    %mul3A = arith.constant 632 : i32
    %mul3A_0 = arith.muli %arg1, %mul3A : i32
    "tpu.region"() ({
      %run_scoped3A = tpu.sem_alloc : memref<!tpu.dma_semaphore, #tpu.memory_space<semaphore_mem>>
      tpu.enqueue_dma source(%arg5 : memref<128x128xf32, #tpu.memory_space<hbm>>) target(%arg8 : memref<128x128xf32, #tpu.memory_space<vmem>>) target_semaphore(%run_scoped3A : memref<!tpu.dma_semaphore, #tpu.memory_space<semaphore_mem>>)
      tpu.wait_dma2 semaphore(%run_scoped3A : memref<!tpu.dma_semaphore, #tpu.memory_space<semaphore_mem>>) src(%arg5 : memref<128x128xf32, #tpu.memory_space<hbm>>) dst(%arg8 : memref<128x128xf32, #tpu.memory_space<vmem>>)
      tpu.yield
    }) : () -> ()
    %add3A = arith.constant 0 : i32
    %add3A_1 = arith.addi %mul3A_0, %add3A : i32
    "tpu.region"() ({
      %run_scoped3A = tpu.sem_alloc : memref<!tpu.dma_semaphore, #tpu.memory_space<semaphore_mem>>
      %dma_start3A = arith.constant 0 : i32
      %dma_start3A_38 = arith.constant 0 : i32
      %dma_start3A_39 = tpu.memref_slice %arg8[%dma_start3A, %dma_start3A_38] : memref<128x128xf32, #tpu.memory_space<vmem>> -> memref<128x128xf32, #tpu.memory_space<vmem>>
      %dma_start3A_40 = arith.constant 0 : i32
      %dma_start3A_41 = tpu.memref_slice %arg7[%add3A_1, %dma_start3A_40] : memref<10112x128xf32, #tpu.memory_space<vmem_shared>> -> memref<128x128xf32, #tpu.memory_space<vmem_shared>>
      %dma_start3A_42 = arith.constant 0 : i32
      %dma_start3A_43 = tpu.memref_slice %arg7[%add3A_1, %dma_start3A_42] : memref<10112x128xf32, #tpu.memory_space<vmem_shared>> -> memref<128x128xf32, #tpu.memory_space<vmem_shared>>
      %dma_start3A_44 = arith.constant 0 : i32
      %dma_start3A_45 = arith.constant 0 : i32
      %dma_start3A_46 = tpu.memref_slice %arg8[%dma_start3A_44, %dma_start3A_45] : memref<128x128xf32, #tpu.memory_space<vmem>> -> memref<128x128xf32, #tpu.memory_space<vmem>>
      tpu.enqueue_dma source(%dma_start3A_46 : memref<128x128xf32, #tpu.memory_space<vmem>>) target(%dma_start3A_43 : memref<128x128xf32, #tpu.memory_space<vmem_shared>>) target_semaphore(%run_scoped3A : memref<!tpu.dma_semaphore, #tpu.memory_space<semaphore_mem>>)
      %dma_wait3A = arith.constant 0 : i32
      %dma_wait3A_47 = arith.constant 0 : i32
      %dma_wait3A_48 = tpu.memref_slice %arg8[%dma_wait3A, %dma_wait3A_47] : memref<128x128xf32, #tpu.memory_space<vmem>> -> memref<128x128xf32, #tpu.memory_space<vmem>>
      %dma_wait3A_49 = arith.constant 0 : i32
      %dma_wait3A_50 = tpu.memref_slice %arg7[%add3A_1, %dma_wait3A_49] : memref<10112x128xf32, #tpu.memory_space<vmem_shared>> -> memref<128x128xf32, #tpu.memory_space<vmem_shared>>
      %dma_wait3A_51 = arith.constant 0 : i32
      %dma_wait3A_52 = tpu.memref_slice %arg7[%add3A_1, %dma_wait3A_51] : memref<10112x128xf32, #tpu.memory_space<vmem_shared>> -> memref<128x128xf32, #tpu.memory_space<vmem_shared>>
      %dma_wait3A_53 = arith.constant 0 : i32
      %dma_wait3A_54 = arith.constant 0 : i32
      %dma_wait3A_55 = tpu.memref_slice %arg8[%dma_wait3A_53, %dma_wait3A_54] : memref<128x128xf32, #tpu.memory_space<vmem>> -> memref<128x128xf32, #tpu.memory_space<vmem>>
      tpu.wait_dma2 semaphore(%run_scoped3A : memref<!tpu.dma_semaphore, #tpu.memory_space<semaphore_mem>>) src(%dma_wait3A_55 : memref<128x128xf32, #tpu.memory_space<vmem>>) dst(%dma_wait3A_52 : memref<128x128xf32, #tpu.memory_space<vmem_shared>>)
      tpu.yield
    }) : () -> ()
    %add3A_2 = arith.constant 128 : i32
    %add3A_3 = arith.addi %mul3A_0, %add3A_2 : i32
    "tpu.region"() ({
      %run_scoped3A = tpu.sem_alloc : memref<!tpu.dma_semaphore, #tpu.memory_space<semaphore_mem>>
      %dma_start3A = arith.constant 0 : i32
      %dma_start3A_38 = arith.constant 0 : i32
      %dma_start3A_39 = tpu.memref_slice %arg8[%dma_start3A, %dma_start3A_38] : memref<128x128xf32, #tpu.memory_space<vmem>> -> memref<128x128xf32, #tpu.memory_space<vmem>>
      %dma_start3A_40 = arith.constant 0 : i32
      %dma_start3A_41 = tpu.memref_slice %arg7[%add3A_3, %dma_start3A_40] : memref<10112x128xf32, #tpu.memory_space<vmem_shared>> -> memref<128x128xf32, #tpu.memory_space<vmem_shared>>
      %dma_start3A_42 = arith.constant 0 : i32
      %dma_start3A_43 = tpu.memref_slice %arg7[%add3A_3, %dma_start3A_42] : memref<10112x128xf32, #tpu.memory_space<vmem_shared>> -> memref<128x128xf32, #tpu.memory_space<vmem_shared>>
      %dma_start3A_44 = arith.constant 0 : i32
      %dma_start3A_45 = arith.constant 0 : i32
      %dma_start3A_46 = tpu.memref_slice %arg8[%dma_start3A_44, %dma_start3A_45] : memref<128x128xf32, #tpu.memory_space<vmem>> -> memref<128x128xf32, #tpu.memory_space<vmem>>
      tpu.enqueue_dma source(%dma_start3A_46 : memref<128x128xf32, #tpu.memory_space<vmem>>) target(%dma_start3A_43 : memref<128x128xf32, #tpu.memory_space<vmem_shared>>) target_semaphore(%run_scoped3A : memref<!tpu.dma_semaphore, #tpu.memory_space<semaphore_mem>>)
      %dma_wait3A = arith.constant 0 : i32
      %dma_wait3A_47 = arith.constant 0 : i32
      %dma_wait3A_48 = tpu.memref_slice %arg8[%dma_wait3A, %dma_wait3A_47] : memref<128x128xf32, #tpu.memory_space<vmem>> -> memref<128x128xf32, #tpu.memory_space<vmem>>
      %dma_wait3A_49 = arith.constant 0 : i32
      %dma_wait3A_50 = tpu.memref_slice %arg7[%add3A_3, %dma_wait3A_49] : memref<10112x128xf32, #tpu.memory_space<vmem_shared>> -> memref<128x128xf32, #tpu.memory_space<vmem_shared>>
      %dma_wait3A_51 = arith.constant 0 : i32
      %dma_wait3A_52 = tpu.memref_slice %arg7[%add3A_3, %dma_wait3A_51] : memref<10112x128xf32, #tpu.memory_space<vmem_shared>> -> memref<128x128xf32, #tpu.memory_space<vmem_shared>>
      %dma_wait3A_53 = arith.constant 0 : i32
      %dma_wait3A_54 = arith.constant 0 : i32
      %dma_wait3A_55 = tpu.memref_slice %arg8[%dma_wait3A_53, %dma_wait3A_54] : memref<128x128xf32, #tpu.memory_space<vmem>> -> memref<128x128xf32, #tpu.memory_space<vmem>>
      tpu.wait_dma2 semaphore(%run_scoped3A : memref<!tpu.dma_semaphore, #tpu.memory_space<semaphore_mem>>) src(%dma_wait3A_55 : memref<128x128xf32, #tpu.memory_space<vmem>>) dst(%dma_wait3A_52 : memref<128x128xf32, #tpu.memory_space<vmem_shared>>)
      tpu.yield
    }) : () -> ()
    %add3A_4 = arith.constant 256 : i32
    %add3A_5 = arith.addi %mul3A_0, %add3A_4 : i32
    "tpu.region"() ({
      %run_scoped3A = tpu.sem_alloc : memref<!tpu.dma_semaphore, #tpu.memory_space<semaphore_mem>>
      %dma_start3A = arith.constant 0 : i32
      %dma_start3A_38 = arith.constant 0 : i32
      %dma_start3A_39 = tpu.memref_slice %arg8[%dma_start3A, %dma_start3A_38] : memref<128x128xf32, #tpu.memory_space<vmem>> -> memref<128x128xf32, #tpu.memory_space<vmem>>
      %dma_start3A_40 = arith.constant 0 : i32
      %dma_start3A_41 = tpu.memref_slice %arg7[%add3A_5, %dma_start3A_40] : memref<10112x128xf32, #tpu.memory_space<vmem_shared>> -> memref<128x128xf32, #tpu.memory_space<vmem_shared>>
      %dma_start3A_42 = arith.constant 0 : i32
      %dma_start3A_43 = tpu.memref_slice %arg7[%add3A_5, %dma_start3A_42] : memref<10112x128xf32, #tpu.memory_space<vmem_shared>> -> memref<128x128xf32, #tpu.memory_space<vmem_shared>>
      %dma_start3A_44 = arith.constant 0 : i32
      %dma_start3A_45 = arith.constant 0 : i32
      %dma_start3A_46 = tpu.memref_slice %arg8[%dma_start3A_44, %dma_start3A_45] : memref<128x128xf32, #tpu.memory_space<vmem>> -> memref<128x128xf32, #tpu.memory_space<vmem>>
      tpu.enqueue_dma source(%dma_start3A_46 : memref<128x128xf32, #tpu.memory_space<vmem>>) target(%dma_start3A_43 : memref<128x128xf32, #tpu.memory_space<vmem_shared>>) target_semaphore(%run_scoped3A : memref<!tpu.dma_semaphore, #tpu.memory_space<semaphore_mem>>)
      %dma_wait3A = arith.constant 0 : i32
      %dma_wait3A_47 = arith.constant 0 : i32
      %dma_wait3A_48 = tpu.memref_slice %arg8[%dma_wait3A, %dma_wait3A_47] : memref<128x128xf32, #tpu.memory_space<vmem>> -> memref<128x128xf32, #tpu.memory_space<vmem>>
      %dma_wait3A_49 = arith.constant 0 : i32
      %dma_wait3A_50 = tpu.memref_slice %arg7[%add3A_5, %dma_wait3A_49] : memref<10112x128xf32, #tpu.memory_space<vmem_shared>> -> memref<128x128xf32, #tpu.memory_space<vmem_shared>>
      %dma_wait3A_51 = arith.constant 0 : i32
      %dma_wait3A_52 = tpu.memref_slice %arg7[%add3A_5, %dma_wait3A_51] : memref<10112x128xf32, #tpu.memory_space<vmem_shared>> -> memref<128x128xf32, #tpu.memory_space<vmem_shared>>
      %dma_wait3A_53 = arith.constant 0 : i32
      %dma_wait3A_54 = arith.constant 0 : i32
      %dma_wait3A_55 = tpu.memref_slice %arg8[%dma_wait3A_53, %dma_wait3A_54] : memref<128x128xf32, #tpu.memory_space<vmem>> -> memref<128x128xf32, #tpu.memory_space<vmem>>
      tpu.wait_dma2 semaphore(%run_scoped3A : memref<!tpu.dma_semaphore, #tpu.memory_space<semaphore_mem>>) src(%dma_wait3A_55 : memref<128x128xf32, #tpu.memory_space<vmem>>) dst(%dma_wait3A_52 : memref<128x128xf32, #tpu.memory_space<vmem_shared>>)
      tpu.yield
    }) : () -> ()
    %add3A_6 = arith.constant 384 : i32
    %add3A_7 = arith.addi %mul3A_0, %add3A_6 : i32
    "tpu.region"() ({
      %run_scoped3A = tpu.sem_alloc : memref<!tpu.dma_semaphore, #tpu.memory_space<semaphore_mem>>
      %dma_start3A = arith.constant 0 : i32
      %dma_start3A_38 = arith.constant 0 : i32
      %dma_start3A_39 = tpu.memref_slice %arg8[%dma_start3A, %dma_start3A_38] : memref<128x128xf32, #tpu.memory_space<vmem>> -> memref<128x128xf32, #tpu.memory_space<vmem>>
      %dma_start3A_40 = arith.constant 0 : i32
      %dma_start3A_41 = tpu.memref_slice %arg7[%add3A_7, %dma_start3A_40] : memref<10112x128xf32, #tpu.memory_space<vmem_shared>> -> memref<128x128xf32, #tpu.memory_space<vmem_shared>>
      %dma_start3A_42 = arith.constant 0 : i32
      %dma_start3A_43 = tpu.memref_slice %arg7[%add3A_7, %dma_start3A_42] : memref<10112x128xf32, #tpu.memory_space<vmem_shared>> -> memref<128x128xf32, #tpu.memory_space<vmem_shared>>
      %dma_start3A_44 = arith.constant 0 : i32
      %dma_start3A_45 = arith.constant 0 : i32
      %dma_start3A_46 = tpu.memref_slice %arg8[%dma_start3A_44, %dma_start3A_45] : memref<128x128xf32, #tpu.memory_space<vmem>> -> memref<128x128xf32, #tpu.memory_space<vmem>>
      tpu.enqueue_dma source(%dma_start3A_46 : memref<128x128xf32, #tpu.memory_space<vmem>>) target(%dma_start3A_43 : memref<128x128xf32, #tpu.memory_space<vmem_shared>>) target_semaphore(%run_scoped3A : memref<!tpu.dma_semaphore, #tpu.memory_space<semaphore_mem>>)
      %dma_wait3A = arith.constant 0 : i32
      %dma_wait3A_47 = arith.constant 0 : i32
      %dma_wait3A_48 = tpu.memref_slice %arg8[%dma_wait3A, %dma_wait3A_47] : memref<128x128xf32, #tpu.memory_space<vmem>> -> memref<128x128xf32, #tpu.memory_space<vmem>>
      %dma_wait3A_49 = arith.constant 0 : i32
      %dma_wait3A_50 = tpu.memref_slice %arg7[%add3A_7, %dma_wait3A_49] : memref<10112x128xf32, #tpu.memory_space<vmem_shared>> -> memref<128x128xf32, #tpu.memory_space<vmem_shared>>
      %dma_wait3A_51 = arith.constant 0 : i32
      %dma_wait3A_52 = tpu.memref_slice %arg7[%add3A_7, %dma_wait3A_51] : memref<10112x128xf32, #tpu.memory_space<vmem_shared>> -> memref<128x128xf32, #tpu.memory_space<vmem_shared>>
      %dma_wait3A_53 = arith.constant 0 : i32
      %dma_wait3A_54 = arith.constant 0 : i32
      %dma_wait3A_55 = tpu.memref_slice %arg8[%dma_wait3A_53, %dma_wait3A_54] : memref<128x128xf32, #tpu.memory_space<vmem>> -> memref<128x128xf32, #tpu.memory_space<vmem>>
      tpu.wait_dma2 semaphore(%run_scoped3A : memref<!tpu.dma_semaphore, #tpu.memory_space<semaphore_mem>>) src(%dma_wait3A_55 : memref<128x128xf32, #tpu.memory_space<vmem>>) dst(%dma_wait3A_52 : memref<128x128xf32, #tpu.memory_space<vmem_shared>>)
      tpu.yield
    }) : () -> ()
    %add3A_8 = arith.constant 512 : i32
    %add3A_9 = arith.addi %mul3A_0, %add3A_8 : i32
    "tpu.region"() ({
      %run_scoped3A = tpu.sem_alloc : memref<!tpu.dma_semaphore, #tpu.memory_space<semaphore_mem>>
      %dma_start3A = arith.constant 0 : i32
      %dma_start3A_38 = arith.constant 0 : i32
      %dma_start3A_39 = tpu.memref_slice %arg8[%dma_start3A, %dma_start3A_38] : memref<128x128xf32, #tpu.memory_space<vmem>> -> memref<120x128xf32, #tpu.memory_space<vmem>>
      %dma_start3A_40 = arith.constant 0 : i32
      %dma_start3A_41 = tpu.memref_slice %arg7[%add3A_9, %dma_start3A_40] : memref<10112x128xf32, #tpu.memory_space<vmem_shared>> -> memref<120x128xf32, #tpu.memory_space<vmem_shared>>
      %dma_start3A_42 = arith.constant 0 : i32
      %dma_start3A_43 = tpu.memref_slice %arg7[%add3A_9, %dma_start3A_42] : memref<10112x128xf32, #tpu.memory_space<vmem_shared>> -> memref<120x128xf32, #tpu.memory_space<vmem_shared>>
      %dma_start3A_44 = arith.constant 0 : i32
      %dma_start3A_45 = arith.constant 0 : i32
      %dma_start3A_46 = tpu.memref_slice %arg8[%dma_start3A_44, %dma_start3A_45] : memref<128x128xf32, #tpu.memory_space<vmem>> -> memref<120x128xf32, #tpu.memory_space<vmem>>
      tpu.enqueue_dma source(%dma_start3A_46 : memref<120x128xf32, #tpu.memory_space<vmem>>) target(%dma_start3A_43 : memref<120x128xf32, #tpu.memory_space<vmem_shared>>) target_semaphore(%run_scoped3A : memref<!tpu.dma_semaphore, #tpu.memory_space<semaphore_mem>>)
      %dma_wait3A = arith.constant 0 : i32
      %dma_wait3A_47 = arith.constant 0 : i32
      %dma_wait3A_48 = tpu.memref_slice %arg8[%dma_wait3A, %dma_wait3A_47] : memref<128x128xf32, #tpu.memory_space<vmem>> -> memref<120x128xf32, #tpu.memory_space<vmem>>
      %dma_wait3A_49 = arith.constant 0 : i32
      %dma_wait3A_50 = tpu.memref_slice %arg7[%add3A_9, %dma_wait3A_49] : memref<10112x128xf32, #tpu.memory_space<vmem_shared>> -> memref<120x128xf32, #tpu.memory_space<vmem_shared>>
      %dma_wait3A_51 = arith.constant 0 : i32
      %dma_wait3A_52 = tpu.memref_slice %arg7[%add3A_9, %dma_wait3A_51] : memref<10112x128xf32, #tpu.memory_space<vmem_shared>> -> memref<120x128xf32, #tpu.memory_space<vmem_shared>>
      %dma_wait3A_53 = arith.constant 0 : i32
      %dma_wait3A_54 = arith.constant 0 : i32
      %dma_wait3A_55 = tpu.memref_slice %arg8[%dma_wait3A_53, %dma_wait3A_54] : memref<128x128xf32, #tpu.memory_space<vmem>> -> memref<120x128xf32, #tpu.memory_space<vmem>>
      tpu.wait_dma2 semaphore(%run_scoped3A : memref<!tpu.dma_semaphore, #tpu.memory_space<semaphore_mem>>) src(%dma_wait3A_55 : memref<120x128xf32, #tpu.memory_space<vmem>>) dst(%dma_wait3A_52 : memref<120x128xf32, #tpu.memory_space<vmem_shared>>)
      tpu.yield
    }) : () -> ()
    %barrier3A = arith.constant 0 : index
    tpu.barrier barrier_id(%barrier3A)
    %eq3A = arith.constant 0 : i32
    %eq3A_10 = arith.cmpi eq, %arg0, %eq3A : i32
    %convert_element_type3A = arith.extui %eq3A_10 : i1 to i32
    %cond3A = arith.constant 0 : i32
    %cond3A_11 = arith.cmpi ne, %convert_element_type3A, %cond3A : i32
    scf.if %cond3A_11 {
      %mul3A_38 = arith.constant 14592 : i32
      %mul3A_39 = arith.muli %arg1, %mul3A_38 : i32
      "tpu.region"() ({
        %run_scoped3A = tpu.sem_alloc : memref<!tpu.dma_semaphore, #tpu.memory_space<semaphore_mem>>
        %dma_start3A_57 = tpu.memref_slice %arg3[%mul3A_39] : memref<327680xi32, #tpu.memory_space<hbm>> -> memref<128xi32, #tpu.memory_space<hbm>>
        %dma_start3A_58 = tpu.memref_slice %arg3[%mul3A_39] : memref<327680xi32, #tpu.memory_space<hbm>> -> memref<128xi32, #tpu.memory_space<hbm>>
        tpu.enqueue_dma source(%dma_start3A_58 : memref<128xi32, #tpu.memory_space<hbm>>) target(%arg10 : memref<128xi32, #tpu.memory_space<vmem>>) target_semaphore(%run_scoped3A : memref<!tpu.dma_semaphore, #tpu.memory_space<semaphore_mem>>)
        %dma_wait3A_59 = tpu.memref_slice %arg3[%mul3A_39] : memref<327680xi32, #tpu.memory_space<hbm>> -> memref<128xi32, #tpu.memory_space<hbm>>
        %dma_wait3A_60 = tpu.memref_slice %arg3[%mul3A_39] : memref<327680xi32, #tpu.memory_space<hbm>> -> memref<128xi32, #tpu.memory_space<hbm>>
        tpu.wait_dma2 semaphore(%run_scoped3A : memref<!tpu.dma_semaphore, #tpu.memory_space<semaphore_mem>>) src(%dma_wait3A_60 : memref<128xi32, #tpu.memory_space<hbm>>) dst(%arg10 : memref<128xi32, #tpu.memory_space<vmem>>)
        tpu.yield
      }) : () -> ()
      "tpu.region"() ({
        %run_scoped3A = tpu.sem_alloc : memref<!tpu.dma_semaphore, #tpu.memory_space<semaphore_mem>>
        %dma_start3A_57 = tpu.memref_slice %arg4[%mul3A_39] : memref<327680xi32, #tpu.memory_space<hbm>> -> memref<128xi32, #tpu.memory_space<hbm>>
        %dma_start3A_58 = tpu.memref_slice %arg4[%mul3A_39] : memref<327680xi32, #tpu.memory_space<hbm>> -> memref<128xi32, #tpu.memory_space<hbm>>
        tpu.enqueue_dma source(%dma_start3A_58 : memref<128xi32, #tpu.memory_space<hbm>>) target(%arg12 : memref<128xi32, #tpu.memory_space<vmem>>) target_semaphore(%run_scoped3A : memref<!tpu.dma_semaphore, #tpu.memory_space<semaphore_mem>>)
        %dma_wait3A_59 = tpu.memref_slice %arg4[%mul3A_39] : memref<327680xi32, #tpu.memory_space<hbm>> -> memref<128xi32, #tpu.memory_space<hbm>>
        %dma_wait3A_60 = tpu.memref_slice %arg4[%mul3A_39] : memref<327680xi32, #tpu.memory_space<hbm>> -> memref<128xi32, #tpu.memory_space<hbm>>
        tpu.wait_dma2 semaphore(%run_scoped3A : memref<!tpu.dma_semaphore, #tpu.memory_space<semaphore_mem>>) src(%dma_wait3A_60 : memref<128xi32, #tpu.memory_space<hbm>>) dst(%arg12 : memref<128xi32, #tpu.memory_space<vmem>>)
        tpu.yield
      }) : () -> ()
      %dma_start3A = arith.constant 0 : i32
      %dma_start3A_40 = arith.constant 0 : i32
      %dma_start3A_41 = tpu.memref_slice %arg2[%dma_start3A, %dma_start3A_40] : memref<10112x128xf32, #tpu.memory_space<hbm>> -> memref<10112x128xf32, #tpu.memory_space<hbm>>
      tpu.enqueue_indirect_dma source(%dma_start3A_41 : memref<10112x128xf32, #tpu.memory_space<hbm>>) target(%arg8 : memref<128x128xf32, #tpu.memory_space<vmem>>) offsets(%arg10 : memref<128xi32, #tpu.memory_space<vmem>>) semaphore(%arg14 : memref<!tpu.dma_semaphore, #tpu.memory_space<semaphore_mem>>)
      %scan3A = arith.constant 0 : i32
      %scan3A_42 = arith.constant 0 : i32
      %scan3A_43 = arith.constant 56 : i32
      %scan3A_44 = arith.addi %scan3A_42, %scan3A_43 : i32
      %scan3A_45 = arith.constant 1 : i32
      scf.for %scan3A_57 = %scan3A_42 to %scan3A_44 step %scan3A_45  : i32 {
        %mul3A_58 = arith.constant 2 : i32
        %mul3A_59 = arith.muli %mul3A_58, %scan3A_57 : i32
        %add3A_60 = arith.constant 1 : i32
        %add3A_61 = arith.addi %mul3A_59, %add3A_60 : i32
        %mul3A_62 = arith.constant 128 : i32
        %mul3A_63 = arith.muli %add3A_61, %mul3A_62 : i32
        %add3A_64 = arith.addi %mul3A_39, %mul3A_63 : i32
        "tpu.region"() ({
          %run_scoped3A = tpu.sem_alloc : memref<!tpu.dma_semaphore, #tpu.memory_space<semaphore_mem>>
          %dma_start3A_84 = tpu.memref_slice %arg3[%add3A_64] : memref<327680xi32, #tpu.memory_space<hbm>> -> memref<128xi32, #tpu.memory_space<hbm>>
          %dma_start3A_85 = tpu.memref_slice %arg3[%add3A_64] : memref<327680xi32, #tpu.memory_space<hbm>> -> memref<128xi32, #tpu.memory_space<hbm>>
          tpu.enqueue_dma source(%dma_start3A_85 : memref<128xi32, #tpu.memory_space<hbm>>) target(%arg11 : memref<128xi32, #tpu.memory_space<vmem>>) target_semaphore(%run_scoped3A : memref<!tpu.dma_semaphore, #tpu.memory_space<semaphore_mem>>)
          %dma_wait3A_86 = tpu.memref_slice %arg3[%add3A_64] : memref<327680xi32, #tpu.memory_space<hbm>> -> memref<128xi32, #tpu.memory_space<hbm>>
          %dma_wait3A_87 = tpu.memref_slice %arg3[%add3A_64] : memref<327680xi32, #tpu.memory_space<hbm>> -> memref<128xi32, #tpu.memory_space<hbm>>
          tpu.wait_dma2 semaphore(%run_scoped3A : memref<!tpu.dma_semaphore, #tpu.memory_space<semaphore_mem>>) src(%dma_wait3A_87 : memref<128xi32, #tpu.memory_space<hbm>>) dst(%arg11 : memref<128xi32, #tpu.memory_space<vmem>>)
          tpu.yield
        }) : () -> ()
        "tpu.region"() ({
          %run_scoped3A = tpu.sem_alloc : memref<!tpu.dma_semaphore, #tpu.memory_space<semaphore_mem>>
          %dma_start3A_84 = tpu.memref_slice %arg4[%add3A_64] : memref<327680xi32, #tpu.memory_space<hbm>> -> memref<128xi32, #tpu.memory_space<hbm>>
          %dma_start3A_85 = tpu.memref_slice %arg4[%add3A_64] : memref<327680xi32, #tpu.memory_space<hbm>> -> memref<128xi32, #tpu.memory_space<hbm>>
          tpu.enqueue_dma source(%dma_start3A_85 : memref<128xi32, #tpu.memory_space<hbm>>) target(%arg13 : memref<128xi32, #tpu.memory_space<vmem>>) target_semaphore(%run_scoped3A : memref<!tpu.dma_semaphore, #tpu.memory_space<semaphore_mem>>)
          %dma_wait3A_86 = tpu.memref_slice %arg4[%add3A_64] : memref<327680xi32, #tpu.memory_space<hbm>> -> memref<128xi32, #tpu.memory_space<hbm>>
          %dma_wait3A_87 = tpu.memref_slice %arg4[%add3A_64] : memref<327680xi32, #tpu.memory_space<hbm>> -> memref<128xi32, #tpu.memory_space<hbm>>
          tpu.wait_dma2 semaphore(%run_scoped3A : memref<!tpu.dma_semaphore, #tpu.memory_space<semaphore_mem>>) src(%dma_wait3A_87 : memref<128xi32, #tpu.memory_space<hbm>>) dst(%arg13 : memref<128xi32, #tpu.memory_space<vmem>>)
          tpu.yield
        }) : () -> ()
        %dma_start3A_65 = arith.constant 0 : i32
        %dma_start3A_66 = arith.constant 0 : i32
        %dma_start3A_67 = tpu.memref_slice %arg2[%dma_start3A_65, %dma_start3A_66] : memref<10112x128xf32, #tpu.memory_space<hbm>> -> memref<10112x128xf32, #tpu.memory_space<hbm>>
        tpu.enqueue_indirect_dma source(%dma_start3A_67 : memref<10112x128xf32, #tpu.memory_space<hbm>>) target(%arg9 : memref<128x128xf32, #tpu.memory_space<vmem>>) offsets(%arg11 : memref<128xi32, #tpu.memory_space<vmem>>) semaphore(%arg15 : memref<!tpu.dma_semaphore, #tpu.memory_space<semaphore_mem>>)
        %dma_wait3A_68 = arith.constant 0 : i32
        %dma_wait3A_69 = arith.constant 0 : i32
        %dma_wait3A_70 = tpu.memref_slice %arg2[%dma_wait3A_68, %dma_wait3A_69] : memref<10112x128xf32, #tpu.memory_space<hbm>> -> memref<10112x128xf32, #tpu.memory_space<hbm>>
        tpu.wait_indirect_dma semaphore(%arg14 : memref<!tpu.dma_semaphore, #tpu.memory_space<semaphore_mem>>) src(%dma_wait3A_70 : memref<10112x128xf32, #tpu.memory_space<hbm>>) dst(%arg8 : memref<128x128xf32, #tpu.memory_space<vmem>>)
        "tpu.region"() ({
          %run_scoped3A = tpu.sem_alloc : memref<!tpu.dma_semaphore, #tpu.memory_space<semaphore_mem>>
          %dma_start3A_84 = arith.constant 0 : i32
          %dma_start3A_85 = arith.constant 0 : i32
          %dma_start3A_86 = tpu.memref_slice %arg7[%dma_start3A_84, %dma_start3A_85] : memref<10112x128xf32, #tpu.memory_space<vmem_shared>> -> memref<10112x128xf32, #tpu.memory_space<vmem_shared>>
          tpu.enqueue_indirect_dma source(%arg8 : memref<128x128xf32, #tpu.memory_space<vmem>>) target(%dma_start3A_86 : memref<10112x128xf32, #tpu.memory_space<vmem_shared>>) offsets(%arg12 : memref<128xi32, #tpu.memory_space<vmem>>) semaphore(%run_scoped3A : memref<!tpu.dma_semaphore, #tpu.memory_space<semaphore_mem>>) {add = true}
          %dma_wait3A_87 = arith.constant 0 : i32
          %dma_wait3A_88 = arith.constant 0 : i32
          %dma_wait3A_89 = tpu.memref_slice %arg7[%dma_wait3A_87, %dma_wait3A_88] : memref<10112x128xf32, #tpu.memory_space<vmem_shared>> -> memref<10112x128xf32, #tpu.memory_space<vmem_shared>>
          tpu.wait_indirect_dma semaphore(%run_scoped3A : memref<!tpu.dma_semaphore, #tpu.memory_space<semaphore_mem>>) src(%arg8 : memref<128x128xf32, #tpu.memory_space<vmem>>) dst(%dma_wait3A_89 : memref<10112x128xf32, #tpu.memory_space<vmem_shared>>)
          tpu.yield
        }) : () -> ()
        %mul3A_71 = arith.constant 2 : i32
        %mul3A_72 = arith.muli %mul3A_71, %scan3A_57 : i32
        %add3A_73 = arith.constant 2 : i32
        %add3A_74 = arith.addi %mul3A_72, %add3A_73 : i32
        %mul3A_75 = arith.constant 128 : i32
        %mul3A_76 = arith.muli %add3A_74, %mul3A_75 : i32
        %add3A_77 = arith.addi %mul3A_39, %mul3A_76 : i32
        "tpu.region"() ({
          %run_scoped3A = tpu.sem_alloc : memref<!tpu.dma_semaphore, #tpu.memory_space<semaphore_mem>>
          %dma_start3A_84 = tpu.memref_slice %arg3[%add3A_77] : memref<327680xi32, #tpu.memory_space<hbm>> -> memref<128xi32, #tpu.memory_space<hbm>>
          %dma_start3A_85 = tpu.memref_slice %arg3[%add3A_77] : memref<327680xi32, #tpu.memory_space<hbm>> -> memref<128xi32, #tpu.memory_space<hbm>>
          tpu.enqueue_dma source(%dma_start3A_85 : memref<128xi32, #tpu.memory_space<hbm>>) target(%arg10 : memref<128xi32, #tpu.memory_space<vmem>>) target_semaphore(%run_scoped3A : memref<!tpu.dma_semaphore, #tpu.memory_space<semaphore_mem>>)
          %dma_wait3A_86 = tpu.memref_slice %arg3[%add3A_77] : memref<327680xi32, #tpu.memory_space<hbm>> -> memref<128xi32, #tpu.memory_space<hbm>>
          %dma_wait3A_87 = tpu.memref_slice %arg3[%add3A_77] : memref<327680xi32, #tpu.memory_space<hbm>> -> memref<128xi32, #tpu.memory_space<hbm>>
          tpu.wait_dma2 semaphore(%run_scoped3A : memref<!tpu.dma_semaphore, #tpu.memory_space<semaphore_mem>>) src(%dma_wait3A_87 : memref<128xi32, #tpu.memory_space<hbm>>) dst(%arg10 : memref<128xi32, #tpu.memory_space<vmem>>)
          tpu.yield
        }) : () -> ()
        "tpu.region"() ({
          %run_scoped3A = tpu.sem_alloc : memref<!tpu.dma_semaphore, #tpu.memory_space<semaphore_mem>>
          %dma_start3A_84 = tpu.memref_slice %arg4[%add3A_77] : memref<327680xi32, #tpu.memory_space<hbm>> -> memref<128xi32, #tpu.memory_space<hbm>>
          %dma_start3A_85 = tpu.memref_slice %arg4[%add3A_77] : memref<327680xi32, #tpu.memory_space<hbm>> -> memref<128xi32, #tpu.memory_space<hbm>>
          tpu.enqueue_dma source(%dma_start3A_85 : memref<128xi32, #tpu.memory_space<hbm>>) target(%arg12 : memref<128xi32, #tpu.memory_space<vmem>>) target_semaphore(%run_scoped3A : memref<!tpu.dma_semaphore, #tpu.memory_space<semaphore_mem>>)
          %dma_wait3A_86 = tpu.memref_slice %arg4[%add3A_77] : memref<327680xi32, #tpu.memory_space<hbm>> -> memref<128xi32, #tpu.memory_space<hbm>>
          %dma_wait3A_87 = tpu.memref_slice %arg4[%add3A_77] : memref<327680xi32, #tpu.memory_space<hbm>> -> memref<128xi32, #tpu.memory_space<hbm>>
          tpu.wait_dma2 semaphore(%run_scoped3A : memref<!tpu.dma_semaphore, #tpu.memory_space<semaphore_mem>>) src(%dma_wait3A_87 : memref<128xi32, #tpu.memory_space<hbm>>) dst(%arg12 : memref<128xi32, #tpu.memory_space<vmem>>)
          tpu.yield
        }) : () -> ()
        %dma_start3A_78 = arith.constant 0 : i32
        %dma_start3A_79 = arith.constant 0 : i32
        %dma_start3A_80 = tpu.memref_slice %arg2[%dma_start3A_78, %dma_start3A_79] : memref<10112x128xf32, #tpu.memory_space<hbm>> -> memref<10112x128xf32, #tpu.memory_space<hbm>>
        tpu.enqueue_indirect_dma source(%dma_start3A_80 : memref<10112x128xf32, #tpu.memory_space<hbm>>) target(%arg8 : memref<128x128xf32, #tpu.memory_space<vmem>>) offsets(%arg10 : memref<128xi32, #tpu.memory_space<vmem>>) semaphore(%arg14 : memref<!tpu.dma_semaphore, #tpu.memory_space<semaphore_mem>>)
        %dma_wait3A_81 = arith.constant 0 : i32
        %dma_wait3A_82 = arith.constant 0 : i32
        %dma_wait3A_83 = tpu.memref_slice %arg2[%dma_wait3A_81, %dma_wait3A_82] : memref<10112x128xf32, #tpu.memory_space<hbm>> -> memref<10112x128xf32, #tpu.memory_space<hbm>>
        tpu.wait_indirect_dma semaphore(%arg15 : memref<!tpu.dma_semaphore, #tpu.memory_space<semaphore_mem>>) src(%dma_wait3A_83 : memref<10112x128xf32, #tpu.memory_space<hbm>>) dst(%arg9 : memref<128x128xf32, #tpu.memory_space<vmem>>)
        "tpu.region"() ({
          %run_scoped3A = tpu.sem_alloc : memref<!tpu.dma_semaphore, #tpu.memory_space<semaphore_mem>>
          %dma_start3A_84 = arith.constant 0 : i32
          %dma_start3A_85 = arith.constant 0 : i32
          %dma_start3A_86 = tpu.memref_slice %arg7[%dma_start3A_84, %dma_start3A_85] : memref<10112x128xf32, #tpu.memory_space<vmem_shared>> -> memref<10112x128xf32, #tpu.memory_space<vmem_shared>>
          tpu.enqueue_indirect_dma source(%arg9 : memref<128x128xf32, #tpu.memory_space<vmem>>) target(%dma_start3A_86 : memref<10112x128xf32, #tpu.memory_space<vmem_shared>>) offsets(%arg13 : memref<128xi32, #tpu.memory_space<vmem>>) semaphore(%run_scoped3A : memref<!tpu.dma_semaphore, #tpu.memory_space<semaphore_mem>>) {add = true}
          %dma_wait3A_87 = arith.constant 0 : i32
          %dma_wait3A_88 = arith.constant 0 : i32
          %dma_wait3A_89 = tpu.memref_slice %arg7[%dma_wait3A_87, %dma_wait3A_88] : memref<10112x128xf32, #tpu.memory_space<vmem_shared>> -> memref<10112x128xf32, #tpu.memory_space<vmem_shared>>
          tpu.wait_indirect_dma semaphore(%run_scoped3A : memref<!tpu.dma_semaphore, #tpu.memory_space<semaphore_mem>>) src(%arg9 : memref<128x128xf32, #tpu.memory_space<vmem>>) dst(%dma_wait3A_89 : memref<10112x128xf32, #tpu.memory_space<vmem_shared>>)
          tpu.yield
        }) : () -> ()
      }
      %scan3A_46 = arith.constant 56 : i32
      %add3A_47 = arith.constant 14464 : i32
      %add3A_48 = arith.addi %mul3A_39, %add3A_47 : i32
      "tpu.region"() ({
        %run_scoped3A = tpu.sem_alloc : memref<!tpu.dma_semaphore, #tpu.memory_space<semaphore_mem>>
        %dma_start3A_57 = tpu.memref_slice %arg3[%add3A_48] : memref<327680xi32, #tpu.memory_space<hbm>> -> memref<128xi32, #tpu.memory_space<hbm>>
        %dma_start3A_58 = tpu.memref_slice %arg3[%add3A_48] : memref<327680xi32, #tpu.memory_space<hbm>> -> memref<128xi32, #tpu.memory_space<hbm>>
        tpu.enqueue_dma source(%dma_start3A_58 : memref<128xi32, #tpu.memory_space<hbm>>) target(%arg11 : memref<128xi32, #tpu.memory_space<vmem>>) target_semaphore(%run_scoped3A : memref<!tpu.dma_semaphore, #tpu.memory_space<semaphore_mem>>)
        %dma_wait3A_59 = tpu.memref_slice %arg3[%add3A_48] : memref<327680xi32, #tpu.memory_space<hbm>> -> memref<128xi32, #tpu.memory_space<hbm>>
        %dma_wait3A_60 = tpu.memref_slice %arg3[%add3A_48] : memref<327680xi32, #tpu.memory_space<hbm>> -> memref<128xi32, #tpu.memory_space<hbm>>
        tpu.wait_dma2 semaphore(%run_scoped3A : memref<!tpu.dma_semaphore, #tpu.memory_space<semaphore_mem>>) src(%dma_wait3A_60 : memref<128xi32, #tpu.memory_space<hbm>>) dst(%arg11 : memref<128xi32, #tpu.memory_space<vmem>>)
        tpu.yield
      }) : () -> ()
      "tpu.region"() ({
        %run_scoped3A = tpu.sem_alloc : memref<!tpu.dma_semaphore, #tpu.memory_space<semaphore_mem>>
        %dma_start3A_57 = tpu.memref_slice %arg4[%add3A_48] : memref<327680xi32, #tpu.memory_space<hbm>> -> memref<128xi32, #tpu.memory_space<hbm>>
        %dma_start3A_58 = tpu.memref_slice %arg4[%add3A_48] : memref<327680xi32, #tpu.memory_space<hbm>> -> memref<128xi32, #tpu.memory_space<hbm>>
        tpu.enqueue_dma source(%dma_start3A_58 : memref<128xi32, #tpu.memory_space<hbm>>) target(%arg13 : memref<128xi32, #tpu.memory_space<vmem>>) target_semaphore(%run_scoped3A : memref<!tpu.dma_semaphore, #tpu.memory_space<semaphore_mem>>)
        %dma_wait3A_59 = tpu.memref_slice %arg4[%add3A_48] : memref<327680xi32, #tpu.memory_space<hbm>> -> memref<128xi32, #tpu.memory_space<hbm>>
        %dma_wait3A_60 = tpu.memref_slice %arg4[%add3A_48] : memref<327680xi32, #tpu.memory_space<hbm>> -> memref<128xi32, #tpu.memory_space<hbm>>
        tpu.wait_dma2 semaphore(%run_scoped3A : memref<!tpu.dma_semaphore, #tpu.memory_space<semaphore_mem>>) src(%dma_wait3A_60 : memref<128xi32, #tpu.memory_space<hbm>>) dst(%arg13 : memref<128xi32, #tpu.memory_space<vmem>>)
        tpu.yield
      }) : () -> ()
      %dma_start3A_49 = arith.constant 0 : i32
      %dma_start3A_50 = arith.constant 0 : i32
      %dma_start3A_51 = tpu.memref_slice %arg2[%dma_start3A_49, %dma_start3A_50] : memref<10112x128xf32, #tpu.memory_space<hbm>> -> memref<10112x128xf32, #tpu.memory_space<hbm>>
      tpu.enqueue_indirect_dma source(%dma_start3A_51 : memref<10112x128xf32, #tpu.memory_space<hbm>>) target(%arg9 : memref<128x128xf32, #tpu.memory_space<vmem>>) offsets(%arg11 : memref<128xi32, #tpu.memory_space<vmem>>) semaphore(%arg15 : memref<!tpu.dma_semaphore, #tpu.memory_space<semaphore_mem>>)
      %dma_wait3A = arith.constant 0 : i32
      %dma_wait3A_52 = arith.constant 0 : i32
      %dma_wait3A_53 = tpu.memref_slice %arg2[%dma_wait3A, %dma_wait3A_52] : memref<10112x128xf32, #tpu.memory_space<hbm>> -> memref<10112x128xf32, #tpu.memory_space<hbm>>
      tpu.wait_indirect_dma semaphore(%arg14 : memref<!tpu.dma_semaphore, #tpu.memory_space<semaphore_mem>>) src(%dma_wait3A_53 : memref<10112x128xf32, #tpu.memory_space<hbm>>) dst(%arg8 : memref<128x128xf32, #tpu.memory_space<vmem>>)
      "tpu.region"() ({
        %run_scoped3A = tpu.sem_alloc : memref<!tpu.dma_semaphore, #tpu.memory_space<semaphore_mem>>
        %dma_start3A_57 = arith.constant 0 : i32
        %dma_start3A_58 = arith.constant 0 : i32
        %dma_start3A_59 = tpu.memref_slice %arg7[%dma_start3A_57, %dma_start3A_58] : memref<10112x128xf32, #tpu.memory_space<vmem_shared>> -> memref<10112x128xf32, #tpu.memory_space<vmem_shared>>
        tpu.enqueue_indirect_dma source(%arg8 : memref<128x128xf32, #tpu.memory_space<vmem>>) target(%dma_start3A_59 : memref<10112x128xf32, #tpu.memory_space<vmem_shared>>) offsets(%arg12 : memref<128xi32, #tpu.memory_space<vmem>>) semaphore(%run_scoped3A : memref<!tpu.dma_semaphore, #tpu.memory_space<semaphore_mem>>) {add = true}
        %dma_wait3A_60 = arith.constant 0 : i32
        %dma_wait3A_61 = arith.constant 0 : i32
        %dma_wait3A_62 = tpu.memref_slice %arg7[%dma_wait3A_60, %dma_wait3A_61] : memref<10112x128xf32, #tpu.memory_space<vmem_shared>> -> memref<10112x128xf32, #tpu.memory_space<vmem_shared>>
        tpu.wait_indirect_dma semaphore(%run_scoped3A : memref<!tpu.dma_semaphore, #tpu.memory_space<semaphore_mem>>) src(%arg8 : memref<128x128xf32, #tpu.memory_space<vmem>>) dst(%dma_wait3A_62 : memref<10112x128xf32, #tpu.memory_space<vmem_shared>>)
        tpu.yield
      }) : () -> ()
      %dma_wait3A_54 = arith.constant 0 : i32
      %dma_wait3A_55 = arith.constant 0 : i32
      %dma_wait3A_56 = tpu.memref_slice %arg2[%dma_wait3A_54, %dma_wait3A_55] : memref<10112x128xf32, #tpu.memory_space<hbm>> -> memref<10112x128xf32, #tpu.memory_space<hbm>>
      tpu.wait_indirect_dma semaphore(%arg15 : memref<!tpu.dma_semaphore, #tpu.memory_space<semaphore_mem>>) src(%dma_wait3A_56 : memref<10112x128xf32, #tpu.memory_space<hbm>>) dst(%arg9 : memref<128x128xf32, #tpu.memory_space<vmem>>)
      "tpu.region"() ({
        %run_scoped3A = tpu.sem_alloc : memref<!tpu.dma_semaphore, #tpu.memory_space<semaphore_mem>>
        %dma_start3A_57 = arith.constant 0 : i32
        %dma_start3A_58 = arith.constant 0 : i32
        %dma_start3A_59 = tpu.memref_slice %arg7[%dma_start3A_57, %dma_start3A_58] : memref<10112x128xf32, #tpu.memory_space<vmem_shared>> -> memref<10112x128xf32, #tpu.memory_space<vmem_shared>>
        tpu.enqueue_indirect_dma source(%arg9 : memref<128x128xf32, #tpu.memory_space<vmem>>) target(%dma_start3A_59 : memref<10112x128xf32, #tpu.memory_space<vmem_shared>>) offsets(%arg13 : memref<128xi32, #tpu.memory_space<vmem>>) semaphore(%run_scoped3A : memref<!tpu.dma_semaphore, #tpu.memory_space<semaphore_mem>>) {add = true}
        %dma_wait3A_60 = arith.constant 0 : i32
        %dma_wait3A_61 = arith.constant 0 : i32
        %dma_wait3A_62 = tpu.memref_slice %arg7[%dma_wait3A_60, %dma_wait3A_61] : memref<10112x128xf32, #tpu.memory_space<vmem_shared>> -> memref<10112x128xf32, #tpu.memory_space<vmem_shared>>
        tpu.wait_indirect_dma semaphore(%run_scoped3A : memref<!tpu.dma_semaphore, #tpu.memory_space<semaphore_mem>>) src(%arg9 : memref<128x128xf32, #tpu.memory_space<vmem>>) dst(%dma_wait3A_62 : memref<10112x128xf32, #tpu.memory_space<vmem_shared>>)
        tpu.yield
      }) : () -> ()
    } else {
    }
    %eq3A_12 = arith.constant 1 : i32
    %eq3A_13 = arith.cmpi eq, %arg0, %eq3A_12 : i32
    %convert_element_type3A_14 = arith.extui %eq3A_13 : i1 to i32
    %cond3A_15 = arith.constant 0 : i32
    %cond3A_16 = arith.cmpi ne, %convert_element_type3A_14, %cond3A_15 : i32
    scf.if %cond3A_16 {
      %mul3A_38 = arith.constant 5888 : i32
      %mul3A_39 = arith.muli %arg1, %mul3A_38 : i32
      %add3A_40 = arith.constant 233472 : i32
      %add3A_41 = arith.addi %add3A_40, %mul3A_39 : i32
      "tpu.region"() ({
        %run_scoped3A = tpu.sem_alloc : memref<!tpu.dma_semaphore, #tpu.memory_space<semaphore_mem>>
        %dma_start3A_59 = tpu.memref_slice %arg3[%add3A_41] : memref<327680xi32, #tpu.memory_space<hbm>> -> memref<128xi32, #tpu.memory_space<hbm>>
        %dma_start3A_60 = tpu.memref_slice %arg3[%add3A_41] : memref<327680xi32, #tpu.memory_space<hbm>> -> memref<128xi32, #tpu.memory_space<hbm>>
        tpu.enqueue_dma source(%dma_start3A_60 : memref<128xi32, #tpu.memory_space<hbm>>) target(%arg10 : memref<128xi32, #tpu.memory_space<vmem>>) target_semaphore(%run_scoped3A : memref<!tpu.dma_semaphore, #tpu.memory_space<semaphore_mem>>)
        %dma_wait3A_61 = tpu.memref_slice %arg3[%add3A_41] : memref<327680xi32, #tpu.memory_space<hbm>> -> memref<128xi32, #tpu.memory_space<hbm>>
        %dma_wait3A_62 = tpu.memref_slice %arg3[%add3A_41] : memref<327680xi32, #tpu.memory_space<hbm>> -> memref<128xi32, #tpu.memory_space<hbm>>
        tpu.wait_dma2 semaphore(%run_scoped3A : memref<!tpu.dma_semaphore, #tpu.memory_space<semaphore_mem>>) src(%dma_wait3A_62 : memref<128xi32, #tpu.memory_space<hbm>>) dst(%arg10 : memref<128xi32, #tpu.memory_space<vmem>>)
        tpu.yield
      }) : () -> ()
      "tpu.region"() ({
        %run_scoped3A = tpu.sem_alloc : memref<!tpu.dma_semaphore, #tpu.memory_space<semaphore_mem>>
        %dma_start3A_59 = tpu.memref_slice %arg4[%add3A_41] : memref<327680xi32, #tpu.memory_space<hbm>> -> memref<128xi32, #tpu.memory_space<hbm>>
        %dma_start3A_60 = tpu.memref_slice %arg4[%add3A_41] : memref<327680xi32, #tpu.memory_space<hbm>> -> memref<128xi32, #tpu.memory_space<hbm>>
        tpu.enqueue_dma source(%dma_start3A_60 : memref<128xi32, #tpu.memory_space<hbm>>) target(%arg12 : memref<128xi32, #tpu.memory_space<vmem>>) target_semaphore(%run_scoped3A : memref<!tpu.dma_semaphore, #tpu.memory_space<semaphore_mem>>)
        %dma_wait3A_61 = tpu.memref_slice %arg4[%add3A_41] : memref<327680xi32, #tpu.memory_space<hbm>> -> memref<128xi32, #tpu.memory_space<hbm>>
        %dma_wait3A_62 = tpu.memref_slice %arg4[%add3A_41] : memref<327680xi32, #tpu.memory_space<hbm>> -> memref<128xi32, #tpu.memory_space<hbm>>
        tpu.wait_dma2 semaphore(%run_scoped3A : memref<!tpu.dma_semaphore, #tpu.memory_space<semaphore_mem>>) src(%dma_wait3A_62 : memref<128xi32, #tpu.memory_space<hbm>>) dst(%arg12 : memref<128xi32, #tpu.memory_space<vmem>>)
        tpu.yield
      }) : () -> ()
      %dma_start3A = arith.constant 0 : i32
      %dma_start3A_42 = arith.constant 0 : i32
      %dma_start3A_43 = tpu.memref_slice %arg2[%dma_start3A, %dma_start3A_42] : memref<10112x128xf32, #tpu.memory_space<hbm>> -> memref<10112x128xf32, #tpu.memory_space<hbm>>
      tpu.enqueue_indirect_dma source(%dma_start3A_43 : memref<10112x128xf32, #tpu.memory_space<hbm>>) target(%arg8 : memref<128x128xf32, #tpu.memory_space<vmem>>) offsets(%arg10 : memref<128xi32, #tpu.memory_space<vmem>>) semaphore(%arg14 : memref<!tpu.dma_semaphore, #tpu.memory_space<semaphore_mem>>)
      %scan3A = arith.constant 0 : i32
      %scan3A_44 = arith.constant 0 : i32
      %scan3A_45 = arith.constant 22 : i32
      %scan3A_46 = arith.addi %scan3A_44, %scan3A_45 : i32
      %scan3A_47 = arith.constant 1 : i32
      scf.for %scan3A_59 = %scan3A_44 to %scan3A_46 step %scan3A_47  : i32 {
        %mul3A_60 = arith.constant 2 : i32
        %mul3A_61 = arith.muli %mul3A_60, %scan3A_59 : i32
        %add3A_62 = arith.constant 1 : i32
        %add3A_63 = arith.addi %mul3A_61, %add3A_62 : i32
        %mul3A_64 = arith.constant 128 : i32
        %mul3A_65 = arith.muli %add3A_63, %mul3A_64 : i32
        %add3A_66 = arith.addi %add3A_41, %mul3A_65 : i32
        "tpu.region"() ({
          %run_scoped3A = tpu.sem_alloc : memref<!tpu.dma_semaphore, #tpu.memory_space<semaphore_mem>>
          %dma_start3A_86 = tpu.memref_slice %arg3[%add3A_66] : memref<327680xi32, #tpu.memory_space<hbm>> -> memref<128xi32, #tpu.memory_space<hbm>>
          %dma_start3A_87 = tpu.memref_slice %arg3[%add3A_66] : memref<327680xi32, #tpu.memory_space<hbm>> -> memref<128xi32, #tpu.memory_space<hbm>>
          tpu.enqueue_dma source(%dma_start3A_87 : memref<128xi32, #tpu.memory_space<hbm>>) target(%arg11 : memref<128xi32, #tpu.memory_space<vmem>>) target_semaphore(%run_scoped3A : memref<!tpu.dma_semaphore, #tpu.memory_space<semaphore_mem>>)
          %dma_wait3A_88 = tpu.memref_slice %arg3[%add3A_66] : memref<327680xi32, #tpu.memory_space<hbm>> -> memref<128xi32, #tpu.memory_space<hbm>>
          %dma_wait3A_89 = tpu.memref_slice %arg3[%add3A_66] : memref<327680xi32, #tpu.memory_space<hbm>> -> memref<128xi32, #tpu.memory_space<hbm>>
          tpu.wait_dma2 semaphore(%run_scoped3A : memref<!tpu.dma_semaphore, #tpu.memory_space<semaphore_mem>>) src(%dma_wait3A_89 : memref<128xi32, #tpu.memory_space<hbm>>) dst(%arg11 : memref<128xi32, #tpu.memory_space<vmem>>)
          tpu.yield
        }) : () -> ()
        "tpu.region"() ({
          %run_scoped3A = tpu.sem_alloc : memref<!tpu.dma_semaphore, #tpu.memory_space<semaphore_mem>>
          %dma_start3A_86 = tpu.memref_slice %arg4[%add3A_66] : memref<327680xi32, #tpu.memory_space<hbm>> -> memref<128xi32, #tpu.memory_space<hbm>>
          %dma_start3A_87 = tpu.memref_slice %arg4[%add3A_66] : memref<327680xi32, #tpu.memory_space<hbm>> -> memref<128xi32, #tpu.memory_space<hbm>>
          tpu.enqueue_dma source(%dma_start3A_87 : memref<128xi32, #tpu.memory_space<hbm>>) target(%arg13 : memref<128xi32, #tpu.memory_space<vmem>>) target_semaphore(%run_scoped3A : memref<!tpu.dma_semaphore, #tpu.memory_space<semaphore_mem>>)
          %dma_wait3A_88 = tpu.memref_slice %arg4[%add3A_66] : memref<327680xi32, #tpu.memory_space<hbm>> -> memref<128xi32, #tpu.memory_space<hbm>>
          %dma_wait3A_89 = tpu.memref_slice %arg4[%add3A_66] : memref<327680xi32, #tpu.memory_space<hbm>> -> memref<128xi32, #tpu.memory_space<hbm>>
          tpu.wait_dma2 semaphore(%run_scoped3A : memref<!tpu.dma_semaphore, #tpu.memory_space<semaphore_mem>>) src(%dma_wait3A_89 : memref<128xi32, #tpu.memory_space<hbm>>) dst(%arg13 : memref<128xi32, #tpu.memory_space<vmem>>)
          tpu.yield
        }) : () -> ()
        %dma_start3A_67 = arith.constant 0 : i32
        %dma_start3A_68 = arith.constant 0 : i32
        %dma_start3A_69 = tpu.memref_slice %arg2[%dma_start3A_67, %dma_start3A_68] : memref<10112x128xf32, #tpu.memory_space<hbm>> -> memref<10112x128xf32, #tpu.memory_space<hbm>>
        tpu.enqueue_indirect_dma source(%dma_start3A_69 : memref<10112x128xf32, #tpu.memory_space<hbm>>) target(%arg9 : memref<128x128xf32, #tpu.memory_space<vmem>>) offsets(%arg11 : memref<128xi32, #tpu.memory_space<vmem>>) semaphore(%arg15 : memref<!tpu.dma_semaphore, #tpu.memory_space<semaphore_mem>>)
        %dma_wait3A_70 = arith.constant 0 : i32
        %dma_wait3A_71 = arith.constant 0 : i32
        %dma_wait3A_72 = tpu.memref_slice %arg2[%dma_wait3A_70, %dma_wait3A_71] : memref<10112x128xf32, #tpu.memory_space<hbm>> -> memref<10112x128xf32, #tpu.memory_space<hbm>>
        tpu.wait_indirect_dma semaphore(%arg14 : memref<!tpu.dma_semaphore, #tpu.memory_space<semaphore_mem>>) src(%dma_wait3A_72 : memref<10112x128xf32, #tpu.memory_space<hbm>>) dst(%arg8 : memref<128x128xf32, #tpu.memory_space<vmem>>)
        "tpu.region"() ({
          %run_scoped3A = tpu.sem_alloc : memref<!tpu.dma_semaphore, #tpu.memory_space<semaphore_mem>>
          %dma_start3A_86 = arith.constant 0 : i32
          %dma_start3A_87 = arith.constant 0 : i32
          %dma_start3A_88 = tpu.memref_slice %arg7[%dma_start3A_86, %dma_start3A_87] : memref<10112x128xf32, #tpu.memory_space<vmem_shared>> -> memref<10112x128xf32, #tpu.memory_space<vmem_shared>>
          tpu.enqueue_indirect_dma source(%arg8 : memref<128x128xf32, #tpu.memory_space<vmem>>) target(%dma_start3A_88 : memref<10112x128xf32, #tpu.memory_space<vmem_shared>>) offsets(%arg12 : memref<128xi32, #tpu.memory_space<vmem>>) semaphore(%run_scoped3A : memref<!tpu.dma_semaphore, #tpu.memory_space<semaphore_mem>>) {add = true}
          %dma_wait3A_89 = arith.constant 0 : i32
          %dma_wait3A_90 = arith.constant 0 : i32
          %dma_wait3A_91 = tpu.memref_slice %arg7[%dma_wait3A_89, %dma_wait3A_90] : memref<10112x128xf32, #tpu.memory_space<vmem_shared>> -> memref<10112x128xf32, #tpu.memory_space<vmem_shared>>
          tpu.wait_indirect_dma semaphore(%run_scoped3A : memref<!tpu.dma_semaphore, #tpu.memory_space<semaphore_mem>>) src(%arg8 : memref<128x128xf32, #tpu.memory_space<vmem>>) dst(%dma_wait3A_91 : memref<10112x128xf32, #tpu.memory_space<vmem_shared>>)
          tpu.yield
        }) : () -> ()
        %mul3A_73 = arith.constant 2 : i32
        %mul3A_74 = arith.muli %mul3A_73, %scan3A_59 : i32
        %add3A_75 = arith.constant 2 : i32
        %add3A_76 = arith.addi %mul3A_74, %add3A_75 : i32
        %mul3A_77 = arith.constant 128 : i32
        %mul3A_78 = arith.muli %add3A_76, %mul3A_77 : i32
        %add3A_79 = arith.addi %add3A_41, %mul3A_78 : i32
        "tpu.region"() ({
          %run_scoped3A = tpu.sem_alloc : memref<!tpu.dma_semaphore, #tpu.memory_space<semaphore_mem>>
          %dma_start3A_86 = tpu.memref_slice %arg3[%add3A_79] : memref<327680xi32, #tpu.memory_space<hbm>> -> memref<128xi32, #tpu.memory_space<hbm>>
          %dma_start3A_87 = tpu.memref_slice %arg3[%add3A_79] : memref<327680xi32, #tpu.memory_space<hbm>> -> memref<128xi32, #tpu.memory_space<hbm>>
          tpu.enqueue_dma source(%dma_start3A_87 : memref<128xi32, #tpu.memory_space<hbm>>) target(%arg10 : memref<128xi32, #tpu.memory_space<vmem>>) target_semaphore(%run_scoped3A : memref<!tpu.dma_semaphore, #tpu.memory_space<semaphore_mem>>)
          %dma_wait3A_88 = tpu.memref_slice %arg3[%add3A_79] : memref<327680xi32, #tpu.memory_space<hbm>> -> memref<128xi32, #tpu.memory_space<hbm>>
          %dma_wait3A_89 = tpu.memref_slice %arg3[%add3A_79] : memref<327680xi32, #tpu.memory_space<hbm>> -> memref<128xi32, #tpu.memory_space<hbm>>
          tpu.wait_dma2 semaphore(%run_scoped3A : memref<!tpu.dma_semaphore, #tpu.memory_space<semaphore_mem>>) src(%dma_wait3A_89 : memref<128xi32, #tpu.memory_space<hbm>>) dst(%arg10 : memref<128xi32, #tpu.memory_space<vmem>>)
          tpu.yield
        }) : () -> ()
        "tpu.region"() ({
          %run_scoped3A = tpu.sem_alloc : memref<!tpu.dma_semaphore, #tpu.memory_space<semaphore_mem>>
          %dma_start3A_86 = tpu.memref_slice %arg4[%add3A_79] : memref<327680xi32, #tpu.memory_space<hbm>> -> memref<128xi32, #tpu.memory_space<hbm>>
          %dma_start3A_87 = tpu.memref_slice %arg4[%add3A_79] : memref<327680xi32, #tpu.memory_space<hbm>> -> memref<128xi32, #tpu.memory_space<hbm>>
          tpu.enqueue_dma source(%dma_start3A_87 : memref<128xi32, #tpu.memory_space<hbm>>) target(%arg12 : memref<128xi32, #tpu.memory_space<vmem>>) target_semaphore(%run_scoped3A : memref<!tpu.dma_semaphore, #tpu.memory_space<semaphore_mem>>)
          %dma_wait3A_88 = tpu.memref_slice %arg4[%add3A_79] : memref<327680xi32, #tpu.memory_space<hbm>> -> memref<128xi32, #tpu.memory_space<hbm>>
          %dma_wait3A_89 = tpu.memref_slice %arg4[%add3A_79] : memref<327680xi32, #tpu.memory_space<hbm>> -> memref<128xi32, #tpu.memory_space<hbm>>
          tpu.wait_dma2 semaphore(%run_scoped3A : memref<!tpu.dma_semaphore, #tpu.memory_space<semaphore_mem>>) src(%dma_wait3A_89 : memref<128xi32, #tpu.memory_space<hbm>>) dst(%arg12 : memref<128xi32, #tpu.memory_space<vmem>>)
          tpu.yield
        }) : () -> ()
        %dma_start3A_80 = arith.constant 0 : i32
        %dma_start3A_81 = arith.constant 0 : i32
        %dma_start3A_82 = tpu.memref_slice %arg2[%dma_start3A_80, %dma_start3A_81] : memref<10112x128xf32, #tpu.memory_space<hbm>> -> memref<10112x128xf32, #tpu.memory_space<hbm>>
        tpu.enqueue_indirect_dma source(%dma_start3A_82 : memref<10112x128xf32, #tpu.memory_space<hbm>>) target(%arg8 : memref<128x128xf32, #tpu.memory_space<vmem>>) offsets(%arg10 : memref<128xi32, #tpu.memory_space<vmem>>) semaphore(%arg14 : memref<!tpu.dma_semaphore, #tpu.memory_space<semaphore_mem>>)
        %dma_wait3A_83 = arith.constant 0 : i32
        %dma_wait3A_84 = arith.constant 0 : i32
        %dma_wait3A_85 = tpu.memref_slice %arg2[%dma_wait3A_83, %dma_wait3A_84] : memref<10112x128xf32, #tpu.memory_space<hbm>> -> memref<10112x128xf32, #tpu.memory_space<hbm>>
        tpu.wait_indirect_dma semaphore(%arg15 : memref<!tpu.dma_semaphore, #tpu.memory_space<semaphore_mem>>) src(%dma_wait3A_85 : memref<10112x128xf32, #tpu.memory_space<hbm>>) dst(%arg9 : memref<128x128xf32, #tpu.memory_space<vmem>>)
        "tpu.region"() ({
          %run_scoped3A = tpu.sem_alloc : memref<!tpu.dma_semaphore, #tpu.memory_space<semaphore_mem>>
          %dma_start3A_86 = arith.constant 0 : i32
          %dma_start3A_87 = arith.constant 0 : i32
          %dma_start3A_88 = tpu.memref_slice %arg7[%dma_start3A_86, %dma_start3A_87] : memref<10112x128xf32, #tpu.memory_space<vmem_shared>> -> memref<10112x128xf32, #tpu.memory_space<vmem_shared>>
          tpu.enqueue_indirect_dma source(%arg9 : memref<128x128xf32, #tpu.memory_space<vmem>>) target(%dma_start3A_88 : memref<10112x128xf32, #tpu.memory_space<vmem_shared>>) offsets(%arg13 : memref<128xi32, #tpu.memory_space<vmem>>) semaphore(%run_scoped3A : memref<!tpu.dma_semaphore, #tpu.memory_space<semaphore_mem>>) {add = true}
          %dma_wait3A_89 = arith.constant 0 : i32
          %dma_wait3A_90 = arith.constant 0 : i32
          %dma_wait3A_91 = tpu.memref_slice %arg7[%dma_wait3A_89, %dma_wait3A_90] : memref<10112x128xf32, #tpu.memory_space<vmem_shared>> -> memref<10112x128xf32, #tpu.memory_space<vmem_shared>>
          tpu.wait_indirect_dma semaphore(%run_scoped3A : memref<!tpu.dma_semaphore, #tpu.memory_space<semaphore_mem>>) src(%arg9 : memref<128x128xf32, #tpu.memory_space<vmem>>) dst(%dma_wait3A_91 : memref<10112x128xf32, #tpu.memory_space<vmem_shared>>)
          tpu.yield
        }) : () -> ()
      }
      %scan3A_48 = arith.constant 22 : i32
      %add3A_49 = arith.constant 5760 : i32
      %add3A_50 = arith.addi %add3A_41, %add3A_49 : i32
      "tpu.region"() ({
        %run_scoped3A = tpu.sem_alloc : memref<!tpu.dma_semaphore, #tpu.memory_space<semaphore_mem>>
        %dma_start3A_59 = tpu.memref_slice %arg3[%add3A_50] : memref<327680xi32, #tpu.memory_space<hbm>> -> memref<128xi32, #tpu.memory_space<hbm>>
        %dma_start3A_60 = tpu.memref_slice %arg3[%add3A_50] : memref<327680xi32, #tpu.memory_space<hbm>> -> memref<128xi32, #tpu.memory_space<hbm>>
        tpu.enqueue_dma source(%dma_start3A_60 : memref<128xi32, #tpu.memory_space<hbm>>) target(%arg11 : memref<128xi32, #tpu.memory_space<vmem>>) target_semaphore(%run_scoped3A : memref<!tpu.dma_semaphore, #tpu.memory_space<semaphore_mem>>)
        %dma_wait3A_61 = tpu.memref_slice %arg3[%add3A_50] : memref<327680xi32, #tpu.memory_space<hbm>> -> memref<128xi32, #tpu.memory_space<hbm>>
        %dma_wait3A_62 = tpu.memref_slice %arg3[%add3A_50] : memref<327680xi32, #tpu.memory_space<hbm>> -> memref<128xi32, #tpu.memory_space<hbm>>
        tpu.wait_dma2 semaphore(%run_scoped3A : memref<!tpu.dma_semaphore, #tpu.memory_space<semaphore_mem>>) src(%dma_wait3A_62 : memref<128xi32, #tpu.memory_space<hbm>>) dst(%arg11 : memref<128xi32, #tpu.memory_space<vmem>>)
        tpu.yield
      }) : () -> ()
      "tpu.region"() ({
        %run_scoped3A = tpu.sem_alloc : memref<!tpu.dma_semaphore, #tpu.memory_space<semaphore_mem>>
        %dma_start3A_59 = tpu.memref_slice %arg4[%add3A_50] : memref<327680xi32, #tpu.memory_space<hbm>> -> memref<128xi32, #tpu.memory_space<hbm>>
        %dma_start3A_60 = tpu.memref_slice %arg4[%add3A_50] : memref<327680xi32, #tpu.memory_space<hbm>> -> memref<128xi32, #tpu.memory_space<hbm>>
        tpu.enqueue_dma source(%dma_start3A_60 : memref<128xi32, #tpu.memory_space<hbm>>) target(%arg13 : memref<128xi32, #tpu.memory_space<vmem>>) target_semaphore(%run_scoped3A : memref<!tpu.dma_semaphore, #tpu.memory_space<semaphore_mem>>)
        %dma_wait3A_61 = tpu.memref_slice %arg4[%add3A_50] : memref<327680xi32, #tpu.memory_space<hbm>> -> memref<128xi32, #tpu.memory_space<hbm>>
        %dma_wait3A_62 = tpu.memref_slice %arg4[%add3A_50] : memref<327680xi32, #tpu.memory_space<hbm>> -> memref<128xi32, #tpu.memory_space<hbm>>
        tpu.wait_dma2 semaphore(%run_scoped3A : memref<!tpu.dma_semaphore, #tpu.memory_space<semaphore_mem>>) src(%dma_wait3A_62 : memref<128xi32, #tpu.memory_space<hbm>>) dst(%arg13 : memref<128xi32, #tpu.memory_space<vmem>>)
        tpu.yield
      }) : () -> ()
      %dma_start3A_51 = arith.constant 0 : i32
      %dma_start3A_52 = arith.constant 0 : i32
      %dma_start3A_53 = tpu.memref_slice %arg2[%dma_start3A_51, %dma_start3A_52] : memref<10112x128xf32, #tpu.memory_space<hbm>> -> memref<10112x128xf32, #tpu.memory_space<hbm>>
      tpu.enqueue_indirect_dma source(%dma_start3A_53 : memref<10112x128xf32, #tpu.memory_space<hbm>>) target(%arg9 : memref<128x128xf32, #tpu.memory_space<vmem>>) offsets(%arg11 : memref<128xi32, #tpu.memory_space<vmem>>) semaphore(%arg15 : memref<!tpu.dma_semaphore, #tpu.memory_space<semaphore_mem>>)
      %dma_wait3A = arith.constant 0 : i32
      %dma_wait3A_54 = arith.constant 0 : i32
      %dma_wait3A_55 = tpu.memref_slice %arg2[%dma_wait3A, %dma_wait3A_54] : memref<10112x128xf32, #tpu.memory_space<hbm>> -> memref<10112x128xf32, #tpu.memory_space<hbm>>
      tpu.wait_indirect_dma semaphore(%arg14 : memref<!tpu.dma_semaphore, #tpu.memory_space<semaphore_mem>>) src(%dma_wait3A_55 : memref<10112x128xf32, #tpu.memory_space<hbm>>) dst(%arg8 : memref<128x128xf32, #tpu.memory_space<vmem>>)
      "tpu.region"() ({
        %run_scoped3A = tpu.sem_alloc : memref<!tpu.dma_semaphore, #tpu.memory_space<semaphore_mem>>
        %dma_start3A_59 = arith.constant 0 : i32
        %dma_start3A_60 = arith.constant 0 : i32
        %dma_start3A_61 = tpu.memref_slice %arg7[%dma_start3A_59, %dma_start3A_60] : memref<10112x128xf32, #tpu.memory_space<vmem_shared>> -> memref<10112x128xf32, #tpu.memory_space<vmem_shared>>
        tpu.enqueue_indirect_dma source(%arg8 : memref<128x128xf32, #tpu.memory_space<vmem>>) target(%dma_start3A_61 : memref<10112x128xf32, #tpu.memory_space<vmem_shared>>) offsets(%arg12 : memref<128xi32, #tpu.memory_space<vmem>>) semaphore(%run_scoped3A : memref<!tpu.dma_semaphore, #tpu.memory_space<semaphore_mem>>) {add = true}
        %dma_wait3A_62 = arith.constant 0 : i32
        %dma_wait3A_63 = arith.constant 0 : i32
        %dma_wait3A_64 = tpu.memref_slice %arg7[%dma_wait3A_62, %dma_wait3A_63] : memref<10112x128xf32, #tpu.memory_space<vmem_shared>> -> memref<10112x128xf32, #tpu.memory_space<vmem_shared>>
        tpu.wait_indirect_dma semaphore(%run_scoped3A : memref<!tpu.dma_semaphore, #tpu.memory_space<semaphore_mem>>) src(%arg8 : memref<128x128xf32, #tpu.memory_space<vmem>>) dst(%dma_wait3A_64 : memref<10112x128xf32, #tpu.memory_space<vmem_shared>>)
        tpu.yield
      }) : () -> ()
      %dma_wait3A_56 = arith.constant 0 : i32
      %dma_wait3A_57 = arith.constant 0 : i32
      %dma_wait3A_58 = tpu.memref_slice %arg2[%dma_wait3A_56, %dma_wait3A_57] : memref<10112x128xf32, #tpu.memory_space<hbm>> -> memref<10112x128xf32, #tpu.memory_space<hbm>>
      tpu.wait_indirect_dma semaphore(%arg15 : memref<!tpu.dma_semaphore, #tpu.memory_space<semaphore_mem>>) src(%dma_wait3A_58 : memref<10112x128xf32, #tpu.memory_space<hbm>>) dst(%arg9 : memref<128x128xf32, #tpu.memory_space<vmem>>)
      "tpu.region"() ({
        %run_scoped3A = tpu.sem_alloc : memref<!tpu.dma_semaphore, #tpu.memory_space<semaphore_mem>>
        %dma_start3A_59 = arith.constant 0 : i32
        %dma_start3A_60 = arith.constant 0 : i32
        %dma_start3A_61 = tpu.memref_slice %arg7[%dma_start3A_59, %dma_start3A_60] : memref<10112x128xf32, #tpu.memory_space<vmem_shared>> -> memref<10112x128xf32, #tpu.memory_space<vmem_shared>>
        tpu.enqueue_indirect_dma source(%arg9 : memref<128x128xf32, #tpu.memory_space<vmem>>) target(%dma_start3A_61 : memref<10112x128xf32, #tpu.memory_space<vmem_shared>>) offsets(%arg13 : memref<128xi32, #tpu.memory_space<vmem>>) semaphore(%run_scoped3A : memref<!tpu.dma_semaphore, #tpu.memory_space<semaphore_mem>>) {add = true}
        %dma_wait3A_62 = arith.constant 0 : i32
        %dma_wait3A_63 = arith.constant 0 : i32
        %dma_wait3A_64 = tpu.memref_slice %arg7[%dma_wait3A_62, %dma_wait3A_63] : memref<10112x128xf32, #tpu.memory_space<vmem_shared>> -> memref<10112x128xf32, #tpu.memory_space<vmem_shared>>
        tpu.wait_indirect_dma semaphore(%run_scoped3A : memref<!tpu.dma_semaphore, #tpu.memory_space<semaphore_mem>>) src(%arg9 : memref<128x128xf32, #tpu.memory_space<vmem>>) dst(%dma_wait3A_64 : memref<10112x128xf32, #tpu.memory_space<vmem_shared>>)
        tpu.yield
      }) : () -> ()
    } else {
    }
    %barrier3A_17 = arith.constant 0 : index
    tpu.barrier barrier_id(%barrier3A_17)
    %add3A_18 = arith.constant 0 : i32
    %add3A_19 = arith.addi %mul3A_0, %add3A_18 : i32
    "tpu.region"() ({
      %run_scoped3A = tpu.sem_alloc : memref<!tpu.dma_semaphore, #tpu.memory_space<semaphore_mem>>
      %dma_start3A = arith.constant 0 : i32
      %dma_start3A_38 = arith.constant 0 : i32
      %dma_start3A_39 = tpu.memref_slice %arg8[%dma_start3A, %dma_start3A_38] : memref<128x128xf32, #tpu.memory_space<vmem>> -> memref<128x128xf32, #tpu.memory_space<vmem>>
      %dma_start3A_40 = arith.constant 0 : i32
      %dma_start3A_41 = tpu.memref_slice %arg7[%add3A_19, %dma_start3A_40] : memref<10112x128xf32, #tpu.memory_space<vmem_shared>> -> memref<128x128xf32, #tpu.memory_space<vmem_shared>>
      %dma_start3A_42 = arith.constant 0 : i32
      %dma_start3A_43 = arith.constant 0 : i32
      %dma_start3A_44 = tpu.memref_slice %arg8[%dma_start3A_42, %dma_start3A_43] : memref<128x128xf32, #tpu.memory_space<vmem>> -> memref<128x128xf32, #tpu.memory_space<vmem>>
      %dma_start3A_45 = arith.constant 0 : i32
      %dma_start3A_46 = tpu.memref_slice %arg7[%add3A_19, %dma_start3A_45] : memref<10112x128xf32, #tpu.memory_space<vmem_shared>> -> memref<128x128xf32, #tpu.memory_space<vmem_shared>>
      tpu.enqueue_dma source(%dma_start3A_46 : memref<128x128xf32, #tpu.memory_space<vmem_shared>>) target(%dma_start3A_44 : memref<128x128xf32, #tpu.memory_space<vmem>>) target_semaphore(%run_scoped3A : memref<!tpu.dma_semaphore, #tpu.memory_space<semaphore_mem>>)
      %dma_wait3A = arith.constant 0 : i32
      %dma_wait3A_47 = arith.constant 0 : i32
      %dma_wait3A_48 = tpu.memref_slice %arg8[%dma_wait3A, %dma_wait3A_47] : memref<128x128xf32, #tpu.memory_space<vmem>> -> memref<128x128xf32, #tpu.memory_space<vmem>>
      %dma_wait3A_49 = arith.constant 0 : i32
      %dma_wait3A_50 = tpu.memref_slice %arg7[%add3A_19, %dma_wait3A_49] : memref<10112x128xf32, #tpu.memory_space<vmem_shared>> -> memref<128x128xf32, #tpu.memory_space<vmem_shared>>
      %dma_wait3A_51 = arith.constant 0 : i32
      %dma_wait3A_52 = arith.constant 0 : i32
      %dma_wait3A_53 = tpu.memref_slice %arg8[%dma_wait3A_51, %dma_wait3A_52] : memref<128x128xf32, #tpu.memory_space<vmem>> -> memref<128x128xf32, #tpu.memory_space<vmem>>
      %dma_wait3A_54 = arith.constant 0 : i32
      %dma_wait3A_55 = tpu.memref_slice %arg7[%add3A_19, %dma_wait3A_54] : memref<10112x128xf32, #tpu.memory_space<vmem_shared>> -> memref<128x128xf32, #tpu.memory_space<vmem_shared>>
      tpu.wait_dma2 semaphore(%run_scoped3A : memref<!tpu.dma_semaphore, #tpu.memory_space<semaphore_mem>>) src(%dma_wait3A_55 : memref<128x128xf32, #tpu.memory_space<vmem_shared>>) dst(%dma_wait3A_53 : memref<128x128xf32, #tpu.memory_space<vmem>>)
      tpu.yield
    }) : () -> ()
    %add3A_20 = arith.constant 0 : i32
    %add3A_21 = arith.addi %mul3A_0, %add3A_20 : i32
    "tpu.region"() ({
      %run_scoped3A = tpu.sem_alloc : memref<!tpu.dma_semaphore, #tpu.memory_space<semaphore_mem>>
      %dma_start3A = arith.constant 0 : i32
      %dma_start3A_38 = arith.constant 0 : i32
      %dma_start3A_39 = tpu.memref_slice %arg8[%dma_start3A, %dma_start3A_38] : memref<128x128xf32, #tpu.memory_space<vmem>> -> memref<128x128xf32, #tpu.memory_space<vmem>>
      %dma_start3A_40 = arith.constant 0 : i32
      %dma_start3A_41 = tpu.memref_slice %arg6[%arg0, %add3A_21, %dma_start3A_40] : memref<2x10112x128xf32, #tpu.memory_space<hbm>> -> memref<1x128x128xf32, #tpu.memory_space<hbm>>
      %dma_start3A_42 = tpu.memref_squeeze %dma_start3A_41 : memref<1x128x128xf32, #tpu.memory_space<hbm>> -> memref<128x128xf32, #tpu.memory_space<hbm>>
      %dma_start3A_43 = arith.constant 0 : i32
      %dma_start3A_44 = tpu.memref_slice %arg6[%arg0, %add3A_21, %dma_start3A_43] : memref<2x10112x128xf32, #tpu.memory_space<hbm>> -> memref<1x128x128xf32, #tpu.memory_space<hbm>>
      %dma_start3A_45 = tpu.memref_squeeze %dma_start3A_44 : memref<1x128x128xf32, #tpu.memory_space<hbm>> -> memref<128x128xf32, #tpu.memory_space<hbm>>
      %dma_start3A_46 = arith.constant 0 : i32
      %dma_start3A_47 = arith.constant 0 : i32
      %dma_start3A_48 = tpu.memref_slice %arg8[%dma_start3A_46, %dma_start3A_47] : memref<128x128xf32, #tpu.memory_space<vmem>> -> memref<128x128xf32, #tpu.memory_space<vmem>>
      tpu.enqueue_dma source(%dma_start3A_48 : memref<128x128xf32, #tpu.memory_space<vmem>>) target(%dma_start3A_45 : memref<128x128xf32, #tpu.memory_space<hbm>>) target_semaphore(%run_scoped3A : memref<!tpu.dma_semaphore, #tpu.memory_space<semaphore_mem>>)
      %dma_wait3A = arith.constant 0 : i32
      %dma_wait3A_49 = arith.constant 0 : i32
      %dma_wait3A_50 = tpu.memref_slice %arg8[%dma_wait3A, %dma_wait3A_49] : memref<128x128xf32, #tpu.memory_space<vmem>> -> memref<128x128xf32, #tpu.memory_space<vmem>>
      %dma_wait3A_51 = arith.constant 0 : i32
      %dma_wait3A_52 = tpu.memref_slice %arg6[%arg0, %add3A_21, %dma_wait3A_51] : memref<2x10112x128xf32, #tpu.memory_space<hbm>> -> memref<1x128x128xf32, #tpu.memory_space<hbm>>
      %dma_wait3A_53 = tpu.memref_squeeze %dma_wait3A_52 : memref<1x128x128xf32, #tpu.memory_space<hbm>> -> memref<128x128xf32, #tpu.memory_space<hbm>>
      %dma_wait3A_54 = arith.constant 0 : i32
      %dma_wait3A_55 = tpu.memref_slice %arg6[%arg0, %add3A_21, %dma_wait3A_54] : memref<2x10112x128xf32, #tpu.memory_space<hbm>> -> memref<1x128x128xf32, #tpu.memory_space<hbm>>
      %dma_wait3A_56 = tpu.memref_squeeze %dma_wait3A_55 : memref<1x128x128xf32, #tpu.memory_space<hbm>> -> memref<128x128xf32, #tpu.memory_space<hbm>>
      %dma_wait3A_57 = arith.constant 0 : i32
      %dma_wait3A_58 = arith.constant 0 : i32
      %dma_wait3A_59 = tpu.memref_slice %arg8[%dma_wait3A_57, %dma_wait3A_58] : memref<128x128xf32, #tpu.memory_space<vmem>> -> memref<128x128xf32, #tpu.memory_space<vmem>>
      tpu.wait_dma2 semaphore(%run_scoped3A : memref<!tpu.dma_semaphore, #tpu.memory_space<semaphore_mem>>) src(%dma_wait3A_59 : memref<128x128xf32, #tpu.memory_space<vmem>>) dst(%dma_wait3A_56 : memref<128x128xf32, #tpu.memory_space<hbm>>)
      tpu.yield
    }) : () -> ()
    %add3A_22 = arith.constant 128 : i32
    %add3A_23 = arith.addi %mul3A_0, %add3A_22 : i32
    "tpu.region"() ({
      %run_scoped3A = tpu.sem_alloc : memref<!tpu.dma_semaphore, #tpu.memory_space<semaphore_mem>>
      %dma_start3A = arith.constant 0 : i32
      %dma_start3A_38 = arith.constant 0 : i32
      %dma_start3A_39 = tpu.memref_slice %arg8[%dma_start3A, %dma_start3A_38] : memref<128x128xf32, #tpu.memory_space<vmem>> -> memref<128x128xf32, #tpu.memory_space<vmem>>
      %dma_start3A_40 = arith.constant 0 : i32
      %dma_start3A_41 = tpu.memref_slice %arg7[%add3A_23, %dma_start3A_40] : memref<10112x128xf32, #tpu.memory_space<vmem_shared>> -> memref<128x128xf32, #tpu.memory_space<vmem_shared>>
      %dma_start3A_42 = arith.constant 0 : i32
      %dma_start3A_43 = arith.constant 0 : i32
      %dma_start3A_44 = tpu.memref_slice %arg8[%dma_start3A_42, %dma_start3A_43] : memref<128x128xf32, #tpu.memory_space<vmem>> -> memref<128x128xf32, #tpu.memory_space<vmem>>
      %dma_start3A_45 = arith.constant 0 : i32
      %dma_start3A_46 = tpu.memref_slice %arg7[%add3A_23, %dma_start3A_45] : memref<10112x128xf32, #tpu.memory_space<vmem_shared>> -> memref<128x128xf32, #tpu.memory_space<vmem_shared>>
      tpu.enqueue_dma source(%dma_start3A_46 : memref<128x128xf32, #tpu.memory_space<vmem_shared>>) target(%dma_start3A_44 : memref<128x128xf32, #tpu.memory_space<vmem>>) target_semaphore(%run_scoped3A : memref<!tpu.dma_semaphore, #tpu.memory_space<semaphore_mem>>)
      %dma_wait3A = arith.constant 0 : i32
      %dma_wait3A_47 = arith.constant 0 : i32
      %dma_wait3A_48 = tpu.memref_slice %arg8[%dma_wait3A, %dma_wait3A_47] : memref<128x128xf32, #tpu.memory_space<vmem>> -> memref<128x128xf32, #tpu.memory_space<vmem>>
      %dma_wait3A_49 = arith.constant 0 : i32
      %dma_wait3A_50 = tpu.memref_slice %arg7[%add3A_23, %dma_wait3A_49] : memref<10112x128xf32, #tpu.memory_space<vmem_shared>> -> memref<128x128xf32, #tpu.memory_space<vmem_shared>>
      %dma_wait3A_51 = arith.constant 0 : i32
      %dma_wait3A_52 = arith.constant 0 : i32
      %dma_wait3A_53 = tpu.memref_slice %arg8[%dma_wait3A_51, %dma_wait3A_52] : memref<128x128xf32, #tpu.memory_space<vmem>> -> memref<128x128xf32, #tpu.memory_space<vmem>>
      %dma_wait3A_54 = arith.constant 0 : i32
      %dma_wait3A_55 = tpu.memref_slice %arg7[%add3A_23, %dma_wait3A_54] : memref<10112x128xf32, #tpu.memory_space<vmem_shared>> -> memref<128x128xf32, #tpu.memory_space<vmem_shared>>
      tpu.wait_dma2 semaphore(%run_scoped3A : memref<!tpu.dma_semaphore, #tpu.memory_space<semaphore_mem>>) src(%dma_wait3A_55 : memref<128x128xf32, #tpu.memory_space<vmem_shared>>) dst(%dma_wait3A_53 : memref<128x128xf32, #tpu.memory_space<vmem>>)
      tpu.yield
    }) : () -> ()
    %add3A_24 = arith.constant 128 : i32
    %add3A_25 = arith.addi %mul3A_0, %add3A_24 : i32
    "tpu.region"() ({
      %run_scoped3A = tpu.sem_alloc : memref<!tpu.dma_semaphore, #tpu.memory_space<semaphore_mem>>
      %dma_start3A = arith.constant 0 : i32
      %dma_start3A_38 = arith.constant 0 : i32
      %dma_start3A_39 = tpu.memref_slice %arg8[%dma_start3A, %dma_start3A_38] : memref<128x128xf32, #tpu.memory_space<vmem>> -> memref<128x128xf32, #tpu.memory_space<vmem>>
      %dma_start3A_40 = arith.constant 0 : i32
      %dma_start3A_41 = tpu.memref_slice %arg6[%arg0, %add3A_25, %dma_start3A_40] : memref<2x10112x128xf32, #tpu.memory_space<hbm>> -> memref<1x128x128xf32, #tpu.memory_space<hbm>>
      %dma_start3A_42 = tpu.memref_squeeze %dma_start3A_41 : memref<1x128x128xf32, #tpu.memory_space<hbm>> -> memref<128x128xf32, #tpu.memory_space<hbm>>
      %dma_start3A_43 = arith.constant 0 : i32
      %dma_start3A_44 = tpu.memref_slice %arg6[%arg0, %add3A_25, %dma_start3A_43] : memref<2x10112x128xf32, #tpu.memory_space<hbm>> -> memref<1x128x128xf32, #tpu.memory_space<hbm>>
      %dma_start3A_45 = tpu.memref_squeeze %dma_start3A_44 : memref<1x128x128xf32, #tpu.memory_space<hbm>> -> memref<128x128xf32, #tpu.memory_space<hbm>>
      %dma_start3A_46 = arith.constant 0 : i32
      %dma_start3A_47 = arith.constant 0 : i32
      %dma_start3A_48 = tpu.memref_slice %arg8[%dma_start3A_46, %dma_start3A_47] : memref<128x128xf32, #tpu.memory_space<vmem>> -> memref<128x128xf32, #tpu.memory_space<vmem>>
      tpu.enqueue_dma source(%dma_start3A_48 : memref<128x128xf32, #tpu.memory_space<vmem>>) target(%dma_start3A_45 : memref<128x128xf32, #tpu.memory_space<hbm>>) target_semaphore(%run_scoped3A : memref<!tpu.dma_semaphore, #tpu.memory_space<semaphore_mem>>)
      %dma_wait3A = arith.constant 0 : i32
      %dma_wait3A_49 = arith.constant 0 : i32
      %dma_wait3A_50 = tpu.memref_slice %arg8[%dma_wait3A, %dma_wait3A_49] : memref<128x128xf32, #tpu.memory_space<vmem>> -> memref<128x128xf32, #tpu.memory_space<vmem>>
      %dma_wait3A_51 = arith.constant 0 : i32
      %dma_wait3A_52 = tpu.memref_slice %arg6[%arg0, %add3A_25, %dma_wait3A_51] : memref<2x10112x128xf32, #tpu.memory_space<hbm>> -> memref<1x128x128xf32, #tpu.memory_space<hbm>>
      %dma_wait3A_53 = tpu.memref_squeeze %dma_wait3A_52 : memref<1x128x128xf32, #tpu.memory_space<hbm>> -> memref<128x128xf32, #tpu.memory_space<hbm>>
      %dma_wait3A_54 = arith.constant 0 : i32
      %dma_wait3A_55 = tpu.memref_slice %arg6[%arg0, %add3A_25, %dma_wait3A_54] : memref<2x10112x128xf32, #tpu.memory_space<hbm>> -> memref<1x128x128xf32, #tpu.memory_space<hbm>>
      %dma_wait3A_56 = tpu.memref_squeeze %dma_wait3A_55 : memref<1x128x128xf32, #tpu.memory_space<hbm>> -> memref<128x128xf32, #tpu.memory_space<hbm>>
      %dma_wait3A_57 = arith.constant 0 : i32
      %dma_wait3A_58 = arith.constant 0 : i32
      %dma_wait3A_59 = tpu.memref_slice %arg8[%dma_wait3A_57, %dma_wait3A_58] : memref<128x128xf32, #tpu.memory_space<vmem>> -> memref<128x128xf32, #tpu.memory_space<vmem>>
      tpu.wait_dma2 semaphore(%run_scoped3A : memref<!tpu.dma_semaphore, #tpu.memory_space<semaphore_mem>>) src(%dma_wait3A_59 : memref<128x128xf32, #tpu.memory_space<vmem>>) dst(%dma_wait3A_56 : memref<128x128xf32, #tpu.memory_space<hbm>>)
      tpu.yield
    }) : () -> ()
    %add3A_26 = arith.constant 256 : i32
    %add3A_27 = arith.addi %mul3A_0, %add3A_26 : i32
    "tpu.region"() ({
      %run_scoped3A = tpu.sem_alloc : memref<!tpu.dma_semaphore, #tpu.memory_space<semaphore_mem>>
      %dma_start3A = arith.constant 0 : i32
      %dma_start3A_38 = arith.constant 0 : i32
      %dma_start3A_39 = tpu.memref_slice %arg8[%dma_start3A, %dma_start3A_38] : memref<128x128xf32, #tpu.memory_space<vmem>> -> memref<128x128xf32, #tpu.memory_space<vmem>>
      %dma_start3A_40 = arith.constant 0 : i32
      %dma_start3A_41 = tpu.memref_slice %arg7[%add3A_27, %dma_start3A_40] : memref<10112x128xf32, #tpu.memory_space<vmem_shared>> -> memref<128x128xf32, #tpu.memory_space<vmem_shared>>
      %dma_start3A_42 = arith.constant 0 : i32
      %dma_start3A_43 = arith.constant 0 : i32
      %dma_start3A_44 = tpu.memref_slice %arg8[%dma_start3A_42, %dma_start3A_43] : memref<128x128xf32, #tpu.memory_space<vmem>> -> memref<128x128xf32, #tpu.memory_space<vmem>>
      %dma_start3A_45 = arith.constant 0 : i32
      %dma_start3A_46 = tpu.memref_slice %arg7[%add3A_27, %dma_start3A_45] : memref<10112x128xf32, #tpu.memory_space<vmem_shared>> -> memref<128x128xf32, #tpu.memory_space<vmem_shared>>
      tpu.enqueue_dma source(%dma_start3A_46 : memref<128x128xf32, #tpu.memory_space<vmem_shared>>) target(%dma_start3A_44 : memref<128x128xf32, #tpu.memory_space<vmem>>) target_semaphore(%run_scoped3A : memref<!tpu.dma_semaphore, #tpu.memory_space<semaphore_mem>>)
      %dma_wait3A = arith.constant 0 : i32
      %dma_wait3A_47 = arith.constant 0 : i32
      %dma_wait3A_48 = tpu.memref_slice %arg8[%dma_wait3A, %dma_wait3A_47] : memref<128x128xf32, #tpu.memory_space<vmem>> -> memref<128x128xf32, #tpu.memory_space<vmem>>
      %dma_wait3A_49 = arith.constant 0 : i32
      %dma_wait3A_50 = tpu.memref_slice %arg7[%add3A_27, %dma_wait3A_49] : memref<10112x128xf32, #tpu.memory_space<vmem_shared>> -> memref<128x128xf32, #tpu.memory_space<vmem_shared>>
      %dma_wait3A_51 = arith.constant 0 : i32
      %dma_wait3A_52 = arith.constant 0 : i32
      %dma_wait3A_53 = tpu.memref_slice %arg8[%dma_wait3A_51, %dma_wait3A_52] : memref<128x128xf32, #tpu.memory_space<vmem>> -> memref<128x128xf32, #tpu.memory_space<vmem>>
      %dma_wait3A_54 = arith.constant 0 : i32
      %dma_wait3A_55 = tpu.memref_slice %arg7[%add3A_27, %dma_wait3A_54] : memref<10112x128xf32, #tpu.memory_space<vmem_shared>> -> memref<128x128xf32, #tpu.memory_space<vmem_shared>>
      tpu.wait_dma2 semaphore(%run_scoped3A : memref<!tpu.dma_semaphore, #tpu.memory_space<semaphore_mem>>) src(%dma_wait3A_55 : memref<128x128xf32, #tpu.memory_space<vmem_shared>>) dst(%dma_wait3A_53 : memref<128x128xf32, #tpu.memory_space<vmem>>)
      tpu.yield
    }) : () -> ()
    %add3A_28 = arith.constant 256 : i32
    %add3A_29 = arith.addi %mul3A_0, %add3A_28 : i32
    "tpu.region"() ({
      %run_scoped3A = tpu.sem_alloc : memref<!tpu.dma_semaphore, #tpu.memory_space<semaphore_mem>>
      %dma_start3A = arith.constant 0 : i32
      %dma_start3A_38 = arith.constant 0 : i32
      %dma_start3A_39 = tpu.memref_slice %arg8[%dma_start3A, %dma_start3A_38] : memref<128x128xf32, #tpu.memory_space<vmem>> -> memref<128x128xf32, #tpu.memory_space<vmem>>
      %dma_start3A_40 = arith.constant 0 : i32
      %dma_start3A_41 = tpu.memref_slice %arg6[%arg0, %add3A_29, %dma_start3A_40] : memref<2x10112x128xf32, #tpu.memory_space<hbm>> -> memref<1x128x128xf32, #tpu.memory_space<hbm>>
      %dma_start3A_42 = tpu.memref_squeeze %dma_start3A_41 : memref<1x128x128xf32, #tpu.memory_space<hbm>> -> memref<128x128xf32, #tpu.memory_space<hbm>>
      %dma_start3A_43 = arith.constant 0 : i32
      %dma_start3A_44 = tpu.memref_slice %arg6[%arg0, %add3A_29, %dma_start3A_43] : memref<2x10112x128xf32, #tpu.memory_space<hbm>> -> memref<1x128x128xf32, #tpu.memory_space<hbm>>
      %dma_start3A_45 = tpu.memref_squeeze %dma_start3A_44 : memref<1x128x128xf32, #tpu.memory_space<hbm>> -> memref<128x128xf32, #tpu.memory_space<hbm>>
      %dma_start3A_46 = arith.constant 0 : i32
      %dma_start3A_47 = arith.constant 0 : i32
      %dma_start3A_48 = tpu.memref_slice %arg8[%dma_start3A_46, %dma_start3A_47] : memref<128x128xf32, #tpu.memory_space<vmem>> -> memref<128x128xf32, #tpu.memory_space<vmem>>
      tpu.enqueue_dma source(%dma_start3A_48 : memref<128x128xf32, #tpu.memory_space<vmem>>) target(%dma_start3A_45 : memref<128x128xf32, #tpu.memory_space<hbm>>) target_semaphore(%run_scoped3A : memref<!tpu.dma_semaphore, #tpu.memory_space<semaphore_mem>>)
      %dma_wait3A = arith.constant 0 : i32
      %dma_wait3A_49 = arith.constant 0 : i32
      %dma_wait3A_50 = tpu.memref_slice %arg8[%dma_wait3A, %dma_wait3A_49] : memref<128x128xf32, #tpu.memory_space<vmem>> -> memref<128x128xf32, #tpu.memory_space<vmem>>
      %dma_wait3A_51 = arith.constant 0 : i32
      %dma_wait3A_52 = tpu.memref_slice %arg6[%arg0, %add3A_29, %dma_wait3A_51] : memref<2x10112x128xf32, #tpu.memory_space<hbm>> -> memref<1x128x128xf32, #tpu.memory_space<hbm>>
      %dma_wait3A_53 = tpu.memref_squeeze %dma_wait3A_52 : memref<1x128x128xf32, #tpu.memory_space<hbm>> -> memref<128x128xf32, #tpu.memory_space<hbm>>
      %dma_wait3A_54 = arith.constant 0 : i32
      %dma_wait3A_55 = tpu.memref_slice %arg6[%arg0, %add3A_29, %dma_wait3A_54] : memref<2x10112x128xf32, #tpu.memory_space<hbm>> -> memref<1x128x128xf32, #tpu.memory_space<hbm>>
      %dma_wait3A_56 = tpu.memref_squeeze %dma_wait3A_55 : memref<1x128x128xf32, #tpu.memory_space<hbm>> -> memref<128x128xf32, #tpu.memory_space<hbm>>
      %dma_wait3A_57 = arith.constant 0 : i32
      %dma_wait3A_58 = arith.constant 0 : i32
      %dma_wait3A_59 = tpu.memref_slice %arg8[%dma_wait3A_57, %dma_wait3A_58] : memref<128x128xf32, #tpu.memory_space<vmem>> -> memref<128x128xf32, #tpu.memory_space<vmem>>
      tpu.wait_dma2 semaphore(%run_scoped3A : memref<!tpu.dma_semaphore, #tpu.memory_space<semaphore_mem>>) src(%dma_wait3A_59 : memref<128x128xf32, #tpu.memory_space<vmem>>) dst(%dma_wait3A_56 : memref<128x128xf32, #tpu.memory_space<hbm>>)
      tpu.yield
    }) : () -> ()
    %add3A_30 = arith.constant 384 : i32
    %add3A_31 = arith.addi %mul3A_0, %add3A_30 : i32
    "tpu.region"() ({
      %run_scoped3A = tpu.sem_alloc : memref<!tpu.dma_semaphore, #tpu.memory_space<semaphore_mem>>
      %dma_start3A = arith.constant 0 : i32
      %dma_start3A_38 = arith.constant 0 : i32
      %dma_start3A_39 = tpu.memref_slice %arg8[%dma_start3A, %dma_start3A_38] : memref<128x128xf32, #tpu.memory_space<vmem>> -> memref<128x128xf32, #tpu.memory_space<vmem>>
      %dma_start3A_40 = arith.constant 0 : i32
      %dma_start3A_41 = tpu.memref_slice %arg7[%add3A_31, %dma_start3A_40] : memref<10112x128xf32, #tpu.memory_space<vmem_shared>> -> memref<128x128xf32, #tpu.memory_space<vmem_shared>>
      %dma_start3A_42 = arith.constant 0 : i32
      %dma_start3A_43 = arith.constant 0 : i32
      %dma_start3A_44 = tpu.memref_slice %arg8[%dma_start3A_42, %dma_start3A_43] : memref<128x128xf32, #tpu.memory_space<vmem>> -> memref<128x128xf32, #tpu.memory_space<vmem>>
      %dma_start3A_45 = arith.constant 0 : i32
      %dma_start3A_46 = tpu.memref_slice %arg7[%add3A_31, %dma_start3A_45] : memref<10112x128xf32, #tpu.memory_space<vmem_shared>> -> memref<128x128xf32, #tpu.memory_space<vmem_shared>>
      tpu.enqueue_dma source(%dma_start3A_46 : memref<128x128xf32, #tpu.memory_space<vmem_shared>>) target(%dma_start3A_44 : memref<128x128xf32, #tpu.memory_space<vmem>>) target_semaphore(%run_scoped3A : memref<!tpu.dma_semaphore, #tpu.memory_space<semaphore_mem>>)
      %dma_wait3A = arith.constant 0 : i32
      %dma_wait3A_47 = arith.constant 0 : i32
      %dma_wait3A_48 = tpu.memref_slice %arg8[%dma_wait3A, %dma_wait3A_47] : memref<128x128xf32, #tpu.memory_space<vmem>> -> memref<128x128xf32, #tpu.memory_space<vmem>>
      %dma_wait3A_49 = arith.constant 0 : i32
      %dma_wait3A_50 = tpu.memref_slice %arg7[%add3A_31, %dma_wait3A_49] : memref<10112x128xf32, #tpu.memory_space<vmem_shared>> -> memref<128x128xf32, #tpu.memory_space<vmem_shared>>
      %dma_wait3A_51 = arith.constant 0 : i32
      %dma_wait3A_52 = arith.constant 0 : i32
      %dma_wait3A_53 = tpu.memref_slice %arg8[%dma_wait3A_51, %dma_wait3A_52] : memref<128x128xf32, #tpu.memory_space<vmem>> -> memref<128x128xf32, #tpu.memory_space<vmem>>
      %dma_wait3A_54 = arith.constant 0 : i32
      %dma_wait3A_55 = tpu.memref_slice %arg7[%add3A_31, %dma_wait3A_54] : memref<10112x128xf32, #tpu.memory_space<vmem_shared>> -> memref<128x128xf32, #tpu.memory_space<vmem_shared>>
      tpu.wait_dma2 semaphore(%run_scoped3A : memref<!tpu.dma_semaphore, #tpu.memory_space<semaphore_mem>>) src(%dma_wait3A_55 : memref<128x128xf32, #tpu.memory_space<vmem_shared>>) dst(%dma_wait3A_53 : memref<128x128xf32, #tpu.memory_space<vmem>>)
      tpu.yield
    }) : () -> ()
    %add3A_32 = arith.constant 384 : i32
    %add3A_33 = arith.addi %mul3A_0, %add3A_32 : i32
    "tpu.region"() ({
      %run_scoped3A = tpu.sem_alloc : memref<!tpu.dma_semaphore, #tpu.memory_space<semaphore_mem>>
      %dma_start3A = arith.constant 0 : i32
      %dma_start3A_38 = arith.constant 0 : i32
      %dma_start3A_39 = tpu.memref_slice %arg8[%dma_start3A, %dma_start3A_38] : memref<128x128xf32, #tpu.memory_space<vmem>> -> memref<128x128xf32, #tpu.memory_space<vmem>>
      %dma_start3A_40 = arith.constant 0 : i32
      %dma_start3A_41 = tpu.memref_slice %arg6[%arg0, %add3A_33, %dma_start3A_40] : memref<2x10112x128xf32, #tpu.memory_space<hbm>> -> memref<1x128x128xf32, #tpu.memory_space<hbm>>
      %dma_start3A_42 = tpu.memref_squeeze %dma_start3A_41 : memref<1x128x128xf32, #tpu.memory_space<hbm>> -> memref<128x128xf32, #tpu.memory_space<hbm>>
      %dma_start3A_43 = arith.constant 0 : i32
      %dma_start3A_44 = tpu.memref_slice %arg6[%arg0, %add3A_33, %dma_start3A_43] : memref<2x10112x128xf32, #tpu.memory_space<hbm>> -> memref<1x128x128xf32, #tpu.memory_space<hbm>>
      %dma_start3A_45 = tpu.memref_squeeze %dma_start3A_44 : memref<1x128x128xf32, #tpu.memory_space<hbm>> -> memref<128x128xf32, #tpu.memory_space<hbm>>
      %dma_start3A_46 = arith.constant 0 : i32
      %dma_start3A_47 = arith.constant 0 : i32
      %dma_start3A_48 = tpu.memref_slice %arg8[%dma_start3A_46, %dma_start3A_47] : memref<128x128xf32, #tpu.memory_space<vmem>> -> memref<128x128xf32, #tpu.memory_space<vmem>>
      tpu.enqueue_dma source(%dma_start3A_48 : memref<128x128xf32, #tpu.memory_space<vmem>>) target(%dma_start3A_45 : memref<128x128xf32, #tpu.memory_space<hbm>>) target_semaphore(%run_scoped3A : memref<!tpu.dma_semaphore, #tpu.memory_space<semaphore_mem>>)
      %dma_wait3A = arith.constant 0 : i32
      %dma_wait3A_49 = arith.constant 0 : i32
      %dma_wait3A_50 = tpu.memref_slice %arg8[%dma_wait3A, %dma_wait3A_49] : memref<128x128xf32, #tpu.memory_space<vmem>> -> memref<128x128xf32, #tpu.memory_space<vmem>>
      %dma_wait3A_51 = arith.constant 0 : i32
      %dma_wait3A_52 = tpu.memref_slice %arg6[%arg0, %add3A_33, %dma_wait3A_51] : memref<2x10112x128xf32, #tpu.memory_space<hbm>> -> memref<1x128x128xf32, #tpu.memory_space<hbm>>
      %dma_wait3A_53 = tpu.memref_squeeze %dma_wait3A_52 : memref<1x128x128xf32, #tpu.memory_space<hbm>> -> memref<128x128xf32, #tpu.memory_space<hbm>>
      %dma_wait3A_54 = arith.constant 0 : i32
      %dma_wait3A_55 = tpu.memref_slice %arg6[%arg0, %add3A_33, %dma_wait3A_54] : memref<2x10112x128xf32, #tpu.memory_space<hbm>> -> memref<1x128x128xf32, #tpu.memory_space<hbm>>
      %dma_wait3A_56 = tpu.memref_squeeze %dma_wait3A_55 : memref<1x128x128xf32, #tpu.memory_space<hbm>> -> memref<128x128xf32, #tpu.memory_space<hbm>>
      %dma_wait3A_57 = arith.constant 0 : i32
      %dma_wait3A_58 = arith.constant 0 : i32
      %dma_wait3A_59 = tpu.memref_slice %arg8[%dma_wait3A_57, %dma_wait3A_58] : memref<128x128xf32, #tpu.memory_space<vmem>> -> memref<128x128xf32, #tpu.memory_space<vmem>>
      tpu.wait_dma2 semaphore(%run_scoped3A : memref<!tpu.dma_semaphore, #tpu.memory_space<semaphore_mem>>) src(%dma_wait3A_59 : memref<128x128xf32, #tpu.memory_space<vmem>>) dst(%dma_wait3A_56 : memref<128x128xf32, #tpu.memory_space<hbm>>)
      tpu.yield
    }) : () -> ()
    %add3A_34 = arith.constant 512 : i32
    %add3A_35 = arith.addi %mul3A_0, %add3A_34 : i32
    "tpu.region"() ({
      %run_scoped3A = tpu.sem_alloc : memref<!tpu.dma_semaphore, #tpu.memory_space<semaphore_mem>>
      %dma_start3A = arith.constant 0 : i32
      %dma_start3A_38 = arith.constant 0 : i32
      %dma_start3A_39 = tpu.memref_slice %arg8[%dma_start3A, %dma_start3A_38] : memref<128x128xf32, #tpu.memory_space<vmem>> -> memref<120x128xf32, #tpu.memory_space<vmem>>
      %dma_start3A_40 = arith.constant 0 : i32
      %dma_start3A_41 = tpu.memref_slice %arg7[%add3A_35, %dma_start3A_40] : memref<10112x128xf32, #tpu.memory_space<vmem_shared>> -> memref<120x128xf32, #tpu.memory_space<vmem_shared>>
      %dma_start3A_42 = arith.constant 0 : i32
      %dma_start3A_43 = arith.constant 0 : i32
      %dma_start3A_44 = tpu.memref_slice %arg8[%dma_start3A_42, %dma_start3A_43] : memref<128x128xf32, #tpu.memory_space<vmem>> -> memref<120x128xf32, #tpu.memory_space<vmem>>
      %dma_start3A_45 = arith.constant 0 : i32
      %dma_start3A_46 = tpu.memref_slice %arg7[%add3A_35, %dma_start3A_45] : memref<10112x128xf32, #tpu.memory_space<vmem_shared>> -> memref<120x128xf32, #tpu.memory_space<vmem_shared>>
      tpu.enqueue_dma source(%dma_start3A_46 : memref<120x128xf32, #tpu.memory_space<vmem_shared>>) target(%dma_start3A_44 : memref<120x128xf32, #tpu.memory_space<vmem>>) target_semaphore(%run_scoped3A : memref<!tpu.dma_semaphore, #tpu.memory_space<semaphore_mem>>)
      %dma_wait3A = arith.constant 0 : i32
      %dma_wait3A_47 = arith.constant 0 : i32
      %dma_wait3A_48 = tpu.memref_slice %arg8[%dma_wait3A, %dma_wait3A_47] : memref<128x128xf32, #tpu.memory_space<vmem>> -> memref<120x128xf32, #tpu.memory_space<vmem>>
      %dma_wait3A_49 = arith.constant 0 : i32
      %dma_wait3A_50 = tpu.memref_slice %arg7[%add3A_35, %dma_wait3A_49] : memref<10112x128xf32, #tpu.memory_space<vmem_shared>> -> memref<120x128xf32, #tpu.memory_space<vmem_shared>>
      %dma_wait3A_51 = arith.constant 0 : i32
      %dma_wait3A_52 = arith.constant 0 : i32
      %dma_wait3A_53 = tpu.memref_slice %arg8[%dma_wait3A_51, %dma_wait3A_52] : memref<128x128xf32, #tpu.memory_space<vmem>> -> memref<120x128xf32, #tpu.memory_space<vmem>>
      %dma_wait3A_54 = arith.constant 0 : i32
      %dma_wait3A_55 = tpu.memref_slice %arg7[%add3A_35, %dma_wait3A_54] : memref<10112x128xf32, #tpu.memory_space<vmem_shared>> -> memref<120x128xf32, #tpu.memory_space<vmem_shared>>
      tpu.wait_dma2 semaphore(%run_scoped3A : memref<!tpu.dma_semaphore, #tpu.memory_space<semaphore_mem>>) src(%dma_wait3A_55 : memref<120x128xf32, #tpu.memory_space<vmem_shared>>) dst(%dma_wait3A_53 : memref<120x128xf32, #tpu.memory_space<vmem>>)
      tpu.yield
    }) : () -> ()
    %add3A_36 = arith.constant 512 : i32
    %add3A_37 = arith.addi %mul3A_0, %add3A_36 : i32
    "tpu.region"() ({
      %run_scoped3A = tpu.sem_alloc : memref<!tpu.dma_semaphore, #tpu.memory_space<semaphore_mem>>
      %dma_start3A = arith.constant 0 : i32
      %dma_start3A_38 = arith.constant 0 : i32
      %dma_start3A_39 = tpu.memref_slice %arg8[%dma_start3A, %dma_start3A_38] : memref<128x128xf32, #tpu.memory_space<vmem>> -> memref<120x128xf32, #tpu.memory_space<vmem>>
      %dma_start3A_40 = arith.constant 0 : i32
      %dma_start3A_41 = tpu.memref_slice %arg6[%arg0, %add3A_37, %dma_start3A_40] : memref<2x10112x128xf32, #tpu.memory_space<hbm>> -> memref<1x120x128xf32, #tpu.memory_space<hbm>>
      %dma_start3A_42 = tpu.memref_squeeze %dma_start3A_41 : memref<1x120x128xf32, #tpu.memory_space<hbm>> -> memref<120x128xf32, #tpu.memory_space<hbm>>
      %dma_start3A_43 = arith.constant 0 : i32
      %dma_start3A_44 = tpu.memref_slice %arg6[%arg0, %add3A_37, %dma_start3A_43] : memref<2x10112x128xf32, #tpu.memory_space<hbm>> -> memref<1x120x128xf32, #tpu.memory_space<hbm>>
      %dma_start3A_45 = tpu.memref_squeeze %dma_start3A_44 : memref<1x120x128xf32, #tpu.memory_space<hbm>> -> memref<120x128xf32, #tpu.memory_space<hbm>>
      %dma_start3A_46 = arith.constant 0 : i32
      %dma_start3A_47 = arith.constant 0 : i32
      %dma_start3A_48 = tpu.memref_slice %arg8[%dma_start3A_46, %dma_start3A_47] : memref<128x128xf32, #tpu.memory_space<vmem>> -> memref<120x128xf32, #tpu.memory_space<vmem>>
      tpu.enqueue_dma source(%dma_start3A_48 : memref<120x128xf32, #tpu.memory_space<vmem>>) target(%dma_start3A_45 : memref<120x128xf32, #tpu.memory_space<hbm>>) target_semaphore(%run_scoped3A : memref<!tpu.dma_semaphore, #tpu.memory_space<semaphore_mem>>)
      %dma_wait3A = arith.constant 0 : i32
      %dma_wait3A_49 = arith.constant 0 : i32
      %dma_wait3A_50 = tpu.memref_slice %arg8[%dma_wait3A, %dma_wait3A_49] : memref<128x128xf32, #tpu.memory_space<vmem>> -> memref<120x128xf32, #tpu.memory_space<vmem>>
      %dma_wait3A_51 = arith.constant 0 : i32
      %dma_wait3A_52 = tpu.memref_slice %arg6[%arg0, %add3A_37, %dma_wait3A_51] : memref<2x10112x128xf32, #tpu.memory_space<hbm>> -> memref<1x120x128xf32, #tpu.memory_space<hbm>>
      %dma_wait3A_53 = tpu.memref_squeeze %dma_wait3A_52 : memref<1x120x128xf32, #tpu.memory_space<hbm>> -> memref<120x128xf32, #tpu.memory_space<hbm>>
      %dma_wait3A_54 = arith.constant 0 : i32
      %dma_wait3A_55 = tpu.memref_slice %arg6[%arg0, %add3A_37, %dma_wait3A_54] : memref<2x10112x128xf32, #tpu.memory_space<hbm>> -> memref<1x120x128xf32, #tpu.memory_space<hbm>>
      %dma_wait3A_56 = tpu.memref_squeeze %dma_wait3A_55 : memref<1x120x128xf32, #tpu.memory_space<hbm>> -> memref<120x128xf32, #tpu.memory_space<hbm>>
      %dma_wait3A_57 = arith.constant 0 : i32
      %dma_wait3A_58 = arith.constant 0 : i32
      %dma_wait3A_59 = tpu.memref_slice %arg8[%dma_wait3A_57, %dma_wait3A_58] : memref<128x128xf32, #tpu.memory_space<vmem>> -> memref<120x128xf32, #tpu.memory_space<vmem>>
      tpu.wait_dma2 semaphore(%run_scoped3A : memref<!tpu.dma_semaphore, #tpu.memory_space<semaphore_mem>>) src(%dma_wait3A_59 : memref<120x128xf32, #tpu.memory_space<vmem>>) dst(%dma_wait3A_56 : memref<120x128xf32, #tpu.memory_space<hbm>>)
      tpu.yield
    }) : () -> ()
    return
  }
}

module attributes {stable_mosaic.version = 14 : i64} {
  func.func @_sage_body(%arg0: i32, %arg1: memref<2000x128xf32, #tpu.memory_space<vmem>>, %arg2: memref<2000x128xf32, #tpu.memory_space<vmem>>, %arg3: memref<2000x128xf32, #tpu.memory_space<vmem>>, %arg4: memref<2000x128xf32, #tpu.memory_space<vmem>>, %arg5: memref<2000x128xf32, #tpu.memory_space<vmem>>, %arg6: memref<128x128xf32, #tpu.memory_space<vmem>>, %arg7: memref<1x128xf32, #tpu.memory_space<vmem>>, %arg8: memref<128x128xf32, #tpu.memory_space<vmem>>, %arg9: memref<2000x128xf32, #tpu.memory_space<vmem>>) attributes {dimension_semantics = [#tpu.dimension_semantics<arbitrary>], iteration_bounds = array<i64: 5>, scalar_prefetch = 0 : i64, scratch_operands = 0 : i64, tpu.core_type = #tpu.core_type<tc>, window_params = [{transform_indices = @transform_0, window_bounds = array<i64: 2000, 128>}, {transform_indices = @transform_1, window_bounds = array<i64: 2000, 128>}, {transform_indices = @transform_2, window_bounds = array<i64: 2000, 128>}, {transform_indices = @transform_3, window_bounds = array<i64: 2000, 128>}, {transform_indices = @transform_4, window_bounds = array<i64: 2000, 128>}, {pipeline_mode = #tpu.pipeline_mode<synchronous>, transform_indices = @transform_5, window_bounds = array<i64: 128, 128>}, {pipeline_mode = #tpu.pipeline_mode<synchronous>, transform_indices = @transform_6, window_bounds = array<i64: 1, 128>}, {pipeline_mode = #tpu.pipeline_mode<synchronous>, transform_indices = @transform_7, window_bounds = array<i64: 128, 128>}, {transform_indices = @transform_8, window_bounds = array<i64: 2000, 128>}]} {
    %get3A = arith.constant 0 : index
    %get3A_0 = arith.constant 0 : index
    %get3A_1 = vector.load %arg4[%get3A, %get3A_0] : memref<2000x128xf32, #tpu.memory_space<vmem>>, vector<2000x1xf32>
    %get3A_2 = arith.constant 0 : index
    %get3A_3 = arith.constant 0 : index
    %get3A_4 = vector.load %arg5[%get3A_2, %get3A_3] : memref<2000x128xf32, #tpu.memory_space<vmem>>, vector<2000x1xf32>
    %add3A = arith.addf %get3A_1, %get3A_4 : vector<2000x1xf32>
    %max3A = arith.constant 1.000000e+00 : f32
    %max3A_5 = vector.broadcast %max3A : f32 to vector<2000x1xf32>
    %max3A_6 = arith.maximumf %add3A, %max3A_5 : vector<2000x1xf32>
    %div3A = arith.constant 1.000000e+00 : f32
    %div3A_7 = vector.broadcast %div3A : f32 to vector<2000x1xf32>
    %div3A_8 = arith.divf %div3A_7, %max3A_6 : vector<2000x1xf32>
    %get3A_9 = arith.constant 0 : index
    %get3A_10 = arith.constant 0 : index
    %get3A_11 = vector.load %arg2[%get3A_9, %get3A_10] : memref<2000x128xf32, #tpu.memory_space<vmem>>, vector<2000x128xf32>
    %get3A_12 = arith.constant 0 : index
    %get3A_13 = arith.constant 0 : index
    %get3A_14 = vector.load %arg3[%get3A_12, %get3A_13] : memref<2000x128xf32, #tpu.memory_space<vmem>>, vector<2000x128xf32>
    %add3A_15 = arith.addf %get3A_11, %get3A_14 : vector<2000x128xf32>
    %mul3A = vector.broadcast %div3A_8 : vector<2000x1xf32> to vector<2000x128xf32>
    %mul3A_16 = arith.mulf %add3A_15, %mul3A : vector<2000x128xf32>
    %get3A_17 = arith.constant 0 : index
    %get3A_18 = arith.constant 0 : index
    %get3A_19 = vector.load %arg6[%get3A_17, %get3A_18] : memref<128x128xf32, #tpu.memory_space<vmem>>, vector<128x128xf32>
    %dot_general3A = arith.constant dense<0.000000e+00> : vector<2000x128xf32>
    %dot_general3A_20 = tpu.matmul %mul3A_16, %get3A_19, %dot_general3A {dimension_numbers = #tpu.dot_dimension_numbers<[1], [1], [0], [0], [0, 0, 1, 0], [], []>, transpose_lhs_hint = false} : vector<2000x128xf32>, vector<128x128xf32>, vector<2000x128xf32> -> vector<2000x128xf32>
    %get3A_21 = arith.constant 0 : index
    %get3A_22 = arith.constant 0 : index
    %get3A_23 = vector.load %arg7[%get3A_21, %get3A_22] : memref<1x128xf32, #tpu.memory_space<vmem>>, vector<1x128xf32>
    %add3A_24 = vector.broadcast %get3A_23 : vector<1x128xf32> to vector<2000x128xf32>
    %add3A_25 = arith.addf %dot_general3A_20, %add3A_24 : vector<2000x128xf32>
    %get3A_26 = arith.constant 0 : index
    %get3A_27 = arith.constant 0 : index
    %get3A_28 = vector.load %arg1[%get3A_26, %get3A_27] : memref<2000x128xf32, #tpu.memory_space<vmem>>, vector<2000x128xf32>
    %get3A_29 = arith.constant 0 : index
    %get3A_30 = arith.constant 0 : index
    %get3A_31 = vector.load %arg8[%get3A_29, %get3A_30] : memref<128x128xf32, #tpu.memory_space<vmem>>, vector<128x128xf32>
    %dot_general3A_32 = arith.constant dense<0.000000e+00> : vector<2000x128xf32>
    %dot_general3A_33 = tpu.matmul %get3A_28, %get3A_31, %dot_general3A_32 {dimension_numbers = #tpu.dot_dimension_numbers<[1], [1], [0], [0], [0, 0, 1, 0], [], []>, transpose_lhs_hint = false} : vector<2000x128xf32>, vector<128x128xf32>, vector<2000x128xf32> -> vector<2000x128xf32>
    %add3A_34 = arith.addf %add3A_25, %dot_general3A_33 : vector<2000x128xf32>
    %max3A_35 = arith.constant 0.000000e+00 : f32
    %max3A_36 = vector.broadcast %max3A_35 : f32 to vector<2000x128xf32>
    %max3A_37 = arith.maximumf %add3A_34, %max3A_36 : vector<2000x128xf32>
    %swap3A = arith.constant 0 : index
    %swap3A_38 = arith.constant 0 : index
    %swap3A_39 = vector.load %arg9[%swap3A, %swap3A_38] : memref<2000x128xf32, #tpu.memory_space<vmem>>, vector<2000x128xf32>
    tpu.vector_store %arg9[%swap3A, %swap3A_38], %max3A_37 {strides = array<i32>} : memref<2000x128xf32, #tpu.memory_space<vmem>>, vector<2000x128xf32>,
    return
  }
  func.func @transform_0(%arg0: i32) -> (i32, i32) {
    %c0_i32 = arith.constant 0 : i32
    %c0_i32_0 = arith.constant 0 : i32
    return %arg0, %c0_i32 : i32, i32
  }
  func.func @transform_1(%arg0: i32) -> (i32, i32) {
    %c0_i32 = arith.constant 0 : i32
    %c0_i32_0 = arith.constant 0 : i32
    return %arg0, %c0_i32 : i32, i32
  }
  func.func @transform_2(%arg0: i32) -> (i32, i32) {
    %c0_i32 = arith.constant 0 : i32
    %c0_i32_0 = arith.constant 0 : i32
    return %arg0, %c0_i32 : i32, i32
  }
  func.func @transform_3(%arg0: i32) -> (i32, i32) {
    %c0_i32 = arith.constant 0 : i32
    %c0_i32_0 = arith.constant 0 : i32
    return %arg0, %c0_i32 : i32, i32
  }
  func.func @transform_4(%arg0: i32) -> (i32, i32) {
    %c0_i32 = arith.constant 0 : i32
    %c0_i32_0 = arith.constant 0 : i32
    return %arg0, %c0_i32 : i32, i32
  }
  func.func @transform_5(%arg0: i32) -> (i32, i32) {
    %c0_i32 = arith.constant 0 : i32
    %c0_i32_0 = arith.constant 0 : i32
    %c0_i32_1 = arith.constant 0 : i32
    return %c0_i32, %c0_i32_0 : i32, i32
  }
  func.func @transform_6(%arg0: i32) -> (i32, i32) {
    %c0_i32 = arith.constant 0 : i32
    %c0_i32_0 = arith.constant 0 : i32
    %c0_i32_1 = arith.constant 0 : i32
    return %c0_i32, %c0_i32_0 : i32, i32
  }
  func.func @transform_7(%arg0: i32) -> (i32, i32) {
    %c0_i32 = arith.constant 0 : i32
    %c0_i32_0 = arith.constant 0 : i32
    %c0_i32_1 = arith.constant 0 : i32
    return %c0_i32, %c0_i32_0 : i32, i32
  }
  func.func @transform_8(%arg0: i32) -> (i32, i32) {
    %c0_i32 = arith.constant 0 : i32
    %c0_i32_0 = arith.constant 0 : i32
    return %arg0, %c0_i32 : i32, i32
  }
}

module attributes {stable_mosaic.version = 14 : i64} {
  func.func @_head1_body(%arg0: i32, %arg1: memref<2000x128xf32, #tpu.memory_space<vmem>>, %arg2: memref<2000x128xf32, #tpu.memory_space<vmem>>, %arg3: memref<2000x128xf32, #tpu.memory_space<vmem>>, %arg4: memref<2000x128xf32, #tpu.memory_space<vmem>>, %arg5: memref<2000x128xf32, #tpu.memory_space<vmem>>, %arg6: memref<128x128xf32, #tpu.memory_space<vmem>>, %arg7: memref<1x128xf32, #tpu.memory_space<vmem>>, %arg8: memref<128x128xf32, #tpu.memory_space<vmem>>, %arg9: memref<128x128xf32, #tpu.memory_space<vmem>>, %arg10: memref<1x128xf32, #tpu.memory_space<vmem>>, %arg11: memref<2000x128xf32, #tpu.memory_space<vmem>>, %arg12: memref<1x128xf32, #tpu.memory_space<vmem>>, %arg13: memref<1x128xf32, #tpu.memory_space<vmem>>) attributes {dimension_semantics = [#tpu.dimension_semantics<arbitrary>], iteration_bounds = array<i64: 5>, scalar_prefetch = 0 : i64, scratch_operands = 0 : i64, tpu.core_type = #tpu.core_type<tc>, window_params = [{transform_indices = @transform_0, window_bounds = array<i64: 2000, 128>}, {transform_indices = @transform_1, window_bounds = array<i64: 2000, 128>}, {transform_indices = @transform_2, window_bounds = array<i64: 2000, 128>}, {transform_indices = @transform_3, window_bounds = array<i64: 2000, 128>}, {transform_indices = @transform_4, window_bounds = array<i64: 2000, 128>}, {pipeline_mode = #tpu.pipeline_mode<synchronous>, transform_indices = @transform_5, window_bounds = array<i64: 128, 128>}, {pipeline_mode = #tpu.pipeline_mode<synchronous>, transform_indices = @transform_6, window_bounds = array<i64: 1, 128>}, {pipeline_mode = #tpu.pipeline_mode<synchronous>, transform_indices = @transform_7, window_bounds = array<i64: 128, 128>}, {pipeline_mode = #tpu.pipeline_mode<synchronous>, transform_indices = @transform_8, window_bounds = array<i64: 128, 128>}, {pipeline_mode = #tpu.pipeline_mode<synchronous>, transform_indices = @transform_9, window_bounds = array<i64: 1, 128>}, {transform_indices = @transform_10, window_bounds = array<i64: 2000, 128>}, {pipeline_mode = #tpu.pipeline_mode<synchronous>, transform_indices = @transform_11, window_bounds = array<i64: 1, 128>}, {pipeline_mode = #tpu.pipeline_mode<synchronous>, transform_indices = @transform_12, window_bounds = array<i64: 1, 128>}]} {
    %get3A = arith.constant 0 : index
    %get3A_0 = arith.constant 0 : index
    %get3A_1 = vector.load %arg4[%get3A, %get3A_0] : memref<2000x128xf32, #tpu.memory_space<vmem>>, vector<2000x1xf32>
    %get3A_2 = arith.constant 0 : index
    %get3A_3 = arith.constant 0 : index
    %get3A_4 = vector.load %arg5[%get3A_2, %get3A_3] : memref<2000x128xf32, #tpu.memory_space<vmem>>, vector<2000x1xf32>
    %add3A = arith.addf %get3A_1, %get3A_4 : vector<2000x1xf32>
    %max3A = arith.constant 1.000000e+00 : f32
    %max3A_5 = vector.broadcast %max3A : f32 to vector<2000x1xf32>
    %max3A_6 = arith.maximumf %add3A, %max3A_5 : vector<2000x1xf32>
    %div3A = arith.constant 1.000000e+00 : f32
    %div3A_7 = vector.broadcast %div3A : f32 to vector<2000x1xf32>
    %div3A_8 = arith.divf %div3A_7, %max3A_6 : vector<2000x1xf32>
    %get3A_9 = arith.constant 0 : index
    %get3A_10 = arith.constant 0 : index
    %get3A_11 = vector.load %arg2[%get3A_9, %get3A_10] : memref<2000x128xf32, #tpu.memory_space<vmem>>, vector<2000x128xf32>
    %get3A_12 = arith.constant 0 : index
    %get3A_13 = arith.constant 0 : index
    %get3A_14 = vector.load %arg3[%get3A_12, %get3A_13] : memref<2000x128xf32, #tpu.memory_space<vmem>>, vector<2000x128xf32>
    %add3A_15 = arith.addf %get3A_11, %get3A_14 : vector<2000x128xf32>
    %mul3A = vector.broadcast %div3A_8 : vector<2000x1xf32> to vector<2000x128xf32>
    %mul3A_16 = arith.mulf %add3A_15, %mul3A : vector<2000x128xf32>
    %get3A_17 = arith.constant 0 : index
    %get3A_18 = arith.constant 0 : index
    %get3A_19 = vector.load %arg6[%get3A_17, %get3A_18] : memref<128x128xf32, #tpu.memory_space<vmem>>, vector<128x128xf32>
    %dot_general3A = arith.constant dense<0.000000e+00> : vector<2000x128xf32>
    %dot_general3A_20 = tpu.matmul %mul3A_16, %get3A_19, %dot_general3A {dimension_numbers = #tpu.dot_dimension_numbers<[1], [1], [0], [0], [0, 0, 1, 0], [], []>, transpose_lhs_hint = false} : vector<2000x128xf32>, vector<128x128xf32>, vector<2000x128xf32> -> vector<2000x128xf32>
    %get3A_21 = arith.constant 0 : index
    %get3A_22 = arith.constant 0 : index
    %get3A_23 = vector.load %arg7[%get3A_21, %get3A_22] : memref<1x128xf32, #tpu.memory_space<vmem>>, vector<1x128xf32>
    %add3A_24 = vector.broadcast %get3A_23 : vector<1x128xf32> to vector<2000x128xf32>
    %add3A_25 = arith.addf %dot_general3A_20, %add3A_24 : vector<2000x128xf32>
    %get3A_26 = arith.constant 0 : index
    %get3A_27 = arith.constant 0 : index
    %get3A_28 = vector.load %arg1[%get3A_26, %get3A_27] : memref<2000x128xf32, #tpu.memory_space<vmem>>, vector<2000x128xf32>
    %get3A_29 = arith.constant 0 : index
    %get3A_30 = arith.constant 0 : index
    %get3A_31 = vector.load %arg8[%get3A_29, %get3A_30] : memref<128x128xf32, #tpu.memory_space<vmem>>, vector<128x128xf32>
    %dot_general3A_32 = arith.constant dense<0.000000e+00> : vector<2000x128xf32>
    %dot_general3A_33 = tpu.matmul %get3A_28, %get3A_31, %dot_general3A_32 {dimension_numbers = #tpu.dot_dimension_numbers<[1], [1], [0], [0], [0, 0, 1, 0], [], []>, transpose_lhs_hint = false} : vector<2000x128xf32>, vector<128x128xf32>, vector<2000x128xf32> -> vector<2000x128xf32>
    %add3A_34 = arith.addf %add3A_25, %dot_general3A_33 : vector<2000x128xf32>
    %get3A_35 = arith.constant 0 : index
    %get3A_36 = arith.constant 0 : index
    %get3A_37 = vector.load %arg9[%get3A_35, %get3A_36] : memref<128x128xf32, #tpu.memory_space<vmem>>, vector<128x128xf32>
    %dot_general3A_38 = arith.constant dense<0.000000e+00> : vector<2000x128xf32>
    %dot_general3A_39 = tpu.matmul %add3A_34, %get3A_37, %dot_general3A_38 {dimension_numbers = #tpu.dot_dimension_numbers<[1], [1], [0], [0], [0, 0, 1, 0], [], []>, transpose_lhs_hint = false} : vector<2000x128xf32>, vector<128x128xf32>, vector<2000x128xf32> -> vector<2000x128xf32>
    %get3A_40 = arith.constant 0 : index
    %get3A_41 = arith.constant 0 : index
    %get3A_42 = vector.load %arg10[%get3A_40, %get3A_41] : memref<1x128xf32, #tpu.memory_space<vmem>>, vector<1x128xf32>
    %add3A_43 = vector.broadcast %get3A_42 : vector<1x128xf32> to vector<2000x128xf32>
    %add3A_44 = arith.addf %dot_general3A_39, %add3A_43 : vector<2000x128xf32>
    %swap3A = arith.constant 0 : index
    %swap3A_45 = arith.constant 0 : index
    %swap3A_46 = vector.load %arg11[%swap3A, %swap3A_45] : memref<2000x128xf32, #tpu.memory_space<vmem>>, vector<2000x128xf32>
    tpu.vector_store %arg11[%swap3A, %swap3A_45], %add3A_44 {strides = array<i32>} : memref<2000x128xf32, #tpu.memory_space<vmem>>, vector<2000x128xf32>,
    %eq3A = arith.constant 0 : i32
    %eq3A_47 = arith.cmpi eq, %arg0, %eq3A : i32
    %convert_element_type3A = arith.extui %eq3A_47 : i1 to i32
    %cond3A = arith.constant 0 : i32
    %cond3A_48 = arith.cmpi ne, %convert_element_type3A, %cond3A : i32
    scf.if %cond3A_48 {
      %broadcast_in_dim3A_68 = arith.constant 0.000000e+00 : f32
      %broadcast_in_dim3A_69 = vector.broadcast %broadcast_in_dim3A_68 : f32 to vector<1x128xf32>
      %swap3A_70 = arith.constant 0 : index
      %swap3A_71 = arith.constant 0 : index
      %swap3A_72 = vector.load %arg12[%swap3A_70, %swap3A_71] : memref<1x128xf32, #tpu.memory_space<vmem>>, vector<1x128xf32>
      tpu.vector_store %arg12[%swap3A_70, %swap3A_71], %broadcast_in_dim3A_69 {strides = array<i32>} : memref<1x128xf32, #tpu.memory_space<vmem>>, vector<1x128xf32>,
      %broadcast_in_dim3A_73 = arith.constant 0.000000e+00 : f32
      %broadcast_in_dim3A_74 = vector.broadcast %broadcast_in_dim3A_73 : f32 to vector<1x128xf32>
      %swap3A_75 = arith.constant 0 : index
      %swap3A_76 = arith.constant 0 : index
      %swap3A_77 = vector.load %arg13[%swap3A_75, %swap3A_76] : memref<1x128xf32, #tpu.memory_space<vmem>>, vector<1x128xf32>
      tpu.vector_store %arg13[%swap3A_75, %swap3A_76], %broadcast_in_dim3A_74 {strides = array<i32>} : memref<1x128xf32, #tpu.memory_space<vmem>>, vector<1x128xf32>,
    } else {
    }
    %get3A_49 = arith.constant 0 : index
    %get3A_50 = arith.constant 0 : index
    %get3A_51 = vector.load %arg12[%get3A_49, %get3A_50] : memref<1x128xf32, #tpu.memory_space<vmem>>, vector<1x128xf32>
    %reduce_sum3A = arith.constant dense<0.000000e+00> : vector<128xf32>
    %reduce_sum3A_52 = vector.multi_reduction <add>, %add3A_44, %reduce_sum3A [0] : vector<2000x128xf32> to vector<128xf32>
    %broadcast_in_dim3A = vector.shape_cast %reduce_sum3A_52 : vector<128xf32> to vector<1x128xf32>
    %add3A_53 = arith.addf %get3A_51, %broadcast_in_dim3A : vector<1x128xf32>
    %swap3A_54 = arith.constant 0 : index
    %swap3A_55 = arith.constant 0 : index
    %swap3A_56 = vector.load %arg12[%swap3A_54, %swap3A_55] : memref<1x128xf32, #tpu.memory_space<vmem>>, vector<1x128xf32>
    tpu.vector_store %arg12[%swap3A_54, %swap3A_55], %add3A_53 {strides = array<i32>} : memref<1x128xf32, #tpu.memory_space<vmem>>, vector<1x128xf32>,
    %get3A_57 = arith.constant 0 : index
    %get3A_58 = arith.constant 0 : index
    %get3A_59 = vector.load %arg13[%get3A_57, %get3A_58] : memref<1x128xf32, #tpu.memory_space<vmem>>, vector<1x128xf32>
    %mul3A_60 = arith.mulf %add3A_44, %add3A_44 : vector<2000x128xf32>
    %reduce_sum3A_61 = arith.constant dense<0.000000e+00> : vector<128xf32>
    %reduce_sum3A_62 = vector.multi_reduction <add>, %mul3A_60, %reduce_sum3A_61 [0] : vector<2000x128xf32> to vector<128xf32>
    %broadcast_in_dim3A_63 = vector.shape_cast %reduce_sum3A_62 : vector<128xf32> to vector<1x128xf32>
    %add3A_64 = arith.addf %get3A_59, %broadcast_in_dim3A_63 : vector<1x128xf32>
    %swap3A_65 = arith.constant 0 : index
    %swap3A_66 = arith.constant 0 : index
    %swap3A_67 = vector.load %arg13[%swap3A_65, %swap3A_66] : memref<1x128xf32, #tpu.memory_space<vmem>>, vector<1x128xf32>
    tpu.vector_store %arg13[%swap3A_65, %swap3A_66], %add3A_64 {strides = array<i32>} : memref<1x128xf32, #tpu.memory_space<vmem>>, vector<1x128xf32>,
    return
  }
  func.func @transform_0(%arg0: i32) -> (i32, i32) {
    %c0_i32 = arith.constant 0 : i32
    %c0_i32_0 = arith.constant 0 : i32
    return %arg0, %c0_i32 : i32, i32
  }
  func.func @transform_1(%arg0: i32) -> (i32, i32) {
    %c0_i32 = arith.constant 0 : i32
    %c0_i32_0 = arith.constant 0 : i32
    return %arg0, %c0_i32 : i32, i32
  }
  func.func @transform_2(%arg0: i32) -> (i32, i32) {
    %c0_i32 = arith.constant 0 : i32
    %c0_i32_0 = arith.constant 0 : i32
    return %arg0, %c0_i32 : i32, i32
  }
  func.func @transform_3(%arg0: i32) -> (i32, i32) {
    %c0_i32 = arith.constant 0 : i32
    %c0_i32_0 = arith.constant 0 : i32
    return %arg0, %c0_i32 : i32, i32
  }
  func.func @transform_4(%arg0: i32) -> (i32, i32) {
    %c0_i32 = arith.constant 0 : i32
    %c0_i32_0 = arith.constant 0 : i32
    return %arg0, %c0_i32 : i32, i32
  }
  func.func @transform_5(%arg0: i32) -> (i32, i32) {
    %c0_i32 = arith.constant 0 : i32
    %c0_i32_0 = arith.constant 0 : i32
    %c0_i32_1 = arith.constant 0 : i32
    return %c0_i32, %c0_i32_0 : i32, i32
  }
  func.func @transform_6(%arg0: i32) -> (i32, i32) {
    %c0_i32 = arith.constant 0 : i32
    %c0_i32_0 = arith.constant 0 : i32
    %c0_i32_1 = arith.constant 0 : i32
    return %c0_i32, %c0_i32_0 : i32, i32
  }
  func.func @transform_7(%arg0: i32) -> (i32, i32) {
    %c0_i32 = arith.constant 0 : i32
    %c0_i32_0 = arith.constant 0 : i32
    %c0_i32_1 = arith.constant 0 : i32
    return %c0_i32, %c0_i32_0 : i32, i32
  }
  func.func @transform_8(%arg0: i32) -> (i32, i32) {
    %c0_i32 = arith.constant 0 : i32
    %c0_i32_0 = arith.constant 0 : i32
    %c0_i32_1 = arith.constant 0 : i32
    return %c0_i32, %c0_i32_0 : i32, i32
  }
  func.func @transform_9(%arg0: i32) -> (i32, i32) {
    %c0_i32 = arith.constant 0 : i32
    %c0_i32_0 = arith.constant 0 : i32
    %c0_i32_1 = arith.constant 0 : i32
    return %c0_i32, %c0_i32_0 : i32, i32
  }
  func.func @transform_10(%arg0: i32) -> (i32, i32) {
    %c0_i32 = arith.constant 0 : i32
    %c0_i32_0 = arith.constant 0 : i32
    return %arg0, %c0_i32 : i32, i32
  }
  func.func @transform_11(%arg0: i32) -> (i32, i32) {
    %c0_i32 = arith.constant 0 : i32
    %c0_i32_0 = arith.constant 0 : i32
    %c0_i32_1 = arith.constant 0 : i32
    return %c0_i32, %c0_i32_0 : i32, i32
  }
  func.func @transform_12(%arg0: i32) -> (i32, i32) {
    %c0_i32 = arith.constant 0 : i32
    %c0_i32_0 = arith.constant 0 : i32
    %c0_i32_1 = arith.constant 0 : i32
    return %c0_i32, %c0_i32_0 : i32, i32
  }
}

module attributes {stable_mosaic.version = 14 : i64} {
  func.func @_head2_body(%arg0: i32, %arg1: memref<2000x128xf32, #tpu.memory_space<vmem>>, %arg2: memref<1x128xf32, #tpu.memory_space<vmem>>, %arg3: memref<1x128xf32, #tpu.memory_space<vmem>>, %arg4: memref<1x128xf32, #tpu.memory_space<vmem>>, %arg5: memref<1x128xf32, #tpu.memory_space<vmem>>, %arg6: memref<128x128xf32, #tpu.memory_space<vmem>>, %arg7: memref<1x128xf32, #tpu.memory_space<vmem>>, %arg8: memref<2000x128xf32, #tpu.memory_space<vmem>>) attributes {dimension_semantics = [#tpu.dimension_semantics<arbitrary>], iteration_bounds = array<i64: 5>, scalar_prefetch = 0 : i64, scratch_operands = 0 : i64, tpu.core_type = #tpu.core_type<tc>, window_params = [{transform_indices = @transform_0, window_bounds = array<i64: 2000, 128>}, {pipeline_mode = #tpu.pipeline_mode<synchronous>, transform_indices = @transform_1, window_bounds = array<i64: 1, 128>}, {pipeline_mode = #tpu.pipeline_mode<synchronous>, transform_indices = @transform_2, window_bounds = array<i64: 1, 128>}, {pipeline_mode = #tpu.pipeline_mode<synchronous>, transform_indices = @transform_3, window_bounds = array<i64: 1, 128>}, {pipeline_mode = #tpu.pipeline_mode<synchronous>, transform_indices = @transform_4, window_bounds = array<i64: 1, 128>}, {pipeline_mode = #tpu.pipeline_mode<synchronous>, transform_indices = @transform_5, window_bounds = array<i64: 128, 128>}, {pipeline_mode = #tpu.pipeline_mode<synchronous>, transform_indices = @transform_6, window_bounds = array<i64: 1, 128>}, {transform_indices = @transform_7, window_bounds = array<i64: 2000, 128>}]} {
    %get3A = arith.constant 0 : index
    %get3A_0 = arith.constant 0 : index
    %get3A_1 = vector.load %arg2[%get3A, %get3A_0] : memref<1x128xf32, #tpu.memory_space<vmem>>, vector<1x128xf32>
    %mul3A = arith.constant 9.99999974E-5 : f32
    %mul3A_2 = vector.broadcast %mul3A : f32 to vector<1x128xf32>
    %mul3A_3 = arith.mulf %get3A_1, %mul3A_2 : vector<1x128xf32>
    %get3A_4 = arith.constant 0 : index
    %get3A_5 = arith.constant 0 : index
    %get3A_6 = vector.load %arg3[%get3A_4, %get3A_5] : memref<1x128xf32, #tpu.memory_space<vmem>>, vector<1x128xf32>
    %mul3A_7 = arith.constant 9.99999974E-5 : f32
    %mul3A_8 = vector.broadcast %mul3A_7 : f32 to vector<1x128xf32>
    %mul3A_9 = arith.mulf %get3A_6, %mul3A_8 : vector<1x128xf32>
    %mul3A_10 = arith.mulf %mul3A_3, %mul3A_3 : vector<1x128xf32>
    %sub3A = arith.subf %mul3A_9, %mul3A_10 : vector<1x128xf32>
    %get3A_11 = arith.constant 0 : index
    %get3A_12 = arith.constant 0 : index
    %get3A_13 = vector.load %arg4[%get3A_11, %get3A_12] : memref<1x128xf32, #tpu.memory_space<vmem>>, vector<1x128xf32>
    %add3A = arith.constant 9.99999974E-6 : f32
    %add3A_14 = vector.broadcast %add3A : f32 to vector<1x128xf32>
    %add3A_15 = arith.addf %sub3A, %add3A_14 : vector<1x128xf32>
    %rsqrt3A = math.rsqrt %add3A_15 : vector<1x128xf32>
    %mul3A_16 = arith.mulf %get3A_13, %rsqrt3A : vector<1x128xf32>
    %get3A_17 = arith.constant 0 : index
    %get3A_18 = arith.constant 0 : index
    %get3A_19 = vector.load %arg1[%get3A_17, %get3A_18] : memref<2000x128xf32, #tpu.memory_space<vmem>>, vector<2000x128xf32>
    %sub3A_20 = vector.broadcast %mul3A_3 : vector<1x128xf32> to vector<2000x128xf32>
    %sub3A_21 = arith.subf %get3A_19, %sub3A_20 : vector<2000x128xf32>
    %mul3A_22 = vector.broadcast %mul3A_16 : vector<1x128xf32> to vector<2000x128xf32>
    %mul3A_23 = arith.mulf %sub3A_21, %mul3A_22 : vector<2000x128xf32>
    %get3A_24 = arith.constant 0 : index
    %get3A_25 = arith.constant 0 : index
    %get3A_26 = vector.load %arg5[%get3A_24, %get3A_25] : memref<1x128xf32, #tpu.memory_space<vmem>>, vector<1x128xf32>
    %add3A_27 = vector.broadcast %get3A_26 : vector<1x128xf32> to vector<2000x128xf32>
    %add3A_28 = arith.addf %mul3A_23, %add3A_27 : vector<2000x128xf32>
    %ge3A = arith.constant 0.000000e+00 : f32
    %ge3A_29 = vector.broadcast %ge3A : f32 to vector<2000x128xf32>
    %ge3A_30 = arith.cmpf oge, %add3A_28, %ge3A_29 : vector<2000x128xf32>
    %mul3A_31 = arith.constant 1.000000e-01 : f32
    %mul3A_32 = vector.broadcast %mul3A_31 : f32 to vector<2000x128xf32>
    %mul3A_33 = arith.mulf %mul3A_32, %add3A_28 : vector<2000x128xf32>
    %select_n3A = arith.select %ge3A_30, %add3A_28, %mul3A_33 : vector<2000x128xi1>, vector<2000x128xf32>
    %get3A_34 = arith.constant 0 : index
    %get3A_35 = arith.constant 0 : index
    %get3A_36 = vector.load %arg6[%get3A_34, %get3A_35] : memref<128x128xf32, #tpu.memory_space<vmem>>, vector<128x128xf32>
    %dot_general3A = arith.constant dense<0.000000e+00> : vector<2000x128xf32>
    %dot_general3A_37 = tpu.matmul %select_n3A, %get3A_36, %dot_general3A {dimension_numbers = #tpu.dot_dimension_numbers<[1], [1], [0], [0], [0, 0, 1, 0], [], []>, transpose_lhs_hint = false} : vector<2000x128xf32>, vector<128x128xf32>, vector<2000x128xf32> -> vector<2000x128xf32>
    %get3A_38 = arith.constant 0 : index
    %get3A_39 = arith.constant 0 : index
    %get3A_40 = vector.load %arg7[%get3A_38, %get3A_39] : memref<1x128xf32, #tpu.memory_space<vmem>>, vector<1x128xf32>
    %add3A_41 = vector.broadcast %get3A_40 : vector<1x128xf32> to vector<2000x128xf32>
    %add3A_42 = arith.addf %dot_general3A_37, %add3A_41 : vector<2000x128xf32>
    %swap3A = arith.constant 0 : index
    %swap3A_43 = arith.constant 0 : index
    %swap3A_44 = vector.load %arg8[%swap3A, %swap3A_43] : memref<2000x128xf32, #tpu.memory_space<vmem>>, vector<2000x128xf32>
    tpu.vector_store %arg8[%swap3A, %swap3A_43], %add3A_42 {strides = array<i32>} : memref<2000x128xf32, #tpu.memory_space<vmem>>, vector<2000x128xf32>,
    return
  }
  func.func @transform_0(%arg0: i32) -> (i32, i32) {
    %c0_i32 = arith.constant 0 : i32
    %c0_i32_0 = arith.constant 0 : i32
    return %arg0, %c0_i32 : i32, i32
  }
  func.func @transform_1(%arg0: i32) -> (i32, i32) {
    %c0_i32 = arith.constant 0 : i32
    %c0_i32_0 = arith.constant 0 : i32
    %c0_i32_1 = arith.constant 0 : i32
    return %c0_i32, %c0_i32_0 : i32, i32
  }
  func.func @transform_2(%arg0: i32) -> (i32, i32) {
    %c0_i32 = arith.constant 0 : i32
    %c0_i32_0 = arith.constant 0 : i32
    %c0_i32_1 = arith.constant 0 : i32
    return %c0_i32, %c0_i32_0 : i32, i32
  }
  func.func @transform_3(%arg0: i32) -> (i32, i32) {
    %c0_i32 = arith.constant 0 : i32
    %c0_i32_0 = arith.constant 0 : i32
    %c0_i32_1 = arith.constant 0 : i32
    return %c0_i32, %c0_i32_0 : i32, i32
  }
  func.func @transform_4(%arg0: i32) -> (i32, i32) {
    %c0_i32 = arith.constant 0 : i32
    %c0_i32_0 = arith.constant 0 : i32
    %c0_i32_1 = arith.constant 0 : i32
    return %c0_i32, %c0_i32_0 : i32, i32
  }
  func.func @transform_5(%arg0: i32) -> (i32, i32) {
    %c0_i32 = arith.constant 0 : i32
    %c0_i32_0 = arith.constant 0 : i32
    %c0_i32_1 = arith.constant 0 : i32
    return %c0_i32, %c0_i32_0 : i32, i32
  }
  func.func @transform_6(%arg0: i32) -> (i32, i32) {
    %c0_i32 = arith.constant 0 : i32
    %c0_i32_0 = arith.constant 0 : i32
    %c0_i32_1 = arith.constant 0 : i32
    return %c0_i32, %c0_i32_0 : i32, i32
  }
  func.func @transform_7(%arg0: i32) -> (i32, i32) {
    %c0_i32 = arith.constant 0 : i32
    %c0_i32_0 = arith.constant 0 : i32
    return %arg0, %c0_i32 : i32, i32
  }
}

</mosaic_0001>

<sc_bundles>
// kernel: kernel.11.cloned.1.call-start
scs
__scs_entry_jumppad:
0x0: {  	(pc) =	sbr.rel $0x88, $3  }
0x1: {  	(tag) =	ssettag $0x0;
	lr =	simm.s32 $0x1  }
0x2: {  	[smem:$0x3F93] =	sst lr;
	_ =	strace $0xD0000000  }
0x3: {  	_ = 	snop  }
0x4: {  	_ = 	snop  }
0x5: {  	_ = 	snop  }
0x6: {  	_ = 	snop  }
0x7: {  	_ = 	snop  }
__scs_overlays_trampoline_lowered:
0x8: {  	[smem:$0x3FA2] =	sst s0  }
0x9: {  	[smem:$0x3FA3] =	sst s1  }
0xa: {  	[smem:$0x3FA4] =	sst s2  }
0xb: {  	[smem:$0x3FA5] =	sst s3  }
0xc: {  	[smem:$0x3FA6] =	sst s4  }
0xd: {  	[smem:$0x3FA7] =	sst s5  }
0xe: {  	[smem:$0x3FA8] =	sst s6  }
0xf: {  	[smem:$0x3FA9] =	sst s7  }
0x10: {  	[smem:$0x3FAA] =	sst s8  }
0x11: {  	[smem:$0x3FAB] =	sst s9;
	s0 =	simm.s32 @!p0 $0x0  }
0x12: {  	s1 =	sld [smem:$0x3F91];
	s0 =	simm.s32 @p0 $0x1  }
0x13: {  	[smem:$0x3FAC] =	sst s0;
	s0 =	simm.s32 @!p1 $0x0  }
0x14: {  	s2 =	sld [smem:$0x3F90];
	s0 =	simm.s32 @p1 $0x1  }
0x15: {  	[smem:$0x3FAD] =	sst s0;
	s0 =	simm.s32 @!p2 $0x0  }
0x16: {  	s3 =	sld [smem:$0x3FDB];
	s0 =	simm.s32 @p2 $0x1  }
0x17: {  	s4 =	simm.s32 $0x1BF5;
	[smem:$0x3FAF] =	sst s0  }
0x18: {  	s0 =	sld [smem:$0x3F92];
	_ =	swait.ge [sflag:s4], $0x0  }
0x19: {  	s7 =	sld [smem:$0x3F93]  }
0x1a: {  	s8 =	sadd.s32 $0xFFFFE003, lr  }
0x1b: {  	s9 =	sadd.s32 $0xFFFFFEF7, lr;
	s5 =	simm.s32 $0xFFFFFFFF;
	p2 =	slt.u32 s8, $0xFFFFF086  }
0x1c: {  	p1 =	slt.u32 s9, $0xF7A;
	s5 =	simm.s32 @!p2 $0x0  }
0x1d: {  	s5 =	simm.s32 @p1 $0x1;
	p0 =	seq.s32 s7, s2  }
0x1e: {  	s7 =	smul.u32 @!p0 $0xF7A, s2;
	p2 =	seq.s32 @!p0 s5, $0x0  }
0x1f: {  	s9 =	smul.u32 $0xF7A, s1;
	s8 =	simm.s32 @!p0 $0x1BF5;
	p2 =	por !p2, p0  }
0x20: {  	[sflag:s8] =	ssyncset.s32 @!p0 $0xFFFFF086;
	s6 =	sadd.s32 @!p0 s3, s7;
	s7 =	simm.s32 @!p0 $0x108  }
0x21: {  	s3 =	sadd.s32 s3, s9;
	s6 =	sadd.s32 @!p0 $0x88, s6;
	s7 =	simm.s32 @p2 $0x1082  }
0x22: {  	[simem:s7], [sflag:s8] =	dma.local @!p0 [hbm:s6], $0xF7A  }
0x23: {  	s9 =	sor.u32 $0xD0000000, s2;
	s6 =	simm.s32 $0x108;
	_ =	swait.ge @!p0 [sflag:s8], $0x0  }
0x24: {  	s3 =	sadd.s32 $0x88, s3;
	s6 =	simm.s32 @!p1 $0x1082;
	[sflag:s4] =	ssyncset.s32 $0xFFFFF086  }
0x25: {  	[simem:s6], [sflag:s4] =	dma.local [hbm:s3], $0xF7A  }
0x26: {  	[smem:$0x3F93] =	sst s1;
	(tag) =	ssettag s2;
	_ =	strace s9  }
0x27: {  	s1 =	sld [smem:$0x3FA3]  }
0x28: {  	s2 =	sld [smem:$0x3FA4]  }
0x29: {  	s4 =	sld [smem:$0x3FA6]  }
0x2a: {  	p0 =	seq.s32 s5, $0x0;
	s5 =	sld [smem:$0x3FA7]  }
0x2b: {  	s6 =	sld [smem:$0x3FA8]  }
0x2c: {  	s7 =	sld [smem:$0x3FA9]  }
0x2d: {  	s3 =	simm.s32 $0x108;
	s8 =	sld [smem:$0x3FAA]  }
0x2e: {  	s3 =	simm.s32 @!p0 $0x1082;
	s9 =	sld [smem:$0x3FAB]  }
0x2f: {  	lr =	sadd.s32 s0, s3;
	s0 =	sld [smem:$0x3FA2]  }
0x30: {  	s3 =	sld [smem:$0x3FA5]  }
0x31: {  	[smem:$0x3FAE] =	sst s10  }
0x32: {  	s10 =	sld [smem:$0x3FAC];
	_ =	sdelay $0x3  }
0x33: {  	p0 =	seq.s32 s10, $0x1;
	s10 =	sld [smem:$0x3FAE];
	_ =	sdelay $0x3  }
0x34: {  	[smem:$0x3FAE] =	sst s10  }
0x35: {  	s10 =	sld [smem:$0x3FAD];
	_ =	sdelay $0x3  }
0x36: {  	p1 =	seq.s32 s10, $0x1;
	s10 =	sld [smem:$0x3FAE];
	_ =	sdelay $0x3  }
0x37: {  	[smem:$0x3FAE] =	sst s10  }
0x38: {  	s10 =	sld [smem:$0x3FAF]  }
0x39: {  	_ = 	snop;
	(pc) =	sbr.ind lr, $3  }
0x3a: {  	_ = 	snop  }
0x3b: {  	_ = 	snop  }
0x3c: {  	p2 =	seq.s32 s10, $0x1;
	s10 =	sld [smem:$0x3FAE]  }
0x3d: {  	_ =	shalt  }
0x3e: {  	_ =	shalt  }
0x3f: {  	_ =	shalt  }
0x40: {  	_ =	shalt  }
0x41: {  	_ =	shalt  }
0x42: {  	_ =	shalt  }
0x43: {  	_ =	shalt  }
0x44: {  	_ =	shalt  }
0x45: {  	_ =	shalt  }
0x46: {  	_ =	shalt  }
0x47: {  	_ =	shalt  }
0x48: {  	_ =	shalt  }
0x49: {  	_ =	shalt  }
0x4a: {  	_ =	shalt  }
0x4b: {  	_ =	shalt  }
0x4c: {  	_ =	shalt  }
0x4d: {  	_ =	shalt  }
0x4e: {  	_ =	shalt  }
0x4f: {  	_ =	shalt  }
0x50: {  	_ =	shalt  }
0x51: {  	_ =	shalt  }
0x52: {  	_ =	shalt  }
0x53: {  	_ =	shalt  }
0x54: {  	_ =	shalt  }
0x55: {  	_ =	shalt  }
0x56: {  	_ =	shalt  }
0x57: {  	_ =	shalt  }
0x58: {  	_ =	shalt  }
0x59: {  	_ =	shalt  }
0x5a: {  	_ =	shalt  }
0x5b: {  	_ =	shalt  }
0x5c: {  	_ =	shalt  }
0x5d: {  	_ =	shalt  }
0x5e: {  	_ =	shalt  }
0x5f: {  	_ =	shalt  }
0x60: {  	_ =	shalt  }
0x61: {  	_ =	shalt  }
0x62: {  	_ =	shalt  }
0x63: {  	_ =	shalt  }
0x64: {  	_ =	shalt  }
0x65: {  	_ =	shalt  }
0x66: {  	_ =	shalt  }
0x67: {  	_ =	shalt  }
0x68: {  	_ =	shalt  }
0x69: {  	_ =	shalt  }
0x6a: {  	_ =	shalt  }
0x6b: {  	_ =	shalt  }
0x6c: {  	_ =	shalt  }
0x6d: {  	_ =	shalt  }
0x6e: {  	_ =	shalt  }
0x6f: {  	_ =	shalt  }
0x70: {  	_ =	shalt  }
0x71: {  	_ =	shalt  }
0x72: {  	_ =	shalt  }
0x73: {  	_ =	shalt  }
0x74: {  	_ =	shalt  }
0x75: {  	_ =	shalt  }
0x76: {  	_ =	shalt  }
0x77: {  	_ =	shalt  }
0x78: {  	_ =	shalt  }
0x79: {  	_ =	shalt  }
0x7a: {  	_ =	shalt  }
0x7b: {  	_ =	shalt  }
0x7c: {  	_ =	shalt  }
0x7d: {  	_ =	shalt  }
0x7e: {  	_ =	shalt  }
0x7f: {  	_ =	shalt  }
0x80: {  	_ =	shalt  }
0x81: {  	_ =	shalt  }
0x82: {  	_ =	shalt  }
0x83: {  	_ =	shalt  }
0x84: {  	_ =	shalt  }
0x85: {  	_ =	shalt  }
0x86: {  	_ =	shalt  }
0x87: {  	_ =	shalt  }
.Lfunc_end0:
.L_simem_size_0:
called_computation.1_lowered:
.L_overlay_start_0:
0x88: {  	s2 =	sld [smem:$0x3FD9]  }
0x89: {  	s3 =	sld [smem:$0x3FFE];
	_ =	sdelay $0x1  }
0x8a: {  	s1 =	srdreg.scid  }
0x8b: {  	s0 =	sand.u32 $0x1, s1  }
0x8c: {  	s17 =	sshll.u32 s0, $0xA;
	s2 =	sadd.s32 s3, s2  }
0x8d: {  	s2 =	sadd.s32 s2, s17  }
0x8e: {  	[smem:$0x3FBA] =	sst s2  }
0x8f: {  	_ = 	snop  }
0x90: {  	s18 =	sld [smem:$0x3FD0];
	(tm) =	ssettm $0x1  }
0x91: {  	s19 =	sld [smem:$0x3FFB];
	_ =	sdelay $0x3  }
0x92: {  	_ =	strace s19  }
0x93: {  	s2 =	sld [smem:$0x3FFC];
	_ =	sdelay $0x3  }
0x94: {  	_ =	strace s2  }
0x95: {  	s2 =	sld [smem:$0x3FFD];
	_ =	sdelay $0x3  }
0x96: {  	_ =	strace s2  }
0x97: {  	_ =	strace $0x8FFFFFFF  }
0x98: {  	s20 =	sld [smem:$0x3FDB];
	_ =	sdelay $0x1  }
0x99: {  	s4 =	simm.s32 $_scs_section_size  }
0x9a: {  	s5 =	simm.s32 $_size__tile_overlayer_lowered;
	s6 =	simm.s32 $_tile_overlayer_lowered  }
0x9b: {  	s7 =	simm.s32 $0x1BFF;
	s21 =	sshll.u32 s6, $0x1;
	s4 =	sadd.s32 s4, s20  }
0x9c: {  	s22 =	simm.s32 $0x0;
	s5 =	sshll.u32 s5, $0x1;
	s6 =	sadd.s32 s21, s4  }
0x9d: {  	[timem:s22], [sflag:s7] =	dma.local [hbm:s6], s5  }
0x9e: {  	_ =	swait.ge [sflag:s7], s5  }
0x9f: {  	s5 =	ssub.s32 $0x0, s5;
	[sflag:s7] =	ssyncset.done $0x0  }
0xa0: {  	[sflag:s7] =	ssyncadd.s32 s5;
	_ =	sdelay $0x1  }
0xa1: {  	s23 =	simm.s32 $0x1B8B  }
0xa2: {  	_ =	swait.ge [sflag:s23], $0x1  }
0xa3: {  	[sflag:s23] =	ssyncset.done $0x0  }
0xa4: {  	[sflag:s23] =	ssyncadd.s32 $0xFFFFFFFF  }
0xa5: {  	s5 =	sld [smem:$0x0]  }
0xa6: {  	s6 =	sand.u32 $0xFFFFFFFE, s1  }
0xa7: {  	p0 =	sne.s32 s1, s6  }
0xa8: {  	s6 =	sshll.u32 @p0 s6, $0xE  }
0xa9: {  	s6 =	sadd.s32 @p0 $0x11B8D, s6;
	s7 =	sshll.u32 @p0 s5, $0x11  }
0xaa: {  	s6 =	sor.u32 @p0 s7, s6  }
0xab: {  	[sflag:s6] =	ssyncadd.remote.s32 @p0 $0x1;
	_ =	sdelay $0x1  }
0xac: {  	s6 =	simm.s32 @p0 $0x1B8D  }
0xad: {  	_ =	swait.eq @p0 [sflag:s6], $0x1  }
0xae: {  	[sflag:s6] =	ssyncadd.s32 @p0 $0xFFFFFFFF  }
0xaf: {  	s7 =	sshll.u32 @!p0 s1, $0xE  }
0xb0: {  	s7 =	sor.u32 @!p0 $0x4000, s7;
	s6 =	simm.s32 @!p0 $0x1B8D  }
0xb1: {  	s5 =	sshll.u32 @!p0 s5, $0x11;
	s7 =	sadd.s32 @!p0 $0x11B8D, s7;
	_ =	swait.eq @!p0 [sflag:s6], $0x1  }
0xb2: {  	s5 =	sor.u32 @!p0 s5, s7;
	[sflag:s6] =	ssyncadd.s32 @!p0 $0xFFFFFFFF  }
0xb3: {  	s25 =	simm.s32 $0x1B8E;
	s24 =	sld [smem:$0x3FFE];
	[sflag:s5] =	ssyncadd.remote.s32 @!p0 $0x1  }
0xb4: {  	s26 =	simm.s32 $execute0_lowered;
	[smem:$0x3FD2] =	sst s25  }
0xb5: {  	s6 =	sshll.u32 s26, $0x1;
	_ =	strace $0x80000049;
	[dreg:$0x1] =	wrdreg $0xFFFFFFFF  }
0xb6: {  	s28 =	simm.s32 $_size_execute0_lowered;
	s4 =	sadd.s32 s4, s6;
	[dreg:$0x0] =	wrdreg $0x0  }
0xb7: {  	s6 =	sshll.u32 s28, $0x1;
	[dreg:$0x2] =	wrdreg s4  }
0xb8: {  	[dreg:$0x3] =	wrdreg s6  }
0xb9: {  	[dreg:$0x4] =	wrdreg $0xC0  }
0xba: {  	_ =	task [dreg:s22], $0x5FFFF  }
0xbb: {  	[dreg:$0x1] =	wrdreg $0xFFFFFFFF  }
0xbc: {  	[dreg:$0x0] =	wrdreg $0x60  }
0xbd: {  	[dreg:$0x2] =	wrdreg s24  }
0xbe: {  	[dreg:$0x3] =	wrdreg s18  }
0xbf: {  	[dreg:$0x4] =	wrdreg $0x0  }
0xc0: {  	[dreg:$0x5] =	wrdreg $0xA  }
0xc1: {  	_ =	task.clear_ibuf [dreg:s22], $0x6FFFF;
	_ =	strace $0x90000049  }
0xc2: {  	s29 =	simm.s32 $0xA;
	_ =	strace $0x8000004B  }
0xc3: {  	_ =	swait.ge [sflag:s29], $0x1  }
0xc4: {  	[sflag:s29] =	ssyncadd.s32 $0xFFFFFFFF  }
0xc5: {  	_ =	strace $0x9000004B  }
0xc6: {  	_ =	sfence  }
0xc7: {  	s30 =	sld [smem:$0x0];
	_ =	sdelay $0x2  }
0xc8: {  	s31 =	sshll.u32 s1, $0xD;
	s1 =	sshrl.u32 s1, $0x2  }
0xc9: {  	s4 =	sand.u32 $0x4000, s31;
	s1 =	sadd.s32 s1, s30  }
0xca: {  	s0 =	sor.u32 s4, s0;
	s1 =	sshll.u32 s1, $0x11  }
0xcb: {  	s0 =	sor.u32 s1, s0  }
0xcc: {  	s0 =	sadd.s32 $0x8F2B, s0  }
0xcd: {  	[sflag:s0] =	ssyncadd.remote.s32 $0x1  }
0xce: {  	_ =	sfence.sel $0xFFFF  }
0xcf: {  	[dreg:$0x0] =	wrdreg $0xFFFFFFFF;
	(pc) =	sbr.abs _section_cstart, $3  }
0xd0: {  	[dreg:$0x1] =	wrdreg $0xFFFFFFFF  }
0xd1: {  	_ =	task.clear_ibuf [dreg:s22], $0x2FFFF;
	_ =	strace $0x9FFFFFFF  }
0xd2: {  	(tm) =	ssettm $0x7FFFFFFF  }
0xd3: {  	_ =	shalt  }
tec
execute0_lowered:
.L_overlay_start_1:
0x0: {  	(tag) =	ssettag $0x1  }
0x1: {  	s6 =	rddreg [dreg:$0x0]  }
0x2: {  	s2 =	rddreg [dreg:$0x2];
	s3 =	simm.s32 $0x0  }
0x3: {  	s5 =	srdreg.scid;
	s0 =	stileid.u32;
	s28 =	simm.s32 $0x1  }
0x4: {  	s29 =	simm.s32 $0x0;
	[smem:$0x7FF] =	sst s3;
	s20 =	sadd.s32 $0x2400, s6  }
0x5: {  	s14 =	sand.u32 $0x1, s5;
	s5 =	sadd.s32 $0x3DC00, s6;
	s8 =	smul.u32 $0x4F000, s0  }
0x6: {  	s17 =	sadd.s32 $0x8D400, s6;
	s9 =	sshll.u32 s0, $0x1;
	s10 =	smul.u32 $0x13C00, s0  }
0x7: {  	s23 =	smul.u32 $0x5000, s0;
	_ =	strace $0x8000004A;
	s7 =	ssub.s32 $0x2, s14  }
0x8: {  	s9 =	sor.u32 s14, s9;
	s19 =	smul.u32 $0x13C000, s14;
	s24 =	sshrl.u32 s7, $0x1  }
0x9: {  	s8 =	sshrl.u32 s8, $0x2;
	s11 =	smul.u32 $0x2800, s9;
	s15 =	sadd.s32 $0x4000, s10  }
0xa: {  	s16 =	sadd.s32 $0x8000, s10;
	s21 =	sadd.s32 $0xC000, s10;
	s22 =	sadd.s32 $0x10000, s10  }
0xb: {  	s18 =	ssub.s32 s7, s24;
	s6 =	sadd.s32 s8, s2;
	s7 =	sadd.s32 s15, s2  }
0xc: {  	s8 =	sadd.s32 s16, s2;
	s9 =	sadd.s32 s21, s2;
	s12 =	sadd.s32 s10, s19  }
0xd: {  	s15 =	sadd.s32 s19, s15;
	s16 =	sadd.s32 s19, s16;
	s24 =	smul.u32 $0x2800, s14  }
0xe: {  	s25 =	sadd.s32 s19, s21;
	s19 =	sadd.s32 s19, s22;
	s11 =	sshrl.u32 s11, $0x3  }
0xf: {  	s13 =	sshrl.u32 s12, $0x3;
	s15 =	sshrl.u32 s15, $0x3;
	s16 =	sshrl.u32 s16, $0x3  }
0x10: {  	s19 =	sshrl.u32 s19, $0x3;
	s18 =	smax.u32 s18, $0x1;
	s10 =	sadd.s32 s20, s11  }
0x11: {  	s11 =	sadd.s32 s22, s2;
	s13 =	sadd.s32 s17, s13;
	s14 =	sadd.s32 s17, s15  }
0x12: {  	s15 =	sadd.s32 s17, s16;
	s16 =	sshrl.u32 s25, $0x3;
	s26 =	sadd.s32 s24, s23  }
0x13: {  	s22 =	simm.s32 $0x3;
	s23 =	simm.s32 $0x17C00;
	s24 =	simm.s32 $0x17C80  }
0x14: {  	s25 =	simm.s32 $0x80;
	s12 =	sadd.s32 $0x4F0, s10;
	s16 =	sadd.s32 s17, s16  }
0x15: {  	s30 =	sor.u32 $0x100, s26;
	s17 =	sadd.s32 s17, s19;
	s21 =	sor.u32 $0x80, s26  }
0x16: {  	s26 =	simm.s32 $0x2;
	s31 =	sshrl.u32 s30, $0x3;
	s21 =	sshrl.u32 s21, $0x3  }
0x17: {  	s19 =	sadd.s32 s31, s20;
	s20 =	sadd.s32 s21, s20;
	s21 =	simm.s32 $0x13C00  }
.LBB2_1:
0x18: {  	[tilespmem:s21], [sflag:$0x3] =	stream.linear.gather [hbm4b:s5+s3], $0x4000, $0x38;
	[tilespmem:$0x17D00] =	vst v63  }
0x19: {  	_ =	swait.ge [sflag:s22], $0x4000  }
0x1a: {  	[sflag:s22] =	ssyncset.done $0x0  }
0x1b: {  	[sflag:s22] =	ssyncadd.s32 $0xFFFFC000  }
0x1c: {  	[spmem:s6] =	stream.linear.scatter [tilespmem:s21], [sflag:$0x3], $0x4000, $0x38;
	[tilespmem:$0x17D00] =	vst v63  }
0x1d: {  	_ =	swait.ge [sflag:s22], $0x4000  }
0x1e: {  	[sflag:s22] =	ssyncset.done $0x0  }
0x1f: {  	[sflag:s22] =	ssyncadd.s32 $0xFFFFC000  }
0x20: {  	[spmem:s7] =	stream.linear.scatter [tilespmem:s21], [sflag:$0x3], $0x4000, $0x38;
	[tilespmem:$0x17D00] =	vst v63  }
0x21: {  	_ =	swait.ge [sflag:s22], $0x4000  }
0x22: {  	[sflag:s22] =	ssyncset.done $0x0  }
0x23: {  	[sflag:s22] =	ssyncadd.s32 $0xFFFFC000  }
0x24: {  	[spmem:s8] =	stream.linear.scatter [tilespmem:s21], [sflag:$0x3], $0x4000, $0x38;
	[tilespmem:$0x17D00] =	vst v63  }
0x25: {  	_ =	swait.ge [sflag:s22], $0x4000  }
0x26: {  	[sflag:s22] =	ssyncset.done $0x0  }
0x27: {  	[sflag:s22] =	ssyncadd.s32 $0xFFFFC000  }
0x28: {  	[spmem:s9] =	stream.linear.scatter [tilespmem:s21], [sflag:$0x3], $0x4000, $0x38;
	[tilespmem:$0x17D00] =	vst v63  }
0x29: {  	_ =	swait.ge [sflag:s22], $0x4000  }
0x2a: {  	[sflag:s22] =	ssyncset.done $0x0  }
0x2b: {  	[sflag:s22] =	ssyncadd.s32 $0xFFFFC000  }
0x2c: {  	[spmem:s11] =	stream.linear.scatter [tilespmem:s21], [sflag:$0x3], $0x3C00, $0x38;
	[tilespmem:$0x17D00] =	vst v63  }
0x2d: {  	_ =	swait.ge [sflag:s22], $0x3C00  }
0x2e: {  	[sflag:s22] =	ssyncset.done $0x0  }
0x2f: {  	[sflag:s22] =	ssyncadd.s32 $0xFFFFC400  }
0x30: {  	s0 =	rddreg [dreg:$0x1]  }
0x31: {  	[tilespmem:s21], [sflag:$0x3] =	stream.linear.gather [hbm4b:s0+s3], $0x4000, $0x38;
	[tilespmem:$0x17D00] =	vst v63  }
0x32: {  	_ =	swait.ge [sflag:s22], $0x4000  }
0x33: {  	[sflag:s22] =	ssyncset.done $0x0  }
0x34: {  	[sflag:s22] =	ssyncadd.s32 $0xFFFFC000  }
0x35: {  	[bflag:$0x0] =	sbarrier.arrive $0xFFFF  }
0x36: {  	[tilespmem:s23], [sflag:$0x3] =	stream.linear.gather [hbm4b:s10+s3], $0x80, $0x38;
	[tilespmem:$0x17D00] =	vst v63  }
0x37: {  	_ =	swait.ge [sflag:s22], $0x80  }
0x38: {  	[sflag:s22] =	ssyncset.done $0x0  }
0x39: {  	s30 =	sadd.s32 $0x0, s20;
	[sflag:s22] =	ssyncadd.s32 $0xFFFFFF80  }
0x3a: {  	[tilespmem:s24], [sflag:$0x2] =	stream.linear.gather [hbm4b:s30+s3], $0x80, $0x38;
	[tilespmem:$0x17D00] =	vst v63  }
0x3b: {  	_ = 	snop  }
0x3c: {  	[spmem:s2] =	stream.indirect.scatter.add.f32 [tilespmem:s21], [sflag:$0x3], $0x80, s23, s25, $0xb8;
	[tilespmem:$0x17D00] =	vst v63  }
0x3d: {  	_ =	swait.ge [sflag:s22], $0x4000  }
0x3e: {  	[sflag:s22] =	ssyncset.done $0x0  }
0x3f: {  	[sflag:s22] =	ssyncadd.s32 $0xFFFFC000  }
0x40: {  	_ =	swait.ge [sflag:s26], $0x80  }
0x41: {  	[sflag:s26] =	ssyncset.done $0x0  }
0x42: {  	s30 =	sadd.s32 $0x0, s19;
	[sflag:s26] =	ssyncadd.s32 $0xFFFFFF80  }
0x43: {  	[tilespmem:s23], [sflag:$0x1] =	stream.linear.gather [hbm4b:s30+s3], $0x80, $0x38;
	[tilespmem:$0x17D00] =	vst v63  }
0x44: {  	_ = 	snop  }
0x45: {  	[spmem:s2] =	stream.indirect.scatter.add.f32 [tilespmem:s21], [sflag:$0x3], $0x80, s24, s25, $0xb8;
	[tilespmem:$0x17D00] =	vst v63  }
0x46: {  	_ =	swait.ge [sflag:s22], $0x4000  }
0x47: {  	[sflag:s22] =	ssyncset.done $0x0  }
0x48: {  	[sflag:s22] =	ssyncadd.s32 $0xFFFFC000  }
0x49: {  	_ =	swait.ge [sflag:s28], $0x80  }
0x4a: {  	s31 =	simm.s32 $0x40;
	s30 =	simm.s32 $0x20;
	[sflag:s28] =	ssyncset.done $0x0  }
.LBB2_2:
0x4b: {  	s0 =	sadd.s32 s30, s20  }
0x4c: {  	[sflag:s28] =	ssyncadd.s32 $0xFFFFFF80;
	s4 =	smov.u32 s31;
	s1 =	sadd.s32 $0x20, s31  }
0x4d: {  	[tilespmem:s24], [sflag:$0x2] =	stream.linear.gather [hbm4b:s0+s3], $0x80, $0x38;
	[tilespmem:$0x17D00] =	vst v63  }
0x4e: {  	p0 =	sne.s32 s31, $0x4C0  }
0x4f: {  	[spmem:s2] =	stream.indirect.scatter.add.f32 [tilespmem:s21], [sflag:$0x3], $0x80, s23, s25, $0xb8;
	[tilespmem:$0x17D00] =	vst v63  }
0x50: {  	_ =	swait.ge [sflag:s22], $0x4000  }
0x51: {  	[sflag:s22] =	ssyncset.done $0x0  }
0x52: {  	[sflag:s22] =	ssyncadd.s32 $0xFFFFC000  }
0x53: {  	_ =	swait.ge [sflag:s26], $0x80  }
0x54: {  	[sflag:s26] =	ssyncset.done $0x0  }
0x55: {  	s0 =	sadd.s32 s30, s19;
	s30 =	smov.u32 s4;
	[sflag:s26] =	ssyncadd.s32 $0xFFFFFF80  }
0x56: {  	[tilespmem:s23], [sflag:$0x1] =	stream.linear.gather [hbm4b:s0+s3], $0x80, $0x38;
	[tilespmem:$0x17D00] =	vst v63  }
0x57: {  	_ = 	snop  }
0x58: {  	[spmem:s2] =	stream.indirect.scatter.add.f32 [tilespmem:s21], [sflag:$0x3], $0x80, s24, s25, $0xb8;
	[tilespmem:$0x17D00] =	vst v63  }
.Ltmp0:
0x59: {  	_ =	swait.ge [sflag:s22], $0x4000;
	(pc) =	sbr.rel @p0 .LBB2_2-.Ltmp0, $4  }
0x5a: {  	[sflag:s22] =	ssyncset.done $0x0  }
0x5b: {  	[sflag:s22] =	ssyncadd.s32 $0xFFFFC000  }
0x5c: {  	_ =	swait.ge [sflag:s28], $0x80  }
0x5d: {  	s31 =	smov.u32 s1;
	[sflag:s28] =	ssyncset.done $0x0  }
0x5e: {  	s0 =	sadd.s32 s30, s20;
	[sflag:s28] =	ssyncadd.s32 $0xFFFFFF80  }
0x5f: {  	[tilespmem:s24], [sflag:$0x2] =	stream.linear.gather [hbm4b:s0+s3], $0x80, $0x38;
	[tilespmem:$0x17D00] =	vst v63  }
0x60: {  	_ = 	snop  }
0x61: {  	[spmem:s2] =	stream.indirect.scatter.add.f32 [tilespmem:s21], [sflag:$0x3], $0x80, s23, s25, $0xb8;
	[tilespmem:$0x17D00] =	vst v63  }
0x62: {  	_ =	swait.ge [sflag:s22], $0x4000  }
0x63: {  	[sflag:s22] =	ssyncset.done $0x0  }
0x64: {  	[sflag:s22] =	ssyncadd.s32 $0xFFFFC000  }
0x65: {  	_ =	swait.ge [sflag:s26], $0x80  }
0x66: {  	[sflag:s26] =	ssyncset.done $0x0  }
0x67: {  	s31 =	sadd.s32 s30, s19;
	[sflag:s26] =	ssyncadd.s32 $0xFFFFFF80  }
0x68: {  	[tilespmem:s23], [sflag:$0x1] =	stream.linear.gather [hbm4b:s31+s3], $0x80, $0x38;
	[tilespmem:$0x17D00] =	vst v63  }
0x69: {  	_ = 	snop  }
0x6a: {  	[spmem:s2] =	stream.indirect.scatter.add.f32 [tilespmem:s21], [sflag:$0x3], $0x80, s24, s25, $0xb8;
	[tilespmem:$0x17D00] =	vst v63  }
0x6b: {  	_ =	swait.ge [sflag:s22], $0x4000  }
0x6c: {  	[sflag:s22] =	ssyncset.done $0x0  }
0x6d: {  	[sflag:s22] =	ssyncadd.s32 $0xFFFFC000  }
0x6e: {  	_ =	swait.ge [sflag:s28], $0x80  }
0x6f: {  	[sflag:s28] =	ssyncset.done $0x0  }
0x70: {  	[sflag:s28] =	ssyncadd.s32 $0xFFFFFF80  }
0x71: {  	[tilespmem:s24], [sflag:$0x2] =	stream.linear.gather [hbm4b:s12+s3], $0x80, $0x38;
	[tilespmem:$0x17D00] =	vst v63  }
0x72: {  	_ = 	snop  }
0x73: {  	[spmem:s2] =	stream.indirect.scatter.add.f32 [tilespmem:s21], [sflag:$0x3], $0x80, s23, s25, $0xb8;
	[tilespmem:$0x17D00] =	vst v63  }
0x74: {  	_ =	swait.ge [sflag:s22], $0x4000  }
0x75: {  	[sflag:s22] =	ssyncset.done $0x0  }
0x76: {  	[sflag:s22] =	ssyncadd.s32 $0xFFFFC000  }
0x77: {  	_ =	swait.ge [sflag:s26], $0x80  }
0x78: {  	[sflag:s26] =	ssyncset.done $0x0  }
0x79: {  	[sflag:s26] =	ssyncadd.s32 $0xFFFFFF80  }
0x7a: {  	[spmem:s2] =	stream.indirect.scatter.add.f32 [tilespmem:s21], [sflag:$0x3], $0x80, s24, s25, $0xb8;
	[tilespmem:$0x17D00] =	vst v63  }
0x7b: {  	_ =	swait.ge [sflag:s22], $0x4000  }
0x7c: {  	[sflag:s22] =	ssyncset.done $0x0  }
0x7d: {  	[sflag:s22] =	ssyncadd.s32 $0xFFFFC000  }
0x7e: {  	[bflag:$0x0] =	sbarrier.arrive $0xFFFF  }
0x7f: {  	[tilespmem:s21], [sflag:$0x3] =	stream.linear.gather [spmem:s6], $0x4000, $0x38;
	[tilespmem:$0x17D00] =	vst v63  }
0x80: {  	_ =	swait.ge [sflag:s22], $0x4000  }
0x81: {  	[sflag:s22] =	ssyncset.done $0x0  }
0x82: {  	[sflag:s22] =	ssyncadd.s32 $0xFFFFC000  }
0x83: {  	[hbm4b:s13+s3] =	stream.linear.scatter [tilespmem:s21], [sflag:$0x3], $0x4000, $0x38;
	[tilespmem:$0x17D00] =	vst v63  }
0x84: {  	_ =	swait.ge [sflag:s22], $0x4000  }
0x85: {  	[sflag:s22] =	ssyncset.done $0x0  }
0x86: {  	[sflag:s22] =	ssyncadd.s32 $0xFFFFC000  }
0x87: {  	[tilespmem:s21], [sflag:$0x3] =	stream.linear.gather [spmem:s7], $0x4000, $0x38;
	[tilespmem:$0x17D00] =	vst v63  }
0x88: {  	_ =	swait.ge [sflag:s22], $0x4000  }
0x89: {  	[sflag:s22] =	ssyncset.done $0x0  }
0x8a: {  	[sflag:s22] =	ssyncadd.s32 $0xFFFFC000  }
0x8b: {  	[hbm4b:s14+s3] =	stream.linear.scatter [tilespmem:s21], [sflag:$0x3], $0x4000, $0x38;
	[tilespmem:$0x17D00] =	vst v63  }
0x8c: {  	_ =	swait.ge [sflag:s22], $0x4000  }
0x8d: {  	[sflag:s22] =	ssyncset.done $0x0  }
0x8e: {  	[sflag:s22] =	ssyncadd.s32 $0xFFFFC000  }
0x8f: {  	[tilespmem:s21], [sflag:$0x3] =	stream.linear.gather [spmem:s8], $0x4000, $0x38;
	[tilespmem:$0x17D00] =	vst v63  }
0x90: {  	_ =	swait.ge [sflag:s22], $0x4000  }
0x91: {  	[sflag:s22] =	ssyncset.done $0x0  }
0x92: {  	[sflag:s22] =	ssyncadd.s32 $0xFFFFC000  }
0x93: {  	[hbm4b:s15+s3] =	stream.linear.scatter [tilespmem:s21], [sflag:$0x3], $0x4000, $0x38;
	[tilespmem:$0x17D00] =	vst v63  }
0x94: {  	_ =	swait.ge [sflag:s22], $0x4000  }
0x95: {  	[sflag:s22] =	ssyncset.done $0x0  }
0x96: {  	[sflag:s22] =	ssyncadd.s32 $0xFFFFC000  }
0x97: {  	[tilespmem:s21], [sflag:$0x3] =	stream.linear.gather [spmem:s9], $0x4000, $0x38;
	[tilespmem:$0x17D00] =	vst v63  }
0x98: {  	_ =	swait.ge [sflag:s22], $0x4000  }
0x99: {  	[sflag:s22] =	ssyncset.done $0x0  }
0x9a: {  	[sflag:s22] =	ssyncadd.s32 $0xFFFFC000  }
0x9b: {  	[hbm4b:s16+s3] =	stream.linear.scatter [tilespmem:s21], [sflag:$0x3], $0x4000, $0x38;
	[tilespmem:$0x17D00] =	vst v63  }
0x9c: {  	_ =	swait.ge [sflag:s22], $0x4000  }
0x9d: {  	[sflag:s22] =	ssyncset.done $0x0  }
0x9e: {  	[sflag:s22] =	ssyncadd.s32 $0xFFFFC000  }
0x9f: {  	[tilespmem:s21], [sflag:$0x3] =	stream.linear.gather [spmem:s11], $0x3C00, $0x38;
	[tilespmem:$0x17D00] =	vst v63  }
0xa0: {  	s29 =	sadd.s32 $0x1, s29;
	_ =	swait.ge [sflag:s22], $0x3C00  }
0xa1: {  	p0 =	sne.s32 s29, s18;
	[sflag:s22] =	ssyncset.done $0x0  }
.Ltmp1:
0xa2: {  	[sflag:s22] =	ssyncadd.s32 $0xFFFFC400;
	(pc) =	sbr.rel @p0 .LBB2_1-.Ltmp1, $4  }
0xa3: {  	[hbm4b:s17+s3] =	stream.linear.scatter [tilespmem:s21], [sflag:$0x3], $0x3C00, $0x38;
	[tilespmem:$0x17D00] =	vst v63  }
0xa4: {  	_ =	swait.ge [sflag:s22], $0x3C00  }
0xa5: {  	[sflag:s22] =	ssyncset.done $0x0  }
0xa6: {  	[sflag:s22] =	ssyncadd.s32 $0xFFFFC400  }
0xa7: {  	_ =	sfence.sel $0x180000  }
0xa8: {  	[bflag:$0x0] =	sbarrier.arrive $0xFFFF  }
0xa9: {  	_ =	strace $0x9000004A  }
0xaa: {  	s0 =	stileid.u32;
	[bflag:$0x2] =	sbarrier.arrive $0xFFFF  }
0xab: {  	p0 =	sne.s32 s0, $0x0;
	s0 =	rddreg [dreg:$0x3]  }
0xac: {  	s0 =	sadd.s32 @!p0 $0x100000, s0  }
0xad: {  	[sflag:s0] =	ssyncadd.tile.s32 @!p0 $0x1;
	_ =	shalt  }
.Lfunc_end2:
_tile_overlayer_lowered:
.L_overlay_start_2:
0xae: {  	(tag) =	ssettag $0x2  }
0xaf: {  	s0 =	rddreg [dreg:$0x0];
	s2 =	stileid.u32  }
0xb0: {  	s1 =	rddreg [dreg:$0x1];
	p0 =	sne.s32 s2, $0x0  }
0xb1: {  	s3 =	rddreg [dreg:$0x2];
	[bflag:$0x3] =	sbarrier.arrive $0xFFFF;
	s2 =	simm.s32 @!p0 $0x1C03  }
0xb2: {  	[timem:s3], [sflag:s2] =	dma.local @!p0 [hbm:s0], s1  }
0xb3: {  	s0 =	simm.s32 @!p0 $0x3  }
0xb4: {  	_ =	swait.ge @!p0 [sflag:s0], s1  }
0xb5: {  	s1 =	ssub.s32 @!p0 $0x0, s1;
	[sflag:s0] =	ssyncset.done @!p0 $0x0  }
0xb6: {  	[sflag:s0] =	ssyncadd.s32 @!p0 s1  }
0xb7: {  	[bflag:$0x3] =	sbarrier.arrive $0xFFFF  }
0xb8: {  	_ =	shalt  }

// kernel: kernel.14.cloned.1.call-start
scs
__scs_entry_jumppad:
0x0: {  	(pc) =	sbr.rel $0x88, $3  }
0x1: {  	(tag) =	ssettag $0x0;
	lr =	simm.s32 $0x1  }
0x2: {  	[smem:$0x3F93] =	sst lr;
	_ =	strace $0xD0000000  }
0x3: {  	_ = 	snop  }
0x4: {  	_ = 	snop  }
0x5: {  	_ = 	snop  }
0x6: {  	_ = 	snop  }
0x7: {  	_ = 	snop  }
__scs_overlays_trampoline_lowered:
0x8: {  	[smem:$0x3FA2] =	sst s0  }
0x9: {  	[smem:$0x3FA3] =	sst s1  }
0xa: {  	[smem:$0x3FA4] =	sst s2  }
0xb: {  	[smem:$0x3FA5] =	sst s3  }
0xc: {  	[smem:$0x3FA6] =	sst s4  }
0xd: {  	[smem:$0x3FA7] =	sst s5  }
0xe: {  	[smem:$0x3FA8] =	sst s6  }
0xf: {  	[smem:$0x3FA9] =	sst s7  }
0x10: {  	[smem:$0x3FAA] =	sst s8  }
0x11: {  	[smem:$0x3FAB] =	sst s9;
	s0 =	simm.s32 @!p0 $0x0  }
0x12: {  	s1 =	sld [smem:$0x3F91];
	s0 =	simm.s32 @p0 $0x1  }
0x13: {  	[smem:$0x3FAC] =	sst s0;
	s0 =	simm.s32 @!p1 $0x0  }
0x14: {  	s2 =	sld [smem:$0x3F90];
	s0 =	simm.s32 @p1 $0x1  }
0x15: {  	[smem:$0x3FAD] =	sst s0;
	s0 =	simm.s32 @!p2 $0x0  }
0x16: {  	s3 =	sld [smem:$0x3FDB];
	s0 =	simm.s32 @p2 $0x1  }
0x17: {  	s4 =	simm.s32 $0x1BF5;
	[smem:$0x3FAF] =	sst s0  }
0x18: {  	s0 =	sld [smem:$0x3F92];
	_ =	swait.ge [sflag:s4], $0x0  }
0x19: {  	s7 =	sld [smem:$0x3F93]  }
0x1a: {  	s8 =	sadd.s32 $0xFFFFE003, lr  }
0x1b: {  	s9 =	sadd.s32 $0xFFFFFEF7, lr;
	s5 =	simm.s32 $0xFFFFFFFF;
	p2 =	slt.u32 s8, $0xFFFFF086  }
0x1c: {  	p1 =	slt.u32 s9, $0xF7A;
	s5 =	simm.s32 @!p2 $0x0  }
0x1d: {  	s5 =	simm.s32 @p1 $0x1;
	p0 =	seq.s32 s7, s2  }
0x1e: {  	s7 =	smul.u32 @!p0 $0xF7A, s2;
	p2 =	seq.s32 @!p0 s5, $0x0  }
0x1f: {  	s9 =	smul.u32 $0xF7A, s1;
	s8 =	simm.s32 @!p0 $0x1BF5;
	p2 =	por !p2, p0  }
0x20: {  	[sflag:s8] =	ssyncset.s32 @!p0 $0xFFFFF086;
	s6 =	sadd.s32 @!p0 s3, s7;
	s7 =	simm.s32 @!p0 $0x108  }
0x21: {  	s3 =	sadd.s32 s3, s9;
	s6 =	sadd.s32 @!p0 $0x88, s6;
	s7 =	simm.s32 @p2 $0x1082  }
0x22: {  	[simem:s7], [sflag:s8] =	dma.local @!p0 [hbm:s6], $0xF7A  }
0x23: {  	s9 =	sor.u32 $0xD0000000, s2;
	s6 =	simm.s32 $0x108;
	_ =	swait.ge @!p0 [sflag:s8], $0x0  }
0x24: {  	s3 =	sadd.s32 $0x88, s3;
	s6 =	simm.s32 @!p1 $0x1082;
	[sflag:s4] =	ssyncset.s32 $0xFFFFF086  }
0x25: {  	[simem:s6], [sflag:s4] =	dma.local [hbm:s3], $0xF7A  }
0x26: {  	[smem:$0x3F93] =	sst s1;
	(tag) =	ssettag s2;
	_ =	strace s9  }
0x27: {  	s1 =	sld [smem:$0x3FA3]  }
0x28: {  	s2 =	sld [smem:$0x3FA4]  }
0x29: {  	s4 =	sld [smem:$0x3FA6]  }
0x2a: {  	p0 =	seq.s32 s5, $0x0;
	s5 =	sld [smem:$0x3FA7]  }
0x2b: {  	s6 =	sld [smem:$0x3FA8]  }
0x2c: {  	s7 =	sld [smem:$0x3FA9]  }
0x2d: {  	s3 =	simm.s32 $0x108;
	s8 =	sld [smem:$0x3FAA]  }
0x2e: {  	s3 =	simm.s32 @!p0 $0x1082;
	s9 =	sld [smem:$0x3FAB]  }
0x2f: {  	lr =	sadd.s32 s0, s3;
	s0 =	sld [smem:$0x3FA2]  }
0x30: {  	s3 =	sld [smem:$0x3FA5]  }
0x31: {  	[smem:$0x3FAE] =	sst s10  }
0x32: {  	s10 =	sld [smem:$0x3FAC];
	_ =	sdelay $0x3  }
0x33: {  	p0 =	seq.s32 s10, $0x1;
	s10 =	sld [smem:$0x3FAE];
	_ =	sdelay $0x3  }
0x34: {  	[smem:$0x3FAE] =	sst s10  }
0x35: {  	s10 =	sld [smem:$0x3FAD];
	_ =	sdelay $0x3  }
0x36: {  	p1 =	seq.s32 s10, $0x1;
	s10 =	sld [smem:$0x3FAE];
	_ =	sdelay $0x3  }
0x37: {  	[smem:$0x3FAE] =	sst s10  }
0x38: {  	s10 =	sld [smem:$0x3FAF]  }
0x39: {  	_ = 	snop;
	(pc) =	sbr.ind lr, $3  }
0x3a: {  	_ = 	snop  }
0x3b: {  	_ = 	snop  }
0x3c: {  	p2 =	seq.s32 s10, $0x1;
	s10 =	sld [smem:$0x3FAE]  }
0x3d: {  	_ =	shalt  }
0x3e: {  	_ =	shalt  }
0x3f: {  	_ =	shalt  }
0x40: {  	_ =	shalt  }
0x41: {  	_ =	shalt  }
0x42: {  	_ =	shalt  }
0x43: {  	_ =	shalt  }
0x44: {  	_ =	shalt  }
0x45: {  	_ =	shalt  }
0x46: {  	_ =	shalt  }
0x47: {  	_ =	shalt  }
0x48: {  	_ =	shalt  }
0x49: {  	_ =	shalt  }
0x4a: {  	_ =	shalt  }
0x4b: {  	_ =	shalt  }
0x4c: {  	_ =	shalt  }
0x4d: {  	_ =	shalt  }
0x4e: {  	_ =	shalt  }
0x4f: {  	_ =	shalt  }
0x50: {  	_ =	shalt  }
0x51: {  	_ =	shalt  }
0x52: {  	_ =	shalt  }
0x53: {  	_ =	shalt  }
0x54: {  	_ =	shalt  }
0x55: {  	_ =	shalt  }
0x56: {  	_ =	shalt  }
0x57: {  	_ =	shalt  }
0x58: {  	_ =	shalt  }
0x59: {  	_ =	shalt  }
0x5a: {  	_ =	shalt  }
0x5b: {  	_ =	shalt  }
0x5c: {  	_ =	shalt  }
0x5d: {  	_ =	shalt  }
0x5e: {  	_ =	shalt  }
0x5f: {  	_ =	shalt  }
0x60: {  	_ =	shalt  }
0x61: {  	_ =	shalt  }
0x62: {  	_ =	shalt  }
0x63: {  	_ =	shalt  }
0x64: {  	_ =	shalt  }
0x65: {  	_ =	shalt  }
0x66: {  	_ =	shalt  }
0x67: {  	_ =	shalt  }
0x68: {  	_ =	shalt  }
0x69: {  	_ =	shalt  }
0x6a: {  	_ =	shalt  }
0x6b: {  	_ =	shalt  }
0x6c: {  	_ =	shalt  }
0x6d: {  	_ =	shalt  }
0x6e: {  	_ =	shalt  }
0x6f: {  	_ =	shalt  }
0x70: {  	_ =	shalt  }
0x71: {  	_ =	shalt  }
0x72: {  	_ =	shalt  }
0x73: {  	_ =	shalt  }
0x74: {  	_ =	shalt  }
0x75: {  	_ =	shalt  }
0x76: {  	_ =	shalt  }
0x77: {  	_ =	shalt  }
0x78: {  	_ =	shalt  }
0x79: {  	_ =	shalt  }
0x7a: {  	_ =	shalt  }
0x7b: {  	_ =	shalt  }
0x7c: {  	_ =	shalt  }
0x7d: {  	_ =	shalt  }
0x7e: {  	_ =	shalt  }
0x7f: {  	_ =	shalt  }
0x80: {  	_ =	shalt  }
0x81: {  	_ =	shalt  }
0x82: {  	_ =	shalt  }
0x83: {  	_ =	shalt  }
0x84: {  	_ =	shalt  }
0x85: {  	_ =	shalt  }
0x86: {  	_ =	shalt  }
0x87: {  	_ =	shalt  }
.Lfunc_end0:
.L_simem_size_0:
called_computation.2_lowered:
.L_overlay_start_0:
0x88: {  	s2 =	sld [smem:$0x3FD9]  }
0x89: {  	s3 =	sld [smem:$0x3FFE];
	_ =	sdelay $0x1  }
0x8a: {  	s1 =	srdreg.scid  }
0x8b: {  	s0 =	sand.u32 $0x1, s1  }
0x8c: {  	s16 =	sshll.u32 s0, $0xA;
	s2 =	sadd.s32 s3, s2  }
0x8d: {  	s2 =	sadd.s32 s2, s16  }
0x8e: {  	[smem:$0x3FBA] =	sst s2  }
0x8f: {  	_ = 	snop  }
0x90: {  	(tm) =	ssettm $0x1  }
0x91: {  	s17 =	sld [smem:$0x3FFB];
	_ =	sdelay $0x3  }
0x92: {  	_ =	strace s17  }
0x93: {  	s2 =	sld [smem:$0x3FFC];
	_ =	sdelay $0x3  }
0x94: {  	_ =	strace s2  }
0x95: {  	s2 =	sld [smem:$0x3FFD];
	_ =	sdelay $0x3  }
0x96: {  	_ =	strace s2  }
0x97: {  	_ =	strace $0x8FFFFFFF  }
0x98: {  	s18 =	sld [smem:$0x3FDB];
	_ =	sdelay $0x1  }
0x99: {  	s19 =	simm.s32 $_scs_section_size  }
0x9a: {  	s4 =	simm.s32 $_size__tile_overlayer_lowered;
	s5 =	simm.s32 $_tile_overlayer_lowered  }
0x9b: {  	s22 =	simm.s32 $0x1BFF;
	s21 =	sshll.u32 s5, $0x1;
	s2 =	sadd.s32 s19, s18  }
0x9c: {  	s6 =	simm.s32 $0x0;
	s20 =	sshll.u32 s4, $0x1;
	s4 =	sadd.s32 s21, s2  }
0x9d: {  	[timem:s6], [sflag:s22] =	dma.local [hbm:s4], s20  }
0x9e: {  	_ =	swait.ge [sflag:s22], s20  }
0x9f: {  	s3 =	ssub.s32 $0x0, s20;
	[sflag:s22] =	ssyncset.done $0x0  }
0xa0: {  	[sflag:s22] =	ssyncadd.s32 s3;
	_ =	sdelay $0x1  }
0xa1: {  	s23 =	simm.s32 $0x1B8B  }
0xa2: {  	_ =	swait.ge [sflag:s23], $0x1  }
0xa3: {  	[sflag:s23] =	ssyncset.done $0x0  }
0xa4: {  	s25 =	simm.s32 $0x1B8E;
	s24 =	sld [smem:$0x3FFE];
	[sflag:s23] =	ssyncadd.s32 $0xFFFFFFFF  }
0xa5: {  	s26 =	simm.s32 $execute0_lowered;
	[smem:$0x3FD2] =	sst s25  }
0xa6: {  	s4 =	sshll.u32 s26, $0x1;
	_ =	strace $0x8000004C;
	[dreg:$0x1] =	wrdreg $0xFFFFFFFF  }
0xa7: {  	s28 =	simm.s32 $_size_execute0_lowered;
	s2 =	sadd.s32 s2, s4;
	[dreg:$0x0] =	wrdreg $0x0  }
0xa8: {  	s4 =	sshll.u32 s28, $0x1;
	[dreg:$0x2] =	wrdreg s2  }
0xa9: {  	[dreg:$0x3] =	wrdreg s4  }
0xaa: {  	[dreg:$0x4] =	wrdreg $0xC0  }
0xab: {  	_ =	task [dreg:s6], $0x5FFFF  }
0xac: {  	[dreg:$0x1] =	wrdreg $0xFFFFFFFF  }
0xad: {  	[dreg:$0x0] =	wrdreg $0x60  }
0xae: {  	[dreg:$0x2] =	wrdreg s24  }
0xaf: {  	[dreg:$0x3] =	wrdreg $0x0  }
0xb0: {  	[dreg:$0x4] =	wrdreg $0x9  }
0xb1: {  	_ =	task.clear_ibuf [dreg:s6], $0x5FFFF;
	_ =	strace $0x9000004C  }
0xb2: {  	s29 =	simm.s32 $0x9;
	_ =	strace $0x8000004E  }
0xb3: {  	_ =	swait.ge [sflag:s29], $0x1  }
0xb4: {  	[sflag:s29] =	ssyncadd.s32 $0xFFFFFFFF  }
0xb5: {  	_ =	strace $0x9000004E  }
0xb6: {  	_ =	sfence  }
0xb7: {  	s30 =	sld [smem:$0x0];
	_ =	sdelay $0x2  }
0xb8: {  	s31 =	sshll.u32 s1, $0xD;
	s1 =	sshrl.u32 s1, $0x2  }
0xb9: {  	s3 =	sand.u32 $0x4000, s31;
	s1 =	sadd.s32 s1, s30  }
0xba: {  	s0 =	sor.u32 s3, s0;
	s1 =	sshll.u32 s1, $0x11  }
0xbb: {  	s0 =	sor.u32 s1, s0  }
0xbc: {  	s0 =	sadd.s32 $0x8F2B, s0  }
0xbd: {  	[sflag:s0] =	ssyncadd.remote.s32 $0x1  }
0xbe: {  	_ =	sfence.sel $0xFFFF  }
0xbf: {  	[dreg:$0x0] =	wrdreg $0xFFFFFFFF;
	(pc) =	sbr.abs _section_cstart, $3  }
0xc0: {  	[dreg:$0x1] =	wrdreg $0xFFFFFFFF  }
0xc1: {  	_ =	task.clear_ibuf [dreg:s6], $0x2FFFF;
	_ =	strace $0x9FFFFFFF  }
0xc2: {  	(tm) =	ssettm $0x7FFFFFFF  }
0xc3: {  	_ =	shalt  }
tec
execute0_lowered:
.L_overlay_start_1:
0x0: {  	(tag) =	ssettag $0x1  }
0x1: {  	s0 =	rddreg [dreg:$0x0]  }
0x2: {  	s1 =	rddreg [dreg:$0x1];
	s2 =	simm.s32 $0x0;
	s3 =	srdreg.scid  }
0x3: {  	s22 =	stileid.u32;
	s30 =	simm.s32 $0x13C00;
	s31 =	simm.s32 $0x3  }
0x4: {  	[smem:$0x7FF] =	sst s2;
	s4 =	sadd.s32 $0x3E400, s0;
	s7 =	smul.u32 $0x4F000, s22  }
0x5: {  	s5 =	sadd.s32 $0xC400, s0;
	s3 =	sand.u32 $0x1, s3;
	s13 =	smul.u32 $0x13C00, s22  }
0x6: {  	s6 =	sadd.s32 $0x2400, s0;
	s9 =	sadd.s32 $0x3DC00, s0;
	s17 =	smul.u32 $0x3900, s22  }
0x7: {  	s0 =	sadd.s32 $0x65C00, s0;
	s19 =	smul.u32 $0x1700, s22;
	_ =	strace $0x8000004D  }
0x8: {  	s8 =	ssub.s32 $0x2, s3;
	[dreg:$0x3] =	wrdreg s9;
	p0 =	seq.s32 s3, $0x1  }
0x9: {  	s21 =	sshrl.u32 s8, $0x1;
	s7 =	sshrl.u32 s7, $0x2;
	s15 =	sadd.s32 $0x4000, s13  }
0xa: {  	s16 =	sadd.s32 $0xC000, s13;
	s18 =	sadd.s32 $0x10000, s13;
	s20 =	sshrl.u32 s17, $0x3  }
0xb: {  	s25 =	sadd.s32 $0x3880, s17;
	s26 =	sshrl.u32 s19, $0x3;
	s14 =	ssub.s32 s8, s21  }
0xc: {  	s8 =	sadd.s32 s7, s1;
	s9 =	sadd.s32 s15, s1;
	s7 =	sadd.s32 $0x8000, s13  }
0xd: {  	s11 =	sadd.s32 s16, s1;
	s12 =	sadd.s32 s18, s1;
	s21 =	smul.u32 $0x13C000, s3  }
0xe: {  	s23 =	sadd.s32 s5, s20;
	s24 =	sadd.s32 s6, s20;
	[dreg:$0x6] =	wrdreg s25  }
0xf: {  	s3 =	sadd.s32 $0x7200, s26;
	s25 =	sadd.s32 $0x3A680, s19;
	[dreg:$0x4] =	wrdreg s23  }
0x10: {  	s10 =	sadd.s32 s7, s1;
	[dreg:$0x5] =	wrdreg s24;
	s23 =	sadd.s32 s5, s3  }
0x11: {  	s24 =	smul.u32 $0x2E0, s22;
	s3 =	sadd.s32 s6, s3;
	[dreg:$0xe] =	wrdreg s25  }
0x12: {  	s26 =	smax.u32 s14, $0x1;
	s14 =	simm.s32 $0x1BC80;
	s13 =	sadd.s32 s13, s21  }
0x13: {  	s15 =	sadd.s32 s21, s15;
	s7 =	sadd.s32 s21, s7;
	[dreg:$0xc] =	wrdreg s23  }
0x14: {  	s16 =	sadd.s32 s21, s16;
	s18 =	sadd.s32 s21, s18;
	[dreg:$0xd] =	wrdreg s3  }
0x15: {  	s21 =	smul.u32 $0x720, s22;
	[dreg:$0xf] =	wrdreg s26;
	s3 =	simm.s32 $0x1BD00  }
0x16: {  	s22 =	simm.s32 $0x1;
	s23 =	simm.s32 $0x2;
	s13 =	sshrl.u32 s13, $0x3  }
0x17: {  	s15 =	sshrl.u32 s15, $0x3;
	s7 =	sshrl.u32 s7, $0x3;
	s17 =	sshrl.u32 s16, $0x3  }
0x18: {  	s20 =	sshrl.u32 s18, $0x3;
	s28 =	sadd.s32 s24, s6;
	s13 =	sadd.s32 s0, s13  }
0x19: {  	s29 =	sadd.s32 s24, s5;
	s7 =	sadd.s32 s0, s7;
	[dreg:$0x7] =	wrdreg s13  }
.Ltmp0:
0x1a: {  	s13 =	sadd.s32 s0, s15;
	[dreg:$0x9] =	wrdreg s7;
	(pc) =	sbr.rel .LBB2_1-.Ltmp0, $4  }
0x1b: {  	s25 =	sadd.s32 s21, s6;
	s7 =	sadd.s32 s0, s17;
	[dreg:$0x8] =	wrdreg s13  }
0x1c: {  	s26 =	sadd.s32 s21, s5;
	s0 =	sadd.s32 s0, s20;
	[dreg:$0xa] =	wrdreg s7  }
0x1d: {  	s21 =	simm.s32 $0x17C00;
	s15 =	simm.s32 $0x1BD80;
	[dreg:$0xb] =	wrdreg s0  }
0x1e: {  	s0 =	simm.s32 $0x1BC00;
	s13 =	simm.s32 $0x80;
	s7 =	simm.s32 $0x0  }
.LBB2_7:
0x1f: {  	s17 =	sadd.s32 $0x74D0, s18;
	[sflag:s31] =	ssyncadd.s32 $0xFFFFC000  }
0x20: {  	[tilespmem:s14], [sflag:$0x3] =	stream.linear.gather [hbm4b:s17+s2], $0x80, $0x38;
	[tilespmem:$0x1BE00] =	vst v63  }
0x21: {  	_ =	swait.ge [sflag:s31], $0x80  }
0x22: {  	s16 =	sadd.s32 s16, s28;
	[sflag:s31] =	ssyncset.done $0x0  }
0x23: {  	s20 =	sadd.s32 $0x74D0, s16;
	[sflag:s31] =	ssyncadd.s32 $0xFFFFFF80  }
0x24: {  	[tilespmem:s15], [sflag:$0x3] =	stream.linear.gather [hbm4b:s20+s2], $0x80, $0x38;
	[tilespmem:$0x1BE00] =	vst v63  }
0x25: {  	_ =	swait.ge [sflag:s31], $0x80  }
0x26: {  	[sflag:s31] =	ssyncset.done $0x0  }
0x27: {  	[sflag:s31] =	ssyncadd.s32 $0xFFFFFF80  }
0x28: {  	[tilespmem:s21], [sflag:$0x2] =	stream.indirect.gather [hbm4b:s4+s13], $0x80, s14, s13, $0xb8;
	[tilespmem:$0x1BE00] =	vst v63  }
0x29: {  	_ =	swait.ge [sflag:s22], $0x4000  }
0x2a: {  	[sflag:s22] =	ssyncset.done $0x0  }
0x2b: {  	[sflag:s22] =	ssyncadd.s32 $0xFFFFC000  }
0x2c: {  	[spmem:s1] =	stream.indirect.scatter.add.f32 [tilespmem:s30], [sflag:$0x3], $0x80, s3, s13, $0xb8;
	[tilespmem:$0x1BE00] =	vst v63  }
0x2d: {  	_ =	swait.ge [sflag:s31], $0x4000  }
0x2e: {  	[sflag:s31] =	ssyncset.done $0x0  }
0x2f: {  	s24 =	sadd.s32 $0x74E0, s18;
	[sflag:s31] =	ssyncadd.s32 $0xFFFFC000  }
0x30: {  	[tilespmem:s0], [sflag:$0x3] =	stream.linear.gather [hbm4b:s24+s2], $0x80, $0x38;
	[tilespmem:$0x1BE00] =	vst v63  }
0x31: {  	_ =	swait.ge [sflag:s31], $0x80  }
0x32: {  	[sflag:s31] =	ssyncset.done $0x0  }
0x33: {  	s16 =	sadd.s32 $0x74E0, s16;
	[sflag:s31] =	ssyncadd.s32 $0xFFFFFF80  }
0x34: {  	[tilespmem:s3], [sflag:$0x3] =	stream.linear.gather [hbm4b:s16+s2], $0x80, $0x38;
	[tilespmem:$0x1BE00] =	vst v63  }
0x35: {  	_ =	swait.ge [sflag:s31], $0x80  }
0x36: {  	[sflag:s31] =	ssyncset.done $0x0  }
0x37: {  	[sflag:s31] =	ssyncadd.s32 $0xFFFFFF80  }
0x38: {  	[tilespmem:s30], [sflag:$0x1] =	stream.indirect.gather [hbm4b:s4+s13], $0x80, s0, s13, $0xb8;
	[tilespmem:$0x1BE00] =	vst v63  }
0x39: {  	_ =	swait.ge [sflag:s23], $0x4000  }
0x3a: {  	[sflag:s23] =	ssyncset.done $0x0  }
0x3b: {  	[sflag:s23] =	ssyncadd.s32 $0xFFFFC000  }
0x3c: {  	[spmem:s1] =	stream.indirect.scatter.add.f32 [tilespmem:s21], [sflag:$0x3], $0x80, s15, s13, $0xb8;
	[tilespmem:$0x1BE00] =	vst v63  }
0x3d: {  	_ =	swait.ge [sflag:s31], $0x4000  }
0x3e: {  	[sflag:s31] =	ssyncset.done $0x0  }
0x3f: {  	s16 =	rddreg [dreg:$0xe];
	[sflag:s31] =	ssyncadd.s32 $0xFFFFC000  }
.LBB2_8:
0x40: {  	s16 =	sshrl.u32 s16, $0x3  }
0x41: {  	s17 =	sadd.s32 s5, s16  }
0x42: {  	[tilespmem:s14], [sflag:$0x3] =	stream.linear.gather [hbm4b:s17+s2], $0x80, $0x38;
	[tilespmem:$0x1BE00] =	vst v63  }
0x43: {  	_ =	swait.ge [sflag:s31], $0x80  }
0x44: {  	[sflag:s31] =	ssyncset.done $0x0  }
0x45: {  	s16 =	sadd.s32 s6, s16;
	[sflag:s31] =	ssyncadd.s32 $0xFFFFFF80  }
0x46: {  	[tilespmem:s15], [sflag:$0x3] =	stream.linear.gather [hbm4b:s16+s2], $0x80, $0x38;
	[tilespmem:$0x1BE00] =	vst v63  }
0x47: {  	_ =	swait.ge [sflag:s31], $0x80  }
0x48: {  	[sflag:s31] =	ssyncset.done $0x0  }
0x49: {  	[sflag:s31] =	ssyncadd.s32 $0xFFFFFF80  }
0x4a: {  	[tilespmem:s21], [sflag:$0x2] =	stream.indirect.gather [hbm4b:s4+s13], $0x80, s14, s13, $0xb8;
	[tilespmem:$0x1BE00] =	vst v63  }
0x4b: {  	_ =	swait.ge [sflag:s22], $0x4000  }
0x4c: {  	[sflag:s22] =	ssyncset.done $0x0  }
0x4d: {  	[sflag:s22] =	ssyncadd.s32 $0xFFFFC000  }
0x4e: {  	[spmem:s1] =	stream.indirect.scatter.add.f32 [tilespmem:s30], [sflag:$0x3], $0x80, s3, s13, $0xb8;
	[tilespmem:$0x1BE00] =	vst v63  }
0x4f: {  	_ =	swait.ge [sflag:s31], $0x4000  }
0x50: {  	[sflag:s31] =	ssyncset.done $0x0  }
0x51: {  	[sflag:s31] =	ssyncadd.s32 $0xFFFFC000  }
0x52: {  	_ =	swait.ge [sflag:s23], $0x4000  }
0x53: {  	[sflag:s23] =	ssyncset.done $0x0  }
0x54: {  	[sflag:s23] =	ssyncadd.s32 $0xFFFFC000  }
0x55: {  	[spmem:s1] =	stream.indirect.scatter.add.f32 [tilespmem:s21], [sflag:$0x3], $0x80, s15, s13, $0xb8;
	[tilespmem:$0x1BE00] =	vst v63  }
0x56: {  	_ =	swait.ge [sflag:s31], $0x4000  }
0x57: {  	[sflag:s31] =	ssyncset.done $0x0  }
0x58: {  	[sflag:s31] =	ssyncadd.s32 $0xFFFFC000  }
0x59: {  	[bflag:$0x0] =	sbarrier.arrive $0xFFFF  }
0x5a: {  	[tilespmem:s30], [sflag:$0x3] =	stream.linear.gather [spmem:s8], $0x4000, $0x38;
	[tilespmem:$0x1BE00] =	vst v63  }
0x5b: {  	_ =	swait.ge [sflag:s31], $0x4000  }
0x5c: {  	[sflag:s31] =	ssyncset.done $0x0  }
0x5d: {  	s24 =	rddreg [dreg:$0x7];
	[sflag:s31] =	ssyncadd.s32 $0xFFFFC000  }
0x5e: {  	[hbm4b:s24+s2] =	stream.linear.scatter [tilespmem:s30], [sflag:$0x3], $0x4000, $0x38;
	[tilespmem:$0x1BE00] =	vst v63  }
0x5f: {  	_ =	swait.ge [sflag:s31], $0x4000  }
0x60: {  	[sflag:s31] =	ssyncset.done $0x0  }
0x61: {  	[sflag:s31] =	ssyncadd.s32 $0xFFFFC000  }
0x62: {  	[tilespmem:s30], [sflag:$0x3] =	stream.linear.gather [spmem:s9], $0x4000, $0x38;
	[tilespmem:$0x1BE00] =	vst v63  }
0x63: {  	_ =	swait.ge [sflag:s31], $0x4000  }
0x64: {  	[sflag:s31] =	ssyncset.done $0x0  }
0x65: {  	s17 =	rddreg [dreg:$0x8];
	[sflag:s31] =	ssyncadd.s32 $0xFFFFC000  }
0x66: {  	[hbm4b:s17+s2] =	stream.linear.scatter [tilespmem:s30], [sflag:$0x3], $0x4000, $0x38;
	[tilespmem:$0x1BE00] =	vst v63  }
0x67: {  	_ =	swait.ge [sflag:s31], $0x4000  }
0x68: {  	[sflag:s31] =	ssyncset.done $0x0  }
0x69: {  	[sflag:s31] =	ssyncadd.s32 $0xFFFFC000  }
0x6a: {  	[tilespmem:s30], [sflag:$0x3] =	stream.linear.gather [spmem:s10], $0x4000, $0x38;
	[tilespmem:$0x1BE00] =	vst v63  }
0x6b: {  	_ =	swait.ge [sflag:s31], $0x4000  }
0x6c: {  	[sflag:s31] =	ssyncset.done $0x0  }
0x6d: {  	s18 =	rddreg [dreg:$0x9];
	[sflag:s31] =	ssyncadd.s32 $0xFFFFC000  }
0x6e: {  	[hbm4b:s18+s2] =	stream.linear.scatter [tilespmem:s30], [sflag:$0x3], $0x4000, $0x38;
	[tilespmem:$0x1BE00] =	vst v63  }
0x6f: {  	_ =	swait.ge [sflag:s31], $0x4000  }
0x70: {  	[sflag:s31] =	ssyncset.done $0x0  }
0x71: {  	[sflag:s31] =	ssyncadd.s32 $0xFFFFC000  }
0x72: {  	[tilespmem:s30], [sflag:$0x3] =	stream.linear.gather [spmem:s11], $0x4000, $0x38;
	[tilespmem:$0x1BE00] =	vst v63  }
0x73: {  	_ =	swait.ge [sflag:s31], $0x4000  }
0x74: {  	[sflag:s31] =	ssyncset.done $0x0  }
0x75: {  	s19 =	rddreg [dreg:$0xa];
	[sflag:s31] =	ssyncadd.s32 $0xFFFFC000  }
0x76: {  	[hbm4b:s19+s2] =	stream.linear.scatter [tilespmem:s30], [sflag:$0x3], $0x4000, $0x38;
	[tilespmem:$0x1BE00] =	vst v63  }
0x77: {  	_ =	swait.ge [sflag:s31], $0x4000  }
0x78: {  	[sflag:s31] =	ssyncset.done $0x0  }
0x79: {  	[sflag:s31] =	ssyncadd.s32 $0xFFFFC000  }
0x7a: {  	[tilespmem:s30], [sflag:$0x3] =	stream.linear.gather [spmem:s12], $0x3C00, $0x38;
	[tilespmem:$0x1BE00] =	vst v63  }
0x7b: {  	_ =	swait.ge [sflag:s31], $0x3C00  }
0x7c: {  	[sflag:s31] =	ssyncset.done $0x0  }
0x7d: {  	s20 =	rddreg [dreg:$0xb];
	[sflag:s31] =	ssyncadd.s32 $0xFFFFC400  }
0x7e: {  	[hbm4b:s20+s2] =	stream.linear.scatter [tilespmem:s30], [sflag:$0x3], $0x3C00, $0x38;
	[tilespmem:$0x1BE00] =	vst v63  }
0x7f: {  	_ =	swait.ge [sflag:s31], $0x3C00  }
0x80: {  	s7 =	sadd.s32 $0x1, s7;
	s24 =	rddreg [dreg:$0xf]  }
0x81: {  	p1 =	sne.s32 s7, s24  }
.Ltmp1:
0x82: {  	_ = 	snop;
	(pc) =	sbr.rel @!p1 .LBB2_9-.Ltmp1, $3  }
0x83: {  	_ =	sdelay $0x1  }
0x84: {  	[sflag:s31] =	ssyncset.done $0x0  }
0x85: {  	[sflag:s31] =	ssyncadd.s32 $0xFFFFC400  }
.LBB2_1:
0x86: {  	s16 =	rddreg [dreg:$0x3]  }
0x87: {  	[tilespmem:s30], [sflag:$0x3] =	stream.linear.gather [hbm4b:s16+s2], $0x4000, $0x38;
	[tilespmem:$0x1BE00] =	vst v63  }
0x88: {  	_ =	swait.ge [sflag:s31], $0x4000  }
0x89: {  	[sflag:s31] =	ssyncset.done $0x0  }
0x8a: {  	[sflag:s31] =	ssyncadd.s32 $0xFFFFC000  }
0x8b: {  	[spmem:s8] =	stream.linear.scatter [tilespmem:s30], [sflag:$0x3], $0x4000, $0x38;
	[tilespmem:$0x1BE00] =	vst v63  }
0x8c: {  	_ =	swait.ge [sflag:s31], $0x4000  }
0x8d: {  	[sflag:s31] =	ssyncset.done $0x0  }
0x8e: {  	[sflag:s31] =	ssyncadd.s32 $0xFFFFC000  }
0x8f: {  	[spmem:s9] =	stream.linear.scatter [tilespmem:s30], [sflag:$0x3], $0x4000, $0x38;
	[tilespmem:$0x1BE00] =	vst v63  }
0x90: {  	_ =	swait.ge [sflag:s31], $0x4000  }
0x91: {  	[sflag:s31] =	ssyncset.done $0x0  }
0x92: {  	[sflag:s31] =	ssyncadd.s32 $0xFFFFC000  }
0x93: {  	[spmem:s10] =	stream.linear.scatter [tilespmem:s30], [sflag:$0x3], $0x4000, $0x38;
	[tilespmem:$0x1BE00] =	vst v63  }
0x94: {  	_ =	swait.ge [sflag:s31], $0x4000  }
0x95: {  	[sflag:s31] =	ssyncset.done $0x0  }
0x96: {  	[sflag:s31] =	ssyncadd.s32 $0xFFFFC000  }
0x97: {  	[spmem:s11] =	stream.linear.scatter [tilespmem:s30], [sflag:$0x3], $0x4000, $0x38;
	[tilespmem:$0x1BE00] =	vst v63  }
0x98: {  	_ =	swait.ge [sflag:s31], $0x4000  }
0x99: {  	[sflag:s31] =	ssyncset.done $0x0  }
0x9a: {  	[sflag:s31] =	ssyncadd.s32 $0xFFFFC000  }
0x9b: {  	[spmem:s12] =	stream.linear.scatter [tilespmem:s30], [sflag:$0x3], $0x3C00, $0x38;
	[tilespmem:$0x1BE00] =	vst v63  }
.Ltmp2:
0x9c: {  	_ =	swait.ge [sflag:s31], $0x3C00;
	(pc) =	sbr.rel @!p0 .LBB2_2-.Ltmp2, $3  }
0x9d: {  	[sflag:s31] =	ssyncset.done $0x0  }
0x9e: {  	[sflag:s31] =	ssyncadd.s32 $0xFFFFC400  }
0x9f: {  	[bflag:$0x0] =	sbarrier.arrive $0xFFFF;
	_ =	sdelay $0x1  }
0xa0: {  	s16 =	rddreg [dreg:$0xc]  }
0xa1: {  	[tilespmem:s0], [sflag:$0x3] =	stream.linear.gather [hbm4b:s16+s2], $0x80, $0x38;
	[tilespmem:$0x1BE00] =	vst v63  }
0xa2: {  	_ =	swait.ge [sflag:s31], $0x80  }
0xa3: {  	[sflag:s31] =	ssyncset.done $0x0  }
0xa4: {  	s18 =	rddreg [dreg:$0xd];
	[sflag:s31] =	ssyncadd.s32 $0xFFFFFF80  }
0xa5: {  	[tilespmem:s3], [sflag:$0x3] =	stream.linear.gather [hbm4b:s18+s2], $0x80, $0x38;
	[tilespmem:$0x1BE00] =	vst v63  }
0xa6: {  	_ =	swait.ge [sflag:s31], $0x80  }
0xa7: {  	[sflag:s31] =	ssyncset.done $0x0  }
0xa8: {  	s19 =	sadd.s32 $0xFFFFFD40, s29;
	[sflag:s31] =	ssyncadd.s32 $0xFFFFFF80  }
0xa9: {  	[tilespmem:s30], [sflag:$0x1] =	stream.indirect.gather [hbm4b:s4+s13], $0x80, s0, s13, $0xb8;
	[tilespmem:$0x1BE00] =	vst v63  }
0xaa: {  	s17 =	sadd.s32 $0x74D0, s19  }
0xab: {  	[tilespmem:s14], [sflag:$0x3] =	stream.linear.gather [hbm4b:s17+s2], $0x80, $0x38;
	[tilespmem:$0x1BE00] =	vst v63  }
0xac: {  	_ =	swait.ge [sflag:s31], $0x80  }
0xad: {  	s20 =	sadd.s32 $0xFFFFFD40, s28;
	[sflag:s31] =	ssyncset.done $0x0  }
0xae: {  	s18 =	sadd.s32 $0x74D0, s20;
	[sflag:s31] =	ssyncadd.s32 $0xFFFFFF80  }
0xaf: {  	[tilespmem:s15], [sflag:$0x3] =	stream.linear.gather [hbm4b:s18+s2], $0x80, $0x38;
	[tilespmem:$0x1BE00] =	vst v63  }
0xb0: {  	_ =	swait.ge [sflag:s31], $0x80  }
0xb1: {  	[sflag:s31] =	ssyncset.done $0x0  }
0xb2: {  	[sflag:s31] =	ssyncadd.s32 $0xFFFFFF80  }
0xb3: {  	[tilespmem:s21], [sflag:$0x2] =	stream.indirect.gather [hbm4b:s4+s13], $0x80, s14, s13, $0xb8;
	[tilespmem:$0x1BE00] =	vst v63  }
0xb4: {  	_ =	swait.ge [sflag:s22], $0x4000  }
0xb5: {  	[sflag:s22] =	ssyncset.done $0x0  }
0xb6: {  	[sflag:s22] =	ssyncadd.s32 $0xFFFFC000  }
0xb7: {  	[spmem:s1] =	stream.indirect.scatter.add.f32 [tilespmem:s30], [sflag:$0x3], $0x80, s3, s13, $0xb8;
	[tilespmem:$0x1BE00] =	vst v63  }
0xb8: {  	_ =	swait.ge [sflag:s31], $0x4000  }
0xb9: {  	[sflag:s31] =	ssyncset.done $0x0  }
0xba: {  	s16 =	sadd.s32 $0x74E0, s19;
	[sflag:s31] =	ssyncadd.s32 $0xFFFFC000  }
0xbb: {  	[tilespmem:s0], [sflag:$0x3] =	stream.linear.gather [hbm4b:s16+s2], $0x80, $0x38;
	[tilespmem:$0x1BE00] =	vst v63  }
0xbc: {  	_ =	swait.ge [sflag:s31], $0x80  }
0xbd: {  	[sflag:s31] =	ssyncset.done $0x0  }
0xbe: {  	s24 =	sadd.s32 $0x74E0, s20;
	[sflag:s31] =	ssyncadd.s32 $0xFFFFFF80  }
0xbf: {  	[tilespmem:s3], [sflag:$0x3] =	stream.linear.gather [hbm4b:s24+s2], $0x80, $0x38;
	[tilespmem:$0x1BE00] =	vst v63  }
0xc0: {  	_ =	swait.ge [sflag:s31], $0x80  }
0xc1: {  	[sflag:s31] =	ssyncset.done $0x0  }
0xc2: {  	[sflag:s31] =	ssyncadd.s32 $0xFFFFFF80  }
0xc3: {  	[tilespmem:s30], [sflag:$0x1] =	stream.indirect.gather [hbm4b:s4+s13], $0x80, s0, s13, $0xb8;
	[tilespmem:$0x1BE00] =	vst v63  }
0xc4: {  	_ =	swait.ge [sflag:s23], $0x4000  }
0xc5: {  	[sflag:s23] =	ssyncset.done $0x0  }
0xc6: {  	[sflag:s23] =	ssyncadd.s32 $0xFFFFC000  }
0xc7: {  	[spmem:s1] =	stream.indirect.scatter.add.f32 [tilespmem:s21], [sflag:$0x3], $0x80, s15, s13, $0xb8;
	[tilespmem:$0x1BE00] =	vst v63  }
0xc8: {  	s19 =	simm.s32 $0xFFFFFD80;
	_ =	swait.ge [sflag:s31], $0x4000  }
0xc9: {  	s18 =	sadd.s32 $0xFFFFFD60, s29;
	s16 =	simm.s32 $0xFFFFFD60;
	[sflag:s31] =	ssyncset.done $0x0  }
.LBB2_6:
0xca: {  	s20 =	sadd.s32 $0x74D0, s18  }
0xcb: {  	[sflag:s31] =	ssyncadd.s32 $0xFFFFC000;
	s24 =	smov.u32 s19;
	s17 =	sadd.s32 $0x20, s19  }
0xcc: {  	[tilespmem:s14], [sflag:$0x3] =	stream.linear.gather [hbm4b:s20+s2], $0x80, $0x38;
	[tilespmem:$0x1BE00] =	vst v63  }
0xcd: {  	p1 =	sne.s32 s19, $0xFFFFFFE0;
	_ =	swait.ge [sflag:s31], $0x80  }
0xce: {  	s19 =	sadd.s32 s16, s28;
	s16 =	smov.u32 s24;
	[sflag:s31] =	ssyncset.done $0x0  }
0xcf: {  	s20 =	sadd.s32 $0x74D0, s19;
	[sflag:s31] =	ssyncadd.s32 $0xFFFFFF80  }
0xd0: {  	[tilespmem:s15], [sflag:$0x3] =	stream.linear.gather [hbm4b:s20+s2], $0x80, $0x38;
	[tilespmem:$0x1BE00] =	vst v63  }
0xd1: {  	_ =	swait.ge [sflag:s31], $0x80  }
0xd2: {  	[sflag:s31] =	ssyncset.done $0x0  }
0xd3: {  	[sflag:s31] =	ssyncadd.s32 $0xFFFFFF80  }
0xd4: {  	[tilespmem:s21], [sflag:$0x2] =	stream.indirect.gather [hbm4b:s4+s13], $0x80, s14, s13, $0xb8;
	[tilespmem:$0x1BE00] =	vst v63  }
0xd5: {  	_ =	swait.ge [sflag:s22], $0x4000  }
0xd6: {  	[sflag:s22] =	ssyncset.done $0x0  }
0xd7: {  	[sflag:s22] =	ssyncadd.s32 $0xFFFFC000  }
0xd8: {  	[spmem:s1] =	stream.indirect.scatter.add.f32 [tilespmem:s30], [sflag:$0x3], $0x80, s3, s13, $0xb8;
	[tilespmem:$0x1BE00] =	vst v63  }
0xd9: {  	_ =	swait.ge [sflag:s31], $0x4000  }
0xda: {  	[sflag:s31] =	ssyncset.done $0x0  }
0xdb: {  	s18 =	sadd.s32 $0x74E0, s18;
	[sflag:s31] =	ssyncadd.s32 $0xFFFFC000  }
0xdc: {  	[tilespmem:s0], [sflag:$0x3] =	stream.linear.gather [hbm4b:s18+s2], $0x80, $0x38;
	[tilespmem:$0x1BE00] =	vst v63  }
0xdd: {  	_ =	swait.ge [sflag:s31], $0x80  }
0xde: {  	[sflag:s31] =	ssyncset.done $0x0  }
0xdf: {  	s18 =	sadd.s32 $0x74E0, s19;
	[sflag:s31] =	ssyncadd.s32 $0xFFFFFF80  }
0xe0: {  	[tilespmem:s3], [sflag:$0x3] =	stream.linear.gather [hbm4b:s18+s2], $0x80, $0x38;
	[tilespmem:$0x1BE00] =	vst v63  }
0xe1: {  	_ =	swait.ge [sflag:s31], $0x80  }
0xe2: {  	[sflag:s31] =	ssyncset.done $0x0  }
0xe3: {  	[sflag:s31] =	ssyncadd.s32 $0xFFFFFF80  }
0xe4: {  	[tilespmem:s30], [sflag:$0x1] =	stream.indirect.gather [hbm4b:s4+s13], $0x80, s0, s13, $0xb8;
	[tilespmem:$0x1BE00] =	vst v63  }
0xe5: {  	_ =	swait.ge [sflag:s23], $0x4000  }
.Ltmp3:
0xe6: {  	[sflag:s23] =	ssyncset.done $0x0;
	(pc) =	sbr.rel @p1 .LBB2_6-.Ltmp3, $4  }
0xe7: {  	[sflag:s23] =	ssyncadd.s32 $0xFFFFC000  }
0xe8: {  	[spmem:s1] =	stream.indirect.scatter.add.f32 [tilespmem:s21], [sflag:$0x3], $0x80, s15, s13, $0xb8;
	[tilespmem:$0x1BE00] =	vst v63  }
0xe9: {  	_ =	swait.ge [sflag:s31], $0x4000  }
0xea: {  	s19 =	smov.u32 s17;
	s18 =	sadd.s32 s16, s29;
	[sflag:s31] =	ssyncset.done $0x0  }
.Ltmp4:
0xeb: {  	_ = 	snop;
	(pc) =	sbr.rel .LBB2_7-.Ltmp4, $1  }
0xec: {  	_ =	sdelay $0x3  }
.LBB2_2:
0xed: {  	s16 =	rddreg [dreg:$0x4]  }
0xee: {  	[tilespmem:s0], [sflag:$0x3] =	stream.linear.gather [hbm4b:s16+s2], $0x80, $0x38;
	[tilespmem:$0x1BE00] =	vst v63  }
0xef: {  	_ =	swait.ge [sflag:s31], $0x80  }
0xf0: {  	[sflag:s31] =	ssyncset.done $0x0  }
0xf1: {  	s18 =	rddreg [dreg:$0x5];
	[sflag:s31] =	ssyncadd.s32 $0xFFFFFF80  }
0xf2: {  	[tilespmem:s3], [sflag:$0x3] =	stream.linear.gather [hbm4b:s18+s2], $0x80, $0x38;
	[tilespmem:$0x1BE00] =	vst v63  }
0xf3: {  	_ =	swait.ge [sflag:s31], $0x80  }
0xf4: {  	[sflag:s31] =	ssyncset.done $0x0  }
0xf5: {  	s19 =	sadd.s32 $0xFFFFF900, s26;
	[sflag:s31] =	ssyncadd.s32 $0xFFFFFF80  }
0xf6: {  	[tilespmem:s30], [sflag:$0x1] =	stream.indirect.gather [hbm4b:s4+s13], $0x80, s0, s13, $0xb8;
	[tilespmem:$0x1BE00] =	vst v63  }
0xf7: {  	s17 =	sadd.s32 $0x710, s19  }
0xf8: {  	[tilespmem:s14], [sflag:$0x3] =	stream.linear.gather [hbm4b:s17+s2], $0x80, $0x38;
	[tilespmem:$0x1BE00] =	vst v63  }
0xf9: {  	_ =	swait.ge [sflag:s31], $0x80  }
0xfa: {  	s20 =	sadd.s32 $0xFFFFF900, s25;
	[sflag:s31] =	ssyncset.done $0x0  }
0xfb: {  	s18 =	sadd.s32 $0x710, s20;
	[sflag:s31] =	ssyncadd.s32 $0xFFFFFF80  }
0xfc: {  	[tilespmem:s15], [sflag:$0x3] =	stream.linear.gather [hbm4b:s18+s2], $0x80, $0x38;
	[tilespmem:$0x1BE00] =	vst v63  }
0xfd: {  	_ =	swait.ge [sflag:s31], $0x80  }
0xfe: {  	[sflag:s31] =	ssyncset.done $0x0  }
0xff: {  	[sflag:s31] =	ssyncadd.s32 $0xFFFFFF80  }
0x100: {  	[tilespmem:s21], [sflag:$0x2] =	stream.indirect.gather [hbm4b:s4+s13], $0x80, s14, s13, $0xb8;
	[tilespmem:$0x1BE00] =	vst v63  }
0x101: {  	_ =	swait.ge [sflag:s22], $0x4000  }
0x102: {  	[sflag:s22] =	ssyncset.done $0x0  }
0x103: {  	[sflag:s22] =	ssyncadd.s32 $0xFFFFC000  }
0x104: {  	[spmem:s1] =	stream.indirect.scatter.add.f32 [tilespmem:s30], [sflag:$0x3], $0x80, s3, s13, $0xb8;
	[tilespmem:$0x1BE00] =	vst v63  }
0x105: {  	_ =	swait.ge [sflag:s31], $0x4000  }
0x106: {  	[sflag:s31] =	ssyncset.done $0x0  }
0x107: {  	s16 =	sadd.s32 $0x720, s19;
	[sflag:s31] =	ssyncadd.s32 $0xFFFFC000  }
0x108: {  	[tilespmem:s0], [sflag:$0x3] =	stream.linear.gather [hbm4b:s16+s2], $0x80, $0x38;
	[tilespmem:$0x1BE00] =	vst v63  }
0x109: {  	_ =	swait.ge [sflag:s31], $0x80  }
0x10a: {  	[sflag:s31] =	ssyncset.done $0x0  }
0x10b: {  	s24 =	sadd.s32 $0x720, s20;
	[sflag:s31] =	ssyncadd.s32 $0xFFFFFF80  }
0x10c: {  	[tilespmem:s3], [sflag:$0x3] =	stream.linear.gather [hbm4b:s24+s2], $0x80, $0x38;
	[tilespmem:$0x1BE00] =	vst v63  }
0x10d: {  	_ =	swait.ge [sflag:s31], $0x80  }
0x10e: {  	[sflag:s31] =	ssyncset.done $0x0  }
0x10f: {  	[sflag:s31] =	ssyncadd.s32 $0xFFFFFF80  }
0x110: {  	[tilespmem:s30], [sflag:$0x1] =	stream.indirect.gather [hbm4b:s4+s13], $0x80, s0, s13, $0xb8;
	[tilespmem:$0x1BE00] =	vst v63  }
0x111: {  	_ =	swait.ge [sflag:s23], $0x4000  }
0x112: {  	[sflag:s23] =	ssyncset.done $0x0  }
0x113: {  	[sflag:s23] =	ssyncadd.s32 $0xFFFFC000  }
0x114: {  	[spmem:s1] =	stream.indirect.scatter.add.f32 [tilespmem:s21], [sflag:$0x3], $0x80, s15, s13, $0xb8;
	[tilespmem:$0x1BE00] =	vst v63  }
0x115: {  	s17 =	simm.s32 $0xFFFFF940;
	_ =	swait.ge [sflag:s31], $0x4000  }
0x116: {  	s18 =	sadd.s32 $0xFFFFF920, s26;
	s16 =	simm.s32 $0xFFFFF920;
	[sflag:s31] =	ssyncset.done $0x0  }
.LBB2_3:
0x117: {  	s20 =	sadd.s32 $0x710, s18  }
0x118: {  	[sflag:s31] =	ssyncadd.s32 $0xFFFFC000;
	s24 =	smov.u32 s17;
	s19 =	sadd.s32 $0x20, s17  }
0x119: {  	[tilespmem:s14], [sflag:$0x3] =	stream.linear.gather [hbm4b:s20+s2], $0x80, $0x38;
	[tilespmem:$0x1BE00] =	vst v63  }
0x11a: {  	p1 =	seq.s32 s17, $0xFFFFFFE0;
	_ =	swait.ge [sflag:s31], $0x80  }
0x11b: {  	s17 =	sadd.s32 s16, s25;
	s16 =	smov.u32 s24;
	[sflag:s31] =	ssyncset.done $0x0  }
0x11c: {  	s20 =	sadd.s32 $0x710, s17;
	[sflag:s31] =	ssyncadd.s32 $0xFFFFFF80  }
0x11d: {  	[tilespmem:s15], [sflag:$0x3] =	stream.linear.gather [hbm4b:s20+s2], $0x80, $0x38;
	[tilespmem:$0x1BE00] =	vst v63  }
0x11e: {  	_ =	swait.ge [sflag:s31], $0x80  }
0x11f: {  	[sflag:s31] =	ssyncset.done $0x0  }
0x120: {  	[sflag:s31] =	ssyncadd.s32 $0xFFFFFF80  }
0x121: {  	[tilespmem:s21], [sflag:$0x2] =	stream.indirect.gather [hbm4b:s4+s13], $0x80, s14, s13, $0xb8;
	[tilespmem:$0x1BE00] =	vst v63  }
0x122: {  	_ =	swait.ge [sflag:s22], $0x4000  }
0x123: {  	[sflag:s22] =	ssyncset.done $0x0  }
0x124: {  	[sflag:s22] =	ssyncadd.s32 $0xFFFFC000  }
0x125: {  	[spmem:s1] =	stream.indirect.scatter.add.f32 [tilespmem:s30], [sflag:$0x3], $0x80, s3, s13, $0xb8;
	[tilespmem:$0x1BE00] =	vst v63  }
0x126: {  	_ =	swait.ge [sflag:s31], $0x4000  }
0x127: {  	[sflag:s31] =	ssyncset.done $0x0  }
0x128: {  	s18 =	sadd.s32 $0x720, s18;
	[sflag:s31] =	ssyncadd.s32 $0xFFFFC000  }
0x129: {  	[tilespmem:s0], [sflag:$0x3] =	stream.linear.gather [hbm4b:s18+s2], $0x80, $0x38;
	[tilespmem:$0x1BE00] =	vst v63  }
0x12a: {  	_ =	swait.ge [sflag:s31], $0x80  }
0x12b: {  	[sflag:s31] =	ssyncset.done $0x0  }
0x12c: {  	s17 =	sadd.s32 $0x720, s17;
	[sflag:s31] =	ssyncadd.s32 $0xFFFFFF80  }
0x12d: {  	[tilespmem:s3], [sflag:$0x3] =	stream.linear.gather [hbm4b:s17+s2], $0x80, $0x38;
	[tilespmem:$0x1BE00] =	vst v63  }
0x12e: {  	_ =	swait.ge [sflag:s31], $0x80  }
0x12f: {  	[sflag:s31] =	ssyncset.done $0x0  }
0x130: {  	[sflag:s31] =	ssyncadd.s32 $0xFFFFFF80  }
0x131: {  	[tilespmem:s30], [sflag:$0x1] =	stream.indirect.gather [hbm4b:s4+s13], $0x80, s0, s13, $0xb8;
	[tilespmem:$0x1BE00] =	vst v63  }
0x132: {  	_ =	swait.ge [sflag:s23], $0x4000  }
.Ltmp5:
0x133: {  	[sflag:s23] =	ssyncset.done $0x0;
	(pc) =	sbr.rel @!p1 .LBB2_3-.Ltmp5, $4  }
0x134: {  	[sflag:s23] =	ssyncadd.s32 $0xFFFFC000  }
0x135: {  	[spmem:s1] =	stream.indirect.scatter.add.f32 [tilespmem:s21], [sflag:$0x3], $0x80, s15, s13, $0xb8;
	[tilespmem:$0x1BE00] =	vst v63  }
0x136: {  	_ =	swait.ge [sflag:s31], $0x4000  }
0x137: {  	s18 =	sadd.s32 s16, s26;
	s17 =	smov.u32 s19;
	[sflag:s31] =	ssyncset.done $0x0  }
0x138: {  	s17 =	sadd.s32 $0x710, s18;
	[sflag:s31] =	ssyncadd.s32 $0xFFFFC000  }
0x139: {  	[tilespmem:s14], [sflag:$0x3] =	stream.linear.gather [hbm4b:s17+s2], $0x80, $0x38;
	[tilespmem:$0x1BE00] =	vst v63  }
0x13a: {  	_ =	swait.ge [sflag:s31], $0x80  }
0x13b: {  	s16 =	sadd.s32 s16, s25;
	[sflag:s31] =	ssyncset.done $0x0  }
0x13c: {  	s20 =	sadd.s32 $0x710, s16;
	[sflag:s31] =	ssyncadd.s32 $0xFFFFFF80  }
0x13d: {  	[tilespmem:s15], [sflag:$0x3] =	stream.linear.gather [hbm4b:s20+s2], $0x80, $0x38;
	[tilespmem:$0x1BE00] =	vst v63  }
0x13e: {  	_ =	swait.ge [sflag:s31], $0x80  }
0x13f: {  	[sflag:s31] =	ssyncset.done $0x0  }
0x140: {  	[sflag:s31] =	ssyncadd.s32 $0xFFFFFF80  }
0x141: {  	[tilespmem:s21], [sflag:$0x2] =	stream.indirect.gather [hbm4b:s4+s13], $0x80, s14, s13, $0xb8;
	[tilespmem:$0x1BE00] =	vst v63  }
0x142: {  	_ =	swait.ge [sflag:s22], $0x4000  }
0x143: {  	[sflag:s22] =	ssyncset.done $0x0  }
0x144: {  	[sflag:s22] =	ssyncadd.s32 $0xFFFFC000  }
0x145: {  	[spmem:s1] =	stream.indirect.scatter.add.f32 [tilespmem:s30], [sflag:$0x3], $0x80, s3, s13, $0xb8;
	[tilespmem:$0x1BE00] =	vst v63  }
0x146: {  	_ =	swait.ge [sflag:s31], $0x4000  }
0x147: {  	[sflag:s31] =	ssyncset.done $0x0  }
0x148: {  	s24 =	sadd.s32 $0x720, s18;
	[sflag:s31] =	ssyncadd.s32 $0xFFFFC000  }
0x149: {  	[tilespmem:s0], [sflag:$0x3] =	stream.linear.gather [hbm4b:s24+s2], $0x80, $0x38;
	[tilespmem:$0x1BE00] =	vst v63  }
0x14a: {  	_ =	swait.ge [sflag:s31], $0x80  }
0x14b: {  	[sflag:s31] =	ssyncset.done $0x0  }
0x14c: {  	s16 =	sadd.s32 $0x720, s16;
	[sflag:s31] =	ssyncadd.s32 $0xFFFFFF80  }
0x14d: {  	[tilespmem:s3], [sflag:$0x3] =	stream.linear.gather [hbm4b:s16+s2], $0x80, $0x38;
	[tilespmem:$0x1BE00] =	vst v63  }
0x14e: {  	_ =	swait.ge [sflag:s31], $0x80  }
0x14f: {  	[sflag:s31] =	ssyncset.done $0x0  }
0x150: {  	[sflag:s31] =	ssyncadd.s32 $0xFFFFFF80  }
0x151: {  	[tilespmem:s30], [sflag:$0x1] =	stream.indirect.gather [hbm4b:s4+s13], $0x80, s0, s13, $0xb8;
	[tilespmem:$0x1BE00] =	vst v63  }
0x152: {  	_ =	swait.ge [sflag:s23], $0x4000  }
0x153: {  	[sflag:s23] =	ssyncset.done $0x0  }
.Ltmp6:
0x154: {  	[sflag:s23] =	ssyncadd.s32 $0xFFFFC000;
	(pc) =	sbr.rel .LBB2_8-.Ltmp6, $4  }
0x155: {  	[spmem:s1] =	stream.indirect.scatter.add.f32 [tilespmem:s21], [sflag:$0x3], $0x80, s15, s13, $0xb8;
	[tilespmem:$0x1BE00] =	vst v63  }
0x156: {  	_ =	swait.ge [sflag:s31], $0x4000  }
0x157: {  	[sflag:s31] =	ssyncset.done $0x0  }
0x158: {  	s16 =	rddreg [dreg:$0x6];
	[sflag:s31] =	ssyncadd.s32 $0xFFFFC000  }
.LBB2_9:
0x159: {  	_ =	sfence.sel $0x180000  }
0x15a: {  	[bflag:$0x0] =	sbarrier.arrive $0xFFFF  }
0x15b: {  	_ =	strace $0x9000004D  }
0x15c: {  	s0 =	stileid.u32;
	[bflag:$0x2] =	sbarrier.arrive $0xFFFF  }
0x15d: {  	p0 =	sne.s32 s0, $0x0;
	s0 =	rddreg [dreg:$0x2]  }
0x15e: {  	s0 =	sadd.s32 @!p0 $0x100000, s0  }
0x15f: {  	[sflag:s0] =	ssyncadd.tile.s32 @!p0 $0x1;
	_ =	shalt  }
.Lfunc_end2:
_tile_overlayer_lowered:
.L_overlay_start_2:
0x160: {  	(tag) =	ssettag $0x2  }
0x161: {  	s0 =	rddreg [dreg:$0x0];
	s2 =	stileid.u32  }
0x162: {  	s1 =	rddreg [dreg:$0x1];
	p0 =	sne.s32 s2, $0x0  }
0x163: {  	s3 =	rddreg [dreg:$0x2];
	[bflag:$0x3] =	sbarrier.arrive $0xFFFF;
	s2 =	simm.s32 @!p0 $0x1C03  }
0x164: {  	[timem:s3], [sflag:s2] =	dma.local @!p0 [hbm:s0], s1  }
0x165: {  	s0 =	simm.s32 @!p0 $0x3  }
0x166: {  	_ =	swait.ge @!p0 [sflag:s0], s1  }
0x167: {  	s1 =	ssub.s32 @!p0 $0x0, s1;
	[sflag:s0] =	ssyncset.done @!p0 $0x0  }
0x168: {  	[sflag:s0] =	ssyncadd.s32 @!p0 s1  }
0x169: {  	[bflag:$0x3] =	sbarrier.arrive $0xFFFF  }
0x16a: {  	_ =	shalt  }

// kernel: kernel.8.cloned.1.call-start
scs
__scs_entry_jumppad:
0x0: {  	(pc) =	sbr.rel $0x88, $3  }
0x1: {  	(tag) =	ssettag $0x0;
	lr =	simm.s32 $0x1  }
0x2: {  	[smem:$0x3F93] =	sst lr;
	_ =	strace $0xD0000000  }
0x3: {  	_ = 	snop  }
0x4: {  	_ = 	snop  }
0x5: {  	_ = 	snop  }
0x6: {  	_ = 	snop  }
0x7: {  	_ = 	snop  }
__scs_overlays_trampoline_lowered:
0x8: {  	[smem:$0x3FA2] =	sst s0  }
0x9: {  	[smem:$0x3FA3] =	sst s1  }
0xa: {  	[smem:$0x3FA4] =	sst s2  }
0xb: {  	[smem:$0x3FA5] =	sst s3  }
0xc: {  	[smem:$0x3FA6] =	sst s4  }
0xd: {  	[smem:$0x3FA7] =	sst s5  }
0xe: {  	[smem:$0x3FA8] =	sst s6  }
0xf: {  	[smem:$0x3FA9] =	sst s7  }
0x10: {  	[smem:$0x3FAA] =	sst s8  }
0x11: {  	[smem:$0x3FAB] =	sst s9;
	s0 =	simm.s32 @!p0 $0x0  }
0x12: {  	s1 =	sld [smem:$0x3F91];
	s0 =	simm.s32 @p0 $0x1  }
0x13: {  	[smem:$0x3FAC] =	sst s0;
	s0 =	simm.s32 @!p1 $0x0  }
0x14: {  	s2 =	sld [smem:$0x3F90];
	s0 =	simm.s32 @p1 $0x1  }
0x15: {  	[smem:$0x3FAD] =	sst s0;
	s0 =	simm.s32 @!p2 $0x0  }
0x16: {  	s3 =	sld [smem:$0x3FDB];
	s0 =	simm.s32 @p2 $0x1  }
0x17: {  	s4 =	simm.s32 $0x1BF5;
	[smem:$0x3FAF] =	sst s0  }
0x18: {  	s0 =	sld [smem:$0x3F92];
	_ =	swait.ge [sflag:s4], $0x0  }
0x19: {  	s7 =	sld [smem:$0x3F93]  }
0x1a: {  	s8 =	sadd.s32 $0xFFFFE003, lr  }
0x1b: {  	s9 =	sadd.s32 $0xFFFFFEF7, lr;
	s5 =	simm.s32 $0xFFFFFFFF;
	p2 =	slt.u32 s8, $0xFFFFF086  }
0x1c: {  	p1 =	slt.u32 s9, $0xF7A;
	s5 =	simm.s32 @!p2 $0x0  }
0x1d: {  	s5 =	simm.s32 @p1 $0x1;
	p0 =	seq.s32 s7, s2  }
0x1e: {  	s7 =	smul.u32 @!p0 $0xF7A, s2;
	p2 =	seq.s32 @!p0 s5, $0x0  }
0x1f: {  	s9 =	smul.u32 $0xF7A, s1;
	s8 =	simm.s32 @!p0 $0x1BF5;
	p2 =	por !p2, p0  }
0x20: {  	[sflag:s8] =	ssyncset.s32 @!p0 $0xFFFFF086;
	s6 =	sadd.s32 @!p0 s3, s7;
	s7 =	simm.s32 @!p0 $0x108  }
0x21: {  	s3 =	sadd.s32 s3, s9;
	s6 =	sadd.s32 @!p0 $0x88, s6;
	s7 =	simm.s32 @p2 $0x1082  }
0x22: {  	[simem:s7], [sflag:s8] =	dma.local @!p0 [hbm:s6], $0xF7A  }
0x23: {  	s9 =	sor.u32 $0xD0000000, s2;
	s6 =	simm.s32 $0x108;
	_ =	swait.ge @!p0 [sflag:s8], $0x0  }
0x24: {  	s3 =	sadd.s32 $0x88, s3;
	s6 =	simm.s32 @!p1 $0x1082;
	[sflag:s4] =	ssyncset.s32 $0xFFFFF086  }
0x25: {  	[simem:s6], [sflag:s4] =	dma.local [hbm:s3], $0xF7A  }
0x26: {  	[smem:$0x3F93] =	sst s1;
	(tag) =	ssettag s2;
	_ =	strace s9  }
0x27: {  	s1 =	sld [smem:$0x3FA3]  }
0x28: {  	s2 =	sld [smem:$0x3FA4]  }
0x29: {  	s4 =	sld [smem:$0x3FA6]  }
0x2a: {  	p0 =	seq.s32 s5, $0x0;
	s5 =	sld [smem:$0x3FA7]  }
0x2b: {  	s6 =	sld [smem:$0x3FA8]  }
0x2c: {  	s7 =	sld [smem:$0x3FA9]  }
0x2d: {  	s3 =	simm.s32 $0x108;
	s8 =	sld [smem:$0x3FAA]  }
0x2e: {  	s3 =	simm.s32 @!p0 $0x1082;
	s9 =	sld [smem:$0x3FAB]  }
0x2f: {  	lr =	sadd.s32 s0, s3;
	s0 =	sld [smem:$0x3FA2]  }
0x30: {  	s3 =	sld [smem:$0x3FA5]  }
0x31: {  	[smem:$0x3FAE] =	sst s10  }
0x32: {  	s10 =	sld [smem:$0x3FAC];
	_ =	sdelay $0x3  }
0x33: {  	p0 =	seq.s32 s10, $0x1;
	s10 =	sld [smem:$0x3FAE];
	_ =	sdelay $0x3  }
0x34: {  	[smem:$0x3FAE] =	sst s10  }
0x35: {  	s10 =	sld [smem:$0x3FAD];
	_ =	sdelay $0x3  }
0x36: {  	p1 =	seq.s32 s10, $0x1;
	s10 =	sld [smem:$0x3FAE];
	_ =	sdelay $0x3  }
0x37: {  	[smem:$0x3FAE] =	sst s10  }
0x38: {  	s10 =	sld [smem:$0x3FAF]  }
0x39: {  	_ = 	snop;
	(pc) =	sbr.ind lr, $3  }
0x3a: {  	_ = 	snop  }
0x3b: {  	_ = 	snop  }
0x3c: {  	p2 =	seq.s32 s10, $0x1;
	s10 =	sld [smem:$0x3FAE]  }
0x3d: {  	_ =	shalt  }
0x3e: {  	_ =	shalt  }
0x3f: {  	_ =	shalt  }
0x40: {  	_ =	shalt  }
0x41: {  	_ =	shalt  }
0x42: {  	_ =	shalt  }
0x43: {  	_ =	shalt  }
0x44: {  	_ =	shalt  }
0x45: {  	_ =	shalt  }
0x46: {  	_ =	shalt  }
0x47: {  	_ =	shalt  }
0x48: {  	_ =	shalt  }
0x49: {  	_ =	shalt  }
0x4a: {  	_ =	shalt  }
0x4b: {  	_ =	shalt  }
0x4c: {  	_ =	shalt  }
0x4d: {  	_ =	shalt  }
0x4e: {  	_ =	shalt  }
0x4f: {  	_ =	shalt  }
0x50: {  	_ =	shalt  }
0x51: {  	_ =	shalt  }
0x52: {  	_ =	shalt  }
0x53: {  	_ =	shalt  }
0x54: {  	_ =	shalt  }
0x55: {  	_ =	shalt  }
0x56: {  	_ =	shalt  }
0x57: {  	_ =	shalt  }
0x58: {  	_ =	shalt  }
0x59: {  	_ =	shalt  }
0x5a: {  	_ =	shalt  }
0x5b: {  	_ =	shalt  }
0x5c: {  	_ =	shalt  }
0x5d: {  	_ =	shalt  }
0x5e: {  	_ =	shalt  }
0x5f: {  	_ =	shalt  }
0x60: {  	_ =	shalt  }
0x61: {  	_ =	shalt  }
0x62: {  	_ =	shalt  }
0x63: {  	_ =	shalt  }
0x64: {  	_ =	shalt  }
0x65: {  	_ =	shalt  }
0x66: {  	_ =	shalt  }
0x67: {  	_ =	shalt  }
0x68: {  	_ =	shalt  }
0x69: {  	_ =	shalt  }
0x6a: {  	_ =	shalt  }
0x6b: {  	_ =	shalt  }
0x6c: {  	_ =	shalt  }
0x6d: {  	_ =	shalt  }
0x6e: {  	_ =	shalt  }
0x6f: {  	_ =	shalt  }
0x70: {  	_ =	shalt  }
0x71: {  	_ =	shalt  }
0x72: {  	_ =	shalt  }
0x73: {  	_ =	shalt  }
0x74: {  	_ =	shalt  }
0x75: {  	_ =	shalt  }
0x76: {  	_ =	shalt  }
0x77: {  	_ =	shalt  }
0x78: {  	_ =	shalt  }
0x79: {  	_ =	shalt  }
0x7a: {  	_ =	shalt  }
0x7b: {  	_ =	shalt  }
0x7c: {  	_ =	shalt  }
0x7d: {  	_ =	shalt  }
0x7e: {  	_ =	shalt  }
0x7f: {  	_ =	shalt  }
0x80: {  	_ =	shalt  }
0x81: {  	_ =	shalt  }
0x82: {  	_ =	shalt  }
0x83: {  	_ =	shalt  }
0x84: {  	_ =	shalt  }
0x85: {  	_ =	shalt  }
0x86: {  	_ =	shalt  }
0x87: {  	_ =	shalt  }
.Lfunc_end0:
.L_simem_size_0:
called_computation_lowered:
.L_overlay_start_0:
0x88: {  	s2 =	sld [smem:$0x3FD9]  }
0x89: {  	s3 =	sld [smem:$0x3FFE];
	_ =	sdelay $0x1  }
0x8a: {  	s1 =	srdreg.scid  }
0x8b: {  	s0 =	sand.u32 $0x1, s1  }
0x8c: {  	s16 =	sshll.u32 s0, $0xA;
	s2 =	sadd.s32 s3, s2  }
0x8d: {  	s2 =	sadd.s32 s2, s16  }
0x8e: {  	[smem:$0x3FBA] =	sst s2  }
0x8f: {  	_ = 	snop  }
0x90: {  	(tm) =	ssettm $0x1  }
0x91: {  	s17 =	sld [smem:$0x3FFB];
	_ =	sdelay $0x3  }
0x92: {  	_ =	strace s17  }
0x93: {  	s2 =	sld [smem:$0x3FFC];
	_ =	sdelay $0x3  }
0x94: {  	_ =	strace s2  }
0x95: {  	s2 =	sld [smem:$0x3FFD];
	_ =	sdelay $0x3  }
0x96: {  	_ =	strace s2  }
0x97: {  	_ =	strace $0x8FFFFFFF  }
0x98: {  	s18 =	sld [smem:$0x3FDB];
	_ =	sdelay $0x1  }
0x99: {  	s19 =	simm.s32 $_scs_section_size  }
0x9a: {  	s4 =	simm.s32 $_size__tile_overlayer_lowered;
	s5 =	simm.s32 $_tile_overlayer_lowered  }
0x9b: {  	s22 =	simm.s32 $0x1BFF;
	s21 =	sshll.u32 s5, $0x1;
	s2 =	sadd.s32 s19, s18  }
0x9c: {  	s6 =	simm.s32 $0x0;
	s20 =	sshll.u32 s4, $0x1;
	s4 =	sadd.s32 s21, s2  }
0x9d: {  	[timem:s6], [sflag:s22] =	dma.local [hbm:s4], s20  }
0x9e: {  	_ =	swait.ge [sflag:s22], s20  }
0x9f: {  	s3 =	ssub.s32 $0x0, s20;
	[sflag:s22] =	ssyncset.done $0x0  }
0xa0: {  	[sflag:s22] =	ssyncadd.s32 s3;
	_ =	sdelay $0x1  }
0xa1: {  	s23 =	simm.s32 $0x1B8B  }
0xa2: {  	_ =	swait.ge [sflag:s23], $0x1  }
0xa3: {  	[sflag:s23] =	ssyncset.done $0x0  }
0xa4: {  	s25 =	simm.s32 $0x1B8E;
	s24 =	sld [smem:$0x3FFE];
	[sflag:s23] =	ssyncadd.s32 $0xFFFFFFFF  }
0xa5: {  	s26 =	simm.s32 $execute0_lowered;
	[smem:$0x3FD2] =	sst s25  }
0xa6: {  	s4 =	sshll.u32 s26, $0x1;
	_ =	strace $0x80000046;
	[dreg:$0x1] =	wrdreg $0xFFFFFFFF  }
0xa7: {  	s28 =	simm.s32 $_size_execute0_lowered;
	s2 =	sadd.s32 s2, s4;
	[dreg:$0x0] =	wrdreg $0x0  }
0xa8: {  	s4 =	sshll.u32 s28, $0x1;
	[dreg:$0x2] =	wrdreg s2  }
0xa9: {  	[dreg:$0x3] =	wrdreg s4  }
0xaa: {  	[dreg:$0x4] =	wrdreg $0xC0  }
0xab: {  	_ =	task [dreg:s6], $0x5FFFF  }
0xac: {  	[dreg:$0x1] =	wrdreg $0xFFFFFFFF  }
0xad: {  	[dreg:$0x0] =	wrdreg $0x60  }
0xae: {  	[dreg:$0x2] =	wrdreg s24  }
0xaf: {  	[dreg:$0x3] =	wrdreg $0x0  }
0xb0: {  	[dreg:$0x4] =	wrdreg $0x9  }
0xb1: {  	_ =	task.clear_ibuf [dreg:s6], $0x5FFFF;
	_ =	strace $0x90000046  }
0xb2: {  	s29 =	simm.s32 $0x9;
	_ =	strace $0x80000048  }
0xb3: {  	_ =	swait.ge [sflag:s29], $0x1  }
0xb4: {  	[sflag:s29] =	ssyncadd.s32 $0xFFFFFFFF  }
0xb5: {  	_ =	strace $0x90000048  }
0xb6: {  	_ =	sfence  }
0xb7: {  	s30 =	sld [smem:$0x0];
	_ =	sdelay $0x2  }
0xb8: {  	s31 =	sshll.u32 s1, $0xD;
	s1 =	sshrl.u32 s1, $0x2  }
0xb9: {  	s3 =	sand.u32 $0x4000, s31;
	s1 =	sadd.s32 s1, s30  }
0xba: {  	s0 =	sor.u32 s3, s0;
	s1 =	sshll.u32 s1, $0x11  }
0xbb: {  	s0 =	sor.u32 s1, s0  }
0xbc: {  	s0 =	sadd.s32 $0x8F2B, s0  }
0xbd: {  	[sflag:s0] =	ssyncadd.remote.s32 $0x1  }
0xbe: {  	_ =	sfence.sel $0xFFFF  }
0xbf: {  	[dreg:$0x0] =	wrdreg $0xFFFFFFFF;
	(pc) =	sbr.abs _section_cstart, $3  }
0xc0: {  	[dreg:$0x1] =	wrdreg $0xFFFFFFFF  }
0xc1: {  	_ =	task.clear_ibuf [dreg:s6], $0x2FFFF;
	_ =	strace $0x9FFFFFFF  }
0xc2: {  	(tm) =	ssettm $0x7FFFFFFF  }
0xc3: {  	_ =	shalt  }
tec
execute0_lowered:
.L_overlay_start_1:
0x0: {  	(tag) =	ssettag $0x1  }
0x1: {  	s0 =	rddreg [dreg:$0x0]  }
0x2: {  	s1 =	rddreg [dreg:$0x1];
	s2 =	simm.s32 $0x0;
	s3 =	srdreg.scid  }
0x3: {  	s22 =	stileid.u32;
	s30 =	simm.s32 $0x13C00;
	s31 =	simm.s32 $0x3  }
0x4: {  	[smem:$0x7FF] =	sst s2;
	s4 =	sadd.s32 $0x16400, s0;
	s7 =	smul.u32 $0x4F000, s22  }
0x5: {  	s5 =	sadd.s32 $0xC400, s0;
	s3 =	sand.u32 $0x1, s3;
	s13 =	smul.u32 $0x13C00, s22  }
0x6: {  	s6 =	sadd.s32 $0x2400, s0;
	s9 =	sadd.s32 $0x3DC00, s0;
	s17 =	smul.u32 $0x3900, s22  }
0x7: {  	s0 =	sadd.s32 $0x3E400, s0;
	s19 =	smul.u32 $0x1700, s22;
	_ =	strace $0x80000047  }
0x8: {  	s8 =	ssub.s32 $0x2, s3;
	[dreg:$0x3] =	wrdreg s9;
	p0 =	seq.s32 s3, $0x1  }
0x9: {  	s21 =	sshrl.u32 s8, $0x1;
	s7 =	sshrl.u32 s7, $0x2;
	s15 =	sadd.s32 $0x4000, s13  }
0xa: {  	s16 =	sadd.s32 $0xC000, s13;
	s18 =	sadd.s32 $0x10000, s13;
	s20 =	sshrl.u32 s17, $0x3  }
0xb: {  	s25 =	sadd.s32 $0x3880, s17;
	s26 =	sshrl.u32 s19, $0x3;
	s14 =	ssub.s32 s8, s21  }
0xc: {  	s8 =	sadd.s32 s7, s1;
	s9 =	sadd.s32 s15, s1;
	s7 =	sadd.s32 $0x8000, s13  }
0xd: {  	s11 =	sadd.s32 s16, s1;
	s12 =	sadd.s32 s18, s1;
	s21 =	smul.u32 $0x13C000, s3  }
0xe: {  	s23 =	sadd.s32 s5, s20;
	s24 =	sadd.s32 s6, s20;
	[dreg:$0x6] =	wrdreg s25  }
0xf: {  	s3 =	sadd.s32 $0x7200, s26;
	s25 =	sadd.s32 $0x3A680, s19;
	[dreg:$0x4] =	wrdreg s23  }
0x10: {  	s10 =	sadd.s32 s7, s1;
	[dreg:$0x5] =	wrdreg s24;
	s23 =	sadd.s32 s5, s3  }
0x11: {  	s24 =	smul.u32 $0x2E0, s22;
	s3 =	sadd.s32 s6, s3;
	[dreg:$0xe] =	wrdreg s25  }
0x12: {  	s26 =	smax.u32 s14, $0x1;
	s14 =	simm.s32 $0x1BC80;
	s13 =	sadd.s32 s13, s21  }
0x13: {  	s15 =	sadd.s32 s21, s15;
	s7 =	sadd.s32 s21, s7;
	[dreg:$0xc] =	wrdreg s23  }
0x14: {  	s16 =	sadd.s32 s21, s16;
	s18 =	sadd.s32 s21, s18;
	[dreg:$0xd] =	wrdreg s3  }
0x15: {  	s21 =	smul.u32 $0x720, s22;
	[dreg:$0xf] =	wrdreg s26;
	s3 =	simm.s32 $0x1BD00  }
0x16: {  	s22 =	simm.s32 $0x1;
	s23 =	simm.s32 $0x2;
	s13 =	sshrl.u32 s13, $0x3  }
0x17: {  	s15 =	sshrl.u32 s15, $0x3;
	s7 =	sshrl.u32 s7, $0x3;
	s17 =	sshrl.u32 s16, $0x3  }
0x18: {  	s20 =	sshrl.u32 s18, $0x3;
	s28 =	sadd.s32 s24, s6;
	s13 =	sadd.s32 s0, s13  }
0x19: {  	s29 =	sadd.s32 s24, s5;
	s7 =	sadd.s32 s0, s7;
	[dreg:$0x7] =	wrdreg s13  }
.Ltmp0:
0x1a: {  	s13 =	sadd.s32 s0, s15;
	[dreg:$0x9] =	wrdreg s7;
	(pc) =	sbr.rel .LBB2_1-.Ltmp0, $4  }
0x1b: {  	s25 =	sadd.s32 s21, s6;
	s7 =	sadd.s32 s0, s17;
	[dreg:$0x8] =	wrdreg s13  }
0x1c: {  	s26 =	sadd.s32 s21, s5;
	s0 =	sadd.s32 s0, s20;
	[dreg:$0xa] =	wrdreg s7  }
0x1d: {  	s21 =	simm.s32 $0x17C00;
	s15 =	simm.s32 $0x1BD80;
	[dreg:$0xb] =	wrdreg s0  }
0x1e: {  	s0 =	simm.s32 $0x1BC00;
	s13 =	simm.s32 $0x80;
	s7 =	simm.s32 $0x0  }
.LBB2_7:
0x1f: {  	s17 =	sadd.s32 $0x74D0, s18;
	[sflag:s31] =	ssyncadd.s32 $0xFFFFC000  }
0x20: {  	[tilespmem:s14], [sflag:$0x3] =	stream.linear.gather [hbm4b:s17+s2], $0x80, $0x38;
	[tilespmem:$0x1BE00] =	vst v63  }
0x21: {  	_ =	swait.ge [sflag:s31], $0x80  }
0x22: {  	s16 =	sadd.s32 s16, s28;
	[sflag:s31] =	ssyncset.done $0x0  }
0x23: {  	s20 =	sadd.s32 $0x74D0, s16;
	[sflag:s31] =	ssyncadd.s32 $0xFFFFFF80  }
0x24: {  	[tilespmem:s15], [sflag:$0x3] =	stream.linear.gather [hbm4b:s20+s2], $0x80, $0x38;
	[tilespmem:$0x1BE00] =	vst v63  }
0x25: {  	_ =	swait.ge [sflag:s31], $0x80  }
0x26: {  	[sflag:s31] =	ssyncset.done $0x0  }
0x27: {  	[sflag:s31] =	ssyncadd.s32 $0xFFFFFF80  }
0x28: {  	[tilespmem:s21], [sflag:$0x2] =	stream.indirect.gather [hbm4b:s4+s13], $0x80, s14, s13, $0xb8;
	[tilespmem:$0x1BE00] =	vst v63  }
0x29: {  	_ =	swait.ge [sflag:s22], $0x4000  }
0x2a: {  	[sflag:s22] =	ssyncset.done $0x0  }
0x2b: {  	[sflag:s22] =	ssyncadd.s32 $0xFFFFC000  }
0x2c: {  	[spmem:s1] =	stream.indirect.scatter.add.f32 [tilespmem:s30], [sflag:$0x3], $0x80, s3, s13, $0xb8;
	[tilespmem:$0x1BE00] =	vst v63  }
0x2d: {  	_ =	swait.ge [sflag:s31], $0x4000  }
0x2e: {  	[sflag:s31] =	ssyncset.done $0x0  }
0x2f: {  	s24 =	sadd.s32 $0x74E0, s18;
	[sflag:s31] =	ssyncadd.s32 $0xFFFFC000  }
0x30: {  	[tilespmem:s0], [sflag:$0x3] =	stream.linear.gather [hbm4b:s24+s2], $0x80, $0x38;
	[tilespmem:$0x1BE00] =	vst v63  }
0x31: {  	_ =	swait.ge [sflag:s31], $0x80  }
0x32: {  	[sflag:s31] =	ssyncset.done $0x0  }
0x33: {  	s16 =	sadd.s32 $0x74E0, s16;
	[sflag:s31] =	ssyncadd.s32 $0xFFFFFF80  }
0x34: {  	[tilespmem:s3], [sflag:$0x3] =	stream.linear.gather [hbm4b:s16+s2], $0x80, $0x38;
	[tilespmem:$0x1BE00] =	vst v63  }
0x35: {  	_ =	swait.ge [sflag:s31], $0x80  }
0x36: {  	[sflag:s31] =	ssyncset.done $0x0  }
0x37: {  	[sflag:s31] =	ssyncadd.s32 $0xFFFFFF80  }
0x38: {  	[tilespmem:s30], [sflag:$0x1] =	stream.indirect.gather [hbm4b:s4+s13], $0x80, s0, s13, $0xb8;
	[tilespmem:$0x1BE00] =	vst v63  }
0x39: {  	_ =	swait.ge [sflag:s23], $0x4000  }
0x3a: {  	[sflag:s23] =	ssyncset.done $0x0  }
0x3b: {  	[sflag:s23] =	ssyncadd.s32 $0xFFFFC000  }
0x3c: {  	[spmem:s1] =	stream.indirect.scatter.add.f32 [tilespmem:s21], [sflag:$0x3], $0x80, s15, s13, $0xb8;
	[tilespmem:$0x1BE00] =	vst v63  }
0x3d: {  	_ =	swait.ge [sflag:s31], $0x4000  }
0x3e: {  	[sflag:s31] =	ssyncset.done $0x0  }
0x3f: {  	s16 =	rddreg [dreg:$0xe];
	[sflag:s31] =	ssyncadd.s32 $0xFFFFC000  }
.LBB2_8:
0x40: {  	s16 =	sshrl.u32 s16, $0x3  }
0x41: {  	s17 =	sadd.s32 s5, s16  }
0x42: {  	[tilespmem:s14], [sflag:$0x3] =	stream.linear.gather [hbm4b:s17+s2], $0x80, $0x38;
	[tilespmem:$0x1BE00] =	vst v63  }
0x43: {  	_ =	swait.ge [sflag:s31], $0x80  }
0x44: {  	[sflag:s31] =	ssyncset.done $0x0  }
0x45: {  	s16 =	sadd.s32 s6, s16;
	[sflag:s31] =	ssyncadd.s32 $0xFFFFFF80  }
0x46: {  	[tilespmem:s15], [sflag:$0x3] =	stream.linear.gather [hbm4b:s16+s2], $0x80, $0x38;
	[tilespmem:$0x1BE00] =	vst v63  }
0x47: {  	_ =	swait.ge [sflag:s31], $0x80  }
0x48: {  	[sflag:s31] =	ssyncset.done $0x0  }
0x49: {  	[sflag:s31] =	ssyncadd.s32 $0xFFFFFF80  }
0x4a: {  	[tilespmem:s21], [sflag:$0x2] =	stream.indirect.gather [hbm4b:s4+s13], $0x80, s14, s13, $0xb8;
	[tilespmem:$0x1BE00] =	vst v63  }
0x4b: {  	_ =	swait.ge [sflag:s22], $0x4000  }
0x4c: {  	[sflag:s22] =	ssyncset.done $0x0  }
0x4d: {  	[sflag:s22] =	ssyncadd.s32 $0xFFFFC000  }
0x4e: {  	[spmem:s1] =	stream.indirect.scatter.add.f32 [tilespmem:s30], [sflag:$0x3], $0x80, s3, s13, $0xb8;
	[tilespmem:$0x1BE00] =	vst v63  }
0x4f: {  	_ =	swait.ge [sflag:s31], $0x4000  }
0x50: {  	[sflag:s31] =	ssyncset.done $0x0  }
0x51: {  	[sflag:s31] =	ssyncadd.s32 $0xFFFFC000  }
0x52: {  	_ =	swait.ge [sflag:s23], $0x4000  }
0x53: {  	[sflag:s23] =	ssyncset.done $0x0  }
0x54: {  	[sflag:s23] =	ssyncadd.s32 $0xFFFFC000  }
0x55: {  	[spmem:s1] =	stream.indirect.scatter.add.f32 [tilespmem:s21], [sflag:$0x3], $0x80, s15, s13, $0xb8;
	[tilespmem:$0x1BE00] =	vst v63  }
0x56: {  	_ =	swait.ge [sflag:s31], $0x4000  }
0x57: {  	[sflag:s31] =	ssyncset.done $0x0  }
0x58: {  	[sflag:s31] =	ssyncadd.s32 $0xFFFFC000  }
0x59: {  	[bflag:$0x0] =	sbarrier.arrive $0xFFFF  }
0x5a: {  	[tilespmem:s30], [sflag:$0x3] =	stream.linear.gather [spmem:s8], $0x4000, $0x38;
	[tilespmem:$0x1BE00] =	vst v63  }
0x5b: {  	_ =	swait.ge [sflag:s31], $0x4000  }
0x5c: {  	[sflag:s31] =	ssyncset.done $0x0  }
0x5d: {  	s24 =	rddreg [dreg:$0x7];
	[sflag:s31] =	ssyncadd.s32 $0xFFFFC000  }
0x5e: {  	[hbm4b:s24+s2] =	stream.linear.scatter [tilespmem:s30], [sflag:$0x3], $0x4000, $0x38;
	[tilespmem:$0x1BE00] =	vst v63  }
0x5f: {  	_ =	swait.ge [sflag:s31], $0x4000  }
0x60: {  	[sflag:s31] =	ssyncset.done $0x0  }
0x61: {  	[sflag:s31] =	ssyncadd.s32 $0xFFFFC000  }
0x62: {  	[tilespmem:s30], [sflag:$0x3] =	stream.linear.gather [spmem:s9], $0x4000, $0x38;
	[tilespmem:$0x1BE00] =	vst v63  }
0x63: {  	_ =	swait.ge [sflag:s31], $0x4000  }
0x64: {  	[sflag:s31] =	ssyncset.done $0x0  }
0x65: {  	s17 =	rddreg [dreg:$0x8];
	[sflag:s31] =	ssyncadd.s32 $0xFFFFC000  }
0x66: {  	[hbm4b:s17+s2] =	stream.linear.scatter [tilespmem:s30], [sflag:$0x3], $0x4000, $0x38;
	[tilespmem:$0x1BE00] =	vst v63  }
0x67: {  	_ =	swait.ge [sflag:s31], $0x4000  }
0x68: {  	[sflag:s31] =	ssyncset.done $0x0  }
0x69: {  	[sflag:s31] =	ssyncadd.s32 $0xFFFFC000  }
0x6a: {  	[tilespmem:s30], [sflag:$0x3] =	stream.linear.gather [spmem:s10], $0x4000, $0x38;
	[tilespmem:$0x1BE00] =	vst v63  }
0x6b: {  	_ =	swait.ge [sflag:s31], $0x4000  }
0x6c: {  	[sflag:s31] =	ssyncset.done $0x0  }
0x6d: {  	s18 =	rddreg [dreg:$0x9];
	[sflag:s31] =	ssyncadd.s32 $0xFFFFC000  }
0x6e: {  	[hbm4b:s18+s2] =	stream.linear.scatter [tilespmem:s30], [sflag:$0x3], $0x4000, $0x38;
	[tilespmem:$0x1BE00] =	vst v63  }
0x6f: {  	_ =	swait.ge [sflag:s31], $0x4000  }
0x70: {  	[sflag:s31] =	ssyncset.done $0x0  }
0x71: {  	[sflag:s31] =	ssyncadd.s32 $0xFFFFC000  }
0x72: {  	[tilespmem:s30], [sflag:$0x3] =	stream.linear.gather [spmem:s11], $0x4000, $0x38;
	[tilespmem:$0x1BE00] =	vst v63  }
0x73: {  	_ =	swait.ge [sflag:s31], $0x4000  }
0x74: {  	[sflag:s31] =	ssyncset.done $0x0  }
0x75: {  	s19 =	rddreg [dreg:$0xa];
	[sflag:s31] =	ssyncadd.s32 $0xFFFFC000  }
0x76: {  	[hbm4b:s19+s2] =	stream.linear.scatter [tilespmem:s30], [sflag:$0x3], $0x4000, $0x38;
	[tilespmem:$0x1BE00] =	vst v63  }
0x77: {  	_ =	swait.ge [sflag:s31], $0x4000  }
0x78: {  	[sflag:s31] =	ssyncset.done $0x0  }
0x79: {  	[sflag:s31] =	ssyncadd.s32 $0xFFFFC000  }
0x7a: {  	[tilespmem:s30], [sflag:$0x3] =	stream.linear.gather [spmem:s12], $0x3C00, $0x38;
	[tilespmem:$0x1BE00] =	vst v63  }
0x7b: {  	_ =	swait.ge [sflag:s31], $0x3C00  }
0x7c: {  	[sflag:s31] =	ssyncset.done $0x0  }
0x7d: {  	s20 =	rddreg [dreg:$0xb];
	[sflag:s31] =	ssyncadd.s32 $0xFFFFC400  }
0x7e: {  	[hbm4b:s20+s2] =	stream.linear.scatter [tilespmem:s30], [sflag:$0x3], $0x3C00, $0x38;
	[tilespmem:$0x1BE00] =	vst v63  }
0x7f: {  	_ =	swait.ge [sflag:s31], $0x3C00  }
0x80: {  	s7 =	sadd.s32 $0x1, s7;
	s24 =	rddreg [dreg:$0xf]  }
0x81: {  	p1 =	sne.s32 s7, s24  }
.Ltmp1:
0x82: {  	_ = 	snop;
	(pc) =	sbr.rel @!p1 .LBB2_9-.Ltmp1, $3  }
0x83: {  	_ =	sdelay $0x1  }
0x84: {  	[sflag:s31] =	ssyncset.done $0x0  }
0x85: {  	[sflag:s31] =	ssyncadd.s32 $0xFFFFC400  }
.LBB2_1:
0x86: {  	s16 =	rddreg [dreg:$0x3]  }
0x87: {  	[tilespmem:s30], [sflag:$0x3] =	stream.linear.gather [hbm4b:s16+s2], $0x4000, $0x38;
	[tilespmem:$0x1BE00] =	vst v63  }
0x88: {  	_ =	swait.ge [sflag:s31], $0x4000  }
0x89: {  	[sflag:s31] =	ssyncset.done $0x0  }
0x8a: {  	[sflag:s31] =	ssyncadd.s32 $0xFFFFC000  }
0x8b: {  	[spmem:s8] =	stream.linear.scatter [tilespmem:s30], [sflag:$0x3], $0x4000, $0x38;
	[tilespmem:$0x1BE00] =	vst v63  }
0x8c: {  	_ =	swait.ge [sflag:s31], $0x4000  }
0x8d: {  	[sflag:s31] =	ssyncset.done $0x0  }
0x8e: {  	[sflag:s31] =	ssyncadd.s32 $0xFFFFC000  }
0x8f: {  	[spmem:s9] =	stream.linear.scatter [tilespmem:s30], [sflag:$0x3], $0x4000, $0x38;
	[tilespmem:$0x1BE00] =	vst v63  }
0x90: {  	_ =	swait.ge [sflag:s31], $0x4000  }
0x91: {  	[sflag:s31] =	ssyncset.done $0x0  }
0x92: {  	[sflag:s31] =	ssyncadd.s32 $0xFFFFC000  }
0x93: {  	[spmem:s10] =	stream.linear.scatter [tilespmem:s30], [sflag:$0x3], $0x4000, $0x38;
	[tilespmem:$0x1BE00] =	vst v63  }
0x94: {  	_ =	swait.ge [sflag:s31], $0x4000  }
0x95: {  	[sflag:s31] =	ssyncset.done $0x0  }
0x96: {  	[sflag:s31] =	ssyncadd.s32 $0xFFFFC000  }
0x97: {  	[spmem:s11] =	stream.linear.scatter [tilespmem:s30], [sflag:$0x3], $0x4000, $0x38;
	[tilespmem:$0x1BE00] =	vst v63  }
0x98: {  	_ =	swait.ge [sflag:s31], $0x4000  }
0x99: {  	[sflag:s31] =	ssyncset.done $0x0  }
0x9a: {  	[sflag:s31] =	ssyncadd.s32 $0xFFFFC000  }
0x9b: {  	[spmem:s12] =	stream.linear.scatter [tilespmem:s30], [sflag:$0x3], $0x3C00, $0x38;
	[tilespmem:$0x1BE00] =	vst v63  }
.Ltmp2:
0x9c: {  	_ =	swait.ge [sflag:s31], $0x3C00;
	(pc) =	sbr.rel @!p0 .LBB2_2-.Ltmp2, $3  }
0x9d: {  	[sflag:s31] =	ssyncset.done $0x0  }
0x9e: {  	[sflag:s31] =	ssyncadd.s32 $0xFFFFC400  }
0x9f: {  	[bflag:$0x0] =	sbarrier.arrive $0xFFFF;
	_ =	sdelay $0x1  }
0xa0: {  	s16 =	rddreg [dreg:$0xc]  }
0xa1: {  	[tilespmem:s0], [sflag:$0x3] =	stream.linear.gather [hbm4b:s16+s2], $0x80, $0x38;
	[tilespmem:$0x1BE00] =	vst v63  }
0xa2: {  	_ =	swait.ge [sflag:s31], $0x80  }
0xa3: {  	[sflag:s31] =	ssyncset.done $0x0  }
0xa4: {  	s18 =	rddreg [dreg:$0xd];
	[sflag:s31] =	ssyncadd.s32 $0xFFFFFF80  }
0xa5: {  	[tilespmem:s3], [sflag:$0x3] =	stream.linear.gather [hbm4b:s18+s2], $0x80, $0x38;
	[tilespmem:$0x1BE00] =	vst v63  }
0xa6: {  	_ =	swait.ge [sflag:s31], $0x80  }
0xa7: {  	[sflag:s31] =	ssyncset.done $0x0  }
0xa8: {  	s19 =	sadd.s32 $0xFFFFFD40, s29;
	[sflag:s31] =	ssyncadd.s32 $0xFFFFFF80  }
0xa9: {  	[tilespmem:s30], [sflag:$0x1] =	stream.indirect.gather [hbm4b:s4+s13], $0x80, s0, s13, $0xb8;
	[tilespmem:$0x1BE00] =	vst v63  }
0xaa: {  	s17 =	sadd.s32 $0x74D0, s19  }
0xab: {  	[tilespmem:s14], [sflag:$0x3] =	stream.linear.gather [hbm4b:s17+s2], $0x80, $0x38;
	[tilespmem:$0x1BE00] =	vst v63  }
0xac: {  	_ =	swait.ge [sflag:s31], $0x80  }
0xad: {  	s20 =	sadd.s32 $0xFFFFFD40, s28;
	[sflag:s31] =	ssyncset.done $0x0  }
0xae: {  	s18 =	sadd.s32 $0x74D0, s20;
	[sflag:s31] =	ssyncadd.s32 $0xFFFFFF80  }
0xaf: {  	[tilespmem:s15], [sflag:$0x3] =	stream.linear.gather [hbm4b:s18+s2], $0x80, $0x38;
	[tilespmem:$0x1BE00] =	vst v63  }
0xb0: {  	_ =	swait.ge [sflag:s31], $0x80  }
0xb1: {  	[sflag:s31] =	ssyncset.done $0x0  }
0xb2: {  	[sflag:s31] =	ssyncadd.s32 $0xFFFFFF80  }
0xb3: {  	[tilespmem:s21], [sflag:$0x2] =	stream.indirect.gather [hbm4b:s4+s13], $0x80, s14, s13, $0xb8;
	[tilespmem:$0x1BE00] =	vst v63  }
0xb4: {  	_ =	swait.ge [sflag:s22], $0x4000  }
0xb5: {  	[sflag:s22] =	ssyncset.done $0x0  }
0xb6: {  	[sflag:s22] =	ssyncadd.s32 $0xFFFFC000  }
0xb7: {  	[spmem:s1] =	stream.indirect.scatter.add.f32 [tilespmem:s30], [sflag:$0x3], $0x80, s3, s13, $0xb8;
	[tilespmem:$0x1BE00] =	vst v63  }
0xb8: {  	_ =	swait.ge [sflag:s31], $0x4000  }
0xb9: {  	[sflag:s31] =	ssyncset.done $0x0  }
0xba: {  	s16 =	sadd.s32 $0x74E0, s19;
	[sflag:s31] =	ssyncadd.s32 $0xFFFFC000  }
0xbb: {  	[tilespmem:s0], [sflag:$0x3] =	stream.linear.gather [hbm4b:s16+s2], $0x80, $0x38;
	[tilespmem:$0x1BE00] =	vst v63  }
0xbc: {  	_ =	swait.ge [sflag:s31], $0x80  }
0xbd: {  	[sflag:s31] =	ssyncset.done $0x0  }
0xbe: {  	s24 =	sadd.s32 $0x74E0, s20;
	[sflag:s31] =	ssyncadd.s32 $0xFFFFFF80  }
0xbf: {  	[tilespmem:s3], [sflag:$0x3] =	stream.linear.gather [hbm4b:s24+s2], $0x80, $0x38;
	[tilespmem:$0x1BE00] =	vst v63  }
0xc0: {  	_ =	swait.ge [sflag:s31], $0x80  }
0xc1: {  	[sflag:s31] =	ssyncset.done $0x0  }
0xc2: {  	[sflag:s31] =	ssyncadd.s32 $0xFFFFFF80  }
0xc3: {  	[tilespmem:s30], [sflag:$0x1] =	stream.indirect.gather [hbm4b:s4+s13], $0x80, s0, s13, $0xb8;
	[tilespmem:$0x1BE00] =	vst v63  }
0xc4: {  	_ =	swait.ge [sflag:s23], $0x4000  }
0xc5: {  	[sflag:s23] =	ssyncset.done $0x0  }
0xc6: {  	[sflag:s23] =	ssyncadd.s32 $0xFFFFC000  }
0xc7: {  	[spmem:s1] =	stream.indirect.scatter.add.f32 [tilespmem:s21], [sflag:$0x3], $0x80, s15, s13, $0xb8;
	[tilespmem:$0x1BE00] =	vst v63  }
0xc8: {  	s19 =	simm.s32 $0xFFFFFD80;
	_ =	swait.ge [sflag:s31], $0x4000  }
0xc9: {  	s18 =	sadd.s32 $0xFFFFFD60, s29;
	s16 =	simm.s32 $0xFFFFFD60;
	[sflag:s31] =	ssyncset.done $0x0  }
.LBB2_6:
0xca: {  	s20 =	sadd.s32 $0x74D0, s18  }
0xcb: {  	[sflag:s31] =	ssyncadd.s32 $0xFFFFC000;
	s24 =	smov.u32 s19;
	s17 =	sadd.s32 $0x20, s19  }
0xcc: {  	[tilespmem:s14], [sflag:$0x3] =	stream.linear.gather [hbm4b:s20+s2], $0x80, $0x38;
	[tilespmem:$0x1BE00] =	vst v63  }
0xcd: {  	p1 =	sne.s32 s19, $0xFFFFFFE0;
	_ =	swait.ge [sflag:s31], $0x80  }
0xce: {  	s19 =	sadd.s32 s16, s28;
	s16 =	smov.u32 s24;
	[sflag:s31] =	ssyncset.done $0x0  }
0xcf: {  	s20 =	sadd.s32 $0x74D0, s19;
	[sflag:s31] =	ssyncadd.s32 $0xFFFFFF80  }
0xd0: {  	[tilespmem:s15], [sflag:$0x3] =	stream.linear.gather [hbm4b:s20+s2], $0x80, $0x38;
	[tilespmem:$0x1BE00] =	vst v63  }
0xd1: {  	_ =	swait.ge [sflag:s31], $0x80  }
0xd2: {  	[sflag:s31] =	ssyncset.done $0x0  }
0xd3: {  	[sflag:s31] =	ssyncadd.s32 $0xFFFFFF80  }
0xd4: {  	[tilespmem:s21], [sflag:$0x2] =	stream.indirect.gather [hbm4b:s4+s13], $0x80, s14, s13, $0xb8;
	[tilespmem:$0x1BE00] =	vst v63  }
0xd5: {  	_ =	swait.ge [sflag:s22], $0x4000  }
0xd6: {  	[sflag:s22] =	ssyncset.done $0x0  }
0xd7: {  	[sflag:s22] =	ssyncadd.s32 $0xFFFFC000  }
0xd8: {  	[spmem:s1] =	stream.indirect.scatter.add.f32 [tilespmem:s30], [sflag:$0x3], $0x80, s3, s13, $0xb8;
	[tilespmem:$0x1BE00] =	vst v63  }
0xd9: {  	_ =	swait.ge [sflag:s31], $0x4000  }
0xda: {  	[sflag:s31] =	ssyncset.done $0x0  }
0xdb: {  	s18 =	sadd.s32 $0x74E0, s18;
	[sflag:s31] =	ssyncadd.s32 $0xFFFFC000  }
0xdc: {  	[tilespmem:s0], [sflag:$0x3] =	stream.linear.gather [hbm4b:s18+s2], $0x80, $0x38;
	[tilespmem:$0x1BE00] =	vst v63  }
0xdd: {  	_ =	swait.ge [sflag:s31], $0x80  }
0xde: {  	[sflag:s31] =	ssyncset.done $0x0  }
0xdf: {  	s18 =	sadd.s32 $0x74E0, s19;
	[sflag:s31] =	ssyncadd.s32 $0xFFFFFF80  }
0xe0: {  	[tilespmem:s3], [sflag:$0x3] =	stream.linear.gather [hbm4b:s18+s2], $0x80, $0x38;
	[tilespmem:$0x1BE00] =	vst v63  }
0xe1: {  	_ =	swait.ge [sflag:s31], $0x80  }
0xe2: {  	[sflag:s31] =	ssyncset.done $0x0  }
0xe3: {  	[sflag:s31] =	ssyncadd.s32 $0xFFFFFF80  }
0xe4: {  	[tilespmem:s30], [sflag:$0x1] =	stream.indirect.gather [hbm4b:s4+s13], $0x80, s0, s13, $0xb8;
	[tilespmem:$0x1BE00] =	vst v63  }
0xe5: {  	_ =	swait.ge [sflag:s23], $0x4000  }
.Ltmp3:
0xe6: {  	[sflag:s23] =	ssyncset.done $0x0;
	(pc) =	sbr.rel @p1 .LBB2_6-.Ltmp3, $4  }
0xe7: {  	[sflag:s23] =	ssyncadd.s32 $0xFFFFC000  }
0xe8: {  	[spmem:s1] =	stream.indirect.scatter.add.f32 [tilespmem:s21], [sflag:$0x3], $0x80, s15, s13, $0xb8;
	[tilespmem:$0x1BE00] =	vst v63  }
0xe9: {  	_ =	swait.ge [sflag:s31], $0x4000  }
0xea: {  	s19 =	smov.u32 s17;
	s18 =	sadd.s32 s16, s29;
	[sflag:s31] =	ssyncset.done $0x0  }
.Ltmp4:
0xeb: {  	_ = 	snop;
	(pc) =	sbr.rel .LBB2_7-.Ltmp4, $1  }
0xec: {  	_ =	sdelay $0x3  }
.LBB2_2:
0xed: {  	s16 =	rddreg [dreg:$0x4]  }
0xee: {  	[tilespmem:s0], [sflag:$0x3] =	stream.linear.gather [hbm4b:s16+s2], $0x80, $0x38;
	[tilespmem:$0x1BE00] =	vst v63  }
0xef: {  	_ =	swait.ge [sflag:s31], $0x80  }
0xf0: {  	[sflag:s31] =	ssyncset.done $0x0  }
0xf1: {  	s18 =	rddreg [dreg:$0x5];
	[sflag:s31] =	ssyncadd.s32 $0xFFFFFF80  }
0xf2: {  	[tilespmem:s3], [sflag:$0x3] =	stream.linear.gather [hbm4b:s18+s2], $0x80, $0x38;
	[tilespmem:$0x1BE00] =	vst v63  }
0xf3: {  	_ =	swait.ge [sflag:s31], $0x80  }
0xf4: {  	[sflag:s31] =	ssyncset.done $0x0  }
0xf5: {  	s19 =	sadd.s32 $0xFFFFF900, s26;
	[sflag:s31] =	ssyncadd.s32 $0xFFFFFF80  }
0xf6: {  	[tilespmem:s30], [sflag:$0x1] =	stream.indirect.gather [hbm4b:s4+s13], $0x80, s0, s13, $0xb8;
	[tilespmem:$0x1BE00] =	vst v63  }
0xf7: {  	s17 =	sadd.s32 $0x710, s19  }
0xf8: {  	[tilespmem:s14], [sflag:$0x3] =	stream.linear.gather [hbm4b:s17+s2], $0x80, $0x38;
	[tilespmem:$0x1BE00] =	vst v63  }
0xf9: {  	_ =	swait.ge [sflag:s31], $0x80  }
0xfa: {  	s20 =	sadd.s32 $0xFFFFF900, s25;
	[sflag:s31] =	ssyncset.done $0x0  }
0xfb: {  	s18 =	sadd.s32 $0x710, s20;
	[sflag:s31] =	ssyncadd.s32 $0xFFFFFF80  }
0xfc: {  	[tilespmem:s15], [sflag:$0x3] =	stream.linear.gather [hbm4b:s18+s2], $0x80, $0x38;
	[tilespmem:$0x1BE00] =	vst v63  }
0xfd: {  	_ =	swait.ge [sflag:s31], $0x80  }
0xfe: {  	[sflag:s31] =	ssyncset.done $0x0  }
0xff: {  	[sflag:s31] =	ssyncadd.s32 $0xFFFFFF80  }
0x100: {  	[tilespmem:s21], [sflag:$0x2] =	stream.indirect.gather [hbm4b:s4+s13], $0x80, s14, s13, $0xb8;
	[tilespmem:$0x1BE00] =	vst v63  }
0x101: {  	_ =	swait.ge [sflag:s22], $0x4000  }
0x102: {  	[sflag:s22] =	ssyncset.done $0x0  }
0x103: {  	[sflag:s22] =	ssyncadd.s32 $0xFFFFC000  }
0x104: {  	[spmem:s1] =	stream.indirect.scatter.add.f32 [tilespmem:s30], [sflag:$0x3], $0x80, s3, s13, $0xb8;
	[tilespmem:$0x1BE00] =	vst v63  }
0x105: {  	_ =	swait.ge [sflag:s31], $0x4000  }
0x106: {  	[sflag:s31] =	ssyncset.done $0x0  }
0x107: {  	s16 =	sadd.s32 $0x720, s19;
	[sflag:s31] =	ssyncadd.s32 $0xFFFFC000  }
0x108: {  	[tilespmem:s0], [sflag:$0x3] =	stream.linear.gather [hbm4b:s16+s2], $0x80, $0x38;
	[tilespmem:$0x1BE00] =	vst v63  }
0x109: {  	_ =	swait.ge [sflag:s31], $0x80  }
0x10a: {  	[sflag:s31] =	ssyncset.done $0x0  }
0x10b: {  	s24 =	sadd.s32 $0x720, s20;
	[sflag:s31] =	ssyncadd.s32 $0xFFFFFF80  }
0x10c: {  	[tilespmem:s3], [sflag:$0x3] =	stream.linear.gather [hbm4b:s24+s2], $0x80, $0x38;
	[tilespmem:$0x1BE00] =	vst v63  }
0x10d: {  	_ =	swait.ge [sflag:s31], $0x80  }
0x10e: {  	[sflag:s31] =	ssyncset.done $0x0  }
0x10f: {  	[sflag:s31] =	ssyncadd.s32 $0xFFFFFF80  }
0x110: {  	[tilespmem:s30], [sflag:$0x1] =	stream.indirect.gather [hbm4b:s4+s13], $0x80, s0, s13, $0xb8;
	[tilespmem:$0x1BE00] =	vst v63  }
0x111: {  	_ =	swait.ge [sflag:s23], $0x4000  }
0x112: {  	[sflag:s23] =	ssyncset.done $0x0  }
0x113: {  	[sflag:s23] =	ssyncadd.s32 $0xFFFFC000  }
0x114: {  	[spmem:s1] =	stream.indirect.scatter.add.f32 [tilespmem:s21], [sflag:$0x3], $0x80, s15, s13, $0xb8;
	[tilespmem:$0x1BE00] =	vst v63  }
0x115: {  	s17 =	simm.s32 $0xFFFFF940;
	_ =	swait.ge [sflag:s31], $0x4000  }
0x116: {  	s18 =	sadd.s32 $0xFFFFF920, s26;
	s16 =	simm.s32 $0xFFFFF920;
	[sflag:s31] =	ssyncset.done $0x0  }
.LBB2_3:
0x117: {  	s20 =	sadd.s32 $0x710, s18  }
0x118: {  	[sflag:s31] =	ssyncadd.s32 $0xFFFFC000;
	s24 =	smov.u32 s17;
	s19 =	sadd.s32 $0x20, s17  }
0x119: {  	[tilespmem:s14], [sflag:$0x3] =	stream.linear.gather [hbm4b:s20+s2], $0x80, $0x38;
	[tilespmem:$0x1BE00] =	vst v63  }
0x11a: {  	p1 =	seq.s32 s17, $0xFFFFFFE0;
	_ =	swait.ge [sflag:s31], $0x80  }
0x11b: {  	s17 =	sadd.s32 s16, s25;
	s16 =	smov.u32 s24;
	[sflag:s31] =	ssyncset.done $0x0  }
0x11c: {  	s20 =	sadd.s32 $0x710, s17;
	[sflag:s31] =	ssyncadd.s32 $0xFFFFFF80  }
0x11d: {  	[tilespmem:s15], [sflag:$0x3] =	stream.linear.gather [hbm4b:s20+s2], $0x80, $0x38;
	[tilespmem:$0x1BE00] =	vst v63  }
0x11e: {  	_ =	swait.ge [sflag:s31], $0x80  }
0x11f: {  	[sflag:s31] =	ssyncset.done $0x0  }
0x120: {  	[sflag:s31] =	ssyncadd.s32 $0xFFFFFF80  }
0x121: {  	[tilespmem:s21], [sflag:$0x2] =	stream.indirect.gather [hbm4b:s4+s13], $0x80, s14, s13, $0xb8;
	[tilespmem:$0x1BE00] =	vst v63  }
0x122: {  	_ =	swait.ge [sflag:s22], $0x4000  }
0x123: {  	[sflag:s22] =	ssyncset.done $0x0  }
0x124: {  	[sflag:s22] =	ssyncadd.s32 $0xFFFFC000  }
0x125: {  	[spmem:s1] =	stream.indirect.scatter.add.f32 [tilespmem:s30], [sflag:$0x3], $0x80, s3, s13, $0xb8;
	[tilespmem:$0x1BE00] =	vst v63  }
0x126: {  	_ =	swait.ge [sflag:s31], $0x4000  }
0x127: {  	[sflag:s31] =	ssyncset.done $0x0  }
0x128: {  	s18 =	sadd.s32 $0x720, s18;
	[sflag:s31] =	ssyncadd.s32 $0xFFFFC000  }
0x129: {  	[tilespmem:s0], [sflag:$0x3] =	stream.linear.gather [hbm4b:s18+s2], $0x80, $0x38;
	[tilespmem:$0x1BE00] =	vst v63  }
0x12a: {  	_ =	swait.ge [sflag:s31], $0x80  }
0x12b: {  	[sflag:s31] =	ssyncset.done $0x0  }
0x12c: {  	s17 =	sadd.s32 $0x720, s17;
	[sflag:s31] =	ssyncadd.s32 $0xFFFFFF80  }
0x12d: {  	[tilespmem:s3], [sflag:$0x3] =	stream.linear.gather [hbm4b:s17+s2], $0x80, $0x38;
	[tilespmem:$0x1BE00] =	vst v63  }
0x12e: {  	_ =	swait.ge [sflag:s31], $0x80  }
0x12f: {  	[sflag:s31] =	ssyncset.done $0x0  }
0x130: {  	[sflag:s31] =	ssyncadd.s32 $0xFFFFFF80  }
0x131: {  	[tilespmem:s30], [sflag:$0x1] =	stream.indirect.gather [hbm4b:s4+s13], $0x80, s0, s13, $0xb8;
	[tilespmem:$0x1BE00] =	vst v63  }
0x132: {  	_ =	swait.ge [sflag:s23], $0x4000  }
.Ltmp5:
0x133: {  	[sflag:s23] =	ssyncset.done $0x0;
	(pc) =	sbr.rel @!p1 .LBB2_3-.Ltmp5, $4  }
0x134: {  	[sflag:s23] =	ssyncadd.s32 $0xFFFFC000  }
0x135: {  	[spmem:s1] =	stream.indirect.scatter.add.f32 [tilespmem:s21], [sflag:$0x3], $0x80, s15, s13, $0xb8;
	[tilespmem:$0x1BE00] =	vst v63  }
0x136: {  	_ =	swait.ge [sflag:s31], $0x4000  }
0x137: {  	s18 =	sadd.s32 s16, s26;
	s17 =	smov.u32 s19;
	[sflag:s31] =	ssyncset.done $0x0  }
0x138: {  	s17 =	sadd.s32 $0x710, s18;
	[sflag:s31] =	ssyncadd.s32 $0xFFFFC000  }
0x139: {  	[tilespmem:s14], [sflag:$0x3] =	stream.linear.gather [hbm4b:s17+s2], $0x80, $0x38;
	[tilespmem:$0x1BE00] =	vst v63  }
0x13a: {  	_ =	swait.ge [sflag:s31], $0x80  }
0x13b: {  	s16 =	sadd.s32 s16, s25;
	[sflag:s31] =	ssyncset.done $0x0  }
0x13c: {  	s20 =	sadd.s32 $0x710, s16;
	[sflag:s31] =	ssyncadd.s32 $0xFFFFFF80  }
0x13d: {  	[tilespmem:s15], [sflag:$0x3] =	stream.linear.gather [hbm4b:s20+s2], $0x80, $0x38;
	[tilespmem:$0x1BE00] =	vst v63  }
0x13e: {  	_ =	swait.ge [sflag:s31], $0x80  }
0x13f: {  	[sflag:s31] =	ssyncset.done $0x0  }
0x140: {  	[sflag:s31] =	ssyncadd.s32 $0xFFFFFF80  }
0x141: {  	[tilespmem:s21], [sflag:$0x2] =	stream.indirect.gather [hbm4b:s4+s13], $0x80, s14, s13, $0xb8;
	[tilespmem:$0x1BE00] =	vst v63  }
0x142: {  	_ =	swait.ge [sflag:s22], $0x4000  }
0x143: {  	[sflag:s22] =	ssyncset.done $0x0  }
0x144: {  	[sflag:s22] =	ssyncadd.s32 $0xFFFFC000  }
0x145: {  	[spmem:s1] =	stream.indirect.scatter.add.f32 [tilespmem:s30], [sflag:$0x3], $0x80, s3, s13, $0xb8;
	[tilespmem:$0x1BE00] =	vst v63  }
0x146: {  	_ =	swait.ge [sflag:s31], $0x4000  }
0x147: {  	[sflag:s31] =	ssyncset.done $0x0  }
0x148: {  	s24 =	sadd.s32 $0x720, s18;
	[sflag:s31] =	ssyncadd.s32 $0xFFFFC000  }
0x149: {  	[tilespmem:s0], [sflag:$0x3] =	stream.linear.gather [hbm4b:s24+s2], $0x80, $0x38;
	[tilespmem:$0x1BE00] =	vst v63  }
0x14a: {  	_ =	swait.ge [sflag:s31], $0x80  }
0x14b: {  	[sflag:s31] =	ssyncset.done $0x0  }
0x14c: {  	s16 =	sadd.s32 $0x720, s16;
	[sflag:s31] =	ssyncadd.s32 $0xFFFFFF80  }
0x14d: {  	[tilespmem:s3], [sflag:$0x3] =	stream.linear.gather [hbm4b:s16+s2], $0x80, $0x38;
	[tilespmem:$0x1BE00] =	vst v63  }
0x14e: {  	_ =	swait.ge [sflag:s31], $0x80  }
0x14f: {  	[sflag:s31] =	ssyncset.done $0x0  }
0x150: {  	[sflag:s31] =	ssyncadd.s32 $0xFFFFFF80  }
0x151: {  	[tilespmem:s30], [sflag:$0x1] =	stream.indirect.gather [hbm4b:s4+s13], $0x80, s0, s13, $0xb8;
	[tilespmem:$0x1BE00] =	vst v63  }
0x152: {  	_ =	swait.ge [sflag:s23], $0x4000  }
0x153: {  	[sflag:s23] =	ssyncset.done $0x0  }
.Ltmp6:
0x154: {  	[sflag:s23] =	ssyncadd.s32 $0xFFFFC000;
	(pc) =	sbr.rel .LBB2_8-.Ltmp6, $4  }
0x155: {  	[spmem:s1] =	stream.indirect.scatter.add.f32 [tilespmem:s21], [sflag:$0x3], $0x80, s15, s13, $0xb8;
	[tilespmem:$0x1BE00] =	vst v63  }
0x156: {  	_ =	swait.ge [sflag:s31], $0x4000  }
0x157: {  	[sflag:s31] =	ssyncset.done $0x0  }
0x158: {  	s16 =	rddreg [dreg:$0x6];
	[sflag:s31] =	ssyncadd.s32 $0xFFFFC000  }
.LBB2_9:
0x159: {  	_ =	sfence.sel $0x180000  }
0x15a: {  	[bflag:$0x0] =	sbarrier.arrive $0xFFFF  }
0x15b: {  	_ =	strace $0x90000047  }
0x15c: {  	s0 =	stileid.u32;
	[bflag:$0x2] =	sbarrier.arrive $0xFFFF  }
0x15d: {  	p0 =	sne.s32 s0, $0x0;
	s0 =	rddreg [dreg:$0x2]  }
0x15e: {  	s0 =	sadd.s32 @!p0 $0x100000, s0  }
0x15f: {  	[sflag:s0] =	ssyncadd.tile.s32 @!p0 $0x1;
	_ =	shalt  }
.Lfunc_end2:
_tile_overlayer_lowered:
.L_overlay_start_2:
0x160: {  	(tag) =	ssettag $0x2  }
0x161: {  	s0 =	rddreg [dreg:$0x0];
	s2 =	stileid.u32  }
0x162: {  	s1 =	rddreg [dreg:$0x1];
	p0 =	sne.s32 s2, $0x0  }
0x163: {  	s3 =	rddreg [dreg:$0x2];
	[bflag:$0x3] =	sbarrier.arrive $0xFFFF;
	s2 =	simm.s32 @!p0 $0x1C03  }
0x164: {  	[timem:s3], [sflag:s2] =	dma.local @!p0 [hbm:s0], s1  }
0x165: {  	s0 =	simm.s32 @!p0 $0x3  }
0x166: {  	_ =	swait.ge @!p0 [sflag:s0], s1  }
0x167: {  	s1 =	ssub.s32 @!p0 $0x0, s1;
	[sflag:s0] =	ssyncset.done @!p0 $0x0  }
0x168: {  	[sflag:s0] =	ssyncadd.s32 @!p0 s1  }
0x169: {  	[bflag:$0x3] =	sbarrier.arrive $0xFFFF  }
0x16a: {  	_ =	shalt  }

</sc_bundles>
